<compile_context>
chip_gen: v7x
topology: tpu7x:2x2x1
jax: 0.10.2.dev20260603
libtpu: 0.0.44.dev20260713+nightly
codegen_flags: <defaults>
</compile_context>

<pallas_src>
import functools

import jax
import jax.numpy as jnp
from jax import lax
from jax.experimental import pallas as pl
from jax.experimental.pallas import tpu as pltpu
from jax.experimental.pallas import tpu_sc as plsc

EMBED = 16
BATCH = 16384
NROWS = 1000000
NC = 2
NS = 16
NW = NC * NS
PER_W = BATCH // NW
CHUNK = 128
NCHUNK = PER_W // CHUNK
FLAT = PER_W * EMBED


def _sc_gather_dot(idx_u3, idx_m3, u_cols, m_cols, ub_flat, mb_flat):
    mesh = plsc.VectorSubcoreMesh(core_axis_name="c", subcore_axis_name="s")

    @functools.partial(
        pl.kernel,
        mesh=mesh,
        compiler_params=pltpu.CompilerParams(use_tc_tiling_on_sc=False),
        out_type=(
            jax.ShapeDtypeStruct((NW, EMBED), jnp.float32),
            jax.ShapeDtypeStruct((BATCH,), jnp.float32),
            jax.ShapeDtypeStruct((BATCH,), jnp.float32),
        ),
        scratch_types=[
            pltpu.VMEM((NCHUNK, CHUNK), jnp.int32),
            pltpu.VMEM((NCHUNK, CHUNK), jnp.int32),
            pltpu.VMEM((FLAT,), jnp.float32),
            pltpu.VMEM((FLAT,), jnp.float32),
            pltpu.VMEM((PER_W,), jnp.float32),
            pltpu.VMEM((PER_W,), jnp.float32),
            pltpu.VMEM((EMBED,), jnp.float32),
            pltpu.SemaphoreType.DMA,
            pltpu.SemaphoreType.DMA,
        ],
    )
    def k(idx_u_hbm, idx_m_hbm, *rest):
        ucol_refs = rest[:EMBED]
        mcol_refs = rest[EMBED:2 * EMBED]
        ub_hbm, mb_hbm = rest[2 * EMBED], rest[2 * EMBED + 1]
        partials_hbm, ubg_hbm, mbg_hbm = rest[2 * EMBED + 2:2 * EMBED + 5]
        (idxu_v, idxm_v, u_v, m_v, bu_v, bm_v, acc_v,
         sem_emb, sem_bias) = rest[2 * EMBED + 5:]
        wid = lax.axis_index("s") * NC + lax.axis_index("c")
        base = wid * PER_W
        pltpu.sync_copy(idx_u_hbm.at[wid], idxu_v)
        pltpu.sync_copy(idx_m_hbm.at[wid], idxm_v)
        emb_cps = []
        bias_cps = []
        for t in range(NCHUNK):
            sl = pl.ds(t * CHUNK, CHUNK)
            for e in range(EMBED):
                dsl = pl.ds(e * PER_W + t * CHUNK, CHUNK)
                emb_cps.append(pltpu.async_copy(
                    ucol_refs[e].at[idxu_v.at[t]], u_v.at[dsl], sem_emb))
                emb_cps.append(pltpu.async_copy(
                    mcol_refs[e].at[idxm_v.at[t]], m_v.at[dsl], sem_emb))
            bias_cps.append(pltpu.async_copy(
                ub_hbm.at[idxu_v.at[t]], bu_v.at[sl], sem_bias))
            bias_cps.append(pltpu.async_copy(
                mb_hbm.at[idxm_v.at[t]], bm_v.at[sl], sem_bias))
        for cp in emb_cps:
            cp.wait()

        def body(i, acc):
            return acc + u_v[pl.ds(i * 16, 16)] * m_v[pl.ds(i * 16, 16)]

        acc = lax.fori_loop(0, FLAT // 16, body,
                            jnp.zeros((EMBED,), jnp.float32), unroll=8)
        acc_v[...] = acc
        pltpu.sync_copy(acc_v, partials_hbm.at[wid])
        for cp in bias_cps:
            cp.wait()
        pltpu.sync_copy(bu_v, ubg_hbm.at[pl.ds(base, PER_W)])
        pltpu.sync_copy(bm_v, mbg_hbm.at[pl.ds(base, PER_W)])

    return k(idx_u3, idx_m3, *u_cols, *m_cols, ub_flat, mb_flat)


def _tc_finish(partials, ubg, mbg):
    def body(p_ref, ub_ref, mb_ref, o_ref):
        s = jnp.sum(p_ref[...])
        x = s + ub_ref[...] + mb_ref[...]
        o_ref[...] = 0.5 + 4.5 * jax.nn.sigmoid(x)

    return pl.pallas_call(
        body,
        out_shape=jax.ShapeDtypeStruct((128, 128), jnp.float32),
    )(partials, ubg, mbg)


def kernel(inputs, user_emb, user_bias_tbl, movie_emb, movie_bias_tbl):
    idx = inputs.astype(jnp.int32)
    idx_u3 = idx[:, 0].reshape(NW, NCHUNK, CHUNK)
    idx_m3 = idx[:, 1].reshape(NW, NCHUNK, CHUNK)
    u_cols = [user_emb[:, e] for e in range(EMBED)]
    m_cols = [movie_emb[:, e] for e in range(EMBED)]
    partials, ubg, mbg = _sc_gather_dot(
        idx_u3, idx_m3, u_cols, m_cols,
        user_bias_tbl.reshape(-1), movie_bias_tbl.reshape(-1))
    out = _tc_finish(partials, ubg.reshape(128, 128), mbg.reshape(128, 128))
    return out.reshape(BATCH, 1)

# --- scband reference (transcript-rebuilt; emitter-appended) ---
"""Pipeline reference for scband-matrix-factorization-17145509446476 (READ-ONLY COPY).

The authoritative reference and input builder live on the scoring server;
editing this copy changes nothing except your own understanding.
"""

import jax, jax.numpy as jnp
import numpy as np

N_USERS = 1000000
N_MOVIES = 1000000
EMBED = 16
BATCH = 16384


def setup_inputs(seed: int = 0) -> dict:
    key = jax.random.key(seed)
    k1, k2, k3, k4, k5 = jax.random.split(key, 5)
    inputs = jax.random.randint(k1, (BATCH, 2), 0, N_USERS, dtype=jnp.int64) if jax.config.jax_enable_x64 else jax.random.randint(k1, (BATCH, 2), 0, N_USERS, dtype=jnp.int32)
    # he_normal-ish init: stddev = sqrt(2/fan_in) with fan_in=1 -> use small scale
    user_emb = jax.random.normal(k2, (N_USERS, EMBED), dtype=jnp.float32) * 0.05
    movie_emb = jax.random.normal(k3, (N_MOVIES, EMBED), dtype=jnp.float32) * 0.05
    user_bias = jnp.zeros((N_USERS, 1), dtype=jnp.float32)
    movie_bias = jnp.zeros((N_MOVIES, 1), dtype=jnp.float32)
    return {
        "inputs": inputs,
        "user_emb": user_emb,
        "user_bias_tbl": user_bias,
        "movie_emb": movie_emb,
        "movie_bias_tbl": movie_bias,
    }


def reference(inputs, user_emb, user_bias_tbl, movie_emb, movie_bias_tbl):
    # embedding lookups (gather -> SparseCore friendly)
    user_vector = jnp.take(user_emb, inputs[:, 0], axis=0)      # [B, E]
    user_bias = jnp.take(user_bias_tbl, inputs[:, 0], axis=0)   # [B, 1]
    movie_vector = jnp.take(movie_emb, inputs[:, 1], axis=0)    # [B, E]
    movie_bias = jnpp_take = jnp.take(movie_bias_tbl, inputs[:, 1], axis=0)  # [B, 1]
    # Faithful to tf.tensordot(user_vector, movie_vector, 2):
    # contracts BOTH axes -> scalar sum over all elements of u*v
    dot_user_movie = jnp.tensordot(user_vector, movie_vector, 2)  # scalar
    producto = dot_user_movie + user_bias + movie_bias            # [B, 1] via broadcast
    x = 0.5 + 4.5 * jax.nn.sigmoid(producto)
    return x

if __name__ == "__main__":
    import jax
    _d = setup_inputs()
    print(jax.jit(kernel)(*tuple(_d.values())))

</pallas_src>

<mosaic_0001>
#map = affine_map<(d0, d1) -> (0, 0, 0)>
#map1 = affine_map<(d0, d1) -> (0)>
#map2 = affine_map<(d0, d1) -> (0, 0)>
module attributes {stable_mosaic.version = 14 : i64} {
  func.func @k(%arg0: i32, %arg1: i32, %arg2: memref<32x4x128xi32, #tpu.memory_space<hbm>>, %arg3: memref<32x4x128xi32, #tpu.memory_space<hbm>>, %arg4: memref<1000000xf32, #tpu.memory_space<hbm>>, %arg5: memref<1000000xf32, #tpu.memory_space<hbm>>, %arg6: memref<1000000xf32, #tpu.memory_space<hbm>>, %arg7: memref<1000000xf32, #tpu.memory_space<hbm>>, %arg8: memref<1000000xf32, #tpu.memory_space<hbm>>, %arg9: memref<1000000xf32, #tpu.memory_space<hbm>>, %arg10: memref<1000000xf32, #tpu.memory_space<hbm>>, %arg11: memref<1000000xf32, #tpu.memory_space<hbm>>, %arg12: memref<1000000xf32, #tpu.memory_space<hbm>>, %arg13: memref<1000000xf32, #tpu.memory_space<hbm>>, %arg14: memref<1000000xf32, #tpu.memory_space<hbm>>, %arg15: memref<1000000xf32, #tpu.memory_space<hbm>>, %arg16: memref<1000000xf32, #tpu.memory_space<hbm>>, %arg17: memref<1000000xf32, #tpu.memory_space<hbm>>, %arg18: memref<1000000xf32, #tpu.memory_space<hbm>>, %arg19: memref<1000000xf32, #tpu.memory_space<hbm>>, %arg20: memref<1000000xf32, #tpu.memory_space<hbm>>, %arg21: memref<1000000xf32, #tpu.memory_space<hbm>>, %arg22: memref<1000000xf32, #tpu.memory_space<hbm>>, %arg23: memref<1000000xf32, #tpu.memory_space<hbm>>, %arg24: memref<1000000xf32, #tpu.memory_space<hbm>>, %arg25: memref<1000000xf32, #tpu.memory_space<hbm>>, %arg26: memref<1000000xf32, #tpu.memory_space<hbm>>, %arg27: memref<1000000xf32, #tpu.memory_space<hbm>>, %arg28: memref<1000000xf32, #tpu.memory_space<hbm>>, %arg29: memref<1000000xf32, #tpu.memory_space<hbm>>, %arg30: memref<1000000xf32, #tpu.memory_space<hbm>>, %arg31: memref<1000000xf32, #tpu.memory_space<hbm>>, %arg32: memref<1000000xf32, #tpu.memory_space<hbm>>, %arg33: memref<1000000xf32, #tpu.memory_space<hbm>>, %arg34: memref<1000000xf32, #tpu.memory_space<hbm>>, %arg35: memref<1000000xf32, #tpu.memory_space<hbm>>, %arg36: memref<1000000xf32, #tpu.memory_space<hbm>>, %arg37: memref<1000000xf32, #tpu.memory_space<hbm>>, %arg38: memref<32x16xf32, #tpu.memory_space<hbm>>, %arg39: memref<16384xf32, #tpu.memory_space<hbm>>, %arg40: memref<16384xf32, #tpu.memory_space<hbm>>, %arg41: memref<4x128xi32, #tpu.memory_space<vmem>>, %arg42: memref<4x128xi32, #tpu.memory_space<vmem>>, %arg43: memref<8192xf32, #tpu.memory_space<vmem>>, %arg44: memref<8192xf32, #tpu.memory_space<vmem>>, %arg45: memref<512xf32, #tpu.memory_space<vmem>>, %arg46: memref<512xf32, #tpu.memory_space<vmem>>, %arg47: memref<16xf32, #tpu.memory_space<vmem>>, %arg48: memref<!tpu.dma_semaphore, #tpu.memory_space<semaphore_mem>>, %arg49: memref<!tpu.dma_semaphore, #tpu.memory_space<semaphore_mem>>) attributes {dimension_semantics = [#tpu.dimension_semantics<core_parallel>, #tpu.dimension_semantics<subcore_parallel>], iteration_bounds = array<i64: 2, 16>, scalar_prefetch = 0 : i64, scratch_operands = 9 : i64, tpu.core_type = #tpu.core_type<sc_vector_subcore>, window_params = [{transform_indices = #map}, {transform_indices = #map}, {transform_indices = #map1}, {transform_indices = #map1}, {transform_indices = #map1}, {transform_indices = #map1}, {transform_indices = #map1}, {transform_indices = #map1}, {transform_indices = #map1}, {transform_indices = #map1}, {transform_indices = #map1}, {transform_indices = #map1}, {transform_indices = #map1}, {transform_indices = #map1}, {transform_indices = #map1}, {transform_indices = #map1}, {transform_indices = #map1}, {transform_indices = #map1}, {transform_indices = #map1}, {transform_indices = #map1}, {transform_indices = #map1}, {transform_indices = #map1}, {transform_indices = #map1}, {transform_indices = #map1}, {transform_indices = #map1}, {transform_indices = #map1}, {transform_indices = #map1}, {transform_indices = #map1}, {transform_indices = #map1}, {transform_indices = #map1}, {transform_indices = #map1}, {transform_indices = #map1}, {transform_indices = #map1}, {transform_indices = #map1}, {transform_indices = #map1}, {transform_indices = #map1}, {transform_indices = #map2}, {transform_indices = #map1}, {transform_indices = #map1}]} {
    %mul3A = arith.constant 2 : i32
    %mul3A_0 = arith.muli %arg1, %mul3A : i32
    %add3A = arith.addi %mul3A_0, %arg0 : i32
    %mul3A_1 = arith.constant 512 : i32
    %mul3A_2 = arith.muli %add3A, %mul3A_1 : i32
    "tpu.region"() ({
      %run_scoped3A = tpu.sem_alloc : memref<!tpu.dma_semaphore, #tpu.memory_space<semaphore_mem>>
      %dma_start3A_2186 = arith.constant 0 : i32
      %dma_start3A_2187 = arith.constant 0 : i32
      %dma_start3A_2188 = tpu.memref_slice %arg2[%add3A, %dma_start3A_2186, %dma_start3A_2187] : memref<32x4x128xi32, #tpu.memory_space<hbm>> -> memref<1x4x128xi32, #tpu.memory_space<hbm>>
      %dma_start3A_2189 = tpu.memref_squeeze %dma_start3A_2188 : memref<1x4x128xi32, #tpu.memory_space<hbm>> -> memref<4x128xi32, #tpu.memory_space<hbm>>
      %dma_start3A_2190 = arith.constant 0 : i32
      %dma_start3A_2191 = arith.constant 0 : i32
      %dma_start3A_2192 = tpu.memref_slice %arg2[%add3A, %dma_start3A_2190, %dma_start3A_2191] : memref<32x4x128xi32, #tpu.memory_space<hbm>> -> memref<1x4x128xi32, #tpu.memory_space<hbm>>
      %dma_start3A_2193 = tpu.memref_squeeze %dma_start3A_2192 : memref<1x4x128xi32, #tpu.memory_space<hbm>> -> memref<4x128xi32, #tpu.memory_space<hbm>>
      tpu.enqueue_dma source(%dma_start3A_2193 : memref<4x128xi32, #tpu.memory_space<hbm>>) target(%arg41 : memref<4x128xi32, #tpu.memory_space<vmem>>) target_semaphore(%run_scoped3A : memref<!tpu.dma_semaphore, #tpu.memory_space<semaphore_mem>>)
      %dma_wait3A_2194 = arith.constant 0 : i32
      %dma_wait3A_2195 = arith.constant 0 : i32
      %dma_wait3A_2196 = tpu.memref_slice %arg2[%add3A, %dma_wait3A_2194, %dma_wait3A_2195] : memref<32x4x128xi32, #tpu.memory_space<hbm>> -> memref<1x4x128xi32, #tpu.memory_space<hbm>>
      %dma_wait3A_2197 = tpu.memref_squeeze %dma_wait3A_2196 : memref<1x4x128xi32, #tpu.memory_space<hbm>> -> memref<4x128xi32, #tpu.memory_space<hbm>>
      %dma_wait3A_2198 = arith.constant 0 : i32
      %dma_wait3A_2199 = arith.constant 0 : i32
      %dma_wait3A_2200 = tpu.memref_slice %arg2[%add3A, %dma_wait3A_2198, %dma_wait3A_2199] : memref<32x4x128xi32, #tpu.memory_space<hbm>> -> memref<1x4x128xi32, #tpu.memory_space<hbm>>
      %dma_wait3A_2201 = tpu.memref_squeeze %dma_wait3A_2200 : memref<1x4x128xi32, #tpu.memory_space<hbm>> -> memref<4x128xi32, #tpu.memory_space<hbm>>
      tpu.wait_dma2 semaphore(%run_scoped3A : memref<!tpu.dma_semaphore, #tpu.memory_space<semaphore_mem>>) src(%dma_wait3A_2201 : memref<4x128xi32, #tpu.memory_space<hbm>>) dst(%arg41 : memref<4x128xi32, #tpu.memory_space<vmem>>)
      tpu.yield
    }) : () -> ()
    "tpu.region"() ({
      %run_scoped3A = tpu.sem_alloc : memref<!tpu.dma_semaphore, #tpu.memory_space<semaphore_mem>>
      %dma_start3A_2186 = arith.constant 0 : i32
      %dma_start3A_2187 = arith.constant 0 : i32
      %dma_start3A_2188 = tpu.memref_slice %arg3[%add3A, %dma_start3A_2186, %dma_start3A_2187] : memref<32x4x128xi32, #tpu.memory_space<hbm>> -> memref<1x4x128xi32, #tpu.memory_space<hbm>>
      %dma_start3A_2189 = tpu.memref_squeeze %dma_start3A_2188 : memref<1x4x128xi32, #tpu.memory_space<hbm>> -> memref<4x128xi32, #tpu.memory_space<hbm>>
      %dma_start3A_2190 = arith.constant 0 : i32
      %dma_start3A_2191 = arith.constant 0 : i32
      %dma_start3A_2192 = tpu.memref_slice %arg3[%add3A, %dma_start3A_2190, %dma_start3A_2191] : memref<32x4x128xi32, #tpu.memory_space<hbm>> -> memref<1x4x128xi32, #tpu.memory_space<hbm>>
      %dma_start3A_2193 = tpu.memref_squeeze %dma_start3A_2192 : memref<1x4x128xi32, #tpu.memory_space<hbm>> -> memref<4x128xi32, #tpu.memory_space<hbm>>
      tpu.enqueue_dma source(%dma_start3A_2193 : memref<4x128xi32, #tpu.memory_space<hbm>>) target(%arg42 : memref<4x128xi32, #tpu.memory_space<vmem>>) target_semaphore(%run_scoped3A : memref<!tpu.dma_semaphore, #tpu.memory_space<semaphore_mem>>)
      %dma_wait3A_2194 = arith.constant 0 : i32
      %dma_wait3A_2195 = arith.constant 0 : i32
      %dma_wait3A_2196 = tpu.memref_slice %arg3[%add3A, %dma_wait3A_2194, %dma_wait3A_2195] : memref<32x4x128xi32, #tpu.memory_space<hbm>> -> memref<1x4x128xi32, #tpu.memory_space<hbm>>
      %dma_wait3A_2197 = tpu.memref_squeeze %dma_wait3A_2196 : memref<1x4x128xi32, #tpu.memory_space<hbm>> -> memref<4x128xi32, #tpu.memory_space<hbm>>
      %dma_wait3A_2198 = arith.constant 0 : i32
      %dma_wait3A_2199 = arith.constant 0 : i32
      %dma_wait3A_2200 = tpu.memref_slice %arg3[%add3A, %dma_wait3A_2198, %dma_wait3A_2199] : memref<32x4x128xi32, #tpu.memory_space<hbm>> -> memref<1x4x128xi32, #tpu.memory_space<hbm>>
      %dma_wait3A_2201 = tpu.memref_squeeze %dma_wait3A_2200 : memref<1x4x128xi32, #tpu.memory_space<hbm>> -> memref<4x128xi32, #tpu.memory_space<hbm>>
      tpu.wait_dma2 semaphore(%run_scoped3A : memref<!tpu.dma_semaphore, #tpu.memory_space<semaphore_mem>>) src(%dma_wait3A_2201 : memref<4x128xi32, #tpu.memory_space<hbm>>) dst(%arg42 : memref<4x128xi32, #tpu.memory_space<vmem>>)
      tpu.yield
    }) : () -> ()
    %dma_start3A = arith.constant 0 : i32
    %dma_start3A_3 = arith.constant 0 : i32
    %dma_start3A_4 = tpu.memref_slice %arg43[%dma_start3A_3] : memref<8192xf32, #tpu.memory_space<vmem>> -> memref<128xf32, #tpu.memory_space<vmem>>
    %dma_start3A_5 = arith.constant 0 : i32
    %dma_start3A_6 = tpu.memref_slice %arg41[%dma_start3A, %dma_start3A_5] : memref<4x128xi32, #tpu.memory_space<vmem>> -> memref<1x128xi32, #tpu.memory_space<vmem>>
    %dma_start3A_7 = tpu.memref_squeeze %dma_start3A_6 : memref<1x128xi32, #tpu.memory_space<vmem>> -> memref<128xi32, #tpu.memory_space<vmem>>
    %dma_start3A_8 = arith.constant 0 : i32
    %dma_start3A_9 = tpu.memref_slice %arg4[%dma_start3A_8] : memref<1000000xf32, #tpu.memory_space<hbm>> -> memref<1000000xf32, #tpu.memory_space<hbm>>
    tpu.enqueue_indirect_dma source(%dma_start3A_9 : memref<1000000xf32, #tpu.memory_space<hbm>>) target(%dma_start3A_4 : memref<128xf32, #tpu.memory_space<vmem>>) offsets(%dma_start3A_7 : memref<128xi32, #tpu.memory_space<vmem>>) semaphore(%arg48 : memref<!tpu.dma_semaphore, #tpu.memory_space<semaphore_mem>>)
    %dma_start3A_10 = arith.constant 0 : i32
    %dma_start3A_11 = arith.constant 0 : i32
    %dma_start3A_12 = tpu.memref_slice %arg44[%dma_start3A_11] : memref<8192xf32, #tpu.memory_space<vmem>> -> memref<128xf32, #tpu.memory_space<vmem>>
    %dma_start3A_13 = arith.constant 0 : i32
    %dma_start3A_14 = tpu.memref_slice %arg42[%dma_start3A_10, %dma_start3A_13] : memref<4x128xi32, #tpu.memory_space<vmem>> -> memref<1x128xi32, #tpu.memory_space<vmem>>
    %dma_start3A_15 = tpu.memref_squeeze %dma_start3A_14 : memref<1x128xi32, #tpu.memory_space<vmem>> -> memref<128xi32, #tpu.memory_space<vmem>>
    %dma_start3A_16 = arith.constant 0 : i32
    %dma_start3A_17 = tpu.memref_slice %arg20[%dma_start3A_16] : memref<1000000xf32, #tpu.memory_space<hbm>> -> memref<1000000xf32, #tpu.memory_space<hbm>>
    tpu.enqueue_indirect_dma source(%dma_start3A_17 : memref<1000000xf32, #tpu.memory_space<hbm>>) target(%dma_start3A_12 : memref<128xf32, #tpu.memory_space<vmem>>) offsets(%dma_start3A_15 : memref<128xi32, #tpu.memory_space<vmem>>) semaphore(%arg48 : memref<!tpu.dma_semaphore, #tpu.memory_space<semaphore_mem>>)
    %dma_start3A_18 = arith.constant 0 : i32
    %dma_start3A_19 = arith.constant 512 : i32
    %dma_start3A_20 = tpu.memref_slice %arg43[%dma_start3A_19] : memref<8192xf32, #tpu.memory_space<vmem>> -> memref<128xf32, #tpu.memory_space<vmem>>
    %dma_start3A_21 = arith.constant 0 : i32
    %dma_start3A_22 = tpu.memref_slice %arg41[%dma_start3A_18, %dma_start3A_21] : memref<4x128xi32, #tpu.memory_space<vmem>> -> memref<1x128xi32, #tpu.memory_space<vmem>>
    %dma_start3A_23 = tpu.memref_squeeze %dma_start3A_22 : memref<1x128xi32, #tpu.memory_space<vmem>> -> memref<128xi32, #tpu.memory_space<vmem>>
    %dma_start3A_24 = arith.constant 0 : i32
    %dma_start3A_25 = tpu.memref_slice %arg5[%dma_start3A_24] : memref<1000000xf32, #tpu.memory_space<hbm>> -> memref<1000000xf32, #tpu.memory_space<hbm>>
    tpu.enqueue_indirect_dma source(%dma_start3A_25 : memref<1000000xf32, #tpu.memory_space<hbm>>) target(%dma_start3A_20 : memref<128xf32, #tpu.memory_space<vmem>>) offsets(%dma_start3A_23 : memref<128xi32, #tpu.memory_space<vmem>>) semaphore(%arg48 : memref<!tpu.dma_semaphore, #tpu.memory_space<semaphore_mem>>)
    %dma_start3A_26 = arith.constant 0 : i32
    %dma_start3A_27 = arith.constant 512 : i32
    %dma_start3A_28 = tpu.memref_slice %arg44[%dma_start3A_27] : memref<8192xf32, #tpu.memory_space<vmem>> -> memref<128xf32, #tpu.memory_space<vmem>>
    %dma_start3A_29 = arith.constant 0 : i32
    %dma_start3A_30 = tpu.memref_slice %arg42[%dma_start3A_26, %dma_start3A_29] : memref<4x128xi32, #tpu.memory_space<vmem>> -> memref<1x128xi32, #tpu.memory_space<vmem>>
    %dma_start3A_31 = tpu.memref_squeeze %dma_start3A_30 : memref<1x128xi32, #tpu.memory_space<vmem>> -> memref<128xi32, #tpu.memory_space<vmem>>
    %dma_start3A_32 = arith.constant 0 : i32
    %dma_start3A_33 = tpu.memref_slice %arg21[%dma_start3A_32] : memref<1000000xf32, #tpu.memory_space<hbm>> -> memref<1000000xf32, #tpu.memory_space<hbm>>
    tpu.enqueue_indirect_dma source(%dma_start3A_33 : memref<1000000xf32, #tpu.memory_space<hbm>>) target(%dma_start3A_28 : memref<128xf32, #tpu.memory_space<vmem>>) offsets(%dma_start3A_31 : memref<128xi32, #tpu.memory_space<vmem>>) semaphore(%arg48 : memref<!tpu.dma_semaphore, #tpu.memory_space<semaphore_mem>>)
    %dma_start3A_34 = arith.constant 0 : i32
    %dma_start3A_35 = arith.constant 1024 : i32
    %dma_start3A_36 = tpu.memref_slice %arg43[%dma_start3A_35] : memref<8192xf32, #tpu.memory_space<vmem>> -> memref<128xf32, #tpu.memory_space<vmem>>
    %dma_start3A_37 = arith.constant 0 : i32
    %dma_start3A_38 = tpu.memref_slice %arg41[%dma_start3A_34, %dma_start3A_37] : memref<4x128xi32, #tpu.memory_space<vmem>> -> memref<1x128xi32, #tpu.memory_space<vmem>>
    %dma_start3A_39 = tpu.memref_squeeze %dma_start3A_38 : memref<1x128xi32, #tpu.memory_space<vmem>> -> memref<128xi32, #tpu.memory_space<vmem>>
    %dma_start3A_40 = arith.constant 0 : i32
    %dma_start3A_41 = tpu.memref_slice %arg6[%dma_start3A_40] : memref<1000000xf32, #tpu.memory_space<hbm>> -> memref<1000000xf32, #tpu.memory_space<hbm>>
    tpu.enqueue_indirect_dma source(%dma_start3A_41 : memref<1000000xf32, #tpu.memory_space<hbm>>) target(%dma_start3A_36 : memref<128xf32, #tpu.memory_space<vmem>>) offsets(%dma_start3A_39 : memref<128xi32, #tpu.memory_space<vmem>>) semaphore(%arg48 : memref<!tpu.dma_semaphore, #tpu.memory_space<semaphore_mem>>)
    %dma_start3A_42 = arith.constant 0 : i32
    %dma_start3A_43 = arith.constant 1024 : i32
    %dma_start3A_44 = tpu.memref_slice %arg44[%dma_start3A_43] : memref<8192xf32, #tpu.memory_space<vmem>> -> memref<128xf32, #tpu.memory_space<vmem>>
    %dma_start3A_45 = arith.constant 0 : i32
    %dma_start3A_46 = tpu.memref_slice %arg42[%dma_start3A_42, %dma_start3A_45] : memref<4x128xi32, #tpu.memory_space<vmem>> -> memref<1x128xi32, #tpu.memory_space<vmem>>
    %dma_start3A_47 = tpu.memref_squeeze %dma_start3A_46 : memref<1x128xi32, #tpu.memory_space<vmem>> -> memref<128xi32, #tpu.memory_space<vmem>>
    %dma_start3A_48 = arith.constant 0 : i32
    %dma_start3A_49 = tpu.memref_slice %arg22[%dma_start3A_48] : memref<1000000xf32, #tpu.memory_space<hbm>> -> memref<1000000xf32, #tpu.memory_space<hbm>>
    tpu.enqueue_indirect_dma source(%dma_start3A_49 : memref<1000000xf32, #tpu.memory_space<hbm>>) target(%dma_start3A_44 : memref<128xf32, #tpu.memory_space<vmem>>) offsets(%dma_start3A_47 : memref<128xi32, #tpu.memory_space<vmem>>) semaphore(%arg48 : memref<!tpu.dma_semaphore, #tpu.memory_space<semaphore_mem>>)
    %dma_start3A_50 = arith.constant 0 : i32
    %dma_start3A_51 = arith.constant 1536 : i32
    %dma_start3A_52 = tpu.memref_slice %arg43[%dma_start3A_51] : memref<8192xf32, #tpu.memory_space<vmem>> -> memref<128xf32, #tpu.memory_space<vmem>>
    %dma_start3A_53 = arith.constant 0 : i32
    %dma_start3A_54 = tpu.memref_slice %arg41[%dma_start3A_50, %dma_start3A_53] : memref<4x128xi32, #tpu.memory_space<vmem>> -> memref<1x128xi32, #tpu.memory_space<vmem>>
    %dma_start3A_55 = tpu.memref_squeeze %dma_start3A_54 : memref<1x128xi32, #tpu.memory_space<vmem>> -> memref<128xi32, #tpu.memory_space<vmem>>
    %dma_start3A_56 = arith.constant 0 : i32
    %dma_start3A_57 = tpu.memref_slice %arg7[%dma_start3A_56] : memref<1000000xf32, #tpu.memory_space<hbm>> -> memref<1000000xf32, #tpu.memory_space<hbm>>
    tpu.enqueue_indirect_dma source(%dma_start3A_57 : memref<1000000xf32, #tpu.memory_space<hbm>>) target(%dma_start3A_52 : memref<128xf32, #tpu.memory_space<vmem>>) offsets(%dma_start3A_55 : memref<128xi32, #tpu.memory_space<vmem>>) semaphore(%arg48 : memref<!tpu.dma_semaphore, #tpu.memory_space<semaphore_mem>>)
    %dma_start3A_58 = arith.constant 0 : i32
    %dma_start3A_59 = arith.constant 1536 : i32
    %dma_start3A_60 = tpu.memref_slice %arg44[%dma_start3A_59] : memref<8192xf32, #tpu.memory_space<vmem>> -> memref<128xf32, #tpu.memory_space<vmem>>
    %dma_start3A_61 = arith.constant 0 : i32
    %dma_start3A_62 = tpu.memref_slice %arg42[%dma_start3A_58, %dma_start3A_61] : memref<4x128xi32, #tpu.memory_space<vmem>> -> memref<1x128xi32, #tpu.memory_space<vmem>>
    %dma_start3A_63 = tpu.memref_squeeze %dma_start3A_62 : memref<1x128xi32, #tpu.memory_space<vmem>> -> memref<128xi32, #tpu.memory_space<vmem>>
    %dma_start3A_64 = arith.constant 0 : i32
    %dma_start3A_65 = tpu.memref_slice %arg23[%dma_start3A_64] : memref<1000000xf32, #tpu.memory_space<hbm>> -> memref<1000000xf32, #tpu.memory_space<hbm>>
    tpu.enqueue_indirect_dma source(%dma_start3A_65 : memref<1000000xf32, #tpu.memory_space<hbm>>) target(%dma_start3A_60 : memref<128xf32, #tpu.memory_space<vmem>>) offsets(%dma_start3A_63 : memref<128xi32, #tpu.memory_space<vmem>>) semaphore(%arg48 : memref<!tpu.dma_semaphore, #tpu.memory_space<semaphore_mem>>)
    %dma_start3A_66 = arith.constant 0 : i32
    %dma_start3A_67 = arith.constant 2048 : i32
    %dma_start3A_68 = tpu.memref_slice %arg43[%dma_start3A_67] : memref<8192xf32, #tpu.memory_space<vmem>> -> memref<128xf32, #tpu.memory_space<vmem>>
    %dma_start3A_69 = arith.constant 0 : i32
    %dma_start3A_70 = tpu.memref_slice %arg41[%dma_start3A_66, %dma_start3A_69] : memref<4x128xi32, #tpu.memory_space<vmem>> -> memref<1x128xi32, #tpu.memory_space<vmem>>
    %dma_start3A_71 = tpu.memref_squeeze %dma_start3A_70 : memref<1x128xi32, #tpu.memory_space<vmem>> -> memref<128xi32, #tpu.memory_space<vmem>>
    %dma_start3A_72 = arith.constant 0 : i32
    %dma_start3A_73 = tpu.memref_slice %arg8[%dma_start3A_72] : memref<1000000xf32, #tpu.memory_space<hbm>> -> memref<1000000xf32, #tpu.memory_space<hbm>>
    tpu.enqueue_indirect_dma source(%dma_start3A_73 : memref<1000000xf32, #tpu.memory_space<hbm>>) target(%dma_start3A_68 : memref<128xf32, #tpu.memory_space<vmem>>) offsets(%dma_start3A_71 : memref<128xi32, #tpu.memory_space<vmem>>) semaphore(%arg48 : memref<!tpu.dma_semaphore, #tpu.memory_space<semaphore_mem>>)
    %dma_start3A_74 = arith.constant 0 : i32
    %dma_start3A_75 = arith.constant 2048 : i32
    %dma_start3A_76 = tpu.memref_slice %arg44[%dma_start3A_75] : memref<8192xf32, #tpu.memory_space<vmem>> -> memref<128xf32, #tpu.memory_space<vmem>>
    %dma_start3A_77 = arith.constant 0 : i32
    %dma_start3A_78 = tpu.memref_slice %arg42[%dma_start3A_74, %dma_start3A_77] : memref<4x128xi32, #tpu.memory_space<vmem>> -> memref<1x128xi32, #tpu.memory_space<vmem>>
    %dma_start3A_79 = tpu.memref_squeeze %dma_start3A_78 : memref<1x128xi32, #tpu.memory_space<vmem>> -> memref<128xi32, #tpu.memory_space<vmem>>
    %dma_start3A_80 = arith.constant 0 : i32
    %dma_start3A_81 = tpu.memref_slice %arg24[%dma_start3A_80] : memref<1000000xf32, #tpu.memory_space<hbm>> -> memref<1000000xf32, #tpu.memory_space<hbm>>
    tpu.enqueue_indirect_dma source(%dma_start3A_81 : memref<1000000xf32, #tpu.memory_space<hbm>>) target(%dma_start3A_76 : memref<128xf32, #tpu.memory_space<vmem>>) offsets(%dma_start3A_79 : memref<128xi32, #tpu.memory_space<vmem>>) semaphore(%arg48 : memref<!tpu.dma_semaphore, #tpu.memory_space<semaphore_mem>>)
    %dma_start3A_82 = arith.constant 0 : i32
    %dma_start3A_83 = arith.constant 2560 : i32
    %dma_start3A_84 = tpu.memref_slice %arg43[%dma_start3A_83] : memref<8192xf32, #tpu.memory_space<vmem>> -> memref<128xf32, #tpu.memory_space<vmem>>
    %dma_start3A_85 = arith.constant 0 : i32
    %dma_start3A_86 = tpu.memref_slice %arg41[%dma_start3A_82, %dma_start3A_85] : memref<4x128xi32, #tpu.memory_space<vmem>> -> memref<1x128xi32, #tpu.memory_space<vmem>>
    %dma_start3A_87 = tpu.memref_squeeze %dma_start3A_86 : memref<1x128xi32, #tpu.memory_space<vmem>> -> memref<128xi32, #tpu.memory_space<vmem>>
    %dma_start3A_88 = arith.constant 0 : i32
    %dma_start3A_89 = tpu.memref_slice %arg9[%dma_start3A_88] : memref<1000000xf32, #tpu.memory_space<hbm>> -> memref<1000000xf32, #tpu.memory_space<hbm>>
    tpu.enqueue_indirect_dma source(%dma_start3A_89 : memref<1000000xf32, #tpu.memory_space<hbm>>) target(%dma_start3A_84 : memref<128xf32, #tpu.memory_space<vmem>>) offsets(%dma_start3A_87 : memref<128xi32, #tpu.memory_space<vmem>>) semaphore(%arg48 : memref<!tpu.dma_semaphore, #tpu.memory_space<semaphore_mem>>)
    %dma_start3A_90 = arith.constant 0 : i32
    %dma_start3A_91 = arith.constant 2560 : i32
    %dma_start3A_92 = tpu.memref_slice %arg44[%dma_start3A_91] : memref<8192xf32, #tpu.memory_space<vmem>> -> memref<128xf32, #tpu.memory_space<vmem>>
    %dma_start3A_93 = arith.constant 0 : i32
    %dma_start3A_94 = tpu.memref_slice %arg42[%dma_start3A_90, %dma_start3A_93] : memref<4x128xi32, #tpu.memory_space<vmem>> -> memref<1x128xi32, #tpu.memory_space<vmem>>
    %dma_start3A_95 = tpu.memref_squeeze %dma_start3A_94 : memref<1x128xi32, #tpu.memory_space<vmem>> -> memref<128xi32, #tpu.memory_space<vmem>>
    %dma_start3A_96 = arith.constant 0 : i32
    %dma_start3A_97 = tpu.memref_slice %arg25[%dma_start3A_96] : memref<1000000xf32, #tpu.memory_space<hbm>> -> memref<1000000xf32, #tpu.memory_space<hbm>>
    tpu.enqueue_indirect_dma source(%dma_start3A_97 : memref<1000000xf32, #tpu.memory_space<hbm>>) target(%dma_start3A_92 : memref<128xf32, #tpu.memory_space<vmem>>) offsets(%dma_start3A_95 : memref<128xi32, #tpu.memory_space<vmem>>) semaphore(%arg48 : memref<!tpu.dma_semaphore, #tpu.memory_space<semaphore_mem>>)
    %dma_start3A_98 = arith.constant 0 : i32
    %dma_start3A_99 = arith.constant 3072 : i32
    %dma_start3A_100 = tpu.memref_slice %arg43[%dma_start3A_99] : memref<8192xf32, #tpu.memory_space<vmem>> -> memref<128xf32, #tpu.memory_space<vmem>>
    %dma_start3A_101 = arith.constant 0 : i32
    %dma_start3A_102 = tpu.memref_slice %arg41[%dma_start3A_98, %dma_start3A_101] : memref<4x128xi32, #tpu.memory_space<vmem>> -> memref<1x128xi32, #tpu.memory_space<vmem>>
    %dma_start3A_103 = tpu.memref_squeeze %dma_start3A_102 : memref<1x128xi32, #tpu.memory_space<vmem>> -> memref<128xi32, #tpu.memory_space<vmem>>
    %dma_start3A_104 = arith.constant 0 : i32
    %dma_start3A_105 = tpu.memref_slice %arg10[%dma_start3A_104] : memref<1000000xf32, #tpu.memory_space<hbm>> -> memref<1000000xf32, #tpu.memory_space<hbm>>
    tpu.enqueue_indirect_dma source(%dma_start3A_105 : memref<1000000xf32, #tpu.memory_space<hbm>>) target(%dma_start3A_100 : memref<128xf32, #tpu.memory_space<vmem>>) offsets(%dma_start3A_103 : memref<128xi32, #tpu.memory_space<vmem>>) semaphore(%arg48 : memref<!tpu.dma_semaphore, #tpu.memory_space<semaphore_mem>>)
    %dma_start3A_106 = arith.constant 0 : i32
    %dma_start3A_107 = arith.constant 3072 : i32
    %dma_start3A_108 = tpu.memref_slice %arg44[%dma_start3A_107] : memref<8192xf32, #tpu.memory_space<vmem>> -> memref<128xf32, #tpu.memory_space<vmem>>
    %dma_start3A_109 = arith.constant 0 : i32
    %dma_start3A_110 = tpu.memref_slice %arg42[%dma_start3A_106, %dma_start3A_109] : memref<4x128xi32, #tpu.memory_space<vmem>> -> memref<1x128xi32, #tpu.memory_space<vmem>>
    %dma_start3A_111 = tpu.memref_squeeze %dma_start3A_110 : memref<1x128xi32, #tpu.memory_space<vmem>> -> memref<128xi32, #tpu.memory_space<vmem>>
    %dma_start3A_112 = arith.constant 0 : i32
    %dma_start3A_113 = tpu.memref_slice %arg26[%dma_start3A_112] : memref<1000000xf32, #tpu.memory_space<hbm>> -> memref<1000000xf32, #tpu.memory_space<hbm>>
    tpu.enqueue_indirect_dma source(%dma_start3A_113 : memref<1000000xf32, #tpu.memory_space<hbm>>) target(%dma_start3A_108 : memref<128xf32, #tpu.memory_space<vmem>>) offsets(%dma_start3A_111 : memref<128xi32, #tpu.memory_space<vmem>>) semaphore(%arg48 : memref<!tpu.dma_semaphore, #tpu.memory_space<semaphore_mem>>)
    %dma_start3A_114 = arith.constant 0 : i32
    %dma_start3A_115 = arith.constant 3584 : i32
    %dma_start3A_116 = tpu.memref_slice %arg43[%dma_start3A_115] : memref<8192xf32, #tpu.memory_space<vmem>> -> memref<128xf32, #tpu.memory_space<vmem>>
    %dma_start3A_117 = arith.constant 0 : i32
    %dma_start3A_118 = tpu.memref_slice %arg41[%dma_start3A_114, %dma_start3A_117] : memref<4x128xi32, #tpu.memory_space<vmem>> -> memref<1x128xi32, #tpu.memory_space<vmem>>
    %dma_start3A_119 = tpu.memref_squeeze %dma_start3A_118 : memref<1x128xi32, #tpu.memory_space<vmem>> -> memref<128xi32, #tpu.memory_space<vmem>>
    %dma_start3A_120 = arith.constant 0 : i32
    %dma_start3A_121 = tpu.memref_slice %arg11[%dma_start3A_120] : memref<1000000xf32, #tpu.memory_space<hbm>> -> memref<1000000xf32, #tpu.memory_space<hbm>>
    tpu.enqueue_indirect_dma source(%dma_start3A_121 : memref<1000000xf32, #tpu.memory_space<hbm>>) target(%dma_start3A_116 : memref<128xf32, #tpu.memory_space<vmem>>) offsets(%dma_start3A_119 : memref<128xi32, #tpu.memory_space<vmem>>) semaphore(%arg48 : memref<!tpu.dma_semaphore, #tpu.memory_space<semaphore_mem>>)
    %dma_start3A_122 = arith.constant 0 : i32
    %dma_start3A_123 = arith.constant 3584 : i32
    %dma_start3A_124 = tpu.memref_slice %arg44[%dma_start3A_123] : memref<8192xf32, #tpu.memory_space<vmem>> -> memref<128xf32, #tpu.memory_space<vmem>>
    %dma_start3A_125 = arith.constant 0 : i32
    %dma_start3A_126 = tpu.memref_slice %arg42[%dma_start3A_122, %dma_start3A_125] : memref<4x128xi32, #tpu.memory_space<vmem>> -> memref<1x128xi32, #tpu.memory_space<vmem>>
    %dma_start3A_127 = tpu.memref_squeeze %dma_start3A_126 : memref<1x128xi32, #tpu.memory_space<vmem>> -> memref<128xi32, #tpu.memory_space<vmem>>
    %dma_start3A_128 = arith.constant 0 : i32
    %dma_start3A_129 = tpu.memref_slice %arg27[%dma_start3A_128] : memref<1000000xf32, #tpu.memory_space<hbm>> -> memref<1000000xf32, #tpu.memory_space<hbm>>
    tpu.enqueue_indirect_dma source(%dma_start3A_129 : memref<1000000xf32, #tpu.memory_space<hbm>>) target(%dma_start3A_124 : memref<128xf32, #tpu.memory_space<vmem>>) offsets(%dma_start3A_127 : memref<128xi32, #tpu.memory_space<vmem>>) semaphore(%arg48 : memref<!tpu.dma_semaphore, #tpu.memory_space<semaphore_mem>>)
    %dma_start3A_130 = arith.constant 0 : i32
    %dma_start3A_131 = arith.constant 4096 : i32
    %dma_start3A_132 = tpu.memref_slice %arg43[%dma_start3A_131] : memref<8192xf32, #tpu.memory_space<vmem>> -> memref<128xf32, #tpu.memory_space<vmem>>
    %dma_start3A_133 = arith.constant 0 : i32
    %dma_start3A_134 = tpu.memref_slice %arg41[%dma_start3A_130, %dma_start3A_133] : memref<4x128xi32, #tpu.memory_space<vmem>> -> memref<1x128xi32, #tpu.memory_space<vmem>>
    %dma_start3A_135 = tpu.memref_squeeze %dma_start3A_134 : memref<1x128xi32, #tpu.memory_space<vmem>> -> memref<128xi32, #tpu.memory_space<vmem>>
    %dma_start3A_136 = arith.constant 0 : i32
    %dma_start3A_137 = tpu.memref_slice %arg12[%dma_start3A_136] : memref<1000000xf32, #tpu.memory_space<hbm>> -> memref<1000000xf32, #tpu.memory_space<hbm>>
    tpu.enqueue_indirect_dma source(%dma_start3A_137 : memref<1000000xf32, #tpu.memory_space<hbm>>) target(%dma_start3A_132 : memref<128xf32, #tpu.memory_space<vmem>>) offsets(%dma_start3A_135 : memref<128xi32, #tpu.memory_space<vmem>>) semaphore(%arg48 : memref<!tpu.dma_semaphore, #tpu.memory_space<semaphore_mem>>)
    %dma_start3A_138 = arith.constant 0 : i32
    %dma_start3A_139 = arith.constant 4096 : i32
    %dma_start3A_140 = tpu.memref_slice %arg44[%dma_start3A_139] : memref<8192xf32, #tpu.memory_space<vmem>> -> memref<128xf32, #tpu.memory_space<vmem>>
    %dma_start3A_141 = arith.constant 0 : i32
    %dma_start3A_142 = tpu.memref_slice %arg42[%dma_start3A_138, %dma_start3A_141] : memref<4x128xi32, #tpu.memory_space<vmem>> -> memref<1x128xi32, #tpu.memory_space<vmem>>
    %dma_start3A_143 = tpu.memref_squeeze %dma_start3A_142 : memref<1x128xi32, #tpu.memory_space<vmem>> -> memref<128xi32, #tpu.memory_space<vmem>>
    %dma_start3A_144 = arith.constant 0 : i32
    %dma_start3A_145 = tpu.memref_slice %arg28[%dma_start3A_144] : memref<1000000xf32, #tpu.memory_space<hbm>> -> memref<1000000xf32, #tpu.memory_space<hbm>>
    tpu.enqueue_indirect_dma source(%dma_start3A_145 : memref<1000000xf32, #tpu.memory_space<hbm>>) target(%dma_start3A_140 : memref<128xf32, #tpu.memory_space<vmem>>) offsets(%dma_start3A_143 : memref<128xi32, #tpu.memory_space<vmem>>) semaphore(%arg48 : memref<!tpu.dma_semaphore, #tpu.memory_space<semaphore_mem>>)
    %dma_start3A_146 = arith.constant 0 : i32
    %dma_start3A_147 = arith.constant 4608 : i32
    %dma_start3A_148 = tpu.memref_slice %arg43[%dma_start3A_147] : memref<8192xf32, #tpu.memory_space<vmem>> -> memref<128xf32, #tpu.memory_space<vmem>>
    %dma_start3A_149 = arith.constant 0 : i32
    %dma_start3A_150 = tpu.memref_slice %arg41[%dma_start3A_146, %dma_start3A_149] : memref<4x128xi32, #tpu.memory_space<vmem>> -> memref<1x128xi32, #tpu.memory_space<vmem>>
    %dma_start3A_151 = tpu.memref_squeeze %dma_start3A_150 : memref<1x128xi32, #tpu.memory_space<vmem>> -> memref<128xi32, #tpu.memory_space<vmem>>
    %dma_start3A_152 = arith.constant 0 : i32
    %dma_start3A_153 = tpu.memref_slice %arg13[%dma_start3A_152] : memref<1000000xf32, #tpu.memory_space<hbm>> -> memref<1000000xf32, #tpu.memory_space<hbm>>
    tpu.enqueue_indirect_dma source(%dma_start3A_153 : memref<1000000xf32, #tpu.memory_space<hbm>>) target(%dma_start3A_148 : memref<128xf32, #tpu.memory_space<vmem>>) offsets(%dma_start3A_151 : memref<128xi32, #tpu.memory_space<vmem>>) semaphore(%arg48 : memref<!tpu.dma_semaphore, #tpu.memory_space<semaphore_mem>>)
    %dma_start3A_154 = arith.constant 0 : i32
    %dma_start3A_155 = arith.constant 4608 : i32
    %dma_start3A_156 = tpu.memref_slice %arg44[%dma_start3A_155] : memref<8192xf32, #tpu.memory_space<vmem>> -> memref<128xf32, #tpu.memory_space<vmem>>
    %dma_start3A_157 = arith.constant 0 : i32
    %dma_start3A_158 = tpu.memref_slice %arg42[%dma_start3A_154, %dma_start3A_157] : memref<4x128xi32, #tpu.memory_space<vmem>> -> memref<1x128xi32, #tpu.memory_space<vmem>>
    %dma_start3A_159 = tpu.memref_squeeze %dma_start3A_158 : memref<1x128xi32, #tpu.memory_space<vmem>> -> memref<128xi32, #tpu.memory_space<vmem>>
    %dma_start3A_160 = arith.constant 0 : i32
    %dma_start3A_161 = tpu.memref_slice %arg29[%dma_start3A_160] : memref<1000000xf32, #tpu.memory_space<hbm>> -> memref<1000000xf32, #tpu.memory_space<hbm>>
    tpu.enqueue_indirect_dma source(%dma_start3A_161 : memref<1000000xf32, #tpu.memory_space<hbm>>) target(%dma_start3A_156 : memref<128xf32, #tpu.memory_space<vmem>>) offsets(%dma_start3A_159 : memref<128xi32, #tpu.memory_space<vmem>>) semaphore(%arg48 : memref<!tpu.dma_semaphore, #tpu.memory_space<semaphore_mem>>)
    %dma_start3A_162 = arith.constant 0 : i32
    %dma_start3A_163 = arith.constant 5120 : i32
    %dma_start3A_164 = tpu.memref_slice %arg43[%dma_start3A_163] : memref<8192xf32, #tpu.memory_space<vmem>> -> memref<128xf32, #tpu.memory_space<vmem>>
    %dma_start3A_165 = arith.constant 0 : i32
    %dma_start3A_166 = tpu.memref_slice %arg41[%dma_start3A_162, %dma_start3A_165] : memref<4x128xi32, #tpu.memory_space<vmem>> -> memref<1x128xi32, #tpu.memory_space<vmem>>
    %dma_start3A_167 = tpu.memref_squeeze %dma_start3A_166 : memref<1x128xi32, #tpu.memory_space<vmem>> -> memref<128xi32, #tpu.memory_space<vmem>>
    %dma_start3A_168 = arith.constant 0 : i32
    %dma_start3A_169 = tpu.memref_slice %arg14[%dma_start3A_168] : memref<1000000xf32, #tpu.memory_space<hbm>> -> memref<1000000xf32, #tpu.memory_space<hbm>>
    tpu.enqueue_indirect_dma source(%dma_start3A_169 : memref<1000000xf32, #tpu.memory_space<hbm>>) target(%dma_start3A_164 : memref<128xf32, #tpu.memory_space<vmem>>) offsets(%dma_start3A_167 : memref<128xi32, #tpu.memory_space<vmem>>) semaphore(%arg48 : memref<!tpu.dma_semaphore, #tpu.memory_space<semaphore_mem>>)
    %dma_start3A_170 = arith.constant 0 : i32
    %dma_start3A_171 = arith.constant 5120 : i32
    %dma_start3A_172 = tpu.memref_slice %arg44[%dma_start3A_171] : memref<8192xf32, #tpu.memory_space<vmem>> -> memref<128xf32, #tpu.memory_space<vmem>>
    %dma_start3A_173 = arith.constant 0 : i32
    %dma_start3A_174 = tpu.memref_slice %arg42[%dma_start3A_170, %dma_start3A_173] : memref<4x128xi32, #tpu.memory_space<vmem>> -> memref<1x128xi32, #tpu.memory_space<vmem>>
    %dma_start3A_175 = tpu.memref_squeeze %dma_start3A_174 : memref<1x128xi32, #tpu.memory_space<vmem>> -> memref<128xi32, #tpu.memory_space<vmem>>
    %dma_start3A_176 = arith.constant 0 : i32
    %dma_start3A_177 = tpu.memref_slice %arg30[%dma_start3A_176] : memref<1000000xf32, #tpu.memory_space<hbm>> -> memref<1000000xf32, #tpu.memory_space<hbm>>
    tpu.enqueue_indirect_dma source(%dma_start3A_177 : memref<1000000xf32, #tpu.memory_space<hbm>>) target(%dma_start3A_172 : memref<128xf32, #tpu.memory_space<vmem>>) offsets(%dma_start3A_175 : memref<128xi32, #tpu.memory_space<vmem>>) semaphore(%arg48 : memref<!tpu.dma_semaphore, #tpu.memory_space<semaphore_mem>>)
    %dma_start3A_178 = arith.constant 0 : i32
    %dma_start3A_179 = arith.constant 5632 : i32
    %dma_start3A_180 = tpu.memref_slice %arg43[%dma_start3A_179] : memref<8192xf32, #tpu.memory_space<vmem>> -> memref<128xf32, #tpu.memory_space<vmem>>
    %dma_start3A_181 = arith.constant 0 : i32
    %dma_start3A_182 = tpu.memref_slice %arg41[%dma_start3A_178, %dma_start3A_181] : memref<4x128xi32, #tpu.memory_space<vmem>> -> memref<1x128xi32, #tpu.memory_space<vmem>>
    %dma_start3A_183 = tpu.memref_squeeze %dma_start3A_182 : memref<1x128xi32, #tpu.memory_space<vmem>> -> memref<128xi32, #tpu.memory_space<vmem>>
    %dma_start3A_184 = arith.constant 0 : i32
    %dma_start3A_185 = tpu.memref_slice %arg15[%dma_start3A_184] : memref<1000000xf32, #tpu.memory_space<hbm>> -> memref<1000000xf32, #tpu.memory_space<hbm>>
    tpu.enqueue_indirect_dma source(%dma_start3A_185 : memref<1000000xf32, #tpu.memory_space<hbm>>) target(%dma_start3A_180 : memref<128xf32, #tpu.memory_space<vmem>>) offsets(%dma_start3A_183 : memref<128xi32, #tpu.memory_space<vmem>>) semaphore(%arg48 : memref<!tpu.dma_semaphore, #tpu.memory_space<semaphore_mem>>)
    %dma_start3A_186 = arith.constant 0 : i32
    %dma_start3A_187 = arith.constant 5632 : i32
    %dma_start3A_188 = tpu.memref_slice %arg44[%dma_start3A_187] : memref<8192xf32, #tpu.memory_space<vmem>> -> memref<128xf32, #tpu.memory_space<vmem>>
    %dma_start3A_189 = arith.constant 0 : i32
    %dma_start3A_190 = tpu.memref_slice %arg42[%dma_start3A_186, %dma_start3A_189] : memref<4x128xi32, #tpu.memory_space<vmem>> -> memref<1x128xi32, #tpu.memory_space<vmem>>
    %dma_start3A_191 = tpu.memref_squeeze %dma_start3A_190 : memref<1x128xi32, #tpu.memory_space<vmem>> -> memref<128xi32, #tpu.memory_space<vmem>>
    %dma_start3A_192 = arith.constant 0 : i32
    %dma_start3A_193 = tpu.memref_slice %arg31[%dma_start3A_192] : memref<1000000xf32, #tpu.memory_space<hbm>> -> memref<1000000xf32, #tpu.memory_space<hbm>>
    tpu.enqueue_indirect_dma source(%dma_start3A_193 : memref<1000000xf32, #tpu.memory_space<hbm>>) target(%dma_start3A_188 : memref<128xf32, #tpu.memory_space<vmem>>) offsets(%dma_start3A_191 : memref<128xi32, #tpu.memory_space<vmem>>) semaphore(%arg48 : memref<!tpu.dma_semaphore, #tpu.memory_space<semaphore_mem>>)
    %dma_start3A_194 = arith.constant 0 : i32
    %dma_start3A_195 = arith.constant 6144 : i32
    %dma_start3A_196 = tpu.memref_slice %arg43[%dma_start3A_195] : memref<8192xf32, #tpu.memory_space<vmem>> -> memref<128xf32, #tpu.memory_space<vmem>>
    %dma_start3A_197 = arith.constant 0 : i32
    %dma_start3A_198 = tpu.memref_slice %arg41[%dma_start3A_194, %dma_start3A_197] : memref<4x128xi32, #tpu.memory_space<vmem>> -> memref<1x128xi32, #tpu.memory_space<vmem>>
    %dma_start3A_199 = tpu.memref_squeeze %dma_start3A_198 : memref<1x128xi32, #tpu.memory_space<vmem>> -> memref<128xi32, #tpu.memory_space<vmem>>
    %dma_start3A_200 = arith.constant 0 : i32
    %dma_start3A_201 = tpu.memref_slice %arg16[%dma_start3A_200] : memref<1000000xf32, #tpu.memory_space<hbm>> -> memref<1000000xf32, #tpu.memory_space<hbm>>
    tpu.enqueue_indirect_dma source(%dma_start3A_201 : memref<1000000xf32, #tpu.memory_space<hbm>>) target(%dma_start3A_196 : memref<128xf32, #tpu.memory_space<vmem>>) offsets(%dma_start3A_199 : memref<128xi32, #tpu.memory_space<vmem>>) semaphore(%arg48 : memref<!tpu.dma_semaphore, #tpu.memory_space<semaphore_mem>>)
    %dma_start3A_202 = arith.constant 0 : i32
    %dma_start3A_203 = arith.constant 6144 : i32
    %dma_start3A_204 = tpu.memref_slice %arg44[%dma_start3A_203] : memref<8192xf32, #tpu.memory_space<vmem>> -> memref<128xf32, #tpu.memory_space<vmem>>
    %dma_start3A_205 = arith.constant 0 : i32
    %dma_start3A_206 = tpu.memref_slice %arg42[%dma_start3A_202, %dma_start3A_205] : memref<4x128xi32, #tpu.memory_space<vmem>> -> memref<1x128xi32, #tpu.memory_space<vmem>>
    %dma_start3A_207 = tpu.memref_squeeze %dma_start3A_206 : memref<1x128xi32, #tpu.memory_space<vmem>> -> memref<128xi32, #tpu.memory_space<vmem>>
    %dma_start3A_208 = arith.constant 0 : i32
    %dma_start3A_209 = tpu.memref_slice %arg32[%dma_start3A_208] : memref<1000000xf32, #tpu.memory_space<hbm>> -> memref<1000000xf32, #tpu.memory_space<hbm>>
    tpu.enqueue_indirect_dma source(%dma_start3A_209 : memref<1000000xf32, #tpu.memory_space<hbm>>) target(%dma_start3A_204 : memref<128xf32, #tpu.memory_space<vmem>>) offsets(%dma_start3A_207 : memref<128xi32, #tpu.memory_space<vmem>>) semaphore(%arg48 : memref<!tpu.dma_semaphore, #tpu.memory_space<semaphore_mem>>)
    %dma_start3A_210 = arith.constant 0 : i32
    %dma_start3A_211 = arith.constant 6656 : i32
    %dma_start3A_212 = tpu.memref_slice %arg43[%dma_start3A_211] : memref<8192xf32, #tpu.memory_space<vmem>> -> memref<128xf32, #tpu.memory_space<vmem>>
    %dma_start3A_213 = arith.constant 0 : i32
    %dma_start3A_214 = tpu.memref_slice %arg41[%dma_start3A_210, %dma_start3A_213] : memref<4x128xi32, #tpu.memory_space<vmem>> -> memref<1x128xi32, #tpu.memory_space<vmem>>
    %dma_start3A_215 = tpu.memref_squeeze %dma_start3A_214 : memref<1x128xi32, #tpu.memory_space<vmem>> -> memref<128xi32, #tpu.memory_space<vmem>>
    %dma_start3A_216 = arith.constant 0 : i32
    %dma_start3A_217 = tpu.memref_slice %arg17[%dma_start3A_216] : memref<1000000xf32, #tpu.memory_space<hbm>> -> memref<1000000xf32, #tpu.memory_space<hbm>>
    tpu.enqueue_indirect_dma source(%dma_start3A_217 : memref<1000000xf32, #tpu.memory_space<hbm>>) target(%dma_start3A_212 : memref<128xf32, #tpu.memory_space<vmem>>) offsets(%dma_start3A_215 : memref<128xi32, #tpu.memory_space<vmem>>) semaphore(%arg48 : memref<!tpu.dma_semaphore, #tpu.memory_space<semaphore_mem>>)
    %dma_start3A_218 = arith.constant 0 : i32
    %dma_start3A_219 = arith.constant 6656 : i32
    %dma_start3A_220 = tpu.memref_slice %arg44[%dma_start3A_219] : memref<8192xf32, #tpu.memory_space<vmem>> -> memref<128xf32, #tpu.memory_space<vmem>>
    %dma_start3A_221 = arith.constant 0 : i32
    %dma_start3A_222 = tpu.memref_slice %arg42[%dma_start3A_218, %dma_start3A_221] : memref<4x128xi32, #tpu.memory_space<vmem>> -> memref<1x128xi32, #tpu.memory_space<vmem>>
    %dma_start3A_223 = tpu.memref_squeeze %dma_start3A_222 : memref<1x128xi32, #tpu.memory_space<vmem>> -> memref<128xi32, #tpu.memory_space<vmem>>
    %dma_start3A_224 = arith.constant 0 : i32
    %dma_start3A_225 = tpu.memref_slice %arg33[%dma_start3A_224] : memref<1000000xf32, #tpu.memory_space<hbm>> -> memref<1000000xf32, #tpu.memory_space<hbm>>
    tpu.enqueue_indirect_dma source(%dma_start3A_225 : memref<1000000xf32, #tpu.memory_space<hbm>>) target(%dma_start3A_220 : memref<128xf32, #tpu.memory_space<vmem>>) offsets(%dma_start3A_223 : memref<128xi32, #tpu.memory_space<vmem>>) semaphore(%arg48 : memref<!tpu.dma_semaphore, #tpu.memory_space<semaphore_mem>>)
    %dma_start3A_226 = arith.constant 0 : i32
    %dma_start3A_227 = arith.constant 7168 : i32
    %dma_start3A_228 = tpu.memref_slice %arg43[%dma_start3A_227] : memref<8192xf32, #tpu.memory_space<vmem>> -> memref<128xf32, #tpu.memory_space<vmem>>
    %dma_start3A_229 = arith.constant 0 : i32
    %dma_start3A_230 = tpu.memref_slice %arg41[%dma_start3A_226, %dma_start3A_229] : memref<4x128xi32, #tpu.memory_space<vmem>> -> memref<1x128xi32, #tpu.memory_space<vmem>>
    %dma_start3A_231 = tpu.memref_squeeze %dma_start3A_230 : memref<1x128xi32, #tpu.memory_space<vmem>> -> memref<128xi32, #tpu.memory_space<vmem>>
    %dma_start3A_232 = arith.constant 0 : i32
    %dma_start3A_233 = tpu.memref_slice %arg18[%dma_start3A_232] : memref<1000000xf32, #tpu.memory_space<hbm>> -> memref<1000000xf32, #tpu.memory_space<hbm>>
    tpu.enqueue_indirect_dma source(%dma_start3A_233 : memref<1000000xf32, #tpu.memory_space<hbm>>) target(%dma_start3A_228 : memref<128xf32, #tpu.memory_space<vmem>>) offsets(%dma_start3A_231 : memref<128xi32, #tpu.memory_space<vmem>>) semaphore(%arg48 : memref<!tpu.dma_semaphore, #tpu.memory_space<semaphore_mem>>)
    %dma_start3A_234 = arith.constant 0 : i32
    %dma_start3A_235 = arith.constant 7168 : i32
    %dma_start3A_236 = tpu.memref_slice %arg44[%dma_start3A_235] : memref<8192xf32, #tpu.memory_space<vmem>> -> memref<128xf32, #tpu.memory_space<vmem>>
    %dma_start3A_237 = arith.constant 0 : i32
    %dma_start3A_238 = tpu.memref_slice %arg42[%dma_start3A_234, %dma_start3A_237] : memref<4x128xi32, #tpu.memory_space<vmem>> -> memref<1x128xi32, #tpu.memory_space<vmem>>
    %dma_start3A_239 = tpu.memref_squeeze %dma_start3A_238 : memref<1x128xi32, #tpu.memory_space<vmem>> -> memref<128xi32, #tpu.memory_space<vmem>>
    %dma_start3A_240 = arith.constant 0 : i32
    %dma_start3A_241 = tpu.memref_slice %arg34[%dma_start3A_240] : memref<1000000xf32, #tpu.memory_space<hbm>> -> memref<1000000xf32, #tpu.memory_space<hbm>>
    tpu.enqueue_indirect_dma source(%dma_start3A_241 : memref<1000000xf32, #tpu.memory_space<hbm>>) target(%dma_start3A_236 : memref<128xf32, #tpu.memory_space<vmem>>) offsets(%dma_start3A_239 : memref<128xi32, #tpu.memory_space<vmem>>) semaphore(%arg48 : memref<!tpu.dma_semaphore, #tpu.memory_space<semaphore_mem>>)
    %dma_start3A_242 = arith.constant 0 : i32
    %dma_start3A_243 = arith.constant 7680 : i32
    %dma_start3A_244 = tpu.memref_slice %arg43[%dma_start3A_243] : memref<8192xf32, #tpu.memory_space<vmem>> -> memref<128xf32, #tpu.memory_space<vmem>>
    %dma_start3A_245 = arith.constant 0 : i32
    %dma_start3A_246 = tpu.memref_slice %arg41[%dma_start3A_242, %dma_start3A_245] : memref<4x128xi32, #tpu.memory_space<vmem>> -> memref<1x128xi32, #tpu.memory_space<vmem>>
    %dma_start3A_247 = tpu.memref_squeeze %dma_start3A_246 : memref<1x128xi32, #tpu.memory_space<vmem>> -> memref<128xi32, #tpu.memory_space<vmem>>
    %dma_start3A_248 = arith.constant 0 : i32
    %dma_start3A_249 = tpu.memref_slice %arg19[%dma_start3A_248] : memref<1000000xf32, #tpu.memory_space<hbm>> -> memref<1000000xf32, #tpu.memory_space<hbm>>
    tpu.enqueue_indirect_dma source(%dma_start3A_249 : memref<1000000xf32, #tpu.memory_space<hbm>>) target(%dma_start3A_244 : memref<128xf32, #tpu.memory_space<vmem>>) offsets(%dma_start3A_247 : memref<128xi32, #tpu.memory_space<vmem>>) semaphore(%arg48 : memref<!tpu.dma_semaphore, #tpu.memory_space<semaphore_mem>>)
    %dma_start3A_250 = arith.constant 0 : i32
    %dma_start3A_251 = arith.constant 7680 : i32
    %dma_start3A_252 = tpu.memref_slice %arg44[%dma_start3A_251] : memref<8192xf32, #tpu.memory_space<vmem>> -> memref<128xf32, #tpu.memory_space<vmem>>
    %dma_start3A_253 = arith.constant 0 : i32
    %dma_start3A_254 = tpu.memref_slice %arg42[%dma_start3A_250, %dma_start3A_253] : memref<4x128xi32, #tpu.memory_space<vmem>> -> memref<1x128xi32, #tpu.memory_space<vmem>>
    %dma_start3A_255 = tpu.memref_squeeze %dma_start3A_254 : memref<1x128xi32, #tpu.memory_space<vmem>> -> memref<128xi32, #tpu.memory_space<vmem>>
    %dma_start3A_256 = arith.constant 0 : i32
    %dma_start3A_257 = tpu.memref_slice %arg35[%dma_start3A_256] : memref<1000000xf32, #tpu.memory_space<hbm>> -> memref<1000000xf32, #tpu.memory_space<hbm>>
    tpu.enqueue_indirect_dma source(%dma_start3A_257 : memref<1000000xf32, #tpu.memory_space<hbm>>) target(%dma_start3A_252 : memref<128xf32, #tpu.memory_space<vmem>>) offsets(%dma_start3A_255 : memref<128xi32, #tpu.memory_space<vmem>>) semaphore(%arg48 : memref<!tpu.dma_semaphore, #tpu.memory_space<semaphore_mem>>)
    %dma_start3A_258 = arith.constant 0 : i32
    %dma_start3A_259 = arith.constant 0 : i32
    %dma_start3A_260 = tpu.memref_slice %arg45[%dma_start3A_259] : memref<512xf32, #tpu.memory_space<vmem>> -> memref<128xf32, #tpu.memory_space<vmem>>
    %dma_start3A_261 = arith.constant 0 : i32
    %dma_start3A_262 = tpu.memref_slice %arg41[%dma_start3A_258, %dma_start3A_261] : memref<4x128xi32, #tpu.memory_space<vmem>> -> memref<1x128xi32, #tpu.memory_space<vmem>>
    %dma_start3A_263 = tpu.memref_squeeze %dma_start3A_262 : memref<1x128xi32, #tpu.memory_space<vmem>> -> memref<128xi32, #tpu.memory_space<vmem>>
    %dma_start3A_264 = arith.constant 0 : i32
    %dma_start3A_265 = tpu.memref_slice %arg36[%dma_start3A_264] : memref<1000000xf32, #tpu.memory_space<hbm>> -> memref<1000000xf32, #tpu.memory_space<hbm>>
    tpu.enqueue_indirect_dma source(%dma_start3A_265 : memref<1000000xf32, #tpu.memory_space<hbm>>) target(%dma_start3A_260 : memref<128xf32, #tpu.memory_space<vmem>>) offsets(%dma_start3A_263 : memref<128xi32, #tpu.memory_space<vmem>>) semaphore(%arg49 : memref<!tpu.dma_semaphore, #tpu.memory_space<semaphore_mem>>)
    %dma_start3A_266 = arith.constant 0 : i32
    %dma_start3A_267 = arith.constant 0 : i32
    %dma_start3A_268 = tpu.memref_slice %arg46[%dma_start3A_267] : memref<512xf32, #tpu.memory_space<vmem>> -> memref<128xf32, #tpu.memory_space<vmem>>
    %dma_start3A_269 = arith.constant 0 : i32
    %dma_start3A_270 = tpu.memref_slice %arg42[%dma_start3A_266, %dma_start3A_269] : memref<4x128xi32, #tpu.memory_space<vmem>> -> memref<1x128xi32, #tpu.memory_space<vmem>>
    %dma_start3A_271 = tpu.memref_squeeze %dma_start3A_270 : memref<1x128xi32, #tpu.memory_space<vmem>> -> memref<128xi32, #tpu.memory_space<vmem>>
    %dma_start3A_272 = arith.constant 0 : i32
    %dma_start3A_273 = tpu.memref_slice %arg37[%dma_start3A_272] : memref<1000000xf32, #tpu.memory_space<hbm>> -> memref<1000000xf32, #tpu.memory_space<hbm>>
    tpu.enqueue_indirect_dma source(%dma_start3A_273 : memref<1000000xf32, #tpu.memory_space<hbm>>) target(%dma_start3A_268 : memref<128xf32, #tpu.memory_space<vmem>>) offsets(%dma_start3A_271 : memref<128xi32, #tpu.memory_space<vmem>>) semaphore(%arg49 : memref<!tpu.dma_semaphore, #tpu.memory_space<semaphore_mem>>)
    %dma_start3A_274 = arith.constant 1 : i32
    %dma_start3A_275 = arith.constant 128 : i32
    %dma_start3A_276 = tpu.memref_slice %arg43[%dma_start3A_275] : memref<8192xf32, #tpu.memory_space<vmem>> -> memref<128xf32, #tpu.memory_space<vmem>>
    %dma_start3A_277 = arith.constant 0 : i32
    %dma_start3A_278 = tpu.memref_slice %arg41[%dma_start3A_274, %dma_start3A_277] : memref<4x128xi32, #tpu.memory_space<vmem>> -> memref<1x128xi32, #tpu.memory_space<vmem>>
    %dma_start3A_279 = tpu.memref_squeeze %dma_start3A_278 : memref<1x128xi32, #tpu.memory_space<vmem>> -> memref<128xi32, #tpu.memory_space<vmem>>
    %dma_start3A_280 = arith.constant 0 : i32
    %dma_start3A_281 = tpu.memref_slice %arg4[%dma_start3A_280] : memref<1000000xf32, #tpu.memory_space<hbm>> -> memref<1000000xf32, #tpu.memory_space<hbm>>
    tpu.enqueue_indirect_dma source(%dma_start3A_281 : memref<1000000xf32, #tpu.memory_space<hbm>>) target(%dma_start3A_276 : memref<128xf32, #tpu.memory_space<vmem>>) offsets(%dma_start3A_279 : memref<128xi32, #tpu.memory_space<vmem>>) semaphore(%arg48 : memref<!tpu.dma_semaphore, #tpu.memory_space<semaphore_mem>>)
    %dma_start3A_282 = arith.constant 1 : i32
    %dma_start3A_283 = arith.constant 128 : i32
    %dma_start3A_284 = tpu.memref_slice %arg44[%dma_start3A_283] : memref<8192xf32, #tpu.memory_space<vmem>> -> memref<128xf32, #tpu.memory_space<vmem>>
    %dma_start3A_285 = arith.constant 0 : i32
    %dma_start3A_286 = tpu.memref_slice %arg42[%dma_start3A_282, %dma_start3A_285] : memref<4x128xi32, #tpu.memory_space<vmem>> -> memref<1x128xi32, #tpu.memory_space<vmem>>
    %dma_start3A_287 = tpu.memref_squeeze %dma_start3A_286 : memref<1x128xi32, #tpu.memory_space<vmem>> -> memref<128xi32, #tpu.memory_space<vmem>>
    %dma_start3A_288 = arith.constant 0 : i32
    %dma_start3A_289 = tpu.memref_slice %arg20[%dma_start3A_288] : memref<1000000xf32, #tpu.memory_space<hbm>> -> memref<1000000xf32, #tpu.memory_space<hbm>>
    tpu.enqueue_indirect_dma source(%dma_start3A_289 : memref<1000000xf32, #tpu.memory_space<hbm>>) target(%dma_start3A_284 : memref<128xf32, #tpu.memory_space<vmem>>) offsets(%dma_start3A_287 : memref<128xi32, #tpu.memory_space<vmem>>) semaphore(%arg48 : memref<!tpu.dma_semaphore, #tpu.memory_space<semaphore_mem>>)
    %dma_start3A_290 = arith.constant 1 : i32
    %dma_start3A_291 = arith.constant 640 : i32
    %dma_start3A_292 = tpu.memref_slice %arg43[%dma_start3A_291] : memref<8192xf32, #tpu.memory_space<vmem>> -> memref<128xf32, #tpu.memory_space<vmem>>
    %dma_start3A_293 = arith.constant 0 : i32
    %dma_start3A_294 = tpu.memref_slice %arg41[%dma_start3A_290, %dma_start3A_293] : memref<4x128xi32, #tpu.memory_space<vmem>> -> memref<1x128xi32, #tpu.memory_space<vmem>>
    %dma_start3A_295 = tpu.memref_squeeze %dma_start3A_294 : memref<1x128xi32, #tpu.memory_space<vmem>> -> memref<128xi32, #tpu.memory_space<vmem>>
    %dma_start3A_296 = arith.constant 0 : i32
    %dma_start3A_297 = tpu.memref_slice %arg5[%dma_start3A_296] : memref<1000000xf32, #tpu.memory_space<hbm>> -> memref<1000000xf32, #tpu.memory_space<hbm>>
    tpu.enqueue_indirect_dma source(%dma_start3A_297 : memref<1000000xf32, #tpu.memory_space<hbm>>) target(%dma_start3A_292 : memref<128xf32, #tpu.memory_space<vmem>>) offsets(%dma_start3A_295 : memref<128xi32, #tpu.memory_space<vmem>>) semaphore(%arg48 : memref<!tpu.dma_semaphore, #tpu.memory_space<semaphore_mem>>)
    %dma_start3A_298 = arith.constant 1 : i32
    %dma_start3A_299 = arith.constant 640 : i32
    %dma_start3A_300 = tpu.memref_slice %arg44[%dma_start3A_299] : memref<8192xf32, #tpu.memory_space<vmem>> -> memref<128xf32, #tpu.memory_space<vmem>>
    %dma_start3A_301 = arith.constant 0 : i32
    %dma_start3A_302 = tpu.memref_slice %arg42[%dma_start3A_298, %dma_start3A_301] : memref<4x128xi32, #tpu.memory_space<vmem>> -> memref<1x128xi32, #tpu.memory_space<vmem>>
    %dma_start3A_303 = tpu.memref_squeeze %dma_start3A_302 : memref<1x128xi32, #tpu.memory_space<vmem>> -> memref<128xi32, #tpu.memory_space<vmem>>
    %dma_start3A_304 = arith.constant 0 : i32
    %dma_start3A_305 = tpu.memref_slice %arg21[%dma_start3A_304] : memref<1000000xf32, #tpu.memory_space<hbm>> -> memref<1000000xf32, #tpu.memory_space<hbm>>
    tpu.enqueue_indirect_dma source(%dma_start3A_305 : memref<1000000xf32, #tpu.memory_space<hbm>>) target(%dma_start3A_300 : memref<128xf32, #tpu.memory_space<vmem>>) offsets(%dma_start3A_303 : memref<128xi32, #tpu.memory_space<vmem>>) semaphore(%arg48 : memref<!tpu.dma_semaphore, #tpu.memory_space<semaphore_mem>>)
    %dma_start3A_306 = arith.constant 1 : i32
    %dma_start3A_307 = arith.constant 1152 : i32
    %dma_start3A_308 = tpu.memref_slice %arg43[%dma_start3A_307] : memref<8192xf32, #tpu.memory_space<vmem>> -> memref<128xf32, #tpu.memory_space<vmem>>
    %dma_start3A_309 = arith.constant 0 : i32
    %dma_start3A_310 = tpu.memref_slice %arg41[%dma_start3A_306, %dma_start3A_309] : memref<4x128xi32, #tpu.memory_space<vmem>> -> memref<1x128xi32, #tpu.memory_space<vmem>>
    %dma_start3A_311 = tpu.memref_squeeze %dma_start3A_310 : memref<1x128xi32, #tpu.memory_space<vmem>> -> memref<128xi32, #tpu.memory_space<vmem>>
    %dma_start3A_312 = arith.constant 0 : i32
    %dma_start3A_313 = tpu.memref_slice %arg6[%dma_start3A_312] : memref<1000000xf32, #tpu.memory_space<hbm>> -> memref<1000000xf32, #tpu.memory_space<hbm>>
    tpu.enqueue_indirect_dma source(%dma_start3A_313 : memref<1000000xf32, #tpu.memory_space<hbm>>) target(%dma_start3A_308 : memref<128xf32, #tpu.memory_space<vmem>>) offsets(%dma_start3A_311 : memref<128xi32, #tpu.memory_space<vmem>>) semaphore(%arg48 : memref<!tpu.dma_semaphore, #tpu.memory_space<semaphore_mem>>)
    %dma_start3A_314 = arith.constant 1 : i32
    %dma_start3A_315 = arith.constant 1152 : i32
    %dma_start3A_316 = tpu.memref_slice %arg44[%dma_start3A_315] : memref<8192xf32, #tpu.memory_space<vmem>> -> memref<128xf32, #tpu.memory_space<vmem>>
    %dma_start3A_317 = arith.constant 0 : i32
    %dma_start3A_318 = tpu.memref_slice %arg42[%dma_start3A_314, %dma_start3A_317] : memref<4x128xi32, #tpu.memory_space<vmem>> -> memref<1x128xi32, #tpu.memory_space<vmem>>
    %dma_start3A_319 = tpu.memref_squeeze %dma_start3A_318 : memref<1x128xi32, #tpu.memory_space<vmem>> -> memref<128xi32, #tpu.memory_space<vmem>>
    %dma_start3A_320 = arith.constant 0 : i32
    %dma_start3A_321 = tpu.memref_slice %arg22[%dma_start3A_320] : memref<1000000xf32, #tpu.memory_space<hbm>> -> memref<1000000xf32, #tpu.memory_space<hbm>>
    tpu.enqueue_indirect_dma source(%dma_start3A_321 : memref<1000000xf32, #tpu.memory_space<hbm>>) target(%dma_start3A_316 : memref<128xf32, #tpu.memory_space<vmem>>) offsets(%dma_start3A_319 : memref<128xi32, #tpu.memory_space<vmem>>) semaphore(%arg48 : memref<!tpu.dma_semaphore, #tpu.memory_space<semaphore_mem>>)
    %dma_start3A_322 = arith.constant 1 : i32
    %dma_start3A_323 = arith.constant 1664 : i32
    %dma_start3A_324 = tpu.memref_slice %arg43[%dma_start3A_323] : memref<8192xf32, #tpu.memory_space<vmem>> -> memref<128xf32, #tpu.memory_space<vmem>>
    %dma_start3A_325 = arith.constant 0 : i32
    %dma_start3A_326 = tpu.memref_slice %arg41[%dma_start3A_322, %dma_start3A_325] : memref<4x128xi32, #tpu.memory_space<vmem>> -> memref<1x128xi32, #tpu.memory_space<vmem>>
    %dma_start3A_327 = tpu.memref_squeeze %dma_start3A_326 : memref<1x128xi32, #tpu.memory_space<vmem>> -> memref<128xi32, #tpu.memory_space<vmem>>
    %dma_start3A_328 = arith.constant 0 : i32
    %dma_start3A_329 = tpu.memref_slice %arg7[%dma_start3A_328] : memref<1000000xf32, #tpu.memory_space<hbm>> -> memref<1000000xf32, #tpu.memory_space<hbm>>
    tpu.enqueue_indirect_dma source(%dma_start3A_329 : memref<1000000xf32, #tpu.memory_space<hbm>>) target(%dma_start3A_324 : memref<128xf32, #tpu.memory_space<vmem>>) offsets(%dma_start3A_327 : memref<128xi32, #tpu.memory_space<vmem>>) semaphore(%arg48 : memref<!tpu.dma_semaphore, #tpu.memory_space<semaphore_mem>>)
    %dma_start3A_330 = arith.constant 1 : i32
    %dma_start3A_331 = arith.constant 1664 : i32
    %dma_start3A_332 = tpu.memref_slice %arg44[%dma_start3A_331] : memref<8192xf32, #tpu.memory_space<vmem>> -> memref<128xf32, #tpu.memory_space<vmem>>
    %dma_start3A_333 = arith.constant 0 : i32
    %dma_start3A_334 = tpu.memref_slice %arg42[%dma_start3A_330, %dma_start3A_333] : memref<4x128xi32, #tpu.memory_space<vmem>> -> memref<1x128xi32, #tpu.memory_space<vmem>>
    %dma_start3A_335 = tpu.memref_squeeze %dma_start3A_334 : memref<1x128xi32, #tpu.memory_space<vmem>> -> memref<128xi32, #tpu.memory_space<vmem>>
    %dma_start3A_336 = arith.constant 0 : i32
    %dma_start3A_337 = tpu.memref_slice %arg23[%dma_start3A_336] : memref<1000000xf32, #tpu.memory_space<hbm>> -> memref<1000000xf32, #tpu.memory_space<hbm>>
    tpu.enqueue_indirect_dma source(%dma_start3A_337 : memref<1000000xf32, #tpu.memory_space<hbm>>) target(%dma_start3A_332 : memref<128xf32, #tpu.memory_space<vmem>>) offsets(%dma_start3A_335 : memref<128xi32, #tpu.memory_space<vmem>>) semaphore(%arg48 : memref<!tpu.dma_semaphore, #tpu.memory_space<semaphore_mem>>)
    %dma_start3A_338 = arith.constant 1 : i32
    %dma_start3A_339 = arith.constant 2176 : i32
    %dma_start3A_340 = tpu.memref_slice %arg43[%dma_start3A_339] : memref<8192xf32, #tpu.memory_space<vmem>> -> memref<128xf32, #tpu.memory_space<vmem>>
    %dma_start3A_341 = arith.constant 0 : i32
    %dma_start3A_342 = tpu.memref_slice %arg41[%dma_start3A_338, %dma_start3A_341] : memref<4x128xi32, #tpu.memory_space<vmem>> -> memref<1x128xi32, #tpu.memory_space<vmem>>
    %dma_start3A_343 = tpu.memref_squeeze %dma_start3A_342 : memref<1x128xi32, #tpu.memory_space<vmem>> -> memref<128xi32, #tpu.memory_space<vmem>>
    %dma_start3A_344 = arith.constant 0 : i32
    %dma_start3A_345 = tpu.memref_slice %arg8[%dma_start3A_344] : memref<1000000xf32, #tpu.memory_space<hbm>> -> memref<1000000xf32, #tpu.memory_space<hbm>>
    tpu.enqueue_indirect_dma source(%dma_start3A_345 : memref<1000000xf32, #tpu.memory_space<hbm>>) target(%dma_start3A_340 : memref<128xf32, #tpu.memory_space<vmem>>) offsets(%dma_start3A_343 : memref<128xi32, #tpu.memory_space<vmem>>) semaphore(%arg48 : memref<!tpu.dma_semaphore, #tpu.memory_space<semaphore_mem>>)
    %dma_start3A_346 = arith.constant 1 : i32
    %dma_start3A_347 = arith.constant 2176 : i32
    %dma_start3A_348 = tpu.memref_slice %arg44[%dma_start3A_347] : memref<8192xf32, #tpu.memory_space<vmem>> -> memref<128xf32, #tpu.memory_space<vmem>>
    %dma_start3A_349 = arith.constant 0 : i32
    %dma_start3A_350 = tpu.memref_slice %arg42[%dma_start3A_346, %dma_start3A_349] : memref<4x128xi32, #tpu.memory_space<vmem>> -> memref<1x128xi32, #tpu.memory_space<vmem>>
    %dma_start3A_351 = tpu.memref_squeeze %dma_start3A_350 : memref<1x128xi32, #tpu.memory_space<vmem>> -> memref<128xi32, #tpu.memory_space<vmem>>
    %dma_start3A_352 = arith.constant 0 : i32
    %dma_start3A_353 = tpu.memref_slice %arg24[%dma_start3A_352] : memref<1000000xf32, #tpu.memory_space<hbm>> -> memref<1000000xf32, #tpu.memory_space<hbm>>
    tpu.enqueue_indirect_dma source(%dma_start3A_353 : memref<1000000xf32, #tpu.memory_space<hbm>>) target(%dma_start3A_348 : memref<128xf32, #tpu.memory_space<vmem>>) offsets(%dma_start3A_351 : memref<128xi32, #tpu.memory_space<vmem>>) semaphore(%arg48 : memref<!tpu.dma_semaphore, #tpu.memory_space<semaphore_mem>>)
    %dma_start3A_354 = arith.constant 1 : i32
    %dma_start3A_355 = arith.constant 2688 : i32
    %dma_start3A_356 = tpu.memref_slice %arg43[%dma_start3A_355] : memref<8192xf32, #tpu.memory_space<vmem>> -> memref<128xf32, #tpu.memory_space<vmem>>
    %dma_start3A_357 = arith.constant 0 : i32
    %dma_start3A_358 = tpu.memref_slice %arg41[%dma_start3A_354, %dma_start3A_357] : memref<4x128xi32, #tpu.memory_space<vmem>> -> memref<1x128xi32, #tpu.memory_space<vmem>>
    %dma_start3A_359 = tpu.memref_squeeze %dma_start3A_358 : memref<1x128xi32, #tpu.memory_space<vmem>> -> memref<128xi32, #tpu.memory_space<vmem>>
    %dma_start3A_360 = arith.constant 0 : i32
    %dma_start3A_361 = tpu.memref_slice %arg9[%dma_start3A_360] : memref<1000000xf32, #tpu.memory_space<hbm>> -> memref<1000000xf32, #tpu.memory_space<hbm>>
    tpu.enqueue_indirect_dma source(%dma_start3A_361 : memref<1000000xf32, #tpu.memory_space<hbm>>) target(%dma_start3A_356 : memref<128xf32, #tpu.memory_space<vmem>>) offsets(%dma_start3A_359 : memref<128xi32, #tpu.memory_space<vmem>>) semaphore(%arg48 : memref<!tpu.dma_semaphore, #tpu.memory_space<semaphore_mem>>)
    %dma_start3A_362 = arith.constant 1 : i32
    %dma_start3A_363 = arith.constant 2688 : i32
    %dma_start3A_364 = tpu.memref_slice %arg44[%dma_start3A_363] : memref<8192xf32, #tpu.memory_space<vmem>> -> memref<128xf32, #tpu.memory_space<vmem>>
    %dma_start3A_365 = arith.constant 0 : i32
    %dma_start3A_366 = tpu.memref_slice %arg42[%dma_start3A_362, %dma_start3A_365] : memref<4x128xi32, #tpu.memory_space<vmem>> -> memref<1x128xi32, #tpu.memory_space<vmem>>
    %dma_start3A_367 = tpu.memref_squeeze %dma_start3A_366 : memref<1x128xi32, #tpu.memory_space<vmem>> -> memref<128xi32, #tpu.memory_space<vmem>>
    %dma_start3A_368 = arith.constant 0 : i32
    %dma_start3A_369 = tpu.memref_slice %arg25[%dma_start3A_368] : memref<1000000xf32, #tpu.memory_space<hbm>> -> memref<1000000xf32, #tpu.memory_space<hbm>>
    tpu.enqueue_indirect_dma source(%dma_start3A_369 : memref<1000000xf32, #tpu.memory_space<hbm>>) target(%dma_start3A_364 : memref<128xf32, #tpu.memory_space<vmem>>) offsets(%dma_start3A_367 : memref<128xi32, #tpu.memory_space<vmem>>) semaphore(%arg48 : memref<!tpu.dma_semaphore, #tpu.memory_space<semaphore_mem>>)
    %dma_start3A_370 = arith.constant 1 : i32
    %dma_start3A_371 = arith.constant 3200 : i32
    %dma_start3A_372 = tpu.memref_slice %arg43[%dma_start3A_371] : memref<8192xf32, #tpu.memory_space<vmem>> -> memref<128xf32, #tpu.memory_space<vmem>>
    %dma_start3A_373 = arith.constant 0 : i32
    %dma_start3A_374 = tpu.memref_slice %arg41[%dma_start3A_370, %dma_start3A_373] : memref<4x128xi32, #tpu.memory_space<vmem>> -> memref<1x128xi32, #tpu.memory_space<vmem>>
    %dma_start3A_375 = tpu.memref_squeeze %dma_start3A_374 : memref<1x128xi32, #tpu.memory_space<vmem>> -> memref<128xi32, #tpu.memory_space<vmem>>
    %dma_start3A_376 = arith.constant 0 : i32
    %dma_start3A_377 = tpu.memref_slice %arg10[%dma_start3A_376] : memref<1000000xf32, #tpu.memory_space<hbm>> -> memref<1000000xf32, #tpu.memory_space<hbm>>
    tpu.enqueue_indirect_dma source(%dma_start3A_377 : memref<1000000xf32, #tpu.memory_space<hbm>>) target(%dma_start3A_372 : memref<128xf32, #tpu.memory_space<vmem>>) offsets(%dma_start3A_375 : memref<128xi32, #tpu.memory_space<vmem>>) semaphore(%arg48 : memref<!tpu.dma_semaphore, #tpu.memory_space<semaphore_mem>>)
    %dma_start3A_378 = arith.constant 1 : i32
    %dma_start3A_379 = arith.constant 3200 : i32
    %dma_start3A_380 = tpu.memref_slice %arg44[%dma_start3A_379] : memref<8192xf32, #tpu.memory_space<vmem>> -> memref<128xf32, #tpu.memory_space<vmem>>
    %dma_start3A_381 = arith.constant 0 : i32
    %dma_start3A_382 = tpu.memref_slice %arg42[%dma_start3A_378, %dma_start3A_381] : memref<4x128xi32, #tpu.memory_space<vmem>> -> memref<1x128xi32, #tpu.memory_space<vmem>>
    %dma_start3A_383 = tpu.memref_squeeze %dma_start3A_382 : memref<1x128xi32, #tpu.memory_space<vmem>> -> memref<128xi32, #tpu.memory_space<vmem>>
    %dma_start3A_384 = arith.constant 0 : i32
    %dma_start3A_385 = tpu.memref_slice %arg26[%dma_start3A_384] : memref<1000000xf32, #tpu.memory_space<hbm>> -> memref<1000000xf32, #tpu.memory_space<hbm>>
    tpu.enqueue_indirect_dma source(%dma_start3A_385 : memref<1000000xf32, #tpu.memory_space<hbm>>) target(%dma_start3A_380 : memref<128xf32, #tpu.memory_space<vmem>>) offsets(%dma_start3A_383 : memref<128xi32, #tpu.memory_space<vmem>>) semaphore(%arg48 : memref<!tpu.dma_semaphore, #tpu.memory_space<semaphore_mem>>)
    %dma_start3A_386 = arith.constant 1 : i32
    %dma_start3A_387 = arith.constant 3712 : i32
    %dma_start3A_388 = tpu.memref_slice %arg43[%dma_start3A_387] : memref<8192xf32, #tpu.memory_space<vmem>> -> memref<128xf32, #tpu.memory_space<vmem>>
    %dma_start3A_389 = arith.constant 0 : i32
    %dma_start3A_390 = tpu.memref_slice %arg41[%dma_start3A_386, %dma_start3A_389] : memref<4x128xi32, #tpu.memory_space<vmem>> -> memref<1x128xi32, #tpu.memory_space<vmem>>
    %dma_start3A_391 = tpu.memref_squeeze %dma_start3A_390 : memref<1x128xi32, #tpu.memory_space<vmem>> -> memref<128xi32, #tpu.memory_space<vmem>>
    %dma_start3A_392 = arith.constant 0 : i32
    %dma_start3A_393 = tpu.memref_slice %arg11[%dma_start3A_392] : memref<1000000xf32, #tpu.memory_space<hbm>> -> memref<1000000xf32, #tpu.memory_space<hbm>>
    tpu.enqueue_indirect_dma source(%dma_start3A_393 : memref<1000000xf32, #tpu.memory_space<hbm>>) target(%dma_start3A_388 : memref<128xf32, #tpu.memory_space<vmem>>) offsets(%dma_start3A_391 : memref<128xi32, #tpu.memory_space<vmem>>) semaphore(%arg48 : memref<!tpu.dma_semaphore, #tpu.memory_space<semaphore_mem>>)
    %dma_start3A_394 = arith.constant 1 : i32
    %dma_start3A_395 = arith.constant 3712 : i32
    %dma_start3A_396 = tpu.memref_slice %arg44[%dma_start3A_395] : memref<8192xf32, #tpu.memory_space<vmem>> -> memref<128xf32, #tpu.memory_space<vmem>>
    %dma_start3A_397 = arith.constant 0 : i32
    %dma_start3A_398 = tpu.memref_slice %arg42[%dma_start3A_394, %dma_start3A_397] : memref<4x128xi32, #tpu.memory_space<vmem>> -> memref<1x128xi32, #tpu.memory_space<vmem>>
    %dma_start3A_399 = tpu.memref_squeeze %dma_start3A_398 : memref<1x128xi32, #tpu.memory_space<vmem>> -> memref<128xi32, #tpu.memory_space<vmem>>
    %dma_start3A_400 = arith.constant 0 : i32
    %dma_start3A_401 = tpu.memref_slice %arg27[%dma_start3A_400] : memref<1000000xf32, #tpu.memory_space<hbm>> -> memref<1000000xf32, #tpu.memory_space<hbm>>
    tpu.enqueue_indirect_dma source(%dma_start3A_401 : memref<1000000xf32, #tpu.memory_space<hbm>>) target(%dma_start3A_396 : memref<128xf32, #tpu.memory_space<vmem>>) offsets(%dma_start3A_399 : memref<128xi32, #tpu.memory_space<vmem>>) semaphore(%arg48 : memref<!tpu.dma_semaphore, #tpu.memory_space<semaphore_mem>>)
    %dma_start3A_402 = arith.constant 1 : i32
    %dma_start3A_403 = arith.constant 4224 : i32
    %dma_start3A_404 = tpu.memref_slice %arg43[%dma_start3A_403] : memref<8192xf32, #tpu.memory_space<vmem>> -> memref<128xf32, #tpu.memory_space<vmem>>
    %dma_start3A_405 = arith.constant 0 : i32
    %dma_start3A_406 = tpu.memref_slice %arg41[%dma_start3A_402, %dma_start3A_405] : memref<4x128xi32, #tpu.memory_space<vmem>> -> memref<1x128xi32, #tpu.memory_space<vmem>>
    %dma_start3A_407 = tpu.memref_squeeze %dma_start3A_406 : memref<1x128xi32, #tpu.memory_space<vmem>> -> memref<128xi32, #tpu.memory_space<vmem>>
    %dma_start3A_408 = arith.constant 0 : i32
    %dma_start3A_409 = tpu.memref_slice %arg12[%dma_start3A_408] : memref<1000000xf32, #tpu.memory_space<hbm>> -> memref<1000000xf32, #tpu.memory_space<hbm>>
    tpu.enqueue_indirect_dma source(%dma_start3A_409 : memref<1000000xf32, #tpu.memory_space<hbm>>) target(%dma_start3A_404 : memref<128xf32, #tpu.memory_space<vmem>>) offsets(%dma_start3A_407 : memref<128xi32, #tpu.memory_space<vmem>>) semaphore(%arg48 : memref<!tpu.dma_semaphore, #tpu.memory_space<semaphore_mem>>)
    %dma_start3A_410 = arith.constant 1 : i32
    %dma_start3A_411 = arith.constant 4224 : i32
    %dma_start3A_412 = tpu.memref_slice %arg44[%dma_start3A_411] : memref<8192xf32, #tpu.memory_space<vmem>> -> memref<128xf32, #tpu.memory_space<vmem>>
    %dma_start3A_413 = arith.constant 0 : i32
    %dma_start3A_414 = tpu.memref_slice %arg42[%dma_start3A_410, %dma_start3A_413] : memref<4x128xi32, #tpu.memory_space<vmem>> -> memref<1x128xi32, #tpu.memory_space<vmem>>
    %dma_start3A_415 = tpu.memref_squeeze %dma_start3A_414 : memref<1x128xi32, #tpu.memory_space<vmem>> -> memref<128xi32, #tpu.memory_space<vmem>>
    %dma_start3A_416 = arith.constant 0 : i32
    %dma_start3A_417 = tpu.memref_slice %arg28[%dma_start3A_416] : memref<1000000xf32, #tpu.memory_space<hbm>> -> memref<1000000xf32, #tpu.memory_space<hbm>>
    tpu.enqueue_indirect_dma source(%dma_start3A_417 : memref<1000000xf32, #tpu.memory_space<hbm>>) target(%dma_start3A_412 : memref<128xf32, #tpu.memory_space<vmem>>) offsets(%dma_start3A_415 : memref<128xi32, #tpu.memory_space<vmem>>) semaphore(%arg48 : memref<!tpu.dma_semaphore, #tpu.memory_space<semaphore_mem>>)
    %dma_start3A_418 = arith.constant 1 : i32
    %dma_start3A_419 = arith.constant 4736 : i32
    %dma_start3A_420 = tpu.memref_slice %arg43[%dma_start3A_419] : memref<8192xf32, #tpu.memory_space<vmem>> -> memref<128xf32, #tpu.memory_space<vmem>>
    %dma_start3A_421 = arith.constant 0 : i32
    %dma_start3A_422 = tpu.memref_slice %arg41[%dma_start3A_418, %dma_start3A_421] : memref<4x128xi32, #tpu.memory_space<vmem>> -> memref<1x128xi32, #tpu.memory_space<vmem>>
    %dma_start3A_423 = tpu.memref_squeeze %dma_start3A_422 : memref<1x128xi32, #tpu.memory_space<vmem>> -> memref<128xi32, #tpu.memory_space<vmem>>
    %dma_start3A_424 = arith.constant 0 : i32
    %dma_start3A_425 = tpu.memref_slice %arg13[%dma_start3A_424] : memref<1000000xf32, #tpu.memory_space<hbm>> -> memref<1000000xf32, #tpu.memory_space<hbm>>
    tpu.enqueue_indirect_dma source(%dma_start3A_425 : memref<1000000xf32, #tpu.memory_space<hbm>>) target(%dma_start3A_420 : memref<128xf32, #tpu.memory_space<vmem>>) offsets(%dma_start3A_423 : memref<128xi32, #tpu.memory_space<vmem>>) semaphore(%arg48 : memref<!tpu.dma_semaphore, #tpu.memory_space<semaphore_mem>>)
    %dma_start3A_426 = arith.constant 1 : i32
    %dma_start3A_427 = arith.constant 4736 : i32
    %dma_start3A_428 = tpu.memref_slice %arg44[%dma_start3A_427] : memref<8192xf32, #tpu.memory_space<vmem>> -> memref<128xf32, #tpu.memory_space<vmem>>
    %dma_start3A_429 = arith.constant 0 : i32
    %dma_start3A_430 = tpu.memref_slice %arg42[%dma_start3A_426, %dma_start3A_429] : memref<4x128xi32, #tpu.memory_space<vmem>> -> memref<1x128xi32, #tpu.memory_space<vmem>>
    %dma_start3A_431 = tpu.memref_squeeze %dma_start3A_430 : memref<1x128xi32, #tpu.memory_space<vmem>> -> memref<128xi32, #tpu.memory_space<vmem>>
    %dma_start3A_432 = arith.constant 0 : i32
    %dma_start3A_433 = tpu.memref_slice %arg29[%dma_start3A_432] : memref<1000000xf32, #tpu.memory_space<hbm>> -> memref<1000000xf32, #tpu.memory_space<hbm>>
    tpu.enqueue_indirect_dma source(%dma_start3A_433 : memref<1000000xf32, #tpu.memory_space<hbm>>) target(%dma_start3A_428 : memref<128xf32, #tpu.memory_space<vmem>>) offsets(%dma_start3A_431 : memref<128xi32, #tpu.memory_space<vmem>>) semaphore(%arg48 : memref<!tpu.dma_semaphore, #tpu.memory_space<semaphore_mem>>)
    %dma_start3A_434 = arith.constant 1 : i32
    %dma_start3A_435 = arith.constant 5248 : i32
    %dma_start3A_436 = tpu.memref_slice %arg43[%dma_start3A_435] : memref<8192xf32, #tpu.memory_space<vmem>> -> memref<128xf32, #tpu.memory_space<vmem>>
    %dma_start3A_437 = arith.constant 0 : i32
    %dma_start3A_438 = tpu.memref_slice %arg41[%dma_start3A_434, %dma_start3A_437] : memref<4x128xi32, #tpu.memory_space<vmem>> -> memref<1x128xi32, #tpu.memory_space<vmem>>
    %dma_start3A_439 = tpu.memref_squeeze %dma_start3A_438 : memref<1x128xi32, #tpu.memory_space<vmem>> -> memref<128xi32, #tpu.memory_space<vmem>>
    %dma_start3A_440 = arith.constant 0 : i32
    %dma_start3A_441 = tpu.memref_slice %arg14[%dma_start3A_440] : memref<1000000xf32, #tpu.memory_space<hbm>> -> memref<1000000xf32, #tpu.memory_space<hbm>>
    tpu.enqueue_indirect_dma source(%dma_start3A_441 : memref<1000000xf32, #tpu.memory_space<hbm>>) target(%dma_start3A_436 : memref<128xf32, #tpu.memory_space<vmem>>) offsets(%dma_start3A_439 : memref<128xi32, #tpu.memory_space<vmem>>) semaphore(%arg48 : memref<!tpu.dma_semaphore, #tpu.memory_space<semaphore_mem>>)
    %dma_start3A_442 = arith.constant 1 : i32
    %dma_start3A_443 = arith.constant 5248 : i32
    %dma_start3A_444 = tpu.memref_slice %arg44[%dma_start3A_443] : memref<8192xf32, #tpu.memory_space<vmem>> -> memref<128xf32, #tpu.memory_space<vmem>>
    %dma_start3A_445 = arith.constant 0 : i32
    %dma_start3A_446 = tpu.memref_slice %arg42[%dma_start3A_442, %dma_start3A_445] : memref<4x128xi32, #tpu.memory_space<vmem>> -> memref<1x128xi32, #tpu.memory_space<vmem>>
    %dma_start3A_447 = tpu.memref_squeeze %dma_start3A_446 : memref<1x128xi32, #tpu.memory_space<vmem>> -> memref<128xi32, #tpu.memory_space<vmem>>
    %dma_start3A_448 = arith.constant 0 : i32
    %dma_start3A_449 = tpu.memref_slice %arg30[%dma_start3A_448] : memref<1000000xf32, #tpu.memory_space<hbm>> -> memref<1000000xf32, #tpu.memory_space<hbm>>
    tpu.enqueue_indirect_dma source(%dma_start3A_449 : memref<1000000xf32, #tpu.memory_space<hbm>>) target(%dma_start3A_444 : memref<128xf32, #tpu.memory_space<vmem>>) offsets(%dma_start3A_447 : memref<128xi32, #tpu.memory_space<vmem>>) semaphore(%arg48 : memref<!tpu.dma_semaphore, #tpu.memory_space<semaphore_mem>>)
    %dma_start3A_450 = arith.constant 1 : i32
    %dma_start3A_451 = arith.constant 5760 : i32
    %dma_start3A_452 = tpu.memref_slice %arg43[%dma_start3A_451] : memref<8192xf32, #tpu.memory_space<vmem>> -> memref<128xf32, #tpu.memory_space<vmem>>
    %dma_start3A_453 = arith.constant 0 : i32
    %dma_start3A_454 = tpu.memref_slice %arg41[%dma_start3A_450, %dma_start3A_453] : memref<4x128xi32, #tpu.memory_space<vmem>> -> memref<1x128xi32, #tpu.memory_space<vmem>>
    %dma_start3A_455 = tpu.memref_squeeze %dma_start3A_454 : memref<1x128xi32, #tpu.memory_space<vmem>> -> memref<128xi32, #tpu.memory_space<vmem>>
    %dma_start3A_456 = arith.constant 0 : i32
    %dma_start3A_457 = tpu.memref_slice %arg15[%dma_start3A_456] : memref<1000000xf32, #tpu.memory_space<hbm>> -> memref<1000000xf32, #tpu.memory_space<hbm>>
    tpu.enqueue_indirect_dma source(%dma_start3A_457 : memref<1000000xf32, #tpu.memory_space<hbm>>) target(%dma_start3A_452 : memref<128xf32, #tpu.memory_space<vmem>>) offsets(%dma_start3A_455 : memref<128xi32, #tpu.memory_space<vmem>>) semaphore(%arg48 : memref<!tpu.dma_semaphore, #tpu.memory_space<semaphore_mem>>)
    %dma_start3A_458 = arith.constant 1 : i32
    %dma_start3A_459 = arith.constant 5760 : i32
    %dma_start3A_460 = tpu.memref_slice %arg44[%dma_start3A_459] : memref<8192xf32, #tpu.memory_space<vmem>> -> memref<128xf32, #tpu.memory_space<vmem>>
    %dma_start3A_461 = arith.constant 0 : i32
    %dma_start3A_462 = tpu.memref_slice %arg42[%dma_start3A_458, %dma_start3A_461] : memref<4x128xi32, #tpu.memory_space<vmem>> -> memref<1x128xi32, #tpu.memory_space<vmem>>
    %dma_start3A_463 = tpu.memref_squeeze %dma_start3A_462 : memref<1x128xi32, #tpu.memory_space<vmem>> -> memref<128xi32, #tpu.memory_space<vmem>>
    %dma_start3A_464 = arith.constant 0 : i32
    %dma_start3A_465 = tpu.memref_slice %arg31[%dma_start3A_464] : memref<1000000xf32, #tpu.memory_space<hbm>> -> memref<1000000xf32, #tpu.memory_space<hbm>>
    tpu.enqueue_indirect_dma source(%dma_start3A_465 : memref<1000000xf32, #tpu.memory_space<hbm>>) target(%dma_start3A_460 : memref<128xf32, #tpu.memory_space<vmem>>) offsets(%dma_start3A_463 : memref<128xi32, #tpu.memory_space<vmem>>) semaphore(%arg48 : memref<!tpu.dma_semaphore, #tpu.memory_space<semaphore_mem>>)
    %dma_start3A_466 = arith.constant 1 : i32
    %dma_start3A_467 = arith.constant 6272 : i32
    %dma_start3A_468 = tpu.memref_slice %arg43[%dma_start3A_467] : memref<8192xf32, #tpu.memory_space<vmem>> -> memref<128xf32, #tpu.memory_space<vmem>>
    %dma_start3A_469 = arith.constant 0 : i32
    %dma_start3A_470 = tpu.memref_slice %arg41[%dma_start3A_466, %dma_start3A_469] : memref<4x128xi32, #tpu.memory_space<vmem>> -> memref<1x128xi32, #tpu.memory_space<vmem>>
    %dma_start3A_471 = tpu.memref_squeeze %dma_start3A_470 : memref<1x128xi32, #tpu.memory_space<vmem>> -> memref<128xi32, #tpu.memory_space<vmem>>
    %dma_start3A_472 = arith.constant 0 : i32
    %dma_start3A_473 = tpu.memref_slice %arg16[%dma_start3A_472] : memref<1000000xf32, #tpu.memory_space<hbm>> -> memref<1000000xf32, #tpu.memory_space<hbm>>
    tpu.enqueue_indirect_dma source(%dma_start3A_473 : memref<1000000xf32, #tpu.memory_space<hbm>>) target(%dma_start3A_468 : memref<128xf32, #tpu.memory_space<vmem>>) offsets(%dma_start3A_471 : memref<128xi32, #tpu.memory_space<vmem>>) semaphore(%arg48 : memref<!tpu.dma_semaphore, #tpu.memory_space<semaphore_mem>>)
    %dma_start3A_474 = arith.constant 1 : i32
    %dma_start3A_475 = arith.constant 6272 : i32
    %dma_start3A_476 = tpu.memref_slice %arg44[%dma_start3A_475] : memref<8192xf32, #tpu.memory_space<vmem>> -> memref<128xf32, #tpu.memory_space<vmem>>
    %dma_start3A_477 = arith.constant 0 : i32
    %dma_start3A_478 = tpu.memref_slice %arg42[%dma_start3A_474, %dma_start3A_477] : memref<4x128xi32, #tpu.memory_space<vmem>> -> memref<1x128xi32, #tpu.memory_space<vmem>>
    %dma_start3A_479 = tpu.memref_squeeze %dma_start3A_478 : memref<1x128xi32, #tpu.memory_space<vmem>> -> memref<128xi32, #tpu.memory_space<vmem>>
    %dma_start3A_480 = arith.constant 0 : i32
    %dma_start3A_481 = tpu.memref_slice %arg32[%dma_start3A_480] : memref<1000000xf32, #tpu.memory_space<hbm>> -> memref<1000000xf32, #tpu.memory_space<hbm>>
    tpu.enqueue_indirect_dma source(%dma_start3A_481 : memref<1000000xf32, #tpu.memory_space<hbm>>) target(%dma_start3A_476 : memref<128xf32, #tpu.memory_space<vmem>>) offsets(%dma_start3A_479 : memref<128xi32, #tpu.memory_space<vmem>>) semaphore(%arg48 : memref<!tpu.dma_semaphore, #tpu.memory_space<semaphore_mem>>)
    %dma_start3A_482 = arith.constant 1 : i32
    %dma_start3A_483 = arith.constant 6784 : i32
    %dma_start3A_484 = tpu.memref_slice %arg43[%dma_start3A_483] : memref<8192xf32, #tpu.memory_space<vmem>> -> memref<128xf32, #tpu.memory_space<vmem>>
    %dma_start3A_485 = arith.constant 0 : i32
    %dma_start3A_486 = tpu.memref_slice %arg41[%dma_start3A_482, %dma_start3A_485] : memref<4x128xi32, #tpu.memory_space<vmem>> -> memref<1x128xi32, #tpu.memory_space<vmem>>
    %dma_start3A_487 = tpu.memref_squeeze %dma_start3A_486 : memref<1x128xi32, #tpu.memory_space<vmem>> -> memref<128xi32, #tpu.memory_space<vmem>>
    %dma_start3A_488 = arith.constant 0 : i32
    %dma_start3A_489 = tpu.memref_slice %arg17[%dma_start3A_488] : memref<1000000xf32, #tpu.memory_space<hbm>> -> memref<1000000xf32, #tpu.memory_space<hbm>>
    tpu.enqueue_indirect_dma source(%dma_start3A_489 : memref<1000000xf32, #tpu.memory_space<hbm>>) target(%dma_start3A_484 : memref<128xf32, #tpu.memory_space<vmem>>) offsets(%dma_start3A_487 : memref<128xi32, #tpu.memory_space<vmem>>) semaphore(%arg48 : memref<!tpu.dma_semaphore, #tpu.memory_space<semaphore_mem>>)
    %dma_start3A_490 = arith.constant 1 : i32
    %dma_start3A_491 = arith.constant 6784 : i32
    %dma_start3A_492 = tpu.memref_slice %arg44[%dma_start3A_491] : memref<8192xf32, #tpu.memory_space<vmem>> -> memref<128xf32, #tpu.memory_space<vmem>>
    %dma_start3A_493 = arith.constant 0 : i32
    %dma_start3A_494 = tpu.memref_slice %arg42[%dma_start3A_490, %dma_start3A_493] : memref<4x128xi32, #tpu.memory_space<vmem>> -> memref<1x128xi32, #tpu.memory_space<vmem>>
    %dma_start3A_495 = tpu.memref_squeeze %dma_start3A_494 : memref<1x128xi32, #tpu.memory_space<vmem>> -> memref<128xi32, #tpu.memory_space<vmem>>
    %dma_start3A_496 = arith.constant 0 : i32
    %dma_start3A_497 = tpu.memref_slice %arg33[%dma_start3A_496] : memref<1000000xf32, #tpu.memory_space<hbm>> -> memref<1000000xf32, #tpu.memory_space<hbm>>
    tpu.enqueue_indirect_dma source(%dma_start3A_497 : memref<1000000xf32, #tpu.memory_space<hbm>>) target(%dma_start3A_492 : memref<128xf32, #tpu.memory_space<vmem>>) offsets(%dma_start3A_495 : memref<128xi32, #tpu.memory_space<vmem>>) semaphore(%arg48 : memref<!tpu.dma_semaphore, #tpu.memory_space<semaphore_mem>>)
    %dma_start3A_498 = arith.constant 1 : i32
    %dma_start3A_499 = arith.constant 7296 : i32
    %dma_start3A_500 = tpu.memref_slice %arg43[%dma_start3A_499] : memref<8192xf32, #tpu.memory_space<vmem>> -> memref<128xf32, #tpu.memory_space<vmem>>
    %dma_start3A_501 = arith.constant 0 : i32
    %dma_start3A_502 = tpu.memref_slice %arg41[%dma_start3A_498, %dma_start3A_501] : memref<4x128xi32, #tpu.memory_space<vmem>> -> memref<1x128xi32, #tpu.memory_space<vmem>>
    %dma_start3A_503 = tpu.memref_squeeze %dma_start3A_502 : memref<1x128xi32, #tpu.memory_space<vmem>> -> memref<128xi32, #tpu.memory_space<vmem>>
    %dma_start3A_504 = arith.constant 0 : i32
    %dma_start3A_505 = tpu.memref_slice %arg18[%dma_start3A_504] : memref<1000000xf32, #tpu.memory_space<hbm>> -> memref<1000000xf32, #tpu.memory_space<hbm>>
    tpu.enqueue_indirect_dma source(%dma_start3A_505 : memref<1000000xf32, #tpu.memory_space<hbm>>) target(%dma_start3A_500 : memref<128xf32, #tpu.memory_space<vmem>>) offsets(%dma_start3A_503 : memref<128xi32, #tpu.memory_space<vmem>>) semaphore(%arg48 : memref<!tpu.dma_semaphore, #tpu.memory_space<semaphore_mem>>)
    %dma_start3A_506 = arith.constant 1 : i32
    %dma_start3A_507 = arith.constant 7296 : i32
    %dma_start3A_508 = tpu.memref_slice %arg44[%dma_start3A_507] : memref<8192xf32, #tpu.memory_space<vmem>> -> memref<128xf32, #tpu.memory_space<vmem>>
    %dma_start3A_509 = arith.constant 0 : i32
    %dma_start3A_510 = tpu.memref_slice %arg42[%dma_start3A_506, %dma_start3A_509] : memref<4x128xi32, #tpu.memory_space<vmem>> -> memref<1x128xi32, #tpu.memory_space<vmem>>
    %dma_start3A_511 = tpu.memref_squeeze %dma_start3A_510 : memref<1x128xi32, #tpu.memory_space<vmem>> -> memref<128xi32, #tpu.memory_space<vmem>>
    %dma_start3A_512 = arith.constant 0 : i32
    %dma_start3A_513 = tpu.memref_slice %arg34[%dma_start3A_512] : memref<1000000xf32, #tpu.memory_space<hbm>> -> memref<1000000xf32, #tpu.memory_space<hbm>>
    tpu.enqueue_indirect_dma source(%dma_start3A_513 : memref<1000000xf32, #tpu.memory_space<hbm>>) target(%dma_start3A_508 : memref<128xf32, #tpu.memory_space<vmem>>) offsets(%dma_start3A_511 : memref<128xi32, #tpu.memory_space<vmem>>) semaphore(%arg48 : memref<!tpu.dma_semaphore, #tpu.memory_space<semaphore_mem>>)
    %dma_start3A_514 = arith.constant 1 : i32
    %dma_start3A_515 = arith.constant 7808 : i32
    %dma_start3A_516 = tpu.memref_slice %arg43[%dma_start3A_515] : memref<8192xf32, #tpu.memory_space<vmem>> -> memref<128xf32, #tpu.memory_space<vmem>>
    %dma_start3A_517 = arith.constant 0 : i32
    %dma_start3A_518 = tpu.memref_slice %arg41[%dma_start3A_514, %dma_start3A_517] : memref<4x128xi32, #tpu.memory_space<vmem>> -> memref<1x128xi32, #tpu.memory_space<vmem>>
    %dma_start3A_519 = tpu.memref_squeeze %dma_start3A_518 : memref<1x128xi32, #tpu.memory_space<vmem>> -> memref<128xi32, #tpu.memory_space<vmem>>
    %dma_start3A_520 = arith.constant 0 : i32
    %dma_start3A_521 = tpu.memref_slice %arg19[%dma_start3A_520] : memref<1000000xf32, #tpu.memory_space<hbm>> -> memref<1000000xf32, #tpu.memory_space<hbm>>
    tpu.enqueue_indirect_dma source(%dma_start3A_521 : memref<1000000xf32, #tpu.memory_space<hbm>>) target(%dma_start3A_516 : memref<128xf32, #tpu.memory_space<vmem>>) offsets(%dma_start3A_519 : memref<128xi32, #tpu.memory_space<vmem>>) semaphore(%arg48 : memref<!tpu.dma_semaphore, #tpu.memory_space<semaphore_mem>>)
    %dma_start3A_522 = arith.constant 1 : i32
    %dma_start3A_523 = arith.constant 7808 : i32
    %dma_start3A_524 = tpu.memref_slice %arg44[%dma_start3A_523] : memref<8192xf32, #tpu.memory_space<vmem>> -> memref<128xf32, #tpu.memory_space<vmem>>
    %dma_start3A_525 = arith.constant 0 : i32
    %dma_start3A_526 = tpu.memref_slice %arg42[%dma_start3A_522, %dma_start3A_525] : memref<4x128xi32, #tpu.memory_space<vmem>> -> memref<1x128xi32, #tpu.memory_space<vmem>>
    %dma_start3A_527 = tpu.memref_squeeze %dma_start3A_526 : memref<1x128xi32, #tpu.memory_space<vmem>> -> memref<128xi32, #tpu.memory_space<vmem>>
    %dma_start3A_528 = arith.constant 0 : i32
    %dma_start3A_529 = tpu.memref_slice %arg35[%dma_start3A_528] : memref<1000000xf32, #tpu.memory_space<hbm>> -> memref<1000000xf32, #tpu.memory_space<hbm>>
    tpu.enqueue_indirect_dma source(%dma_start3A_529 : memref<1000000xf32, #tpu.memory_space<hbm>>) target(%dma_start3A_524 : memref<128xf32, #tpu.memory_space<vmem>>) offsets(%dma_start3A_527 : memref<128xi32, #tpu.memory_space<vmem>>) semaphore(%arg48 : memref<!tpu.dma_semaphore, #tpu.memory_space<semaphore_mem>>)
    %dma_start3A_530 = arith.constant 1 : i32
    %dma_start3A_531 = arith.constant 128 : i32
    %dma_start3A_532 = tpu.memref_slice %arg45[%dma_start3A_531] : memref<512xf32, #tpu.memory_space<vmem>> -> memref<128xf32, #tpu.memory_space<vmem>>
    %dma_start3A_533 = arith.constant 0 : i32
    %dma_start3A_534 = tpu.memref_slice %arg41[%dma_start3A_530, %dma_start3A_533] : memref<4x128xi32, #tpu.memory_space<vmem>> -> memref<1x128xi32, #tpu.memory_space<vmem>>
    %dma_start3A_535 = tpu.memref_squeeze %dma_start3A_534 : memref<1x128xi32, #tpu.memory_space<vmem>> -> memref<128xi32, #tpu.memory_space<vmem>>
    %dma_start3A_536 = arith.constant 0 : i32
    %dma_start3A_537 = tpu.memref_slice %arg36[%dma_start3A_536] : memref<1000000xf32, #tpu.memory_space<hbm>> -> memref<1000000xf32, #tpu.memory_space<hbm>>
    tpu.enqueue_indirect_dma source(%dma_start3A_537 : memref<1000000xf32, #tpu.memory_space<hbm>>) target(%dma_start3A_532 : memref<128xf32, #tpu.memory_space<vmem>>) offsets(%dma_start3A_535 : memref<128xi32, #tpu.memory_space<vmem>>) semaphore(%arg49 : memref<!tpu.dma_semaphore, #tpu.memory_space<semaphore_mem>>)
    %dma_start3A_538 = arith.constant 1 : i32
    %dma_start3A_539 = arith.constant 128 : i32
    %dma_start3A_540 = tpu.memref_slice %arg46[%dma_start3A_539] : memref<512xf32, #tpu.memory_space<vmem>> -> memref<128xf32, #tpu.memory_space<vmem>>
    %dma_start3A_541 = arith.constant 0 : i32
    %dma_start3A_542 = tpu.memref_slice %arg42[%dma_start3A_538, %dma_start3A_541] : memref<4x128xi32, #tpu.memory_space<vmem>> -> memref<1x128xi32, #tpu.memory_space<vmem>>
    %dma_start3A_543 = tpu.memref_squeeze %dma_start3A_542 : memref<1x128xi32, #tpu.memory_space<vmem>> -> memref<128xi32, #tpu.memory_space<vmem>>
    %dma_start3A_544 = arith.constant 0 : i32
    %dma_start3A_545 = tpu.memref_slice %arg37[%dma_start3A_544] : memref<1000000xf32, #tpu.memory_space<hbm>> -> memref<1000000xf32, #tpu.memory_space<hbm>>
    tpu.enqueue_indirect_dma source(%dma_start3A_545 : memref<1000000xf32, #tpu.memory_space<hbm>>) target(%dma_start3A_540 : memref<128xf32, #tpu.memory_space<vmem>>) offsets(%dma_start3A_543 : memref<128xi32, #tpu.memory_space<vmem>>) semaphore(%arg49 : memref<!tpu.dma_semaphore, #tpu.memory_space<semaphore_mem>>)
    %dma_start3A_546 = arith.constant 2 : i32
    %dma_start3A_547 = arith.constant 256 : i32
    %dma_start3A_548 = tpu.memref_slice %arg43[%dma_start3A_547] : memref<8192xf32, #tpu.memory_space<vmem>> -> memref<128xf32, #tpu.memory_space<vmem>>
    %dma_start3A_549 = arith.constant 0 : i32
    %dma_start3A_550 = tpu.memref_slice %arg41[%dma_start3A_546, %dma_start3A_549] : memref<4x128xi32, #tpu.memory_space<vmem>> -> memref<1x128xi32, #tpu.memory_space<vmem>>
    %dma_start3A_551 = tpu.memref_squeeze %dma_start3A_550 : memref<1x128xi32, #tpu.memory_space<vmem>> -> memref<128xi32, #tpu.memory_space<vmem>>
    %dma_start3A_552 = arith.constant 0 : i32
    %dma_start3A_553 = tpu.memref_slice %arg4[%dma_start3A_552] : memref<1000000xf32, #tpu.memory_space<hbm>> -> memref<1000000xf32, #tpu.memory_space<hbm>>
    tpu.enqueue_indirect_dma source(%dma_start3A_553 : memref<1000000xf32, #tpu.memory_space<hbm>>) target(%dma_start3A_548 : memref<128xf32, #tpu.memory_space<vmem>>) offsets(%dma_start3A_551 : memref<128xi32, #tpu.memory_space<vmem>>) semaphore(%arg48 : memref<!tpu.dma_semaphore, #tpu.memory_space<semaphore_mem>>)
    %dma_start3A_554 = arith.constant 2 : i32
    %dma_start3A_555 = arith.constant 256 : i32
    %dma_start3A_556 = tpu.memref_slice %arg44[%dma_start3A_555] : memref<8192xf32, #tpu.memory_space<vmem>> -> memref<128xf32, #tpu.memory_space<vmem>>
    %dma_start3A_557 = arith.constant 0 : i32
    %dma_start3A_558 = tpu.memref_slice %arg42[%dma_start3A_554, %dma_start3A_557] : memref<4x128xi32, #tpu.memory_space<vmem>> -> memref<1x128xi32, #tpu.memory_space<vmem>>
    %dma_start3A_559 = tpu.memref_squeeze %dma_start3A_558 : memref<1x128xi32, #tpu.memory_space<vmem>> -> memref<128xi32, #tpu.memory_space<vmem>>
    %dma_start3A_560 = arith.constant 0 : i32
    %dma_start3A_561 = tpu.memref_slice %arg20[%dma_start3A_560] : memref<1000000xf32, #tpu.memory_space<hbm>> -> memref<1000000xf32, #tpu.memory_space<hbm>>
    tpu.enqueue_indirect_dma source(%dma_start3A_561 : memref<1000000xf32, #tpu.memory_space<hbm>>) target(%dma_start3A_556 : memref<128xf32, #tpu.memory_space<vmem>>) offsets(%dma_start3A_559 : memref<128xi32, #tpu.memory_space<vmem>>) semaphore(%arg48 : memref<!tpu.dma_semaphore, #tpu.memory_space<semaphore_mem>>)
    %dma_start3A_562 = arith.constant 2 : i32
    %dma_start3A_563 = arith.constant 768 : i32
    %dma_start3A_564 = tpu.memref_slice %arg43[%dma_start3A_563] : memref<8192xf32, #tpu.memory_space<vmem>> -> memref<128xf32, #tpu.memory_space<vmem>>
    %dma_start3A_565 = arith.constant 0 : i32
    %dma_start3A_566 = tpu.memref_slice %arg41[%dma_start3A_562, %dma_start3A_565] : memref<4x128xi32, #tpu.memory_space<vmem>> -> memref<1x128xi32, #tpu.memory_space<vmem>>
    %dma_start3A_567 = tpu.memref_squeeze %dma_start3A_566 : memref<1x128xi32, #tpu.memory_space<vmem>> -> memref<128xi32, #tpu.memory_space<vmem>>
    %dma_start3A_568 = arith.constant 0 : i32
    %dma_start3A_569 = tpu.memref_slice %arg5[%dma_start3A_568] : memref<1000000xf32, #tpu.memory_space<hbm>> -> memref<1000000xf32, #tpu.memory_space<hbm>>
    tpu.enqueue_indirect_dma source(%dma_start3A_569 : memref<1000000xf32, #tpu.memory_space<hbm>>) target(%dma_start3A_564 : memref<128xf32, #tpu.memory_space<vmem>>) offsets(%dma_start3A_567 : memref<128xi32, #tpu.memory_space<vmem>>) semaphore(%arg48 : memref<!tpu.dma_semaphore, #tpu.memory_space<semaphore_mem>>)
    %dma_start3A_570 = arith.constant 2 : i32
    %dma_start3A_571 = arith.constant 768 : i32
    %dma_start3A_572 = tpu.memref_slice %arg44[%dma_start3A_571] : memref<8192xf32, #tpu.memory_space<vmem>> -> memref<128xf32, #tpu.memory_space<vmem>>
    %dma_start3A_573 = arith.constant 0 : i32
    %dma_start3A_574 = tpu.memref_slice %arg42[%dma_start3A_570, %dma_start3A_573] : memref<4x128xi32, #tpu.memory_space<vmem>> -> memref<1x128xi32, #tpu.memory_space<vmem>>
    %dma_start3A_575 = tpu.memref_squeeze %dma_start3A_574 : memref<1x128xi32, #tpu.memory_space<vmem>> -> memref<128xi32, #tpu.memory_space<vmem>>
    %dma_start3A_576 = arith.constant 0 : i32
    %dma_start3A_577 = tpu.memref_slice %arg21[%dma_start3A_576] : memref<1000000xf32, #tpu.memory_space<hbm>> -> memref<1000000xf32, #tpu.memory_space<hbm>>
    tpu.enqueue_indirect_dma source(%dma_start3A_577 : memref<1000000xf32, #tpu.memory_space<hbm>>) target(%dma_start3A_572 : memref<128xf32, #tpu.memory_space<vmem>>) offsets(%dma_start3A_575 : memref<128xi32, #tpu.memory_space<vmem>>) semaphore(%arg48 : memref<!tpu.dma_semaphore, #tpu.memory_space<semaphore_mem>>)
    %dma_start3A_578 = arith.constant 2 : i32
    %dma_start3A_579 = arith.constant 1280 : i32
    %dma_start3A_580 = tpu.memref_slice %arg43[%dma_start3A_579] : memref<8192xf32, #tpu.memory_space<vmem>> -> memref<128xf32, #tpu.memory_space<vmem>>
    %dma_start3A_581 = arith.constant 0 : i32
    %dma_start3A_582 = tpu.memref_slice %arg41[%dma_start3A_578, %dma_start3A_581] : memref<4x128xi32, #tpu.memory_space<vmem>> -> memref<1x128xi32, #tpu.memory_space<vmem>>
    %dma_start3A_583 = tpu.memref_squeeze %dma_start3A_582 : memref<1x128xi32, #tpu.memory_space<vmem>> -> memref<128xi32, #tpu.memory_space<vmem>>
    %dma_start3A_584 = arith.constant 0 : i32
    %dma_start3A_585 = tpu.memref_slice %arg6[%dma_start3A_584] : memref<1000000xf32, #tpu.memory_space<hbm>> -> memref<1000000xf32, #tpu.memory_space<hbm>>
    tpu.enqueue_indirect_dma source(%dma_start3A_585 : memref<1000000xf32, #tpu.memory_space<hbm>>) target(%dma_start3A_580 : memref<128xf32, #tpu.memory_space<vmem>>) offsets(%dma_start3A_583 : memref<128xi32, #tpu.memory_space<vmem>>) semaphore(%arg48 : memref<!tpu.dma_semaphore, #tpu.memory_space<semaphore_mem>>)
    %dma_start3A_586 = arith.constant 2 : i32
    %dma_start3A_587 = arith.constant 1280 : i32
    %dma_start3A_588 = tpu.memref_slice %arg44[%dma_start3A_587] : memref<8192xf32, #tpu.memory_space<vmem>> -> memref<128xf32, #tpu.memory_space<vmem>>
    %dma_start3A_589 = arith.constant 0 : i32
    %dma_start3A_590 = tpu.memref_slice %arg42[%dma_start3A_586, %dma_start3A_589] : memref<4x128xi32, #tpu.memory_space<vmem>> -> memref<1x128xi32, #tpu.memory_space<vmem>>
    %dma_start3A_591 = tpu.memref_squeeze %dma_start3A_590 : memref<1x128xi32, #tpu.memory_space<vmem>> -> memref<128xi32, #tpu.memory_space<vmem>>
    %dma_start3A_592 = arith.constant 0 : i32
    %dma_start3A_593 = tpu.memref_slice %arg22[%dma_start3A_592] : memref<1000000xf32, #tpu.memory_space<hbm>> -> memref<1000000xf32, #tpu.memory_space<hbm>>
    tpu.enqueue_indirect_dma source(%dma_start3A_593 : memref<1000000xf32, #tpu.memory_space<hbm>>) target(%dma_start3A_588 : memref<128xf32, #tpu.memory_space<vmem>>) offsets(%dma_start3A_591 : memref<128xi32, #tpu.memory_space<vmem>>) semaphore(%arg48 : memref<!tpu.dma_semaphore, #tpu.memory_space<semaphore_mem>>)
    %dma_start3A_594 = arith.constant 2 : i32
    %dma_start3A_595 = arith.constant 1792 : i32
    %dma_start3A_596 = tpu.memref_slice %arg43[%dma_start3A_595] : memref<8192xf32, #tpu.memory_space<vmem>> -> memref<128xf32, #tpu.memory_space<vmem>>
    %dma_start3A_597 = arith.constant 0 : i32
    %dma_start3A_598 = tpu.memref_slice %arg41[%dma_start3A_594, %dma_start3A_597] : memref<4x128xi32, #tpu.memory_space<vmem>> -> memref<1x128xi32, #tpu.memory_space<vmem>>
    %dma_start3A_599 = tpu.memref_squeeze %dma_start3A_598 : memref<1x128xi32, #tpu.memory_space<vmem>> -> memref<128xi32, #tpu.memory_space<vmem>>
    %dma_start3A_600 = arith.constant 0 : i32
    %dma_start3A_601 = tpu.memref_slice %arg7[%dma_start3A_600] : memref<1000000xf32, #tpu.memory_space<hbm>> -> memref<1000000xf32, #tpu.memory_space<hbm>>
    tpu.enqueue_indirect_dma source(%dma_start3A_601 : memref<1000000xf32, #tpu.memory_space<hbm>>) target(%dma_start3A_596 : memref<128xf32, #tpu.memory_space<vmem>>) offsets(%dma_start3A_599 : memref<128xi32, #tpu.memory_space<vmem>>) semaphore(%arg48 : memref<!tpu.dma_semaphore, #tpu.memory_space<semaphore_mem>>)
    %dma_start3A_602 = arith.constant 2 : i32
    %dma_start3A_603 = arith.constant 1792 : i32
    %dma_start3A_604 = tpu.memref_slice %arg44[%dma_start3A_603] : memref<8192xf32, #tpu.memory_space<vmem>> -> memref<128xf32, #tpu.memory_space<vmem>>
    %dma_start3A_605 = arith.constant 0 : i32
    %dma_start3A_606 = tpu.memref_slice %arg42[%dma_start3A_602, %dma_start3A_605] : memref<4x128xi32, #tpu.memory_space<vmem>> -> memref<1x128xi32, #tpu.memory_space<vmem>>
    %dma_start3A_607 = tpu.memref_squeeze %dma_start3A_606 : memref<1x128xi32, #tpu.memory_space<vmem>> -> memref<128xi32, #tpu.memory_space<vmem>>
    %dma_start3A_608 = arith.constant 0 : i32
    %dma_start3A_609 = tpu.memref_slice %arg23[%dma_start3A_608] : memref<1000000xf32, #tpu.memory_space<hbm>> -> memref<1000000xf32, #tpu.memory_space<hbm>>
    tpu.enqueue_indirect_dma source(%dma_start3A_609 : memref<1000000xf32, #tpu.memory_space<hbm>>) target(%dma_start3A_604 : memref<128xf32, #tpu.memory_space<vmem>>) offsets(%dma_start3A_607 : memref<128xi32, #tpu.memory_space<vmem>>) semaphore(%arg48 : memref<!tpu.dma_semaphore, #tpu.memory_space<semaphore_mem>>)
    %dma_start3A_610 = arith.constant 2 : i32
    %dma_start3A_611 = arith.constant 2304 : i32
    %dma_start3A_612 = tpu.memref_slice %arg43[%dma_start3A_611] : memref<8192xf32, #tpu.memory_space<vmem>> -> memref<128xf32, #tpu.memory_space<vmem>>
    %dma_start3A_613 = arith.constant 0 : i32
    %dma_start3A_614 = tpu.memref_slice %arg41[%dma_start3A_610, %dma_start3A_613] : memref<4x128xi32, #tpu.memory_space<vmem>> -> memref<1x128xi32, #tpu.memory_space<vmem>>
    %dma_start3A_615 = tpu.memref_squeeze %dma_start3A_614 : memref<1x128xi32, #tpu.memory_space<vmem>> -> memref<128xi32, #tpu.memory_space<vmem>>
    %dma_start3A_616 = arith.constant 0 : i32
    %dma_start3A_617 = tpu.memref_slice %arg8[%dma_start3A_616] : memref<1000000xf32, #tpu.memory_space<hbm>> -> memref<1000000xf32, #tpu.memory_space<hbm>>
    tpu.enqueue_indirect_dma source(%dma_start3A_617 : memref<1000000xf32, #tpu.memory_space<hbm>>) target(%dma_start3A_612 : memref<128xf32, #tpu.memory_space<vmem>>) offsets(%dma_start3A_615 : memref<128xi32, #tpu.memory_space<vmem>>) semaphore(%arg48 : memref<!tpu.dma_semaphore, #tpu.memory_space<semaphore_mem>>)
    %dma_start3A_618 = arith.constant 2 : i32
    %dma_start3A_619 = arith.constant 2304 : i32
    %dma_start3A_620 = tpu.memref_slice %arg44[%dma_start3A_619] : memref<8192xf32, #tpu.memory_space<vmem>> -> memref<128xf32, #tpu.memory_space<vmem>>
    %dma_start3A_621 = arith.constant 0 : i32
    %dma_start3A_622 = tpu.memref_slice %arg42[%dma_start3A_618, %dma_start3A_621] : memref<4x128xi32, #tpu.memory_space<vmem>> -> memref<1x128xi32, #tpu.memory_space<vmem>>
    %dma_start3A_623 = tpu.memref_squeeze %dma_start3A_622 : memref<1x128xi32, #tpu.memory_space<vmem>> -> memref<128xi32, #tpu.memory_space<vmem>>
    %dma_start3A_624 = arith.constant 0 : i32
    %dma_start3A_625 = tpu.memref_slice %arg24[%dma_start3A_624] : memref<1000000xf32, #tpu.memory_space<hbm>> -> memref<1000000xf32, #tpu.memory_space<hbm>>
    tpu.enqueue_indirect_dma source(%dma_start3A_625 : memref<1000000xf32, #tpu.memory_space<hbm>>) target(%dma_start3A_620 : memref<128xf32, #tpu.memory_space<vmem>>) offsets(%dma_start3A_623 : memref<128xi32, #tpu.memory_space<vmem>>) semaphore(%arg48 : memref<!tpu.dma_semaphore, #tpu.memory_space<semaphore_mem>>)
    %dma_start3A_626 = arith.constant 2 : i32
    %dma_start3A_627 = arith.constant 2816 : i32
    %dma_start3A_628 = tpu.memref_slice %arg43[%dma_start3A_627] : memref<8192xf32, #tpu.memory_space<vmem>> -> memref<128xf32, #tpu.memory_space<vmem>>
    %dma_start3A_629 = arith.constant 0 : i32
    %dma_start3A_630 = tpu.memref_slice %arg41[%dma_start3A_626, %dma_start3A_629] : memref<4x128xi32, #tpu.memory_space<vmem>> -> memref<1x128xi32, #tpu.memory_space<vmem>>
    %dma_start3A_631 = tpu.memref_squeeze %dma_start3A_630 : memref<1x128xi32, #tpu.memory_space<vmem>> -> memref<128xi32, #tpu.memory_space<vmem>>
    %dma_start3A_632 = arith.constant 0 : i32
    %dma_start3A_633 = tpu.memref_slice %arg9[%dma_start3A_632] : memref<1000000xf32, #tpu.memory_space<hbm>> -> memref<1000000xf32, #tpu.memory_space<hbm>>
    tpu.enqueue_indirect_dma source(%dma_start3A_633 : memref<1000000xf32, #tpu.memory_space<hbm>>) target(%dma_start3A_628 : memref<128xf32, #tpu.memory_space<vmem>>) offsets(%dma_start3A_631 : memref<128xi32, #tpu.memory_space<vmem>>) semaphore(%arg48 : memref<!tpu.dma_semaphore, #tpu.memory_space<semaphore_mem>>)
    %dma_start3A_634 = arith.constant 2 : i32
    %dma_start3A_635 = arith.constant 2816 : i32
    %dma_start3A_636 = tpu.memref_slice %arg44[%dma_start3A_635] : memref<8192xf32, #tpu.memory_space<vmem>> -> memref<128xf32, #tpu.memory_space<vmem>>
    %dma_start3A_637 = arith.constant 0 : i32
    %dma_start3A_638 = tpu.memref_slice %arg42[%dma_start3A_634, %dma_start3A_637] : memref<4x128xi32, #tpu.memory_space<vmem>> -> memref<1x128xi32, #tpu.memory_space<vmem>>
    %dma_start3A_639 = tpu.memref_squeeze %dma_start3A_638 : memref<1x128xi32, #tpu.memory_space<vmem>> -> memref<128xi32, #tpu.memory_space<vmem>>
    %dma_start3A_640 = arith.constant 0 : i32
    %dma_start3A_641 = tpu.memref_slice %arg25[%dma_start3A_640] : memref<1000000xf32, #tpu.memory_space<hbm>> -> memref<1000000xf32, #tpu.memory_space<hbm>>
    tpu.enqueue_indirect_dma source(%dma_start3A_641 : memref<1000000xf32, #tpu.memory_space<hbm>>) target(%dma_start3A_636 : memref<128xf32, #tpu.memory_space<vmem>>) offsets(%dma_start3A_639 : memref<128xi32, #tpu.memory_space<vmem>>) semaphore(%arg48 : memref<!tpu.dma_semaphore, #tpu.memory_space<semaphore_mem>>)
    %dma_start3A_642 = arith.constant 2 : i32
    %dma_start3A_643 = arith.constant 3328 : i32
    %dma_start3A_644 = tpu.memref_slice %arg43[%dma_start3A_643] : memref<8192xf32, #tpu.memory_space<vmem>> -> memref<128xf32, #tpu.memory_space<vmem>>
    %dma_start3A_645 = arith.constant 0 : i32
    %dma_start3A_646 = tpu.memref_slice %arg41[%dma_start3A_642, %dma_start3A_645] : memref<4x128xi32, #tpu.memory_space<vmem>> -> memref<1x128xi32, #tpu.memory_space<vmem>>
    %dma_start3A_647 = tpu.memref_squeeze %dma_start3A_646 : memref<1x128xi32, #tpu.memory_space<vmem>> -> memref<128xi32, #tpu.memory_space<vmem>>
    %dma_start3A_648 = arith.constant 0 : i32
    %dma_start3A_649 = tpu.memref_slice %arg10[%dma_start3A_648] : memref<1000000xf32, #tpu.memory_space<hbm>> -> memref<1000000xf32, #tpu.memory_space<hbm>>
    tpu.enqueue_indirect_dma source(%dma_start3A_649 : memref<1000000xf32, #tpu.memory_space<hbm>>) target(%dma_start3A_644 : memref<128xf32, #tpu.memory_space<vmem>>) offsets(%dma_start3A_647 : memref<128xi32, #tpu.memory_space<vmem>>) semaphore(%arg48 : memref<!tpu.dma_semaphore, #tpu.memory_space<semaphore_mem>>)
    %dma_start3A_650 = arith.constant 2 : i32
    %dma_start3A_651 = arith.constant 3328 : i32
    %dma_start3A_652 = tpu.memref_slice %arg44[%dma_start3A_651] : memref<8192xf32, #tpu.memory_space<vmem>> -> memref<128xf32, #tpu.memory_space<vmem>>
    %dma_start3A_653 = arith.constant 0 : i32
    %dma_start3A_654 = tpu.memref_slice %arg42[%dma_start3A_650, %dma_start3A_653] : memref<4x128xi32, #tpu.memory_space<vmem>> -> memref<1x128xi32, #tpu.memory_space<vmem>>
    %dma_start3A_655 = tpu.memref_squeeze %dma_start3A_654 : memref<1x128xi32, #tpu.memory_space<vmem>> -> memref<128xi32, #tpu.memory_space<vmem>>
    %dma_start3A_656 = arith.constant 0 : i32
    %dma_start3A_657 = tpu.memref_slice %arg26[%dma_start3A_656] : memref<1000000xf32, #tpu.memory_space<hbm>> -> memref<1000000xf32, #tpu.memory_space<hbm>>
    tpu.enqueue_indirect_dma source(%dma_start3A_657 : memref<1000000xf32, #tpu.memory_space<hbm>>) target(%dma_start3A_652 : memref<128xf32, #tpu.memory_space<vmem>>) offsets(%dma_start3A_655 : memref<128xi32, #tpu.memory_space<vmem>>) semaphore(%arg48 : memref<!tpu.dma_semaphore, #tpu.memory_space<semaphore_mem>>)
    %dma_start3A_658 = arith.constant 2 : i32
    %dma_start3A_659 = arith.constant 3840 : i32
    %dma_start3A_660 = tpu.memref_slice %arg43[%dma_start3A_659] : memref<8192xf32, #tpu.memory_space<vmem>> -> memref<128xf32, #tpu.memory_space<vmem>>
    %dma_start3A_661 = arith.constant 0 : i32
    %dma_start3A_662 = tpu.memref_slice %arg41[%dma_start3A_658, %dma_start3A_661] : memref<4x128xi32, #tpu.memory_space<vmem>> -> memref<1x128xi32, #tpu.memory_space<vmem>>
    %dma_start3A_663 = tpu.memref_squeeze %dma_start3A_662 : memref<1x128xi32, #tpu.memory_space<vmem>> -> memref<128xi32, #tpu.memory_space<vmem>>
    %dma_start3A_664 = arith.constant 0 : i32
    %dma_start3A_665 = tpu.memref_slice %arg11[%dma_start3A_664] : memref<1000000xf32, #tpu.memory_space<hbm>> -> memref<1000000xf32, #tpu.memory_space<hbm>>
    tpu.enqueue_indirect_dma source(%dma_start3A_665 : memref<1000000xf32, #tpu.memory_space<hbm>>) target(%dma_start3A_660 : memref<128xf32, #tpu.memory_space<vmem>>) offsets(%dma_start3A_663 : memref<128xi32, #tpu.memory_space<vmem>>) semaphore(%arg48 : memref<!tpu.dma_semaphore, #tpu.memory_space<semaphore_mem>>)
    %dma_start3A_666 = arith.constant 2 : i32
    %dma_start3A_667 = arith.constant 3840 : i32
    %dma_start3A_668 = tpu.memref_slice %arg44[%dma_start3A_667] : memref<8192xf32, #tpu.memory_space<vmem>> -> memref<128xf32, #tpu.memory_space<vmem>>
    %dma_start3A_669 = arith.constant 0 : i32
    %dma_start3A_670 = tpu.memref_slice %arg42[%dma_start3A_666, %dma_start3A_669] : memref<4x128xi32, #tpu.memory_space<vmem>> -> memref<1x128xi32, #tpu.memory_space<vmem>>
    %dma_start3A_671 = tpu.memref_squeeze %dma_start3A_670 : memref<1x128xi32, #tpu.memory_space<vmem>> -> memref<128xi32, #tpu.memory_space<vmem>>
    %dma_start3A_672 = arith.constant 0 : i32
    %dma_start3A_673 = tpu.memref_slice %arg27[%dma_start3A_672] : memref<1000000xf32, #tpu.memory_space<hbm>> -> memref<1000000xf32, #tpu.memory_space<hbm>>
    tpu.enqueue_indirect_dma source(%dma_start3A_673 : memref<1000000xf32, #tpu.memory_space<hbm>>) target(%dma_start3A_668 : memref<128xf32, #tpu.memory_space<vmem>>) offsets(%dma_start3A_671 : memref<128xi32, #tpu.memory_space<vmem>>) semaphore(%arg48 : memref<!tpu.dma_semaphore, #tpu.memory_space<semaphore_mem>>)
    %dma_start3A_674 = arith.constant 2 : i32
    %dma_start3A_675 = arith.constant 4352 : i32
    %dma_start3A_676 = tpu.memref_slice %arg43[%dma_start3A_675] : memref<8192xf32, #tpu.memory_space<vmem>> -> memref<128xf32, #tpu.memory_space<vmem>>
    %dma_start3A_677 = arith.constant 0 : i32
    %dma_start3A_678 = tpu.memref_slice %arg41[%dma_start3A_674, %dma_start3A_677] : memref<4x128xi32, #tpu.memory_space<vmem>> -> memref<1x128xi32, #tpu.memory_space<vmem>>
    %dma_start3A_679 = tpu.memref_squeeze %dma_start3A_678 : memref<1x128xi32, #tpu.memory_space<vmem>> -> memref<128xi32, #tpu.memory_space<vmem>>
    %dma_start3A_680 = arith.constant 0 : i32
    %dma_start3A_681 = tpu.memref_slice %arg12[%dma_start3A_680] : memref<1000000xf32, #tpu.memory_space<hbm>> -> memref<1000000xf32, #tpu.memory_space<hbm>>
    tpu.enqueue_indirect_dma source(%dma_start3A_681 : memref<1000000xf32, #tpu.memory_space<hbm>>) target(%dma_start3A_676 : memref<128xf32, #tpu.memory_space<vmem>>) offsets(%dma_start3A_679 : memref<128xi32, #tpu.memory_space<vmem>>) semaphore(%arg48 : memref<!tpu.dma_semaphore, #tpu.memory_space<semaphore_mem>>)
    %dma_start3A_682 = arith.constant 2 : i32
    %dma_start3A_683 = arith.constant 4352 : i32
    %dma_start3A_684 = tpu.memref_slice %arg44[%dma_start3A_683] : memref<8192xf32, #tpu.memory_space<vmem>> -> memref<128xf32, #tpu.memory_space<vmem>>
    %dma_start3A_685 = arith.constant 0 : i32
    %dma_start3A_686 = tpu.memref_slice %arg42[%dma_start3A_682, %dma_start3A_685] : memref<4x128xi32, #tpu.memory_space<vmem>> -> memref<1x128xi32, #tpu.memory_space<vmem>>
    %dma_start3A_687 = tpu.memref_squeeze %dma_start3A_686 : memref<1x128xi32, #tpu.memory_space<vmem>> -> memref<128xi32, #tpu.memory_space<vmem>>
    %dma_start3A_688 = arith.constant 0 : i32
    %dma_start3A_689 = tpu.memref_slice %arg28[%dma_start3A_688] : memref<1000000xf32, #tpu.memory_space<hbm>> -> memref<1000000xf32, #tpu.memory_space<hbm>>
    tpu.enqueue_indirect_dma source(%dma_start3A_689 : memref<1000000xf32, #tpu.memory_space<hbm>>) target(%dma_start3A_684 : memref<128xf32, #tpu.memory_space<vmem>>) offsets(%dma_start3A_687 : memref<128xi32, #tpu.memory_space<vmem>>) semaphore(%arg48 : memref<!tpu.dma_semaphore, #tpu.memory_space<semaphore_mem>>)
    %dma_start3A_690 = arith.constant 2 : i32
    %dma_start3A_691 = arith.constant 4864 : i32
    %dma_start3A_692 = tpu.memref_slice %arg43[%dma_start3A_691] : memref<8192xf32, #tpu.memory_space<vmem>> -> memref<128xf32, #tpu.memory_space<vmem>>
    %dma_start3A_693 = arith.constant 0 : i32
    %dma_start3A_694 = tpu.memref_slice %arg41[%dma_start3A_690, %dma_start3A_693] : memref<4x128xi32, #tpu.memory_space<vmem>> -> memref<1x128xi32, #tpu.memory_space<vmem>>
    %dma_start3A_695 = tpu.memref_squeeze %dma_start3A_694 : memref<1x128xi32, #tpu.memory_space<vmem>> -> memref<128xi32, #tpu.memory_space<vmem>>
    %dma_start3A_696 = arith.constant 0 : i32
    %dma_start3A_697 = tpu.memref_slice %arg13[%dma_start3A_696] : memref<1000000xf32, #tpu.memory_space<hbm>> -> memref<1000000xf32, #tpu.memory_space<hbm>>
    tpu.enqueue_indirect_dma source(%dma_start3A_697 : memref<1000000xf32, #tpu.memory_space<hbm>>) target(%dma_start3A_692 : memref<128xf32, #tpu.memory_space<vmem>>) offsets(%dma_start3A_695 : memref<128xi32, #tpu.memory_space<vmem>>) semaphore(%arg48 : memref<!tpu.dma_semaphore, #tpu.memory_space<semaphore_mem>>)
    %dma_start3A_698 = arith.constant 2 : i32
    %dma_start3A_699 = arith.constant 4864 : i32
    %dma_start3A_700 = tpu.memref_slice %arg44[%dma_start3A_699] : memref<8192xf32, #tpu.memory_space<vmem>> -> memref<128xf32, #tpu.memory_space<vmem>>
    %dma_start3A_701 = arith.constant 0 : i32
    %dma_start3A_702 = tpu.memref_slice %arg42[%dma_start3A_698, %dma_start3A_701] : memref<4x128xi32, #tpu.memory_space<vmem>> -> memref<1x128xi32, #tpu.memory_space<vmem>>
    %dma_start3A_703 = tpu.memref_squeeze %dma_start3A_702 : memref<1x128xi32, #tpu.memory_space<vmem>> -> memref<128xi32, #tpu.memory_space<vmem>>
    %dma_start3A_704 = arith.constant 0 : i32
    %dma_start3A_705 = tpu.memref_slice %arg29[%dma_start3A_704] : memref<1000000xf32, #tpu.memory_space<hbm>> -> memref<1000000xf32, #tpu.memory_space<hbm>>
    tpu.enqueue_indirect_dma source(%dma_start3A_705 : memref<1000000xf32, #tpu.memory_space<hbm>>) target(%dma_start3A_700 : memref<128xf32, #tpu.memory_space<vmem>>) offsets(%dma_start3A_703 : memref<128xi32, #tpu.memory_space<vmem>>) semaphore(%arg48 : memref<!tpu.dma_semaphore, #tpu.memory_space<semaphore_mem>>)
    %dma_start3A_706 = arith.constant 2 : i32
    %dma_start3A_707 = arith.constant 5376 : i32
    %dma_start3A_708 = tpu.memref_slice %arg43[%dma_start3A_707] : memref<8192xf32, #tpu.memory_space<vmem>> -> memref<128xf32, #tpu.memory_space<vmem>>
    %dma_start3A_709 = arith.constant 0 : i32
    %dma_start3A_710 = tpu.memref_slice %arg41[%dma_start3A_706, %dma_start3A_709] : memref<4x128xi32, #tpu.memory_space<vmem>> -> memref<1x128xi32, #tpu.memory_space<vmem>>
    %dma_start3A_711 = tpu.memref_squeeze %dma_start3A_710 : memref<1x128xi32, #tpu.memory_space<vmem>> -> memref<128xi32, #tpu.memory_space<vmem>>
    %dma_start3A_712 = arith.constant 0 : i32
    %dma_start3A_713 = tpu.memref_slice %arg14[%dma_start3A_712] : memref<1000000xf32, #tpu.memory_space<hbm>> -> memref<1000000xf32, #tpu.memory_space<hbm>>
    tpu.enqueue_indirect_dma source(%dma_start3A_713 : memref<1000000xf32, #tpu.memory_space<hbm>>) target(%dma_start3A_708 : memref<128xf32, #tpu.memory_space<vmem>>) offsets(%dma_start3A_711 : memref<128xi32, #tpu.memory_space<vmem>>) semaphore(%arg48 : memref<!tpu.dma_semaphore, #tpu.memory_space<semaphore_mem>>)
    %dma_start3A_714 = arith.constant 2 : i32
    %dma_start3A_715 = arith.constant 5376 : i32
    %dma_start3A_716 = tpu.memref_slice %arg44[%dma_start3A_715] : memref<8192xf32, #tpu.memory_space<vmem>> -> memref<128xf32, #tpu.memory_space<vmem>>
    %dma_start3A_717 = arith.constant 0 : i32
    %dma_start3A_718 = tpu.memref_slice %arg42[%dma_start3A_714, %dma_start3A_717] : memref<4x128xi32, #tpu.memory_space<vmem>> -> memref<1x128xi32, #tpu.memory_space<vmem>>
    %dma_start3A_719 = tpu.memref_squeeze %dma_start3A_718 : memref<1x128xi32, #tpu.memory_space<vmem>> -> memref<128xi32, #tpu.memory_space<vmem>>
    %dma_start3A_720 = arith.constant 0 : i32
    %dma_start3A_721 = tpu.memref_slice %arg30[%dma_start3A_720] : memref<1000000xf32, #tpu.memory_space<hbm>> -> memref<1000000xf32, #tpu.memory_space<hbm>>
    tpu.enqueue_indirect_dma source(%dma_start3A_721 : memref<1000000xf32, #tpu.memory_space<hbm>>) target(%dma_start3A_716 : memref<128xf32, #tpu.memory_space<vmem>>) offsets(%dma_start3A_719 : memref<128xi32, #tpu.memory_space<vmem>>) semaphore(%arg48 : memref<!tpu.dma_semaphore, #tpu.memory_space<semaphore_mem>>)
    %dma_start3A_722 = arith.constant 2 : i32
    %dma_start3A_723 = arith.constant 5888 : i32
    %dma_start3A_724 = tpu.memref_slice %arg43[%dma_start3A_723] : memref<8192xf32, #tpu.memory_space<vmem>> -> memref<128xf32, #tpu.memory_space<vmem>>
    %dma_start3A_725 = arith.constant 0 : i32
    %dma_start3A_726 = tpu.memref_slice %arg41[%dma_start3A_722, %dma_start3A_725] : memref<4x128xi32, #tpu.memory_space<vmem>> -> memref<1x128xi32, #tpu.memory_space<vmem>>
    %dma_start3A_727 = tpu.memref_squeeze %dma_start3A_726 : memref<1x128xi32, #tpu.memory_space<vmem>> -> memref<128xi32, #tpu.memory_space<vmem>>
    %dma_start3A_728 = arith.constant 0 : i32
    %dma_start3A_729 = tpu.memref_slice %arg15[%dma_start3A_728] : memref<1000000xf32, #tpu.memory_space<hbm>> -> memref<1000000xf32, #tpu.memory_space<hbm>>
    tpu.enqueue_indirect_dma source(%dma_start3A_729 : memref<1000000xf32, #tpu.memory_space<hbm>>) target(%dma_start3A_724 : memref<128xf32, #tpu.memory_space<vmem>>) offsets(%dma_start3A_727 : memref<128xi32, #tpu.memory_space<vmem>>) semaphore(%arg48 : memref<!tpu.dma_semaphore, #tpu.memory_space<semaphore_mem>>)
    %dma_start3A_730 = arith.constant 2 : i32
    %dma_start3A_731 = arith.constant 5888 : i32
    %dma_start3A_732 = tpu.memref_slice %arg44[%dma_start3A_731] : memref<8192xf32, #tpu.memory_space<vmem>> -> memref<128xf32, #tpu.memory_space<vmem>>
    %dma_start3A_733 = arith.constant 0 : i32
    %dma_start3A_734 = tpu.memref_slice %arg42[%dma_start3A_730, %dma_start3A_733] : memref<4x128xi32, #tpu.memory_space<vmem>> -> memref<1x128xi32, #tpu.memory_space<vmem>>
    %dma_start3A_735 = tpu.memref_squeeze %dma_start3A_734 : memref<1x128xi32, #tpu.memory_space<vmem>> -> memref<128xi32, #tpu.memory_space<vmem>>
    %dma_start3A_736 = arith.constant 0 : i32
    %dma_start3A_737 = tpu.memref_slice %arg31[%dma_start3A_736] : memref<1000000xf32, #tpu.memory_space<hbm>> -> memref<1000000xf32, #tpu.memory_space<hbm>>
    tpu.enqueue_indirect_dma source(%dma_start3A_737 : memref<1000000xf32, #tpu.memory_space<hbm>>) target(%dma_start3A_732 : memref<128xf32, #tpu.memory_space<vmem>>) offsets(%dma_start3A_735 : memref<128xi32, #tpu.memory_space<vmem>>) semaphore(%arg48 : memref<!tpu.dma_semaphore, #tpu.memory_space<semaphore_mem>>)
    %dma_start3A_738 = arith.constant 2 : i32
    %dma_start3A_739 = arith.constant 6400 : i32
    %dma_start3A_740 = tpu.memref_slice %arg43[%dma_start3A_739] : memref<8192xf32, #tpu.memory_space<vmem>> -> memref<128xf32, #tpu.memory_space<vmem>>
    %dma_start3A_741 = arith.constant 0 : i32
    %dma_start3A_742 = tpu.memref_slice %arg41[%dma_start3A_738, %dma_start3A_741] : memref<4x128xi32, #tpu.memory_space<vmem>> -> memref<1x128xi32, #tpu.memory_space<vmem>>
    %dma_start3A_743 = tpu.memref_squeeze %dma_start3A_742 : memref<1x128xi32, #tpu.memory_space<vmem>> -> memref<128xi32, #tpu.memory_space<vmem>>
    %dma_start3A_744 = arith.constant 0 : i32
    %dma_start3A_745 = tpu.memref_slice %arg16[%dma_start3A_744] : memref<1000000xf32, #tpu.memory_space<hbm>> -> memref<1000000xf32, #tpu.memory_space<hbm>>
    tpu.enqueue_indirect_dma source(%dma_start3A_745 : memref<1000000xf32, #tpu.memory_space<hbm>>) target(%dma_start3A_740 : memref<128xf32, #tpu.memory_space<vmem>>) offsets(%dma_start3A_743 : memref<128xi32, #tpu.memory_space<vmem>>) semaphore(%arg48 : memref<!tpu.dma_semaphore, #tpu.memory_space<semaphore_mem>>)
    %dma_start3A_746 = arith.constant 2 : i32
    %dma_start3A_747 = arith.constant 6400 : i32
    %dma_start3A_748 = tpu.memref_slice %arg44[%dma_start3A_747] : memref<8192xf32, #tpu.memory_space<vmem>> -> memref<128xf32, #tpu.memory_space<vmem>>
    %dma_start3A_749 = arith.constant 0 : i32
    %dma_start3A_750 = tpu.memref_slice %arg42[%dma_start3A_746, %dma_start3A_749] : memref<4x128xi32, #tpu.memory_space<vmem>> -> memref<1x128xi32, #tpu.memory_space<vmem>>
    %dma_start3A_751 = tpu.memref_squeeze %dma_start3A_750 : memref<1x128xi32, #tpu.memory_space<vmem>> -> memref<128xi32, #tpu.memory_space<vmem>>
    %dma_start3A_752 = arith.constant 0 : i32
    %dma_start3A_753 = tpu.memref_slice %arg32[%dma_start3A_752] : memref<1000000xf32, #tpu.memory_space<hbm>> -> memref<1000000xf32, #tpu.memory_space<hbm>>
    tpu.enqueue_indirect_dma source(%dma_start3A_753 : memref<1000000xf32, #tpu.memory_space<hbm>>) target(%dma_start3A_748 : memref<128xf32, #tpu.memory_space<vmem>>) offsets(%dma_start3A_751 : memref<128xi32, #tpu.memory_space<vmem>>) semaphore(%arg48 : memref<!tpu.dma_semaphore, #tpu.memory_space<semaphore_mem>>)
    %dma_start3A_754 = arith.constant 2 : i32
    %dma_start3A_755 = arith.constant 6912 : i32
    %dma_start3A_756 = tpu.memref_slice %arg43[%dma_start3A_755] : memref<8192xf32, #tpu.memory_space<vmem>> -> memref<128xf32, #tpu.memory_space<vmem>>
    %dma_start3A_757 = arith.constant 0 : i32
    %dma_start3A_758 = tpu.memref_slice %arg41[%dma_start3A_754, %dma_start3A_757] : memref<4x128xi32, #tpu.memory_space<vmem>> -> memref<1x128xi32, #tpu.memory_space<vmem>>
    %dma_start3A_759 = tpu.memref_squeeze %dma_start3A_758 : memref<1x128xi32, #tpu.memory_space<vmem>> -> memref<128xi32, #tpu.memory_space<vmem>>
    %dma_start3A_760 = arith.constant 0 : i32
    %dma_start3A_761 = tpu.memref_slice %arg17[%dma_start3A_760] : memref<1000000xf32, #tpu.memory_space<hbm>> -> memref<1000000xf32, #tpu.memory_space<hbm>>
    tpu.enqueue_indirect_dma source(%dma_start3A_761 : memref<1000000xf32, #tpu.memory_space<hbm>>) target(%dma_start3A_756 : memref<128xf32, #tpu.memory_space<vmem>>) offsets(%dma_start3A_759 : memref<128xi32, #tpu.memory_space<vmem>>) semaphore(%arg48 : memref<!tpu.dma_semaphore, #tpu.memory_space<semaphore_mem>>)
    %dma_start3A_762 = arith.constant 2 : i32
    %dma_start3A_763 = arith.constant 6912 : i32
    %dma_start3A_764 = tpu.memref_slice %arg44[%dma_start3A_763] : memref<8192xf32, #tpu.memory_space<vmem>> -> memref<128xf32, #tpu.memory_space<vmem>>
    %dma_start3A_765 = arith.constant 0 : i32
    %dma_start3A_766 = tpu.memref_slice %arg42[%dma_start3A_762, %dma_start3A_765] : memref<4x128xi32, #tpu.memory_space<vmem>> -> memref<1x128xi32, #tpu.memory_space<vmem>>
    %dma_start3A_767 = tpu.memref_squeeze %dma_start3A_766 : memref<1x128xi32, #tpu.memory_space<vmem>> -> memref<128xi32, #tpu.memory_space<vmem>>
    %dma_start3A_768 = arith.constant 0 : i32
    %dma_start3A_769 = tpu.memref_slice %arg33[%dma_start3A_768] : memref<1000000xf32, #tpu.memory_space<hbm>> -> memref<1000000xf32, #tpu.memory_space<hbm>>
    tpu.enqueue_indirect_dma source(%dma_start3A_769 : memref<1000000xf32, #tpu.memory_space<hbm>>) target(%dma_start3A_764 : memref<128xf32, #tpu.memory_space<vmem>>) offsets(%dma_start3A_767 : memref<128xi32, #tpu.memory_space<vmem>>) semaphore(%arg48 : memref<!tpu.dma_semaphore, #tpu.memory_space<semaphore_mem>>)
    %dma_start3A_770 = arith.constant 2 : i32
    %dma_start3A_771 = arith.constant 7424 : i32
    %dma_start3A_772 = tpu.memref_slice %arg43[%dma_start3A_771] : memref<8192xf32, #tpu.memory_space<vmem>> -> memref<128xf32, #tpu.memory_space<vmem>>
    %dma_start3A_773 = arith.constant 0 : i32
    %dma_start3A_774 = tpu.memref_slice %arg41[%dma_start3A_770, %dma_start3A_773] : memref<4x128xi32, #tpu.memory_space<vmem>> -> memref<1x128xi32, #tpu.memory_space<vmem>>
    %dma_start3A_775 = tpu.memref_squeeze %dma_start3A_774 : memref<1x128xi32, #tpu.memory_space<vmem>> -> memref<128xi32, #tpu.memory_space<vmem>>
    %dma_start3A_776 = arith.constant 0 : i32
    %dma_start3A_777 = tpu.memref_slice %arg18[%dma_start3A_776] : memref<1000000xf32, #tpu.memory_space<hbm>> -> memref<1000000xf32, #tpu.memory_space<hbm>>
    tpu.enqueue_indirect_dma source(%dma_start3A_777 : memref<1000000xf32, #tpu.memory_space<hbm>>) target(%dma_start3A_772 : memref<128xf32, #tpu.memory_space<vmem>>) offsets(%dma_start3A_775 : memref<128xi32, #tpu.memory_space<vmem>>) semaphore(%arg48 : memref<!tpu.dma_semaphore, #tpu.memory_space<semaphore_mem>>)
    %dma_start3A_778 = arith.constant 2 : i32
    %dma_start3A_779 = arith.constant 7424 : i32
    %dma_start3A_780 = tpu.memref_slice %arg44[%dma_start3A_779] : memref<8192xf32, #tpu.memory_space<vmem>> -> memref<128xf32, #tpu.memory_space<vmem>>
    %dma_start3A_781 = arith.constant 0 : i32
    %dma_start3A_782 = tpu.memref_slice %arg42[%dma_start3A_778, %dma_start3A_781] : memref<4x128xi32, #tpu.memory_space<vmem>> -> memref<1x128xi32, #tpu.memory_space<vmem>>
    %dma_start3A_783 = tpu.memref_squeeze %dma_start3A_782 : memref<1x128xi32, #tpu.memory_space<vmem>> -> memref<128xi32, #tpu.memory_space<vmem>>
    %dma_start3A_784 = arith.constant 0 : i32
    %dma_start3A_785 = tpu.memref_slice %arg34[%dma_start3A_784] : memref<1000000xf32, #tpu.memory_space<hbm>> -> memref<1000000xf32, #tpu.memory_space<hbm>>
    tpu.enqueue_indirect_dma source(%dma_start3A_785 : memref<1000000xf32, #tpu.memory_space<hbm>>) target(%dma_start3A_780 : memref<128xf32, #tpu.memory_space<vmem>>) offsets(%dma_start3A_783 : memref<128xi32, #tpu.memory_space<vmem>>) semaphore(%arg48 : memref<!tpu.dma_semaphore, #tpu.memory_space<semaphore_mem>>)
    %dma_start3A_786 = arith.constant 2 : i32
    %dma_start3A_787 = arith.constant 7936 : i32
    %dma_start3A_788 = tpu.memref_slice %arg43[%dma_start3A_787] : memref<8192xf32, #tpu.memory_space<vmem>> -> memref<128xf32, #tpu.memory_space<vmem>>
    %dma_start3A_789 = arith.constant 0 : i32
    %dma_start3A_790 = tpu.memref_slice %arg41[%dma_start3A_786, %dma_start3A_789] : memref<4x128xi32, #tpu.memory_space<vmem>> -> memref<1x128xi32, #tpu.memory_space<vmem>>
    %dma_start3A_791 = tpu.memref_squeeze %dma_start3A_790 : memref<1x128xi32, #tpu.memory_space<vmem>> -> memref<128xi32, #tpu.memory_space<vmem>>
    %dma_start3A_792 = arith.constant 0 : i32
    %dma_start3A_793 = tpu.memref_slice %arg19[%dma_start3A_792] : memref<1000000xf32, #tpu.memory_space<hbm>> -> memref<1000000xf32, #tpu.memory_space<hbm>>
    tpu.enqueue_indirect_dma source(%dma_start3A_793 : memref<1000000xf32, #tpu.memory_space<hbm>>) target(%dma_start3A_788 : memref<128xf32, #tpu.memory_space<vmem>>) offsets(%dma_start3A_791 : memref<128xi32, #tpu.memory_space<vmem>>) semaphore(%arg48 : memref<!tpu.dma_semaphore, #tpu.memory_space<semaphore_mem>>)
    %dma_start3A_794 = arith.constant 2 : i32
    %dma_start3A_795 = arith.constant 7936 : i32
    %dma_start3A_796 = tpu.memref_slice %arg44[%dma_start3A_795] : memref<8192xf32, #tpu.memory_space<vmem>> -> memref<128xf32, #tpu.memory_space<vmem>>
    %dma_start3A_797 = arith.constant 0 : i32
    %dma_start3A_798 = tpu.memref_slice %arg42[%dma_start3A_794, %dma_start3A_797] : memref<4x128xi32, #tpu.memory_space<vmem>> -> memref<1x128xi32, #tpu.memory_space<vmem>>
    %dma_start3A_799 = tpu.memref_squeeze %dma_start3A_798 : memref<1x128xi32, #tpu.memory_space<vmem>> -> memref<128xi32, #tpu.memory_space<vmem>>
    %dma_start3A_800 = arith.constant 0 : i32
    %dma_start3A_801 = tpu.memref_slice %arg35[%dma_start3A_800] : memref<1000000xf32, #tpu.memory_space<hbm>> -> memref<1000000xf32, #tpu.memory_space<hbm>>
    tpu.enqueue_indirect_dma source(%dma_start3A_801 : memref<1000000xf32, #tpu.memory_space<hbm>>) target(%dma_start3A_796 : memref<128xf32, #tpu.memory_space<vmem>>) offsets(%dma_start3A_799 : memref<128xi32, #tpu.memory_space<vmem>>) semaphore(%arg48 : memref<!tpu.dma_semaphore, #tpu.memory_space<semaphore_mem>>)
    %dma_start3A_802 = arith.constant 2 : i32
    %dma_start3A_803 = arith.constant 256 : i32
    %dma_start3A_804 = tpu.memref_slice %arg45[%dma_start3A_803] : memref<512xf32, #tpu.memory_space<vmem>> -> memref<128xf32, #tpu.memory_space<vmem>>
    %dma_start3A_805 = arith.constant 0 : i32
    %dma_start3A_806 = tpu.memref_slice %arg41[%dma_start3A_802, %dma_start3A_805] : memref<4x128xi32, #tpu.memory_space<vmem>> -> memref<1x128xi32, #tpu.memory_space<vmem>>
    %dma_start3A_807 = tpu.memref_squeeze %dma_start3A_806 : memref<1x128xi32, #tpu.memory_space<vmem>> -> memref<128xi32, #tpu.memory_space<vmem>>
    %dma_start3A_808 = arith.constant 0 : i32
    %dma_start3A_809 = tpu.memref_slice %arg36[%dma_start3A_808] : memref<1000000xf32, #tpu.memory_space<hbm>> -> memref<1000000xf32, #tpu.memory_space<hbm>>
    tpu.enqueue_indirect_dma source(%dma_start3A_809 : memref<1000000xf32, #tpu.memory_space<hbm>>) target(%dma_start3A_804 : memref<128xf32, #tpu.memory_space<vmem>>) offsets(%dma_start3A_807 : memref<128xi32, #tpu.memory_space<vmem>>) semaphore(%arg49 : memref<!tpu.dma_semaphore, #tpu.memory_space<semaphore_mem>>)
    %dma_start3A_810 = arith.constant 2 : i32
    %dma_start3A_811 = arith.constant 256 : i32
    %dma_start3A_812 = tpu.memref_slice %arg46[%dma_start3A_811] : memref<512xf32, #tpu.memory_space<vmem>> -> memref<128xf32, #tpu.memory_space<vmem>>
    %dma_start3A_813 = arith.constant 0 : i32
    %dma_start3A_814 = tpu.memref_slice %arg42[%dma_start3A_810, %dma_start3A_813] : memref<4x128xi32, #tpu.memory_space<vmem>> -> memref<1x128xi32, #tpu.memory_space<vmem>>
    %dma_start3A_815 = tpu.memref_squeeze %dma_start3A_814 : memref<1x128xi32, #tpu.memory_space<vmem>> -> memref<128xi32, #tpu.memory_space<vmem>>
    %dma_start3A_816 = arith.constant 0 : i32
    %dma_start3A_817 = tpu.memref_slice %arg37[%dma_start3A_816] : memref<1000000xf32, #tpu.memory_space<hbm>> -> memref<1000000xf32, #tpu.memory_space<hbm>>
    tpu.enqueue_indirect_dma source(%dma_start3A_817 : memref<1000000xf32, #tpu.memory_space<hbm>>) target(%dma_start3A_812 : memref<128xf32, #tpu.memory_space<vmem>>) offsets(%dma_start3A_815 : memref<128xi32, #tpu.memory_space<vmem>>) semaphore(%arg49 : memref<!tpu.dma_semaphore, #tpu.memory_space<semaphore_mem>>)
    %dma_start3A_818 = arith.constant 3 : i32
    %dma_start3A_819 = arith.constant 384 : i32
    %dma_start3A_820 = tpu.memref_slice %arg43[%dma_start3A_819] : memref<8192xf32, #tpu.memory_space<vmem>> -> memref<128xf32, #tpu.memory_space<vmem>>
    %dma_start3A_821 = arith.constant 0 : i32
    %dma_start3A_822 = tpu.memref_slice %arg41[%dma_start3A_818, %dma_start3A_821] : memref<4x128xi32, #tpu.memory_space<vmem>> -> memref<1x128xi32, #tpu.memory_space<vmem>>
    %dma_start3A_823 = tpu.memref_squeeze %dma_start3A_822 : memref<1x128xi32, #tpu.memory_space<vmem>> -> memref<128xi32, #tpu.memory_space<vmem>>
    %dma_start3A_824 = arith.constant 0 : i32
    %dma_start3A_825 = tpu.memref_slice %arg4[%dma_start3A_824] : memref<1000000xf32, #tpu.memory_space<hbm>> -> memref<1000000xf32, #tpu.memory_space<hbm>>
    tpu.enqueue_indirect_dma source(%dma_start3A_825 : memref<1000000xf32, #tpu.memory_space<hbm>>) target(%dma_start3A_820 : memref<128xf32, #tpu.memory_space<vmem>>) offsets(%dma_start3A_823 : memref<128xi32, #tpu.memory_space<vmem>>) semaphore(%arg48 : memref<!tpu.dma_semaphore, #tpu.memory_space<semaphore_mem>>)
    %dma_start3A_826 = arith.constant 3 : i32
    %dma_start3A_827 = arith.constant 384 : i32
    %dma_start3A_828 = tpu.memref_slice %arg44[%dma_start3A_827] : memref<8192xf32, #tpu.memory_space<vmem>> -> memref<128xf32, #tpu.memory_space<vmem>>
    %dma_start3A_829 = arith.constant 0 : i32
    %dma_start3A_830 = tpu.memref_slice %arg42[%dma_start3A_826, %dma_start3A_829] : memref<4x128xi32, #tpu.memory_space<vmem>> -> memref<1x128xi32, #tpu.memory_space<vmem>>
    %dma_start3A_831 = tpu.memref_squeeze %dma_start3A_830 : memref<1x128xi32, #tpu.memory_space<vmem>> -> memref<128xi32, #tpu.memory_space<vmem>>
    %dma_start3A_832 = arith.constant 0 : i32
    %dma_start3A_833 = tpu.memref_slice %arg20[%dma_start3A_832] : memref<1000000xf32, #tpu.memory_space<hbm>> -> memref<1000000xf32, #tpu.memory_space<hbm>>
    tpu.enqueue_indirect_dma source(%dma_start3A_833 : memref<1000000xf32, #tpu.memory_space<hbm>>) target(%dma_start3A_828 : memref<128xf32, #tpu.memory_space<vmem>>) offsets(%dma_start3A_831 : memref<128xi32, #tpu.memory_space<vmem>>) semaphore(%arg48 : memref<!tpu.dma_semaphore, #tpu.memory_space<semaphore_mem>>)
    %dma_start3A_834 = arith.constant 3 : i32
    %dma_start3A_835 = arith.constant 896 : i32
    %dma_start3A_836 = tpu.memref_slice %arg43[%dma_start3A_835] : memref<8192xf32, #tpu.memory_space<vmem>> -> memref<128xf32, #tpu.memory_space<vmem>>
    %dma_start3A_837 = arith.constant 0 : i32
    %dma_start3A_838 = tpu.memref_slice %arg41[%dma_start3A_834, %dma_start3A_837] : memref<4x128xi32, #tpu.memory_space<vmem>> -> memref<1x128xi32, #tpu.memory_space<vmem>>
    %dma_start3A_839 = tpu.memref_squeeze %dma_start3A_838 : memref<1x128xi32, #tpu.memory_space<vmem>> -> memref<128xi32, #tpu.memory_space<vmem>>
    %dma_start3A_840 = arith.constant 0 : i32
    %dma_start3A_841 = tpu.memref_slice %arg5[%dma_start3A_840] : memref<1000000xf32, #tpu.memory_space<hbm>> -> memref<1000000xf32, #tpu.memory_space<hbm>>
    tpu.enqueue_indirect_dma source(%dma_start3A_841 : memref<1000000xf32, #tpu.memory_space<hbm>>) target(%dma_start3A_836 : memref<128xf32, #tpu.memory_space<vmem>>) offsets(%dma_start3A_839 : memref<128xi32, #tpu.memory_space<vmem>>) semaphore(%arg48 : memref<!tpu.dma_semaphore, #tpu.memory_space<semaphore_mem>>)
    %dma_start3A_842 = arith.constant 3 : i32
    %dma_start3A_843 = arith.constant 896 : i32
    %dma_start3A_844 = tpu.memref_slice %arg44[%dma_start3A_843] : memref<8192xf32, #tpu.memory_space<vmem>> -> memref<128xf32, #tpu.memory_space<vmem>>
    %dma_start3A_845 = arith.constant 0 : i32
    %dma_start3A_846 = tpu.memref_slice %arg42[%dma_start3A_842, %dma_start3A_845] : memref<4x128xi32, #tpu.memory_space<vmem>> -> memref<1x128xi32, #tpu.memory_space<vmem>>
    %dma_start3A_847 = tpu.memref_squeeze %dma_start3A_846 : memref<1x128xi32, #tpu.memory_space<vmem>> -> memref<128xi32, #tpu.memory_space<vmem>>
    %dma_start3A_848 = arith.constant 0 : i32
    %dma_start3A_849 = tpu.memref_slice %arg21[%dma_start3A_848] : memref<1000000xf32, #tpu.memory_space<hbm>> -> memref<1000000xf32, #tpu.memory_space<hbm>>
    tpu.enqueue_indirect_dma source(%dma_start3A_849 : memref<1000000xf32, #tpu.memory_space<hbm>>) target(%dma_start3A_844 : memref<128xf32, #tpu.memory_space<vmem>>) offsets(%dma_start3A_847 : memref<128xi32, #tpu.memory_space<vmem>>) semaphore(%arg48 : memref<!tpu.dma_semaphore, #tpu.memory_space<semaphore_mem>>)
    %dma_start3A_850 = arith.constant 3 : i32
    %dma_start3A_851 = arith.constant 1408 : i32
    %dma_start3A_852 = tpu.memref_slice %arg43[%dma_start3A_851] : memref<8192xf32, #tpu.memory_space<vmem>> -> memref<128xf32, #tpu.memory_space<vmem>>
    %dma_start3A_853 = arith.constant 0 : i32
    %dma_start3A_854 = tpu.memref_slice %arg41[%dma_start3A_850, %dma_start3A_853] : memref<4x128xi32, #tpu.memory_space<vmem>> -> memref<1x128xi32, #tpu.memory_space<vmem>>
    %dma_start3A_855 = tpu.memref_squeeze %dma_start3A_854 : memref<1x128xi32, #tpu.memory_space<vmem>> -> memref<128xi32, #tpu.memory_space<vmem>>
    %dma_start3A_856 = arith.constant 0 : i32
    %dma_start3A_857 = tpu.memref_slice %arg6[%dma_start3A_856] : memref<1000000xf32, #tpu.memory_space<hbm>> -> memref<1000000xf32, #tpu.memory_space<hbm>>
    tpu.enqueue_indirect_dma source(%dma_start3A_857 : memref<1000000xf32, #tpu.memory_space<hbm>>) target(%dma_start3A_852 : memref<128xf32, #tpu.memory_space<vmem>>) offsets(%dma_start3A_855 : memref<128xi32, #tpu.memory_space<vmem>>) semaphore(%arg48 : memref<!tpu.dma_semaphore, #tpu.memory_space<semaphore_mem>>)
    %dma_start3A_858 = arith.constant 3 : i32
    %dma_start3A_859 = arith.constant 1408 : i32
    %dma_start3A_860 = tpu.memref_slice %arg44[%dma_start3A_859] : memref<8192xf32, #tpu.memory_space<vmem>> -> memref<128xf32, #tpu.memory_space<vmem>>
    %dma_start3A_861 = arith.constant 0 : i32
    %dma_start3A_862 = tpu.memref_slice %arg42[%dma_start3A_858, %dma_start3A_861] : memref<4x128xi32, #tpu.memory_space<vmem>> -> memref<1x128xi32, #tpu.memory_space<vmem>>
    %dma_start3A_863 = tpu.memref_squeeze %dma_start3A_862 : memref<1x128xi32, #tpu.memory_space<vmem>> -> memref<128xi32, #tpu.memory_space<vmem>>
    %dma_start3A_864 = arith.constant 0 : i32
    %dma_start3A_865 = tpu.memref_slice %arg22[%dma_start3A_864] : memref<1000000xf32, #tpu.memory_space<hbm>> -> memref<1000000xf32, #tpu.memory_space<hbm>>
    tpu.enqueue_indirect_dma source(%dma_start3A_865 : memref<1000000xf32, #tpu.memory_space<hbm>>) target(%dma_start3A_860 : memref<128xf32, #tpu.memory_space<vmem>>) offsets(%dma_start3A_863 : memref<128xi32, #tpu.memory_space<vmem>>) semaphore(%arg48 : memref<!tpu.dma_semaphore, #tpu.memory_space<semaphore_mem>>)
    %dma_start3A_866 = arith.constant 3 : i32
    %dma_start3A_867 = arith.constant 1920 : i32
    %dma_start3A_868 = tpu.memref_slice %arg43[%dma_start3A_867] : memref<8192xf32, #tpu.memory_space<vmem>> -> memref<128xf32, #tpu.memory_space<vmem>>
    %dma_start3A_869 = arith.constant 0 : i32
    %dma_start3A_870 = tpu.memref_slice %arg41[%dma_start3A_866, %dma_start3A_869] : memref<4x128xi32, #tpu.memory_space<vmem>> -> memref<1x128xi32, #tpu.memory_space<vmem>>
    %dma_start3A_871 = tpu.memref_squeeze %dma_start3A_870 : memref<1x128xi32, #tpu.memory_space<vmem>> -> memref<128xi32, #tpu.memory_space<vmem>>
    %dma_start3A_872 = arith.constant 0 : i32
    %dma_start3A_873 = tpu.memref_slice %arg7[%dma_start3A_872] : memref<1000000xf32, #tpu.memory_space<hbm>> -> memref<1000000xf32, #tpu.memory_space<hbm>>
    tpu.enqueue_indirect_dma source(%dma_start3A_873 : memref<1000000xf32, #tpu.memory_space<hbm>>) target(%dma_start3A_868 : memref<128xf32, #tpu.memory_space<vmem>>) offsets(%dma_start3A_871 : memref<128xi32, #tpu.memory_space<vmem>>) semaphore(%arg48 : memref<!tpu.dma_semaphore, #tpu.memory_space<semaphore_mem>>)
    %dma_start3A_874 = arith.constant 3 : i32
    %dma_start3A_875 = arith.constant 1920 : i32
    %dma_start3A_876 = tpu.memref_slice %arg44[%dma_start3A_875] : memref<8192xf32, #tpu.memory_space<vmem>> -> memref<128xf32, #tpu.memory_space<vmem>>
    %dma_start3A_877 = arith.constant 0 : i32
    %dma_start3A_878 = tpu.memref_slice %arg42[%dma_start3A_874, %dma_start3A_877] : memref<4x128xi32, #tpu.memory_space<vmem>> -> memref<1x128xi32, #tpu.memory_space<vmem>>
    %dma_start3A_879 = tpu.memref_squeeze %dma_start3A_878 : memref<1x128xi32, #tpu.memory_space<vmem>> -> memref<128xi32, #tpu.memory_space<vmem>>
    %dma_start3A_880 = arith.constant 0 : i32
    %dma_start3A_881 = tpu.memref_slice %arg23[%dma_start3A_880] : memref<1000000xf32, #tpu.memory_space<hbm>> -> memref<1000000xf32, #tpu.memory_space<hbm>>
    tpu.enqueue_indirect_dma source(%dma_start3A_881 : memref<1000000xf32, #tpu.memory_space<hbm>>) target(%dma_start3A_876 : memref<128xf32, #tpu.memory_space<vmem>>) offsets(%dma_start3A_879 : memref<128xi32, #tpu.memory_space<vmem>>) semaphore(%arg48 : memref<!tpu.dma_semaphore, #tpu.memory_space<semaphore_mem>>)
    %dma_start3A_882 = arith.constant 3 : i32
    %dma_start3A_883 = arith.constant 2432 : i32
    %dma_start3A_884 = tpu.memref_slice %arg43[%dma_start3A_883] : memref<8192xf32, #tpu.memory_space<vmem>> -> memref<128xf32, #tpu.memory_space<vmem>>
    %dma_start3A_885 = arith.constant 0 : i32
    %dma_start3A_886 = tpu.memref_slice %arg41[%dma_start3A_882, %dma_start3A_885] : memref<4x128xi32, #tpu.memory_space<vmem>> -> memref<1x128xi32, #tpu.memory_space<vmem>>
    %dma_start3A_887 = tpu.memref_squeeze %dma_start3A_886 : memref<1x128xi32, #tpu.memory_space<vmem>> -> memref<128xi32, #tpu.memory_space<vmem>>
    %dma_start3A_888 = arith.constant 0 : i32
    %dma_start3A_889 = tpu.memref_slice %arg8[%dma_start3A_888] : memref<1000000xf32, #tpu.memory_space<hbm>> -> memref<1000000xf32, #tpu.memory_space<hbm>>
    tpu.enqueue_indirect_dma source(%dma_start3A_889 : memref<1000000xf32, #tpu.memory_space<hbm>>) target(%dma_start3A_884 : memref<128xf32, #tpu.memory_space<vmem>>) offsets(%dma_start3A_887 : memref<128xi32, #tpu.memory_space<vmem>>) semaphore(%arg48 : memref<!tpu.dma_semaphore, #tpu.memory_space<semaphore_mem>>)
    %dma_start3A_890 = arith.constant 3 : i32
    %dma_start3A_891 = arith.constant 2432 : i32
    %dma_start3A_892 = tpu.memref_slice %arg44[%dma_start3A_891] : memref<8192xf32, #tpu.memory_space<vmem>> -> memref<128xf32, #tpu.memory_space<vmem>>
    %dma_start3A_893 = arith.constant 0 : i32
    %dma_start3A_894 = tpu.memref_slice %arg42[%dma_start3A_890, %dma_start3A_893] : memref<4x128xi32, #tpu.memory_space<vmem>> -> memref<1x128xi32, #tpu.memory_space<vmem>>
    %dma_start3A_895 = tpu.memref_squeeze %dma_start3A_894 : memref<1x128xi32, #tpu.memory_space<vmem>> -> memref<128xi32, #tpu.memory_space<vmem>>
    %dma_start3A_896 = arith.constant 0 : i32
    %dma_start3A_897 = tpu.memref_slice %arg24[%dma_start3A_896] : memref<1000000xf32, #tpu.memory_space<hbm>> -> memref<1000000xf32, #tpu.memory_space<hbm>>
    tpu.enqueue_indirect_dma source(%dma_start3A_897 : memref<1000000xf32, #tpu.memory_space<hbm>>) target(%dma_start3A_892 : memref<128xf32, #tpu.memory_space<vmem>>) offsets(%dma_start3A_895 : memref<128xi32, #tpu.memory_space<vmem>>) semaphore(%arg48 : memref<!tpu.dma_semaphore, #tpu.memory_space<semaphore_mem>>)
    %dma_start3A_898 = arith.constant 3 : i32
    %dma_start3A_899 = arith.constant 2944 : i32
    %dma_start3A_900 = tpu.memref_slice %arg43[%dma_start3A_899] : memref<8192xf32, #tpu.memory_space<vmem>> -> memref<128xf32, #tpu.memory_space<vmem>>
    %dma_start3A_901 = arith.constant 0 : i32
    %dma_start3A_902 = tpu.memref_slice %arg41[%dma_start3A_898, %dma_start3A_901] : memref<4x128xi32, #tpu.memory_space<vmem>> -> memref<1x128xi32, #tpu.memory_space<vmem>>
    %dma_start3A_903 = tpu.memref_squeeze %dma_start3A_902 : memref<1x128xi32, #tpu.memory_space<vmem>> -> memref<128xi32, #tpu.memory_space<vmem>>
    %dma_start3A_904 = arith.constant 0 : i32
    %dma_start3A_905 = tpu.memref_slice %arg9[%dma_start3A_904] : memref<1000000xf32, #tpu.memory_space<hbm>> -> memref<1000000xf32, #tpu.memory_space<hbm>>
    tpu.enqueue_indirect_dma source(%dma_start3A_905 : memref<1000000xf32, #tpu.memory_space<hbm>>) target(%dma_start3A_900 : memref<128xf32, #tpu.memory_space<vmem>>) offsets(%dma_start3A_903 : memref<128xi32, #tpu.memory_space<vmem>>) semaphore(%arg48 : memref<!tpu.dma_semaphore, #tpu.memory_space<semaphore_mem>>)
    %dma_start3A_906 = arith.constant 3 : i32
    %dma_start3A_907 = arith.constant 2944 : i32
    %dma_start3A_908 = tpu.memref_slice %arg44[%dma_start3A_907] : memref<8192xf32, #tpu.memory_space<vmem>> -> memref<128xf32, #tpu.memory_space<vmem>>
    %dma_start3A_909 = arith.constant 0 : i32
    %dma_start3A_910 = tpu.memref_slice %arg42[%dma_start3A_906, %dma_start3A_909] : memref<4x128xi32, #tpu.memory_space<vmem>> -> memref<1x128xi32, #tpu.memory_space<vmem>>
    %dma_start3A_911 = tpu.memref_squeeze %dma_start3A_910 : memref<1x128xi32, #tpu.memory_space<vmem>> -> memref<128xi32, #tpu.memory_space<vmem>>
    %dma_start3A_912 = arith.constant 0 : i32
    %dma_start3A_913 = tpu.memref_slice %arg25[%dma_start3A_912] : memref<1000000xf32, #tpu.memory_space<hbm>> -> memref<1000000xf32, #tpu.memory_space<hbm>>
    tpu.enqueue_indirect_dma source(%dma_start3A_913 : memref<1000000xf32, #tpu.memory_space<hbm>>) target(%dma_start3A_908 : memref<128xf32, #tpu.memory_space<vmem>>) offsets(%dma_start3A_911 : memref<128xi32, #tpu.memory_space<vmem>>) semaphore(%arg48 : memref<!tpu.dma_semaphore, #tpu.memory_space<semaphore_mem>>)
    %dma_start3A_914 = arith.constant 3 : i32
    %dma_start3A_915 = arith.constant 3456 : i32
    %dma_start3A_916 = tpu.memref_slice %arg43[%dma_start3A_915] : memref<8192xf32, #tpu.memory_space<vmem>> -> memref<128xf32, #tpu.memory_space<vmem>>
    %dma_start3A_917 = arith.constant 0 : i32
    %dma_start3A_918 = tpu.memref_slice %arg41[%dma_start3A_914, %dma_start3A_917] : memref<4x128xi32, #tpu.memory_space<vmem>> -> memref<1x128xi32, #tpu.memory_space<vmem>>
    %dma_start3A_919 = tpu.memref_squeeze %dma_start3A_918 : memref<1x128xi32, #tpu.memory_space<vmem>> -> memref<128xi32, #tpu.memory_space<vmem>>
    %dma_start3A_920 = arith.constant 0 : i32
    %dma_start3A_921 = tpu.memref_slice %arg10[%dma_start3A_920] : memref<1000000xf32, #tpu.memory_space<hbm>> -> memref<1000000xf32, #tpu.memory_space<hbm>>
    tpu.enqueue_indirect_dma source(%dma_start3A_921 : memref<1000000xf32, #tpu.memory_space<hbm>>) target(%dma_start3A_916 : memref<128xf32, #tpu.memory_space<vmem>>) offsets(%dma_start3A_919 : memref<128xi32, #tpu.memory_space<vmem>>) semaphore(%arg48 : memref<!tpu.dma_semaphore, #tpu.memory_space<semaphore_mem>>)
    %dma_start3A_922 = arith.constant 3 : i32
    %dma_start3A_923 = arith.constant 3456 : i32
    %dma_start3A_924 = tpu.memref_slice %arg44[%dma_start3A_923] : memref<8192xf32, #tpu.memory_space<vmem>> -> memref<128xf32, #tpu.memory_space<vmem>>
    %dma_start3A_925 = arith.constant 0 : i32
    %dma_start3A_926 = tpu.memref_slice %arg42[%dma_start3A_922, %dma_start3A_925] : memref<4x128xi32, #tpu.memory_space<vmem>> -> memref<1x128xi32, #tpu.memory_space<vmem>>
    %dma_start3A_927 = tpu.memref_squeeze %dma_start3A_926 : memref<1x128xi32, #tpu.memory_space<vmem>> -> memref<128xi32, #tpu.memory_space<vmem>>
    %dma_start3A_928 = arith.constant 0 : i32
    %dma_start3A_929 = tpu.memref_slice %arg26[%dma_start3A_928] : memref<1000000xf32, #tpu.memory_space<hbm>> -> memref<1000000xf32, #tpu.memory_space<hbm>>
    tpu.enqueue_indirect_dma source(%dma_start3A_929 : memref<1000000xf32, #tpu.memory_space<hbm>>) target(%dma_start3A_924 : memref<128xf32, #tpu.memory_space<vmem>>) offsets(%dma_start3A_927 : memref<128xi32, #tpu.memory_space<vmem>>) semaphore(%arg48 : memref<!tpu.dma_semaphore, #tpu.memory_space<semaphore_mem>>)
    %dma_start3A_930 = arith.constant 3 : i32
    %dma_start3A_931 = arith.constant 3968 : i32
    %dma_start3A_932 = tpu.memref_slice %arg43[%dma_start3A_931] : memref<8192xf32, #tpu.memory_space<vmem>> -> memref<128xf32, #tpu.memory_space<vmem>>
    %dma_start3A_933 = arith.constant 0 : i32
    %dma_start3A_934 = tpu.memref_slice %arg41[%dma_start3A_930, %dma_start3A_933] : memref<4x128xi32, #tpu.memory_space<vmem>> -> memref<1x128xi32, #tpu.memory_space<vmem>>
    %dma_start3A_935 = tpu.memref_squeeze %dma_start3A_934 : memref<1x128xi32, #tpu.memory_space<vmem>> -> memref<128xi32, #tpu.memory_space<vmem>>
    %dma_start3A_936 = arith.constant 0 : i32
    %dma_start3A_937 = tpu.memref_slice %arg11[%dma_start3A_936] : memref<1000000xf32, #tpu.memory_space<hbm>> -> memref<1000000xf32, #tpu.memory_space<hbm>>
    tpu.enqueue_indirect_dma source(%dma_start3A_937 : memref<1000000xf32, #tpu.memory_space<hbm>>) target(%dma_start3A_932 : memref<128xf32, #tpu.memory_space<vmem>>) offsets(%dma_start3A_935 : memref<128xi32, #tpu.memory_space<vmem>>) semaphore(%arg48 : memref<!tpu.dma_semaphore, #tpu.memory_space<semaphore_mem>>)
    %dma_start3A_938 = arith.constant 3 : i32
    %dma_start3A_939 = arith.constant 3968 : i32
    %dma_start3A_940 = tpu.memref_slice %arg44[%dma_start3A_939] : memref<8192xf32, #tpu.memory_space<vmem>> -> memref<128xf32, #tpu.memory_space<vmem>>
    %dma_start3A_941 = arith.constant 0 : i32
    %dma_start3A_942 = tpu.memref_slice %arg42[%dma_start3A_938, %dma_start3A_941] : memref<4x128xi32, #tpu.memory_space<vmem>> -> memref<1x128xi32, #tpu.memory_space<vmem>>
    %dma_start3A_943 = tpu.memref_squeeze %dma_start3A_942 : memref<1x128xi32, #tpu.memory_space<vmem>> -> memref<128xi32, #tpu.memory_space<vmem>>
    %dma_start3A_944 = arith.constant 0 : i32
    %dma_start3A_945 = tpu.memref_slice %arg27[%dma_start3A_944] : memref<1000000xf32, #tpu.memory_space<hbm>> -> memref<1000000xf32, #tpu.memory_space<hbm>>
    tpu.enqueue_indirect_dma source(%dma_start3A_945 : memref<1000000xf32, #tpu.memory_space<hbm>>) target(%dma_start3A_940 : memref<128xf32, #tpu.memory_space<vmem>>) offsets(%dma_start3A_943 : memref<128xi32, #tpu.memory_space<vmem>>) semaphore(%arg48 : memref<!tpu.dma_semaphore, #tpu.memory_space<semaphore_mem>>)
    %dma_start3A_946 = arith.constant 3 : i32
    %dma_start3A_947 = arith.constant 4480 : i32
    %dma_start3A_948 = tpu.memref_slice %arg43[%dma_start3A_947] : memref<8192xf32, #tpu.memory_space<vmem>> -> memref<128xf32, #tpu.memory_space<vmem>>
    %dma_start3A_949 = arith.constant 0 : i32
    %dma_start3A_950 = tpu.memref_slice %arg41[%dma_start3A_946, %dma_start3A_949] : memref<4x128xi32, #tpu.memory_space<vmem>> -> memref<1x128xi32, #tpu.memory_space<vmem>>
    %dma_start3A_951 = tpu.memref_squeeze %dma_start3A_950 : memref<1x128xi32, #tpu.memory_space<vmem>> -> memref<128xi32, #tpu.memory_space<vmem>>
    %dma_start3A_952 = arith.constant 0 : i32
    %dma_start3A_953 = tpu.memref_slice %arg12[%dma_start3A_952] : memref<1000000xf32, #tpu.memory_space<hbm>> -> memref<1000000xf32, #tpu.memory_space<hbm>>
    tpu.enqueue_indirect_dma source(%dma_start3A_953 : memref<1000000xf32, #tpu.memory_space<hbm>>) target(%dma_start3A_948 : memref<128xf32, #tpu.memory_space<vmem>>) offsets(%dma_start3A_951 : memref<128xi32, #tpu.memory_space<vmem>>) semaphore(%arg48 : memref<!tpu.dma_semaphore, #tpu.memory_space<semaphore_mem>>)
    %dma_start3A_954 = arith.constant 3 : i32
    %dma_start3A_955 = arith.constant 4480 : i32
    %dma_start3A_956 = tpu.memref_slice %arg44[%dma_start3A_955] : memref<8192xf32, #tpu.memory_space<vmem>> -> memref<128xf32, #tpu.memory_space<vmem>>
    %dma_start3A_957 = arith.constant 0 : i32
    %dma_start3A_958 = tpu.memref_slice %arg42[%dma_start3A_954, %dma_start3A_957] : memref<4x128xi32, #tpu.memory_space<vmem>> -> memref<1x128xi32, #tpu.memory_space<vmem>>
    %dma_start3A_959 = tpu.memref_squeeze %dma_start3A_958 : memref<1x128xi32, #tpu.memory_space<vmem>> -> memref<128xi32, #tpu.memory_space<vmem>>
    %dma_start3A_960 = arith.constant 0 : i32
    %dma_start3A_961 = tpu.memref_slice %arg28[%dma_start3A_960] : memref<1000000xf32, #tpu.memory_space<hbm>> -> memref<1000000xf32, #tpu.memory_space<hbm>>
    tpu.enqueue_indirect_dma source(%dma_start3A_961 : memref<1000000xf32, #tpu.memory_space<hbm>>) target(%dma_start3A_956 : memref<128xf32, #tpu.memory_space<vmem>>) offsets(%dma_start3A_959 : memref<128xi32, #tpu.memory_space<vmem>>) semaphore(%arg48 : memref<!tpu.dma_semaphore, #tpu.memory_space<semaphore_mem>>)
    %dma_start3A_962 = arith.constant 3 : i32
    %dma_start3A_963 = arith.constant 4992 : i32
    %dma_start3A_964 = tpu.memref_slice %arg43[%dma_start3A_963] : memref<8192xf32, #tpu.memory_space<vmem>> -> memref<128xf32, #tpu.memory_space<vmem>>
    %dma_start3A_965 = arith.constant 0 : i32
    %dma_start3A_966 = tpu.memref_slice %arg41[%dma_start3A_962, %dma_start3A_965] : memref<4x128xi32, #tpu.memory_space<vmem>> -> memref<1x128xi32, #tpu.memory_space<vmem>>
    %dma_start3A_967 = tpu.memref_squeeze %dma_start3A_966 : memref<1x128xi32, #tpu.memory_space<vmem>> -> memref<128xi32, #tpu.memory_space<vmem>>
    %dma_start3A_968 = arith.constant 0 : i32
    %dma_start3A_969 = tpu.memref_slice %arg13[%dma_start3A_968] : memref<1000000xf32, #tpu.memory_space<hbm>> -> memref<1000000xf32, #tpu.memory_space<hbm>>
    tpu.enqueue_indirect_dma source(%dma_start3A_969 : memref<1000000xf32, #tpu.memory_space<hbm>>) target(%dma_start3A_964 : memref<128xf32, #tpu.memory_space<vmem>>) offsets(%dma_start3A_967 : memref<128xi32, #tpu.memory_space<vmem>>) semaphore(%arg48 : memref<!tpu.dma_semaphore, #tpu.memory_space<semaphore_mem>>)
    %dma_start3A_970 = arith.constant 3 : i32
    %dma_start3A_971 = arith.constant 4992 : i32
    %dma_start3A_972 = tpu.memref_slice %arg44[%dma_start3A_971] : memref<8192xf32, #tpu.memory_space<vmem>> -> memref<128xf32, #tpu.memory_space<vmem>>
    %dma_start3A_973 = arith.constant 0 : i32
    %dma_start3A_974 = tpu.memref_slice %arg42[%dma_start3A_970, %dma_start3A_973] : memref<4x128xi32, #tpu.memory_space<vmem>> -> memref<1x128xi32, #tpu.memory_space<vmem>>
    %dma_start3A_975 = tpu.memref_squeeze %dma_start3A_974 : memref<1x128xi32, #tpu.memory_space<vmem>> -> memref<128xi32, #tpu.memory_space<vmem>>
    %dma_start3A_976 = arith.constant 0 : i32
    %dma_start3A_977 = tpu.memref_slice %arg29[%dma_start3A_976] : memref<1000000xf32, #tpu.memory_space<hbm>> -> memref<1000000xf32, #tpu.memory_space<hbm>>
    tpu.enqueue_indirect_dma source(%dma_start3A_977 : memref<1000000xf32, #tpu.memory_space<hbm>>) target(%dma_start3A_972 : memref<128xf32, #tpu.memory_space<vmem>>) offsets(%dma_start3A_975 : memref<128xi32, #tpu.memory_space<vmem>>) semaphore(%arg48 : memref<!tpu.dma_semaphore, #tpu.memory_space<semaphore_mem>>)
    %dma_start3A_978 = arith.constant 3 : i32
    %dma_start3A_979 = arith.constant 5504 : i32
    %dma_start3A_980 = tpu.memref_slice %arg43[%dma_start3A_979] : memref<8192xf32, #tpu.memory_space<vmem>> -> memref<128xf32, #tpu.memory_space<vmem>>
    %dma_start3A_981 = arith.constant 0 : i32
    %dma_start3A_982 = tpu.memref_slice %arg41[%dma_start3A_978, %dma_start3A_981] : memref<4x128xi32, #tpu.memory_space<vmem>> -> memref<1x128xi32, #tpu.memory_space<vmem>>
    %dma_start3A_983 = tpu.memref_squeeze %dma_start3A_982 : memref<1x128xi32, #tpu.memory_space<vmem>> -> memref<128xi32, #tpu.memory_space<vmem>>
    %dma_start3A_984 = arith.constant 0 : i32
    %dma_start3A_985 = tpu.memref_slice %arg14[%dma_start3A_984] : memref<1000000xf32, #tpu.memory_space<hbm>> -> memref<1000000xf32, #tpu.memory_space<hbm>>
    tpu.enqueue_indirect_dma source(%dma_start3A_985 : memref<1000000xf32, #tpu.memory_space<hbm>>) target(%dma_start3A_980 : memref<128xf32, #tpu.memory_space<vmem>>) offsets(%dma_start3A_983 : memref<128xi32, #tpu.memory_space<vmem>>) semaphore(%arg48 : memref<!tpu.dma_semaphore, #tpu.memory_space<semaphore_mem>>)
    %dma_start3A_986 = arith.constant 3 : i32
    %dma_start3A_987 = arith.constant 5504 : i32
    %dma_start3A_988 = tpu.memref_slice %arg44[%dma_start3A_987] : memref<8192xf32, #tpu.memory_space<vmem>> -> memref<128xf32, #tpu.memory_space<vmem>>
    %dma_start3A_989 = arith.constant 0 : i32
    %dma_start3A_990 = tpu.memref_slice %arg42[%dma_start3A_986, %dma_start3A_989] : memref<4x128xi32, #tpu.memory_space<vmem>> -> memref<1x128xi32, #tpu.memory_space<vmem>>
    %dma_start3A_991 = tpu.memref_squeeze %dma_start3A_990 : memref<1x128xi32, #tpu.memory_space<vmem>> -> memref<128xi32, #tpu.memory_space<vmem>>
    %dma_start3A_992 = arith.constant 0 : i32
    %dma_start3A_993 = tpu.memref_slice %arg30[%dma_start3A_992] : memref<1000000xf32, #tpu.memory_space<hbm>> -> memref<1000000xf32, #tpu.memory_space<hbm>>
    tpu.enqueue_indirect_dma source(%dma_start3A_993 : memref<1000000xf32, #tpu.memory_space<hbm>>) target(%dma_start3A_988 : memref<128xf32, #tpu.memory_space<vmem>>) offsets(%dma_start3A_991 : memref<128xi32, #tpu.memory_space<vmem>>) semaphore(%arg48 : memref<!tpu.dma_semaphore, #tpu.memory_space<semaphore_mem>>)
    %dma_start3A_994 = arith.constant 3 : i32
    %dma_start3A_995 = arith.constant 6016 : i32
    %dma_start3A_996 = tpu.memref_slice %arg43[%dma_start3A_995] : memref<8192xf32, #tpu.memory_space<vmem>> -> memref<128xf32, #tpu.memory_space<vmem>>
    %dma_start3A_997 = arith.constant 0 : i32
    %dma_start3A_998 = tpu.memref_slice %arg41[%dma_start3A_994, %dma_start3A_997] : memref<4x128xi32, #tpu.memory_space<vmem>> -> memref<1x128xi32, #tpu.memory_space<vmem>>
    %dma_start3A_999 = tpu.memref_squeeze %dma_start3A_998 : memref<1x128xi32, #tpu.memory_space<vmem>> -> memref<128xi32, #tpu.memory_space<vmem>>
    %dma_start3A_1000 = arith.constant 0 : i32
    %dma_start3A_1001 = tpu.memref_slice %arg15[%dma_start3A_1000] : memref<1000000xf32, #tpu.memory_space<hbm>> -> memref<1000000xf32, #tpu.memory_space<hbm>>
    tpu.enqueue_indirect_dma source(%dma_start3A_1001 : memref<1000000xf32, #tpu.memory_space<hbm>>) target(%dma_start3A_996 : memref<128xf32, #tpu.memory_space<vmem>>) offsets(%dma_start3A_999 : memref<128xi32, #tpu.memory_space<vmem>>) semaphore(%arg48 : memref<!tpu.dma_semaphore, #tpu.memory_space<semaphore_mem>>)
    %dma_start3A_1002 = arith.constant 3 : i32
    %dma_start3A_1003 = arith.constant 6016 : i32
    %dma_start3A_1004 = tpu.memref_slice %arg44[%dma_start3A_1003] : memref<8192xf32, #tpu.memory_space<vmem>> -> memref<128xf32, #tpu.memory_space<vmem>>
    %dma_start3A_1005 = arith.constant 0 : i32
    %dma_start3A_1006 = tpu.memref_slice %arg42[%dma_start3A_1002, %dma_start3A_1005] : memref<4x128xi32, #tpu.memory_space<vmem>> -> memref<1x128xi32, #tpu.memory_space<vmem>>
    %dma_start3A_1007 = tpu.memref_squeeze %dma_start3A_1006 : memref<1x128xi32, #tpu.memory_space<vmem>> -> memref<128xi32, #tpu.memory_space<vmem>>
    %dma_start3A_1008 = arith.constant 0 : i32
    %dma_start3A_1009 = tpu.memref_slice %arg31[%dma_start3A_1008] : memref<1000000xf32, #tpu.memory_space<hbm>> -> memref<1000000xf32, #tpu.memory_space<hbm>>
    tpu.enqueue_indirect_dma source(%dma_start3A_1009 : memref<1000000xf32, #tpu.memory_space<hbm>>) target(%dma_start3A_1004 : memref<128xf32, #tpu.memory_space<vmem>>) offsets(%dma_start3A_1007 : memref<128xi32, #tpu.memory_space<vmem>>) semaphore(%arg48 : memref<!tpu.dma_semaphore, #tpu.memory_space<semaphore_mem>>)
    %dma_start3A_1010 = arith.constant 3 : i32
    %dma_start3A_1011 = arith.constant 6528 : i32
    %dma_start3A_1012 = tpu.memref_slice %arg43[%dma_start3A_1011] : memref<8192xf32, #tpu.memory_space<vmem>> -> memref<128xf32, #tpu.memory_space<vmem>>
    %dma_start3A_1013 = arith.constant 0 : i32
    %dma_start3A_1014 = tpu.memref_slice %arg41[%dma_start3A_1010, %dma_start3A_1013] : memref<4x128xi32, #tpu.memory_space<vmem>> -> memref<1x128xi32, #tpu.memory_space<vmem>>
    %dma_start3A_1015 = tpu.memref_squeeze %dma_start3A_1014 : memref<1x128xi32, #tpu.memory_space<vmem>> -> memref<128xi32, #tpu.memory_space<vmem>>
    %dma_start3A_1016 = arith.constant 0 : i32
    %dma_start3A_1017 = tpu.memref_slice %arg16[%dma_start3A_1016] : memref<1000000xf32, #tpu.memory_space<hbm>> -> memref<1000000xf32, #tpu.memory_space<hbm>>
    tpu.enqueue_indirect_dma source(%dma_start3A_1017 : memref<1000000xf32, #tpu.memory_space<hbm>>) target(%dma_start3A_1012 : memref<128xf32, #tpu.memory_space<vmem>>) offsets(%dma_start3A_1015 : memref<128xi32, #tpu.memory_space<vmem>>) semaphore(%arg48 : memref<!tpu.dma_semaphore, #tpu.memory_space<semaphore_mem>>)
    %dma_start3A_1018 = arith.constant 3 : i32
    %dma_start3A_1019 = arith.constant 6528 : i32
    %dma_start3A_1020 = tpu.memref_slice %arg44[%dma_start3A_1019] : memref<8192xf32, #tpu.memory_space<vmem>> -> memref<128xf32, #tpu.memory_space<vmem>>
    %dma_start3A_1021 = arith.constant 0 : i32
    %dma_start3A_1022 = tpu.memref_slice %arg42[%dma_start3A_1018, %dma_start3A_1021] : memref<4x128xi32, #tpu.memory_space<vmem>> -> memref<1x128xi32, #tpu.memory_space<vmem>>
    %dma_start3A_1023 = tpu.memref_squeeze %dma_start3A_1022 : memref<1x128xi32, #tpu.memory_space<vmem>> -> memref<128xi32, #tpu.memory_space<vmem>>
    %dma_start3A_1024 = arith.constant 0 : i32
    %dma_start3A_1025 = tpu.memref_slice %arg32[%dma_start3A_1024] : memref<1000000xf32, #tpu.memory_space<hbm>> -> memref<1000000xf32, #tpu.memory_space<hbm>>
    tpu.enqueue_indirect_dma source(%dma_start3A_1025 : memref<1000000xf32, #tpu.memory_space<hbm>>) target(%dma_start3A_1020 : memref<128xf32, #tpu.memory_space<vmem>>) offsets(%dma_start3A_1023 : memref<128xi32, #tpu.memory_space<vmem>>) semaphore(%arg48 : memref<!tpu.dma_semaphore, #tpu.memory_space<semaphore_mem>>)
    %dma_start3A_1026 = arith.constant 3 : i32
    %dma_start3A_1027 = arith.constant 7040 : i32
    %dma_start3A_1028 = tpu.memref_slice %arg43[%dma_start3A_1027] : memref<8192xf32, #tpu.memory_space<vmem>> -> memref<128xf32, #tpu.memory_space<vmem>>
    %dma_start3A_1029 = arith.constant 0 : i32
    %dma_start3A_1030 = tpu.memref_slice %arg41[%dma_start3A_1026, %dma_start3A_1029] : memref<4x128xi32, #tpu.memory_space<vmem>> -> memref<1x128xi32, #tpu.memory_space<vmem>>
    %dma_start3A_1031 = tpu.memref_squeeze %dma_start3A_1030 : memref<1x128xi32, #tpu.memory_space<vmem>> -> memref<128xi32, #tpu.memory_space<vmem>>
    %dma_start3A_1032 = arith.constant 0 : i32
    %dma_start3A_1033 = tpu.memref_slice %arg17[%dma_start3A_1032] : memref<1000000xf32, #tpu.memory_space<hbm>> -> memref<1000000xf32, #tpu.memory_space<hbm>>
    tpu.enqueue_indirect_dma source(%dma_start3A_1033 : memref<1000000xf32, #tpu.memory_space<hbm>>) target(%dma_start3A_1028 : memref<128xf32, #tpu.memory_space<vmem>>) offsets(%dma_start3A_1031 : memref<128xi32, #tpu.memory_space<vmem>>) semaphore(%arg48 : memref<!tpu.dma_semaphore, #tpu.memory_space<semaphore_mem>>)
    %dma_start3A_1034 = arith.constant 3 : i32
    %dma_start3A_1035 = arith.constant 7040 : i32
    %dma_start3A_1036 = tpu.memref_slice %arg44[%dma_start3A_1035] : memref<8192xf32, #tpu.memory_space<vmem>> -> memref<128xf32, #tpu.memory_space<vmem>>
    %dma_start3A_1037 = arith.constant 0 : i32
    %dma_start3A_1038 = tpu.memref_slice %arg42[%dma_start3A_1034, %dma_start3A_1037] : memref<4x128xi32, #tpu.memory_space<vmem>> -> memref<1x128xi32, #tpu.memory_space<vmem>>
    %dma_start3A_1039 = tpu.memref_squeeze %dma_start3A_1038 : memref<1x128xi32, #tpu.memory_space<vmem>> -> memref<128xi32, #tpu.memory_space<vmem>>
    %dma_start3A_1040 = arith.constant 0 : i32
    %dma_start3A_1041 = tpu.memref_slice %arg33[%dma_start3A_1040] : memref<1000000xf32, #tpu.memory_space<hbm>> -> memref<1000000xf32, #tpu.memory_space<hbm>>
    tpu.enqueue_indirect_dma source(%dma_start3A_1041 : memref<1000000xf32, #tpu.memory_space<hbm>>) target(%dma_start3A_1036 : memref<128xf32, #tpu.memory_space<vmem>>) offsets(%dma_start3A_1039 : memref<128xi32, #tpu.memory_space<vmem>>) semaphore(%arg48 : memref<!tpu.dma_semaphore, #tpu.memory_space<semaphore_mem>>)
    %dma_start3A_1042 = arith.constant 3 : i32
    %dma_start3A_1043 = arith.constant 7552 : i32
    %dma_start3A_1044 = tpu.memref_slice %arg43[%dma_start3A_1043] : memref<8192xf32, #tpu.memory_space<vmem>> -> memref<128xf32, #tpu.memory_space<vmem>>
    %dma_start3A_1045 = arith.constant 0 : i32
    %dma_start3A_1046 = tpu.memref_slice %arg41[%dma_start3A_1042, %dma_start3A_1045] : memref<4x128xi32, #tpu.memory_space<vmem>> -> memref<1x128xi32, #tpu.memory_space<vmem>>
    %dma_start3A_1047 = tpu.memref_squeeze %dma_start3A_1046 : memref<1x128xi32, #tpu.memory_space<vmem>> -> memref<128xi32, #tpu.memory_space<vmem>>
    %dma_start3A_1048 = arith.constant 0 : i32
    %dma_start3A_1049 = tpu.memref_slice %arg18[%dma_start3A_1048] : memref<1000000xf32, #tpu.memory_space<hbm>> -> memref<1000000xf32, #tpu.memory_space<hbm>>
    tpu.enqueue_indirect_dma source(%dma_start3A_1049 : memref<1000000xf32, #tpu.memory_space<hbm>>) target(%dma_start3A_1044 : memref<128xf32, #tpu.memory_space<vmem>>) offsets(%dma_start3A_1047 : memref<128xi32, #tpu.memory_space<vmem>>) semaphore(%arg48 : memref<!tpu.dma_semaphore, #tpu.memory_space<semaphore_mem>>)
    %dma_start3A_1050 = arith.constant 3 : i32
    %dma_start3A_1051 = arith.constant 7552 : i32
    %dma_start3A_1052 = tpu.memref_slice %arg44[%dma_start3A_1051] : memref<8192xf32, #tpu.memory_space<vmem>> -> memref<128xf32, #tpu.memory_space<vmem>>
    %dma_start3A_1053 = arith.constant 0 : i32
    %dma_start3A_1054 = tpu.memref_slice %arg42[%dma_start3A_1050, %dma_start3A_1053] : memref<4x128xi32, #tpu.memory_space<vmem>> -> memref<1x128xi32, #tpu.memory_space<vmem>>
    %dma_start3A_1055 = tpu.memref_squeeze %dma_start3A_1054 : memref<1x128xi32, #tpu.memory_space<vmem>> -> memref<128xi32, #tpu.memory_space<vmem>>
    %dma_start3A_1056 = arith.constant 0 : i32
    %dma_start3A_1057 = tpu.memref_slice %arg34[%dma_start3A_1056] : memref<1000000xf32, #tpu.memory_space<hbm>> -> memref<1000000xf32, #tpu.memory_space<hbm>>
    tpu.enqueue_indirect_dma source(%dma_start3A_1057 : memref<1000000xf32, #tpu.memory_space<hbm>>) target(%dma_start3A_1052 : memref<128xf32, #tpu.memory_space<vmem>>) offsets(%dma_start3A_1055 : memref<128xi32, #tpu.memory_space<vmem>>) semaphore(%arg48 : memref<!tpu.dma_semaphore, #tpu.memory_space<semaphore_mem>>)
    %dma_start3A_1058 = arith.constant 3 : i32
    %dma_start3A_1059 = arith.constant 8064 : i32
    %dma_start3A_1060 = tpu.memref_slice %arg43[%dma_start3A_1059] : memref<8192xf32, #tpu.memory_space<vmem>> -> memref<128xf32, #tpu.memory_space<vmem>>
    %dma_start3A_1061 = arith.constant 0 : i32
    %dma_start3A_1062 = tpu.memref_slice %arg41[%dma_start3A_1058, %dma_start3A_1061] : memref<4x128xi32, #tpu.memory_space<vmem>> -> memref<1x128xi32, #tpu.memory_space<vmem>>
    %dma_start3A_1063 = tpu.memref_squeeze %dma_start3A_1062 : memref<1x128xi32, #tpu.memory_space<vmem>> -> memref<128xi32, #tpu.memory_space<vmem>>
    %dma_start3A_1064 = arith.constant 0 : i32
    %dma_start3A_1065 = tpu.memref_slice %arg19[%dma_start3A_1064] : memref<1000000xf32, #tpu.memory_space<hbm>> -> memref<1000000xf32, #tpu.memory_space<hbm>>
    tpu.enqueue_indirect_dma source(%dma_start3A_1065 : memref<1000000xf32, #tpu.memory_space<hbm>>) target(%dma_start3A_1060 : memref<128xf32, #tpu.memory_space<vmem>>) offsets(%dma_start3A_1063 : memref<128xi32, #tpu.memory_space<vmem>>) semaphore(%arg48 : memref<!tpu.dma_semaphore, #tpu.memory_space<semaphore_mem>>)
    %dma_start3A_1066 = arith.constant 3 : i32
    %dma_start3A_1067 = arith.constant 8064 : i32
    %dma_start3A_1068 = tpu.memref_slice %arg44[%dma_start3A_1067] : memref<8192xf32, #tpu.memory_space<vmem>> -> memref<128xf32, #tpu.memory_space<vmem>>
    %dma_start3A_1069 = arith.constant 0 : i32
    %dma_start3A_1070 = tpu.memref_slice %arg42[%dma_start3A_1066, %dma_start3A_1069] : memref<4x128xi32, #tpu.memory_space<vmem>> -> memref<1x128xi32, #tpu.memory_space<vmem>>
    %dma_start3A_1071 = tpu.memref_squeeze %dma_start3A_1070 : memref<1x128xi32, #tpu.memory_space<vmem>> -> memref<128xi32, #tpu.memory_space<vmem>>
    %dma_start3A_1072 = arith.constant 0 : i32
    %dma_start3A_1073 = tpu.memref_slice %arg35[%dma_start3A_1072] : memref<1000000xf32, #tpu.memory_space<hbm>> -> memref<1000000xf32, #tpu.memory_space<hbm>>
    tpu.enqueue_indirect_dma source(%dma_start3A_1073 : memref<1000000xf32, #tpu.memory_space<hbm>>) target(%dma_start3A_1068 : memref<128xf32, #tpu.memory_space<vmem>>) offsets(%dma_start3A_1071 : memref<128xi32, #tpu.memory_space<vmem>>) semaphore(%arg48 : memref<!tpu.dma_semaphore, #tpu.memory_space<semaphore_mem>>)
    %dma_start3A_1074 = arith.constant 3 : i32
    %dma_start3A_1075 = arith.constant 384 : i32
    %dma_start3A_1076 = tpu.memref_slice %arg45[%dma_start3A_1075] : memref<512xf32, #tpu.memory_space<vmem>> -> memref<128xf32, #tpu.memory_space<vmem>>
    %dma_start3A_1077 = arith.constant 0 : i32
    %dma_start3A_1078 = tpu.memref_slice %arg41[%dma_start3A_1074, %dma_start3A_1077] : memref<4x128xi32, #tpu.memory_space<vmem>> -> memref<1x128xi32, #tpu.memory_space<vmem>>
    %dma_start3A_1079 = tpu.memref_squeeze %dma_start3A_1078 : memref<1x128xi32, #tpu.memory_space<vmem>> -> memref<128xi32, #tpu.memory_space<vmem>>
    %dma_start3A_1080 = arith.constant 0 : i32
    %dma_start3A_1081 = tpu.memref_slice %arg36[%dma_start3A_1080] : memref<1000000xf32, #tpu.memory_space<hbm>> -> memref<1000000xf32, #tpu.memory_space<hbm>>
    tpu.enqueue_indirect_dma source(%dma_start3A_1081 : memref<1000000xf32, #tpu.memory_space<hbm>>) target(%dma_start3A_1076 : memref<128xf32, #tpu.memory_space<vmem>>) offsets(%dma_start3A_1079 : memref<128xi32, #tpu.memory_space<vmem>>) semaphore(%arg49 : memref<!tpu.dma_semaphore, #tpu.memory_space<semaphore_mem>>)
    %dma_start3A_1082 = arith.constant 3 : i32
    %dma_start3A_1083 = arith.constant 384 : i32
    %dma_start3A_1084 = tpu.memref_slice %arg46[%dma_start3A_1083] : memref<512xf32, #tpu.memory_space<vmem>> -> memref<128xf32, #tpu.memory_space<vmem>>
    %dma_start3A_1085 = arith.constant 0 : i32
    %dma_start3A_1086 = tpu.memref_slice %arg42[%dma_start3A_1082, %dma_start3A_1085] : memref<4x128xi32, #tpu.memory_space<vmem>> -> memref<1x128xi32, #tpu.memory_space<vmem>>
    %dma_start3A_1087 = tpu.memref_squeeze %dma_start3A_1086 : memref<1x128xi32, #tpu.memory_space<vmem>> -> memref<128xi32, #tpu.memory_space<vmem>>
    %dma_start3A_1088 = arith.constant 0 : i32
    %dma_start3A_1089 = tpu.memref_slice %arg37[%dma_start3A_1088] : memref<1000000xf32, #tpu.memory_space<hbm>> -> memref<1000000xf32, #tpu.memory_space<hbm>>
    tpu.enqueue_indirect_dma source(%dma_start3A_1089 : memref<1000000xf32, #tpu.memory_space<hbm>>) target(%dma_start3A_1084 : memref<128xf32, #tpu.memory_space<vmem>>) offsets(%dma_start3A_1087 : memref<128xi32, #tpu.memory_space<vmem>>) semaphore(%arg49 : memref<!tpu.dma_semaphore, #tpu.memory_space<semaphore_mem>>)
    %dma_wait3A = arith.constant 0 : i32
    %dma_wait3A_1090 = arith.constant 0 : i32
    %dma_wait3A_1091 = tpu.memref_slice %arg43[%dma_wait3A_1090] : memref<8192xf32, #tpu.memory_space<vmem>> -> memref<128xf32, #tpu.memory_space<vmem>>
    %dma_wait3A_1092 = arith.constant 0 : i32
    %dma_wait3A_1093 = tpu.memref_slice %arg41[%dma_wait3A, %dma_wait3A_1092] : memref<4x128xi32, #tpu.memory_space<vmem>> -> memref<1x128xi32, #tpu.memory_space<vmem>>
    %dma_wait3A_1094 = tpu.memref_squeeze %dma_wait3A_1093 : memref<1x128xi32, #tpu.memory_space<vmem>> -> memref<128xi32, #tpu.memory_space<vmem>>
    %dma_wait3A_1095 = arith.constant 0 : i32
    %dma_wait3A_1096 = tpu.memref_slice %arg4[%dma_wait3A_1095] : memref<1000000xf32, #tpu.memory_space<hbm>> -> memref<1000000xf32, #tpu.memory_space<hbm>>
    tpu.wait_indirect_dma semaphore(%arg48 : memref<!tpu.dma_semaphore, #tpu.memory_space<semaphore_mem>>) src(%dma_wait3A_1096 : memref<1000000xf32, #tpu.memory_space<hbm>>) dst(%dma_wait3A_1091 : memref<128xf32, #tpu.memory_space<vmem>>)
    %dma_wait3A_1097 = arith.constant 0 : i32
    %dma_wait3A_1098 = arith.constant 0 : i32
    %dma_wait3A_1099 = tpu.memref_slice %arg44[%dma_wait3A_1098] : memref<8192xf32, #tpu.memory_space<vmem>> -> memref<128xf32, #tpu.memory_space<vmem>>
    %dma_wait3A_1100 = arith.constant 0 : i32
    %dma_wait3A_1101 = tpu.memref_slice %arg42[%dma_wait3A_1097, %dma_wait3A_1100] : memref<4x128xi32, #tpu.memory_space<vmem>> -> memref<1x128xi32, #tpu.memory_space<vmem>>
    %dma_wait3A_1102 = tpu.memref_squeeze %dma_wait3A_1101 : memref<1x128xi32, #tpu.memory_space<vmem>> -> memref<128xi32, #tpu.memory_space<vmem>>
    %dma_wait3A_1103 = arith.constant 0 : i32
    %dma_wait3A_1104 = tpu.memref_slice %arg20[%dma_wait3A_1103] : memref<1000000xf32, #tpu.memory_space<hbm>> -> memref<1000000xf32, #tpu.memory_space<hbm>>
    tpu.wait_indirect_dma semaphore(%arg48 : memref<!tpu.dma_semaphore, #tpu.memory_space<semaphore_mem>>) src(%dma_wait3A_1104 : memref<1000000xf32, #tpu.memory_space<hbm>>) dst(%dma_wait3A_1099 : memref<128xf32, #tpu.memory_space<vmem>>)
    %dma_wait3A_1105 = arith.constant 0 : i32
    %dma_wait3A_1106 = arith.constant 512 : i32
    %dma_wait3A_1107 = tpu.memref_slice %arg43[%dma_wait3A_1106] : memref<8192xf32, #tpu.memory_space<vmem>> -> memref<128xf32, #tpu.memory_space<vmem>>
    %dma_wait3A_1108 = arith.constant 0 : i32
    %dma_wait3A_1109 = tpu.memref_slice %arg41[%dma_wait3A_1105, %dma_wait3A_1108] : memref<4x128xi32, #tpu.memory_space<vmem>> -> memref<1x128xi32, #tpu.memory_space<vmem>>
    %dma_wait3A_1110 = tpu.memref_squeeze %dma_wait3A_1109 : memref<1x128xi32, #tpu.memory_space<vmem>> -> memref<128xi32, #tpu.memory_space<vmem>>
    %dma_wait3A_1111 = arith.constant 0 : i32
    %dma_wait3A_1112 = tpu.memref_slice %arg5[%dma_wait3A_1111] : memref<1000000xf32, #tpu.memory_space<hbm>> -> memref<1000000xf32, #tpu.memory_space<hbm>>
    tpu.wait_indirect_dma semaphore(%arg48 : memref<!tpu.dma_semaphore, #tpu.memory_space<semaphore_mem>>) src(%dma_wait3A_1112 : memref<1000000xf32, #tpu.memory_space<hbm>>) dst(%dma_wait3A_1107 : memref<128xf32, #tpu.memory_space<vmem>>)
    %dma_wait3A_1113 = arith.constant 0 : i32
    %dma_wait3A_1114 = arith.constant 512 : i32
    %dma_wait3A_1115 = tpu.memref_slice %arg44[%dma_wait3A_1114] : memref<8192xf32, #tpu.memory_space<vmem>> -> memref<128xf32, #tpu.memory_space<vmem>>
    %dma_wait3A_1116 = arith.constant 0 : i32
    %dma_wait3A_1117 = tpu.memref_slice %arg42[%dma_wait3A_1113, %dma_wait3A_1116] : memref<4x128xi32, #tpu.memory_space<vmem>> -> memref<1x128xi32, #tpu.memory_space<vmem>>
    %dma_wait3A_1118 = tpu.memref_squeeze %dma_wait3A_1117 : memref<1x128xi32, #tpu.memory_space<vmem>> -> memref<128xi32, #tpu.memory_space<vmem>>
    %dma_wait3A_1119 = arith.constant 0 : i32
    %dma_wait3A_1120 = tpu.memref_slice %arg21[%dma_wait3A_1119] : memref<1000000xf32, #tpu.memory_space<hbm>> -> memref<1000000xf32, #tpu.memory_space<hbm>>
    tpu.wait_indirect_dma semaphore(%arg48 : memref<!tpu.dma_semaphore, #tpu.memory_space<semaphore_mem>>) src(%dma_wait3A_1120 : memref<1000000xf32, #tpu.memory_space<hbm>>) dst(%dma_wait3A_1115 : memref<128xf32, #tpu.memory_space<vmem>>)
    %dma_wait3A_1121 = arith.constant 0 : i32
    %dma_wait3A_1122 = arith.constant 1024 : i32
    %dma_wait3A_1123 = tpu.memref_slice %arg43[%dma_wait3A_1122] : memref<8192xf32, #tpu.memory_space<vmem>> -> memref<128xf32, #tpu.memory_space<vmem>>
    %dma_wait3A_1124 = arith.constant 0 : i32
    %dma_wait3A_1125 = tpu.memref_slice %arg41[%dma_wait3A_1121, %dma_wait3A_1124] : memref<4x128xi32, #tpu.memory_space<vmem>> -> memref<1x128xi32, #tpu.memory_space<vmem>>
    %dma_wait3A_1126 = tpu.memref_squeeze %dma_wait3A_1125 : memref<1x128xi32, #tpu.memory_space<vmem>> -> memref<128xi32, #tpu.memory_space<vmem>>
    %dma_wait3A_1127 = arith.constant 0 : i32
    %dma_wait3A_1128 = tpu.memref_slice %arg6[%dma_wait3A_1127] : memref<1000000xf32, #tpu.memory_space<hbm>> -> memref<1000000xf32, #tpu.memory_space<hbm>>
    tpu.wait_indirect_dma semaphore(%arg48 : memref<!tpu.dma_semaphore, #tpu.memory_space<semaphore_mem>>) src(%dma_wait3A_1128 : memref<1000000xf32, #tpu.memory_space<hbm>>) dst(%dma_wait3A_1123 : memref<128xf32, #tpu.memory_space<vmem>>)
    %dma_wait3A_1129 = arith.constant 0 : i32
    %dma_wait3A_1130 = arith.constant 1024 : i32
    %dma_wait3A_1131 = tpu.memref_slice %arg44[%dma_wait3A_1130] : memref<8192xf32, #tpu.memory_space<vmem>> -> memref<128xf32, #tpu.memory_space<vmem>>
    %dma_wait3A_1132 = arith.constant 0 : i32
    %dma_wait3A_1133 = tpu.memref_slice %arg42[%dma_wait3A_1129, %dma_wait3A_1132] : memref<4x128xi32, #tpu.memory_space<vmem>> -> memref<1x128xi32, #tpu.memory_space<vmem>>
    %dma_wait3A_1134 = tpu.memref_squeeze %dma_wait3A_1133 : memref<1x128xi32, #tpu.memory_space<vmem>> -> memref<128xi32, #tpu.memory_space<vmem>>
    %dma_wait3A_1135 = arith.constant 0 : i32
    %dma_wait3A_1136 = tpu.memref_slice %arg22[%dma_wait3A_1135] : memref<1000000xf32, #tpu.memory_space<hbm>> -> memref<1000000xf32, #tpu.memory_space<hbm>>
    tpu.wait_indirect_dma semaphore(%arg48 : memref<!tpu.dma_semaphore, #tpu.memory_space<semaphore_mem>>) src(%dma_wait3A_1136 : memref<1000000xf32, #tpu.memory_space<hbm>>) dst(%dma_wait3A_1131 : memref<128xf32, #tpu.memory_space<vmem>>)
    %dma_wait3A_1137 = arith.constant 0 : i32
    %dma_wait3A_1138 = arith.constant 1536 : i32
    %dma_wait3A_1139 = tpu.memref_slice %arg43[%dma_wait3A_1138] : memref<8192xf32, #tpu.memory_space<vmem>> -> memref<128xf32, #tpu.memory_space<vmem>>
    %dma_wait3A_1140 = arith.constant 0 : i32
    %dma_wait3A_1141 = tpu.memref_slice %arg41[%dma_wait3A_1137, %dma_wait3A_1140] : memref<4x128xi32, #tpu.memory_space<vmem>> -> memref<1x128xi32, #tpu.memory_space<vmem>>
    %dma_wait3A_1142 = tpu.memref_squeeze %dma_wait3A_1141 : memref<1x128xi32, #tpu.memory_space<vmem>> -> memref<128xi32, #tpu.memory_space<vmem>>
    %dma_wait3A_1143 = arith.constant 0 : i32
    %dma_wait3A_1144 = tpu.memref_slice %arg7[%dma_wait3A_1143] : memref<1000000xf32, #tpu.memory_space<hbm>> -> memref<1000000xf32, #tpu.memory_space<hbm>>
    tpu.wait_indirect_dma semaphore(%arg48 : memref<!tpu.dma_semaphore, #tpu.memory_space<semaphore_mem>>) src(%dma_wait3A_1144 : memref<1000000xf32, #tpu.memory_space<hbm>>) dst(%dma_wait3A_1139 : memref<128xf32, #tpu.memory_space<vmem>>)
    %dma_wait3A_1145 = arith.constant 0 : i32
    %dma_wait3A_1146 = arith.constant 1536 : i32
    %dma_wait3A_1147 = tpu.memref_slice %arg44[%dma_wait3A_1146] : memref<8192xf32, #tpu.memory_space<vmem>> -> memref<128xf32, #tpu.memory_space<vmem>>
    %dma_wait3A_1148 = arith.constant 0 : i32
    %dma_wait3A_1149 = tpu.memref_slice %arg42[%dma_wait3A_1145, %dma_wait3A_1148] : memref<4x128xi32, #tpu.memory_space<vmem>> -> memref<1x128xi32, #tpu.memory_space<vmem>>
    %dma_wait3A_1150 = tpu.memref_squeeze %dma_wait3A_1149 : memref<1x128xi32, #tpu.memory_space<vmem>> -> memref<128xi32, #tpu.memory_space<vmem>>
    %dma_wait3A_1151 = arith.constant 0 : i32
    %dma_wait3A_1152 = tpu.memref_slice %arg23[%dma_wait3A_1151] : memref<1000000xf32, #tpu.memory_space<hbm>> -> memref<1000000xf32, #tpu.memory_space<hbm>>
    tpu.wait_indirect_dma semaphore(%arg48 : memref<!tpu.dma_semaphore, #tpu.memory_space<semaphore_mem>>) src(%dma_wait3A_1152 : memref<1000000xf32, #tpu.memory_space<hbm>>) dst(%dma_wait3A_1147 : memref<128xf32, #tpu.memory_space<vmem>>)
    %dma_wait3A_1153 = arith.constant 0 : i32
    %dma_wait3A_1154 = arith.constant 2048 : i32
    %dma_wait3A_1155 = tpu.memref_slice %arg43[%dma_wait3A_1154] : memref<8192xf32, #tpu.memory_space<vmem>> -> memref<128xf32, #tpu.memory_space<vmem>>
    %dma_wait3A_1156 = arith.constant 0 : i32
    %dma_wait3A_1157 = tpu.memref_slice %arg41[%dma_wait3A_1153, %dma_wait3A_1156] : memref<4x128xi32, #tpu.memory_space<vmem>> -> memref<1x128xi32, #tpu.memory_space<vmem>>
    %dma_wait3A_1158 = tpu.memref_squeeze %dma_wait3A_1157 : memref<1x128xi32, #tpu.memory_space<vmem>> -> memref<128xi32, #tpu.memory_space<vmem>>
    %dma_wait3A_1159 = arith.constant 0 : i32
    %dma_wait3A_1160 = tpu.memref_slice %arg8[%dma_wait3A_1159] : memref<1000000xf32, #tpu.memory_space<hbm>> -> memref<1000000xf32, #tpu.memory_space<hbm>>
    tpu.wait_indirect_dma semaphore(%arg48 : memref<!tpu.dma_semaphore, #tpu.memory_space<semaphore_mem>>) src(%dma_wait3A_1160 : memref<1000000xf32, #tpu.memory_space<hbm>>) dst(%dma_wait3A_1155 : memref<128xf32, #tpu.memory_space<vmem>>)
    %dma_wait3A_1161 = arith.constant 0 : i32
    %dma_wait3A_1162 = arith.constant 2048 : i32
    %dma_wait3A_1163 = tpu.memref_slice %arg44[%dma_wait3A_1162] : memref<8192xf32, #tpu.memory_space<vmem>> -> memref<128xf32, #tpu.memory_space<vmem>>
    %dma_wait3A_1164 = arith.constant 0 : i32
    %dma_wait3A_1165 = tpu.memref_slice %arg42[%dma_wait3A_1161, %dma_wait3A_1164] : memref<4x128xi32, #tpu.memory_space<vmem>> -> memref<1x128xi32, #tpu.memory_space<vmem>>
    %dma_wait3A_1166 = tpu.memref_squeeze %dma_wait3A_1165 : memref<1x128xi32, #tpu.memory_space<vmem>> -> memref<128xi32, #tpu.memory_space<vmem>>
    %dma_wait3A_1167 = arith.constant 0 : i32
    %dma_wait3A_1168 = tpu.memref_slice %arg24[%dma_wait3A_1167] : memref<1000000xf32, #tpu.memory_space<hbm>> -> memref<1000000xf32, #tpu.memory_space<hbm>>
    tpu.wait_indirect_dma semaphore(%arg48 : memref<!tpu.dma_semaphore, #tpu.memory_space<semaphore_mem>>) src(%dma_wait3A_1168 : memref<1000000xf32, #tpu.memory_space<hbm>>) dst(%dma_wait3A_1163 : memref<128xf32, #tpu.memory_space<vmem>>)
    %dma_wait3A_1169 = arith.constant 0 : i32
    %dma_wait3A_1170 = arith.constant 2560 : i32
    %dma_wait3A_1171 = tpu.memref_slice %arg43[%dma_wait3A_1170] : memref<8192xf32, #tpu.memory_space<vmem>> -> memref<128xf32, #tpu.memory_space<vmem>>
    %dma_wait3A_1172 = arith.constant 0 : i32
    %dma_wait3A_1173 = tpu.memref_slice %arg41[%dma_wait3A_1169, %dma_wait3A_1172] : memref<4x128xi32, #tpu.memory_space<vmem>> -> memref<1x128xi32, #tpu.memory_space<vmem>>
    %dma_wait3A_1174 = tpu.memref_squeeze %dma_wait3A_1173 : memref<1x128xi32, #tpu.memory_space<vmem>> -> memref<128xi32, #tpu.memory_space<vmem>>
    %dma_wait3A_1175 = arith.constant 0 : i32
    %dma_wait3A_1176 = tpu.memref_slice %arg9[%dma_wait3A_1175] : memref<1000000xf32, #tpu.memory_space<hbm>> -> memref<1000000xf32, #tpu.memory_space<hbm>>
    tpu.wait_indirect_dma semaphore(%arg48 : memref<!tpu.dma_semaphore, #tpu.memory_space<semaphore_mem>>) src(%dma_wait3A_1176 : memref<1000000xf32, #tpu.memory_space<hbm>>) dst(%dma_wait3A_1171 : memref<128xf32, #tpu.memory_space<vmem>>)
    %dma_wait3A_1177 = arith.constant 0 : i32
    %dma_wait3A_1178 = arith.constant 2560 : i32
    %dma_wait3A_1179 = tpu.memref_slice %arg44[%dma_wait3A_1178] : memref<8192xf32, #tpu.memory_space<vmem>> -> memref<128xf32, #tpu.memory_space<vmem>>
    %dma_wait3A_1180 = arith.constant 0 : i32
    %dma_wait3A_1181 = tpu.memref_slice %arg42[%dma_wait3A_1177, %dma_wait3A_1180] : memref<4x128xi32, #tpu.memory_space<vmem>> -> memref<1x128xi32, #tpu.memory_space<vmem>>
    %dma_wait3A_1182 = tpu.memref_squeeze %dma_wait3A_1181 : memref<1x128xi32, #tpu.memory_space<vmem>> -> memref<128xi32, #tpu.memory_space<vmem>>
    %dma_wait3A_1183 = arith.constant 0 : i32
    %dma_wait3A_1184 = tpu.memref_slice %arg25[%dma_wait3A_1183] : memref<1000000xf32, #tpu.memory_space<hbm>> -> memref<1000000xf32, #tpu.memory_space<hbm>>
    tpu.wait_indirect_dma semaphore(%arg48 : memref<!tpu.dma_semaphore, #tpu.memory_space<semaphore_mem>>) src(%dma_wait3A_1184 : memref<1000000xf32, #tpu.memory_space<hbm>>) dst(%dma_wait3A_1179 : memref<128xf32, #tpu.memory_space<vmem>>)
    %dma_wait3A_1185 = arith.constant 0 : i32
    %dma_wait3A_1186 = arith.constant 3072 : i32
    %dma_wait3A_1187 = tpu.memref_slice %arg43[%dma_wait3A_1186] : memref<8192xf32, #tpu.memory_space<vmem>> -> memref<128xf32, #tpu.memory_space<vmem>>
    %dma_wait3A_1188 = arith.constant 0 : i32
    %dma_wait3A_1189 = tpu.memref_slice %arg41[%dma_wait3A_1185, %dma_wait3A_1188] : memref<4x128xi32, #tpu.memory_space<vmem>> -> memref<1x128xi32, #tpu.memory_space<vmem>>
    %dma_wait3A_1190 = tpu.memref_squeeze %dma_wait3A_1189 : memref<1x128xi32, #tpu.memory_space<vmem>> -> memref<128xi32, #tpu.memory_space<vmem>>
    %dma_wait3A_1191 = arith.constant 0 : i32
    %dma_wait3A_1192 = tpu.memref_slice %arg10[%dma_wait3A_1191] : memref<1000000xf32, #tpu.memory_space<hbm>> -> memref<1000000xf32, #tpu.memory_space<hbm>>
    tpu.wait_indirect_dma semaphore(%arg48 : memref<!tpu.dma_semaphore, #tpu.memory_space<semaphore_mem>>) src(%dma_wait3A_1192 : memref<1000000xf32, #tpu.memory_space<hbm>>) dst(%dma_wait3A_1187 : memref<128xf32, #tpu.memory_space<vmem>>)
    %dma_wait3A_1193 = arith.constant 0 : i32
    %dma_wait3A_1194 = arith.constant 3072 : i32
    %dma_wait3A_1195 = tpu.memref_slice %arg44[%dma_wait3A_1194] : memref<8192xf32, #tpu.memory_space<vmem>> -> memref<128xf32, #tpu.memory_space<vmem>>
    %dma_wait3A_1196 = arith.constant 0 : i32
    %dma_wait3A_1197 = tpu.memref_slice %arg42[%dma_wait3A_1193, %dma_wait3A_1196] : memref<4x128xi32, #tpu.memory_space<vmem>> -> memref<1x128xi32, #tpu.memory_space<vmem>>
    %dma_wait3A_1198 = tpu.memref_squeeze %dma_wait3A_1197 : memref<1x128xi32, #tpu.memory_space<vmem>> -> memref<128xi32, #tpu.memory_space<vmem>>
    %dma_wait3A_1199 = arith.constant 0 : i32
    %dma_wait3A_1200 = tpu.memref_slice %arg26[%dma_wait3A_1199] : memref<1000000xf32, #tpu.memory_space<hbm>> -> memref<1000000xf32, #tpu.memory_space<hbm>>
    tpu.wait_indirect_dma semaphore(%arg48 : memref<!tpu.dma_semaphore, #tpu.memory_space<semaphore_mem>>) src(%dma_wait3A_1200 : memref<1000000xf32, #tpu.memory_space<hbm>>) dst(%dma_wait3A_1195 : memref<128xf32, #tpu.memory_space<vmem>>)
    %dma_wait3A_1201 = arith.constant 0 : i32
    %dma_wait3A_1202 = arith.constant 3584 : i32
    %dma_wait3A_1203 = tpu.memref_slice %arg43[%dma_wait3A_1202] : memref<8192xf32, #tpu.memory_space<vmem>> -> memref<128xf32, #tpu.memory_space<vmem>>
    %dma_wait3A_1204 = arith.constant 0 : i32
    %dma_wait3A_1205 = tpu.memref_slice %arg41[%dma_wait3A_1201, %dma_wait3A_1204] : memref<4x128xi32, #tpu.memory_space<vmem>> -> memref<1x128xi32, #tpu.memory_space<vmem>>
    %dma_wait3A_1206 = tpu.memref_squeeze %dma_wait3A_1205 : memref<1x128xi32, #tpu.memory_space<vmem>> -> memref<128xi32, #tpu.memory_space<vmem>>
    %dma_wait3A_1207 = arith.constant 0 : i32
    %dma_wait3A_1208 = tpu.memref_slice %arg11[%dma_wait3A_1207] : memref<1000000xf32, #tpu.memory_space<hbm>> -> memref<1000000xf32, #tpu.memory_space<hbm>>
    tpu.wait_indirect_dma semaphore(%arg48 : memref<!tpu.dma_semaphore, #tpu.memory_space<semaphore_mem>>) src(%dma_wait3A_1208 : memref<1000000xf32, #tpu.memory_space<hbm>>) dst(%dma_wait3A_1203 : memref<128xf32, #tpu.memory_space<vmem>>)
    %dma_wait3A_1209 = arith.constant 0 : i32
    %dma_wait3A_1210 = arith.constant 3584 : i32
    %dma_wait3A_1211 = tpu.memref_slice %arg44[%dma_wait3A_1210] : memref<8192xf32, #tpu.memory_space<vmem>> -> memref<128xf32, #tpu.memory_space<vmem>>
    %dma_wait3A_1212 = arith.constant 0 : i32
    %dma_wait3A_1213 = tpu.memref_slice %arg42[%dma_wait3A_1209, %dma_wait3A_1212] : memref<4x128xi32, #tpu.memory_space<vmem>> -> memref<1x128xi32, #tpu.memory_space<vmem>>
    %dma_wait3A_1214 = tpu.memref_squeeze %dma_wait3A_1213 : memref<1x128xi32, #tpu.memory_space<vmem>> -> memref<128xi32, #tpu.memory_space<vmem>>
    %dma_wait3A_1215 = arith.constant 0 : i32
    %dma_wait3A_1216 = tpu.memref_slice %arg27[%dma_wait3A_1215] : memref<1000000xf32, #tpu.memory_space<hbm>> -> memref<1000000xf32, #tpu.memory_space<hbm>>
    tpu.wait_indirect_dma semaphore(%arg48 : memref<!tpu.dma_semaphore, #tpu.memory_space<semaphore_mem>>) src(%dma_wait3A_1216 : memref<1000000xf32, #tpu.memory_space<hbm>>) dst(%dma_wait3A_1211 : memref<128xf32, #tpu.memory_space<vmem>>)
    %dma_wait3A_1217 = arith.constant 0 : i32
    %dma_wait3A_1218 = arith.constant 4096 : i32
    %dma_wait3A_1219 = tpu.memref_slice %arg43[%dma_wait3A_1218] : memref<8192xf32, #tpu.memory_space<vmem>> -> memref<128xf32, #tpu.memory_space<vmem>>
    %dma_wait3A_1220 = arith.constant 0 : i32
    %dma_wait3A_1221 = tpu.memref_slice %arg41[%dma_wait3A_1217, %dma_wait3A_1220] : memref<4x128xi32, #tpu.memory_space<vmem>> -> memref<1x128xi32, #tpu.memory_space<vmem>>
    %dma_wait3A_1222 = tpu.memref_squeeze %dma_wait3A_1221 : memref<1x128xi32, #tpu.memory_space<vmem>> -> memref<128xi32, #tpu.memory_space<vmem>>
    %dma_wait3A_1223 = arith.constant 0 : i32
    %dma_wait3A_1224 = tpu.memref_slice %arg12[%dma_wait3A_1223] : memref<1000000xf32, #tpu.memory_space<hbm>> -> memref<1000000xf32, #tpu.memory_space<hbm>>
    tpu.wait_indirect_dma semaphore(%arg48 : memref<!tpu.dma_semaphore, #tpu.memory_space<semaphore_mem>>) src(%dma_wait3A_1224 : memref<1000000xf32, #tpu.memory_space<hbm>>) dst(%dma_wait3A_1219 : memref<128xf32, #tpu.memory_space<vmem>>)
    %dma_wait3A_1225 = arith.constant 0 : i32
    %dma_wait3A_1226 = arith.constant 4096 : i32
    %dma_wait3A_1227 = tpu.memref_slice %arg44[%dma_wait3A_1226] : memref<8192xf32, #tpu.memory_space<vmem>> -> memref<128xf32, #tpu.memory_space<vmem>>
    %dma_wait3A_1228 = arith.constant 0 : i32
    %dma_wait3A_1229 = tpu.memref_slice %arg42[%dma_wait3A_1225, %dma_wait3A_1228] : memref<4x128xi32, #tpu.memory_space<vmem>> -> memref<1x128xi32, #tpu.memory_space<vmem>>
    %dma_wait3A_1230 = tpu.memref_squeeze %dma_wait3A_1229 : memref<1x128xi32, #tpu.memory_space<vmem>> -> memref<128xi32, #tpu.memory_space<vmem>>
    %dma_wait3A_1231 = arith.constant 0 : i32
    %dma_wait3A_1232 = tpu.memref_slice %arg28[%dma_wait3A_1231] : memref<1000000xf32, #tpu.memory_space<hbm>> -> memref<1000000xf32, #tpu.memory_space<hbm>>
    tpu.wait_indirect_dma semaphore(%arg48 : memref<!tpu.dma_semaphore, #tpu.memory_space<semaphore_mem>>) src(%dma_wait3A_1232 : memref<1000000xf32, #tpu.memory_space<hbm>>) dst(%dma_wait3A_1227 : memref<128xf32, #tpu.memory_space<vmem>>)
    %dma_wait3A_1233 = arith.constant 0 : i32
    %dma_wait3A_1234 = arith.constant 4608 : i32
    %dma_wait3A_1235 = tpu.memref_slice %arg43[%dma_wait3A_1234] : memref<8192xf32, #tpu.memory_space<vmem>> -> memref<128xf32, #tpu.memory_space<vmem>>
    %dma_wait3A_1236 = arith.constant 0 : i32
    %dma_wait3A_1237 = tpu.memref_slice %arg41[%dma_wait3A_1233, %dma_wait3A_1236] : memref<4x128xi32, #tpu.memory_space<vmem>> -> memref<1x128xi32, #tpu.memory_space<vmem>>
    %dma_wait3A_1238 = tpu.memref_squeeze %dma_wait3A_1237 : memref<1x128xi32, #tpu.memory_space<vmem>> -> memref<128xi32, #tpu.memory_space<vmem>>
    %dma_wait3A_1239 = arith.constant 0 : i32
    %dma_wait3A_1240 = tpu.memref_slice %arg13[%dma_wait3A_1239] : memref<1000000xf32, #tpu.memory_space<hbm>> -> memref<1000000xf32, #tpu.memory_space<hbm>>
    tpu.wait_indirect_dma semaphore(%arg48 : memref<!tpu.dma_semaphore, #tpu.memory_space<semaphore_mem>>) src(%dma_wait3A_1240 : memref<1000000xf32, #tpu.memory_space<hbm>>) dst(%dma_wait3A_1235 : memref<128xf32, #tpu.memory_space<vmem>>)
    %dma_wait3A_1241 = arith.constant 0 : i32
    %dma_wait3A_1242 = arith.constant 4608 : i32
    %dma_wait3A_1243 = tpu.memref_slice %arg44[%dma_wait3A_1242] : memref<8192xf32, #tpu.memory_space<vmem>> -> memref<128xf32, #tpu.memory_space<vmem>>
    %dma_wait3A_1244 = arith.constant 0 : i32
    %dma_wait3A_1245 = tpu.memref_slice %arg42[%dma_wait3A_1241, %dma_wait3A_1244] : memref<4x128xi32, #tpu.memory_space<vmem>> -> memref<1x128xi32, #tpu.memory_space<vmem>>
    %dma_wait3A_1246 = tpu.memref_squeeze %dma_wait3A_1245 : memref<1x128xi32, #tpu.memory_space<vmem>> -> memref<128xi32, #tpu.memory_space<vmem>>
    %dma_wait3A_1247 = arith.constant 0 : i32
    %dma_wait3A_1248 = tpu.memref_slice %arg29[%dma_wait3A_1247] : memref<1000000xf32, #tpu.memory_space<hbm>> -> memref<1000000xf32, #tpu.memory_space<hbm>>
    tpu.wait_indirect_dma semaphore(%arg48 : memref<!tpu.dma_semaphore, #tpu.memory_space<semaphore_mem>>) src(%dma_wait3A_1248 : memref<1000000xf32, #tpu.memory_space<hbm>>) dst(%dma_wait3A_1243 : memref<128xf32, #tpu.memory_space<vmem>>)
    %dma_wait3A_1249 = arith.constant 0 : i32
    %dma_wait3A_1250 = arith.constant 5120 : i32
    %dma_wait3A_1251 = tpu.memref_slice %arg43[%dma_wait3A_1250] : memref<8192xf32, #tpu.memory_space<vmem>> -> memref<128xf32, #tpu.memory_space<vmem>>
    %dma_wait3A_1252 = arith.constant 0 : i32
    %dma_wait3A_1253 = tpu.memref_slice %arg41[%dma_wait3A_1249, %dma_wait3A_1252] : memref<4x128xi32, #tpu.memory_space<vmem>> -> memref<1x128xi32, #tpu.memory_space<vmem>>
    %dma_wait3A_1254 = tpu.memref_squeeze %dma_wait3A_1253 : memref<1x128xi32, #tpu.memory_space<vmem>> -> memref<128xi32, #tpu.memory_space<vmem>>
    %dma_wait3A_1255 = arith.constant 0 : i32
    %dma_wait3A_1256 = tpu.memref_slice %arg14[%dma_wait3A_1255] : memref<1000000xf32, #tpu.memory_space<hbm>> -> memref<1000000xf32, #tpu.memory_space<hbm>>
    tpu.wait_indirect_dma semaphore(%arg48 : memref<!tpu.dma_semaphore, #tpu.memory_space<semaphore_mem>>) src(%dma_wait3A_1256 : memref<1000000xf32, #tpu.memory_space<hbm>>) dst(%dma_wait3A_1251 : memref<128xf32, #tpu.memory_space<vmem>>)
    %dma_wait3A_1257 = arith.constant 0 : i32
    %dma_wait3A_1258 = arith.constant 5120 : i32
    %dma_wait3A_1259 = tpu.memref_slice %arg44[%dma_wait3A_1258] : memref<8192xf32, #tpu.memory_space<vmem>> -> memref<128xf32, #tpu.memory_space<vmem>>
    %dma_wait3A_1260 = arith.constant 0 : i32
    %dma_wait3A_1261 = tpu.memref_slice %arg42[%dma_wait3A_1257, %dma_wait3A_1260] : memref<4x128xi32, #tpu.memory_space<vmem>> -> memref<1x128xi32, #tpu.memory_space<vmem>>
    %dma_wait3A_1262 = tpu.memref_squeeze %dma_wait3A_1261 : memref<1x128xi32, #tpu.memory_space<vmem>> -> memref<128xi32, #tpu.memory_space<vmem>>
    %dma_wait3A_1263 = arith.constant 0 : i32
    %dma_wait3A_1264 = tpu.memref_slice %arg30[%dma_wait3A_1263] : memref<1000000xf32, #tpu.memory_space<hbm>> -> memref<1000000xf32, #tpu.memory_space<hbm>>
    tpu.wait_indirect_dma semaphore(%arg48 : memref<!tpu.dma_semaphore, #tpu.memory_space<semaphore_mem>>) src(%dma_wait3A_1264 : memref<1000000xf32, #tpu.memory_space<hbm>>) dst(%dma_wait3A_1259 : memref<128xf32, #tpu.memory_space<vmem>>)
    %dma_wait3A_1265 = arith.constant 0 : i32
    %dma_wait3A_1266 = arith.constant 5632 : i32
    %dma_wait3A_1267 = tpu.memref_slice %arg43[%dma_wait3A_1266] : memref<8192xf32, #tpu.memory_space<vmem>> -> memref<128xf32, #tpu.memory_space<vmem>>
    %dma_wait3A_1268 = arith.constant 0 : i32
    %dma_wait3A_1269 = tpu.memref_slice %arg41[%dma_wait3A_1265, %dma_wait3A_1268] : memref<4x128xi32, #tpu.memory_space<vmem>> -> memref<1x128xi32, #tpu.memory_space<vmem>>
    %dma_wait3A_1270 = tpu.memref_squeeze %dma_wait3A_1269 : memref<1x128xi32, #tpu.memory_space<vmem>> -> memref<128xi32, #tpu.memory_space<vmem>>
    %dma_wait3A_1271 = arith.constant 0 : i32
    %dma_wait3A_1272 = tpu.memref_slice %arg15[%dma_wait3A_1271] : memref<1000000xf32, #tpu.memory_space<hbm>> -> memref<1000000xf32, #tpu.memory_space<hbm>>
    tpu.wait_indirect_dma semaphore(%arg48 : memref<!tpu.dma_semaphore, #tpu.memory_space<semaphore_mem>>) src(%dma_wait3A_1272 : memref<1000000xf32, #tpu.memory_space<hbm>>) dst(%dma_wait3A_1267 : memref<128xf32, #tpu.memory_space<vmem>>)
    %dma_wait3A_1273 = arith.constant 0 : i32
    %dma_wait3A_1274 = arith.constant 5632 : i32
    %dma_wait3A_1275 = tpu.memref_slice %arg44[%dma_wait3A_1274] : memref<8192xf32, #tpu.memory_space<vmem>> -> memref<128xf32, #tpu.memory_space<vmem>>
    %dma_wait3A_1276 = arith.constant 0 : i32
    %dma_wait3A_1277 = tpu.memref_slice %arg42[%dma_wait3A_1273, %dma_wait3A_1276] : memref<4x128xi32, #tpu.memory_space<vmem>> -> memref<1x128xi32, #tpu.memory_space<vmem>>
    %dma_wait3A_1278 = tpu.memref_squeeze %dma_wait3A_1277 : memref<1x128xi32, #tpu.memory_space<vmem>> -> memref<128xi32, #tpu.memory_space<vmem>>
    %dma_wait3A_1279 = arith.constant 0 : i32
    %dma_wait3A_1280 = tpu.memref_slice %arg31[%dma_wait3A_1279] : memref<1000000xf32, #tpu.memory_space<hbm>> -> memref<1000000xf32, #tpu.memory_space<hbm>>
    tpu.wait_indirect_dma semaphore(%arg48 : memref<!tpu.dma_semaphore, #tpu.memory_space<semaphore_mem>>) src(%dma_wait3A_1280 : memref<1000000xf32, #tpu.memory_space<hbm>>) dst(%dma_wait3A_1275 : memref<128xf32, #tpu.memory_space<vmem>>)
    %dma_wait3A_1281 = arith.constant 0 : i32
    %dma_wait3A_1282 = arith.constant 6144 : i32
    %dma_wait3A_1283 = tpu.memref_slice %arg43[%dma_wait3A_1282] : memref<8192xf32, #tpu.memory_space<vmem>> -> memref<128xf32, #tpu.memory_space<vmem>>
    %dma_wait3A_1284 = arith.constant 0 : i32
    %dma_wait3A_1285 = tpu.memref_slice %arg41[%dma_wait3A_1281, %dma_wait3A_1284] : memref<4x128xi32, #tpu.memory_space<vmem>> -> memref<1x128xi32, #tpu.memory_space<vmem>>
    %dma_wait3A_1286 = tpu.memref_squeeze %dma_wait3A_1285 : memref<1x128xi32, #tpu.memory_space<vmem>> -> memref<128xi32, #tpu.memory_space<vmem>>
    %dma_wait3A_1287 = arith.constant 0 : i32
    %dma_wait3A_1288 = tpu.memref_slice %arg16[%dma_wait3A_1287] : memref<1000000xf32, #tpu.memory_space<hbm>> -> memref<1000000xf32, #tpu.memory_space<hbm>>
    tpu.wait_indirect_dma semaphore(%arg48 : memref<!tpu.dma_semaphore, #tpu.memory_space<semaphore_mem>>) src(%dma_wait3A_1288 : memref<1000000xf32, #tpu.memory_space<hbm>>) dst(%dma_wait3A_1283 : memref<128xf32, #tpu.memory_space<vmem>>)
    %dma_wait3A_1289 = arith.constant 0 : i32
    %dma_wait3A_1290 = arith.constant 6144 : i32
    %dma_wait3A_1291 = tpu.memref_slice %arg44[%dma_wait3A_1290] : memref<8192xf32, #tpu.memory_space<vmem>> -> memref<128xf32, #tpu.memory_space<vmem>>
    %dma_wait3A_1292 = arith.constant 0 : i32
    %dma_wait3A_1293 = tpu.memref_slice %arg42[%dma_wait3A_1289, %dma_wait3A_1292] : memref<4x128xi32, #tpu.memory_space<vmem>> -> memref<1x128xi32, #tpu.memory_space<vmem>>
    %dma_wait3A_1294 = tpu.memref_squeeze %dma_wait3A_1293 : memref<1x128xi32, #tpu.memory_space<vmem>> -> memref<128xi32, #tpu.memory_space<vmem>>
    %dma_wait3A_1295 = arith.constant 0 : i32
    %dma_wait3A_1296 = tpu.memref_slice %arg32[%dma_wait3A_1295] : memref<1000000xf32, #tpu.memory_space<hbm>> -> memref<1000000xf32, #tpu.memory_space<hbm>>
    tpu.wait_indirect_dma semaphore(%arg48 : memref<!tpu.dma_semaphore, #tpu.memory_space<semaphore_mem>>) src(%dma_wait3A_1296 : memref<1000000xf32, #tpu.memory_space<hbm>>) dst(%dma_wait3A_1291 : memref<128xf32, #tpu.memory_space<vmem>>)
    %dma_wait3A_1297 = arith.constant 0 : i32
    %dma_wait3A_1298 = arith.constant 6656 : i32
    %dma_wait3A_1299 = tpu.memref_slice %arg43[%dma_wait3A_1298] : memref<8192xf32, #tpu.memory_space<vmem>> -> memref<128xf32, #tpu.memory_space<vmem>>
    %dma_wait3A_1300 = arith.constant 0 : i32
    %dma_wait3A_1301 = tpu.memref_slice %arg41[%dma_wait3A_1297, %dma_wait3A_1300] : memref<4x128xi32, #tpu.memory_space<vmem>> -> memref<1x128xi32, #tpu.memory_space<vmem>>
    %dma_wait3A_1302 = tpu.memref_squeeze %dma_wait3A_1301 : memref<1x128xi32, #tpu.memory_space<vmem>> -> memref<128xi32, #tpu.memory_space<vmem>>
    %dma_wait3A_1303 = arith.constant 0 : i32
    %dma_wait3A_1304 = tpu.memref_slice %arg17[%dma_wait3A_1303] : memref<1000000xf32, #tpu.memory_space<hbm>> -> memref<1000000xf32, #tpu.memory_space<hbm>>
    tpu.wait_indirect_dma semaphore(%arg48 : memref<!tpu.dma_semaphore, #tpu.memory_space<semaphore_mem>>) src(%dma_wait3A_1304 : memref<1000000xf32, #tpu.memory_space<hbm>>) dst(%dma_wait3A_1299 : memref<128xf32, #tpu.memory_space<vmem>>)
    %dma_wait3A_1305 = arith.constant 0 : i32
    %dma_wait3A_1306 = arith.constant 6656 : i32
    %dma_wait3A_1307 = tpu.memref_slice %arg44[%dma_wait3A_1306] : memref<8192xf32, #tpu.memory_space<vmem>> -> memref<128xf32, #tpu.memory_space<vmem>>
    %dma_wait3A_1308 = arith.constant 0 : i32
    %dma_wait3A_1309 = tpu.memref_slice %arg42[%dma_wait3A_1305, %dma_wait3A_1308] : memref<4x128xi32, #tpu.memory_space<vmem>> -> memref<1x128xi32, #tpu.memory_space<vmem>>
    %dma_wait3A_1310 = tpu.memref_squeeze %dma_wait3A_1309 : memref<1x128xi32, #tpu.memory_space<vmem>> -> memref<128xi32, #tpu.memory_space<vmem>>
    %dma_wait3A_1311 = arith.constant 0 : i32
    %dma_wait3A_1312 = tpu.memref_slice %arg33[%dma_wait3A_1311] : memref<1000000xf32, #tpu.memory_space<hbm>> -> memref<1000000xf32, #tpu.memory_space<hbm>>
    tpu.wait_indirect_dma semaphore(%arg48 : memref<!tpu.dma_semaphore, #tpu.memory_space<semaphore_mem>>) src(%dma_wait3A_1312 : memref<1000000xf32, #tpu.memory_space<hbm>>) dst(%dma_wait3A_1307 : memref<128xf32, #tpu.memory_space<vmem>>)
    %dma_wait3A_1313 = arith.constant 0 : i32
    %dma_wait3A_1314 = arith.constant 7168 : i32
    %dma_wait3A_1315 = tpu.memref_slice %arg43[%dma_wait3A_1314] : memref<8192xf32, #tpu.memory_space<vmem>> -> memref<128xf32, #tpu.memory_space<vmem>>
    %dma_wait3A_1316 = arith.constant 0 : i32
    %dma_wait3A_1317 = tpu.memref_slice %arg41[%dma_wait3A_1313, %dma_wait3A_1316] : memref<4x128xi32, #tpu.memory_space<vmem>> -> memref<1x128xi32, #tpu.memory_space<vmem>>
    %dma_wait3A_1318 = tpu.memref_squeeze %dma_wait3A_1317 : memref<1x128xi32, #tpu.memory_space<vmem>> -> memref<128xi32, #tpu.memory_space<vmem>>
    %dma_wait3A_1319 = arith.constant 0 : i32
    %dma_wait3A_1320 = tpu.memref_slice %arg18[%dma_wait3A_1319] : memref<1000000xf32, #tpu.memory_space<hbm>> -> memref<1000000xf32, #tpu.memory_space<hbm>>
    tpu.wait_indirect_dma semaphore(%arg48 : memref<!tpu.dma_semaphore, #tpu.memory_space<semaphore_mem>>) src(%dma_wait3A_1320 : memref<1000000xf32, #tpu.memory_space<hbm>>) dst(%dma_wait3A_1315 : memref<128xf32, #tpu.memory_space<vmem>>)
    %dma_wait3A_1321 = arith.constant 0 : i32
    %dma_wait3A_1322 = arith.constant 7168 : i32
    %dma_wait3A_1323 = tpu.memref_slice %arg44[%dma_wait3A_1322] : memref<8192xf32, #tpu.memory_space<vmem>> -> memref<128xf32, #tpu.memory_space<vmem>>
    %dma_wait3A_1324 = arith.constant 0 : i32
    %dma_wait3A_1325 = tpu.memref_slice %arg42[%dma_wait3A_1321, %dma_wait3A_1324] : memref<4x128xi32, #tpu.memory_space<vmem>> -> memref<1x128xi32, #tpu.memory_space<vmem>>
    %dma_wait3A_1326 = tpu.memref_squeeze %dma_wait3A_1325 : memref<1x128xi32, #tpu.memory_space<vmem>> -> memref<128xi32, #tpu.memory_space<vmem>>
    %dma_wait3A_1327 = arith.constant 0 : i32
    %dma_wait3A_1328 = tpu.memref_slice %arg34[%dma_wait3A_1327] : memref<1000000xf32, #tpu.memory_space<hbm>> -> memref<1000000xf32, #tpu.memory_space<hbm>>
    tpu.wait_indirect_dma semaphore(%arg48 : memref<!tpu.dma_semaphore, #tpu.memory_space<semaphore_mem>>) src(%dma_wait3A_1328 : memref<1000000xf32, #tpu.memory_space<hbm>>) dst(%dma_wait3A_1323 : memref<128xf32, #tpu.memory_space<vmem>>)
    %dma_wait3A_1329 = arith.constant 0 : i32
    %dma_wait3A_1330 = arith.constant 7680 : i32
    %dma_wait3A_1331 = tpu.memref_slice %arg43[%dma_wait3A_1330] : memref<8192xf32, #tpu.memory_space<vmem>> -> memref<128xf32, #tpu.memory_space<vmem>>
    %dma_wait3A_1332 = arith.constant 0 : i32
    %dma_wait3A_1333 = tpu.memref_slice %arg41[%dma_wait3A_1329, %dma_wait3A_1332] : memref<4x128xi32, #tpu.memory_space<vmem>> -> memref<1x128xi32, #tpu.memory_space<vmem>>
    %dma_wait3A_1334 = tpu.memref_squeeze %dma_wait3A_1333 : memref<1x128xi32, #tpu.memory_space<vmem>> -> memref<128xi32, #tpu.memory_space<vmem>>
    %dma_wait3A_1335 = arith.constant 0 : i32
    %dma_wait3A_1336 = tpu.memref_slice %arg19[%dma_wait3A_1335] : memref<1000000xf32, #tpu.memory_space<hbm>> -> memref<1000000xf32, #tpu.memory_space<hbm>>
    tpu.wait_indirect_dma semaphore(%arg48 : memref<!tpu.dma_semaphore, #tpu.memory_space<semaphore_mem>>) src(%dma_wait3A_1336 : memref<1000000xf32, #tpu.memory_space<hbm>>) dst(%dma_wait3A_1331 : memref<128xf32, #tpu.memory_space<vmem>>)
    %dma_wait3A_1337 = arith.constant 0 : i32
    %dma_wait3A_1338 = arith.constant 7680 : i32
    %dma_wait3A_1339 = tpu.memref_slice %arg44[%dma_wait3A_1338] : memref<8192xf32, #tpu.memory_space<vmem>> -> memref<128xf32, #tpu.memory_space<vmem>>
    %dma_wait3A_1340 = arith.constant 0 : i32
    %dma_wait3A_1341 = tpu.memref_slice %arg42[%dma_wait3A_1337, %dma_wait3A_1340] : memref<4x128xi32, #tpu.memory_space<vmem>> -> memref<1x128xi32, #tpu.memory_space<vmem>>
    %dma_wait3A_1342 = tpu.memref_squeeze %dma_wait3A_1341 : memref<1x128xi32, #tpu.memory_space<vmem>> -> memref<128xi32, #tpu.memory_space<vmem>>
    %dma_wait3A_1343 = arith.constant 0 : i32
    %dma_wait3A_1344 = tpu.memref_slice %arg35[%dma_wait3A_1343] : memref<1000000xf32, #tpu.memory_space<hbm>> -> memref<1000000xf32, #tpu.memory_space<hbm>>
    tpu.wait_indirect_dma semaphore(%arg48 : memref<!tpu.dma_semaphore, #tpu.memory_space<semaphore_mem>>) src(%dma_wait3A_1344 : memref<1000000xf32, #tpu.memory_space<hbm>>) dst(%dma_wait3A_1339 : memref<128xf32, #tpu.memory_space<vmem>>)
    %dma_wait3A_1345 = arith.constant 1 : i32
    %dma_wait3A_1346 = arith.constant 128 : i32
    %dma_wait3A_1347 = tpu.memref_slice %arg43[%dma_wait3A_1346] : memref<8192xf32, #tpu.memory_space<vmem>> -> memref<128xf32, #tpu.memory_space<vmem>>
    %dma_wait3A_1348 = arith.constant 0 : i32
    %dma_wait3A_1349 = tpu.memref_slice %arg41[%dma_wait3A_1345, %dma_wait3A_1348] : memref<4x128xi32, #tpu.memory_space<vmem>> -> memref<1x128xi32, #tpu.memory_space<vmem>>
    %dma_wait3A_1350 = tpu.memref_squeeze %dma_wait3A_1349 : memref<1x128xi32, #tpu.memory_space<vmem>> -> memref<128xi32, #tpu.memory_space<vmem>>
    %dma_wait3A_1351 = arith.constant 0 : i32
    %dma_wait3A_1352 = tpu.memref_slice %arg4[%dma_wait3A_1351] : memref<1000000xf32, #tpu.memory_space<hbm>> -> memref<1000000xf32, #tpu.memory_space<hbm>>
    tpu.wait_indirect_dma semaphore(%arg48 : memref<!tpu.dma_semaphore, #tpu.memory_space<semaphore_mem>>) src(%dma_wait3A_1352 : memref<1000000xf32, #tpu.memory_space<hbm>>) dst(%dma_wait3A_1347 : memref<128xf32, #tpu.memory_space<vmem>>)
    %dma_wait3A_1353 = arith.constant 1 : i32
    %dma_wait3A_1354 = arith.constant 128 : i32
    %dma_wait3A_1355 = tpu.memref_slice %arg44[%dma_wait3A_1354] : memref<8192xf32, #tpu.memory_space<vmem>> -> memref<128xf32, #tpu.memory_space<vmem>>
    %dma_wait3A_1356 = arith.constant 0 : i32
    %dma_wait3A_1357 = tpu.memref_slice %arg42[%dma_wait3A_1353, %dma_wait3A_1356] : memref<4x128xi32, #tpu.memory_space<vmem>> -> memref<1x128xi32, #tpu.memory_space<vmem>>
    %dma_wait3A_1358 = tpu.memref_squeeze %dma_wait3A_1357 : memref<1x128xi32, #tpu.memory_space<vmem>> -> memref<128xi32, #tpu.memory_space<vmem>>
    %dma_wait3A_1359 = arith.constant 0 : i32
    %dma_wait3A_1360 = tpu.memref_slice %arg20[%dma_wait3A_1359] : memref<1000000xf32, #tpu.memory_space<hbm>> -> memref<1000000xf32, #tpu.memory_space<hbm>>
    tpu.wait_indirect_dma semaphore(%arg48 : memref<!tpu.dma_semaphore, #tpu.memory_space<semaphore_mem>>) src(%dma_wait3A_1360 : memref<1000000xf32, #tpu.memory_space<hbm>>) dst(%dma_wait3A_1355 : memref<128xf32, #tpu.memory_space<vmem>>)
    %dma_wait3A_1361 = arith.constant 1 : i32
    %dma_wait3A_1362 = arith.constant 640 : i32
    %dma_wait3A_1363 = tpu.memref_slice %arg43[%dma_wait3A_1362] : memref<8192xf32, #tpu.memory_space<vmem>> -> memref<128xf32, #tpu.memory_space<vmem>>
    %dma_wait3A_1364 = arith.constant 0 : i32
    %dma_wait3A_1365 = tpu.memref_slice %arg41[%dma_wait3A_1361, %dma_wait3A_1364] : memref<4x128xi32, #tpu.memory_space<vmem>> -> memref<1x128xi32, #tpu.memory_space<vmem>>
    %dma_wait3A_1366 = tpu.memref_squeeze %dma_wait3A_1365 : memref<1x128xi32, #tpu.memory_space<vmem>> -> memref<128xi32, #tpu.memory_space<vmem>>
    %dma_wait3A_1367 = arith.constant 0 : i32
    %dma_wait3A_1368 = tpu.memref_slice %arg5[%dma_wait3A_1367] : memref<1000000xf32, #tpu.memory_space<hbm>> -> memref<1000000xf32, #tpu.memory_space<hbm>>
    tpu.wait_indirect_dma semaphore(%arg48 : memref<!tpu.dma_semaphore, #tpu.memory_space<semaphore_mem>>) src(%dma_wait3A_1368 : memref<1000000xf32, #tpu.memory_space<hbm>>) dst(%dma_wait3A_1363 : memref<128xf32, #tpu.memory_space<vmem>>)
    %dma_wait3A_1369 = arith.constant 1 : i32
    %dma_wait3A_1370 = arith.constant 640 : i32
    %dma_wait3A_1371 = tpu.memref_slice %arg44[%dma_wait3A_1370] : memref<8192xf32, #tpu.memory_space<vmem>> -> memref<128xf32, #tpu.memory_space<vmem>>
    %dma_wait3A_1372 = arith.constant 0 : i32
    %dma_wait3A_1373 = tpu.memref_slice %arg42[%dma_wait3A_1369, %dma_wait3A_1372] : memref<4x128xi32, #tpu.memory_space<vmem>> -> memref<1x128xi32, #tpu.memory_space<vmem>>
    %dma_wait3A_1374 = tpu.memref_squeeze %dma_wait3A_1373 : memref<1x128xi32, #tpu.memory_space<vmem>> -> memref<128xi32, #tpu.memory_space<vmem>>
    %dma_wait3A_1375 = arith.constant 0 : i32
    %dma_wait3A_1376 = tpu.memref_slice %arg21[%dma_wait3A_1375] : memref<1000000xf32, #tpu.memory_space<hbm>> -> memref<1000000xf32, #tpu.memory_space<hbm>>
    tpu.wait_indirect_dma semaphore(%arg48 : memref<!tpu.dma_semaphore, #tpu.memory_space<semaphore_mem>>) src(%dma_wait3A_1376 : memref<1000000xf32, #tpu.memory_space<hbm>>) dst(%dma_wait3A_1371 : memref<128xf32, #tpu.memory_space<vmem>>)
    %dma_wait3A_1377 = arith.constant 1 : i32
    %dma_wait3A_1378 = arith.constant 1152 : i32
    %dma_wait3A_1379 = tpu.memref_slice %arg43[%dma_wait3A_1378] : memref<8192xf32, #tpu.memory_space<vmem>> -> memref<128xf32, #tpu.memory_space<vmem>>
    %dma_wait3A_1380 = arith.constant 0 : i32
    %dma_wait3A_1381 = tpu.memref_slice %arg41[%dma_wait3A_1377, %dma_wait3A_1380] : memref<4x128xi32, #tpu.memory_space<vmem>> -> memref<1x128xi32, #tpu.memory_space<vmem>>
    %dma_wait3A_1382 = tpu.memref_squeeze %dma_wait3A_1381 : memref<1x128xi32, #tpu.memory_space<vmem>> -> memref<128xi32, #tpu.memory_space<vmem>>
    %dma_wait3A_1383 = arith.constant 0 : i32
    %dma_wait3A_1384 = tpu.memref_slice %arg6[%dma_wait3A_1383] : memref<1000000xf32, #tpu.memory_space<hbm>> -> memref<1000000xf32, #tpu.memory_space<hbm>>
    tpu.wait_indirect_dma semaphore(%arg48 : memref<!tpu.dma_semaphore, #tpu.memory_space<semaphore_mem>>) src(%dma_wait3A_1384 : memref<1000000xf32, #tpu.memory_space<hbm>>) dst(%dma_wait3A_1379 : memref<128xf32, #tpu.memory_space<vmem>>)
    %dma_wait3A_1385 = arith.constant 1 : i32
    %dma_wait3A_1386 = arith.constant 1152 : i32
    %dma_wait3A_1387 = tpu.memref_slice %arg44[%dma_wait3A_1386] : memref<8192xf32, #tpu.memory_space<vmem>> -> memref<128xf32, #tpu.memory_space<vmem>>
    %dma_wait3A_1388 = arith.constant 0 : i32
    %dma_wait3A_1389 = tpu.memref_slice %arg42[%dma_wait3A_1385, %dma_wait3A_1388] : memref<4x128xi32, #tpu.memory_space<vmem>> -> memref<1x128xi32, #tpu.memory_space<vmem>>
    %dma_wait3A_1390 = tpu.memref_squeeze %dma_wait3A_1389 : memref<1x128xi32, #tpu.memory_space<vmem>> -> memref<128xi32, #tpu.memory_space<vmem>>
    %dma_wait3A_1391 = arith.constant 0 : i32
    %dma_wait3A_1392 = tpu.memref_slice %arg22[%dma_wait3A_1391] : memref<1000000xf32, #tpu.memory_space<hbm>> -> memref<1000000xf32, #tpu.memory_space<hbm>>
    tpu.wait_indirect_dma semaphore(%arg48 : memref<!tpu.dma_semaphore, #tpu.memory_space<semaphore_mem>>) src(%dma_wait3A_1392 : memref<1000000xf32, #tpu.memory_space<hbm>>) dst(%dma_wait3A_1387 : memref<128xf32, #tpu.memory_space<vmem>>)
    %dma_wait3A_1393 = arith.constant 1 : i32
    %dma_wait3A_1394 = arith.constant 1664 : i32
    %dma_wait3A_1395 = tpu.memref_slice %arg43[%dma_wait3A_1394] : memref<8192xf32, #tpu.memory_space<vmem>> -> memref<128xf32, #tpu.memory_space<vmem>>
    %dma_wait3A_1396 = arith.constant 0 : i32
    %dma_wait3A_1397 = tpu.memref_slice %arg41[%dma_wait3A_1393, %dma_wait3A_1396] : memref<4x128xi32, #tpu.memory_space<vmem>> -> memref<1x128xi32, #tpu.memory_space<vmem>>
    %dma_wait3A_1398 = tpu.memref_squeeze %dma_wait3A_1397 : memref<1x128xi32, #tpu.memory_space<vmem>> -> memref<128xi32, #tpu.memory_space<vmem>>
    %dma_wait3A_1399 = arith.constant 0 : i32
    %dma_wait3A_1400 = tpu.memref_slice %arg7[%dma_wait3A_1399] : memref<1000000xf32, #tpu.memory_space<hbm>> -> memref<1000000xf32, #tpu.memory_space<hbm>>
    tpu.wait_indirect_dma semaphore(%arg48 : memref<!tpu.dma_semaphore, #tpu.memory_space<semaphore_mem>>) src(%dma_wait3A_1400 : memref<1000000xf32, #tpu.memory_space<hbm>>) dst(%dma_wait3A_1395 : memref<128xf32, #tpu.memory_space<vmem>>)
    %dma_wait3A_1401 = arith.constant 1 : i32
    %dma_wait3A_1402 = arith.constant 1664 : i32
    %dma_wait3A_1403 = tpu.memref_slice %arg44[%dma_wait3A_1402] : memref<8192xf32, #tpu.memory_space<vmem>> -> memref<128xf32, #tpu.memory_space<vmem>>
    %dma_wait3A_1404 = arith.constant 0 : i32
    %dma_wait3A_1405 = tpu.memref_slice %arg42[%dma_wait3A_1401, %dma_wait3A_1404] : memref<4x128xi32, #tpu.memory_space<vmem>> -> memref<1x128xi32, #tpu.memory_space<vmem>>
    %dma_wait3A_1406 = tpu.memref_squeeze %dma_wait3A_1405 : memref<1x128xi32, #tpu.memory_space<vmem>> -> memref<128xi32, #tpu.memory_space<vmem>>
    %dma_wait3A_1407 = arith.constant 0 : i32
    %dma_wait3A_1408 = tpu.memref_slice %arg23[%dma_wait3A_1407] : memref<1000000xf32, #tpu.memory_space<hbm>> -> memref<1000000xf32, #tpu.memory_space<hbm>>
    tpu.wait_indirect_dma semaphore(%arg48 : memref<!tpu.dma_semaphore, #tpu.memory_space<semaphore_mem>>) src(%dma_wait3A_1408 : memref<1000000xf32, #tpu.memory_space<hbm>>) dst(%dma_wait3A_1403 : memref<128xf32, #tpu.memory_space<vmem>>)
    %dma_wait3A_1409 = arith.constant 1 : i32
    %dma_wait3A_1410 = arith.constant 2176 : i32
    %dma_wait3A_1411 = tpu.memref_slice %arg43[%dma_wait3A_1410] : memref<8192xf32, #tpu.memory_space<vmem>> -> memref<128xf32, #tpu.memory_space<vmem>>
    %dma_wait3A_1412 = arith.constant 0 : i32
    %dma_wait3A_1413 = tpu.memref_slice %arg41[%dma_wait3A_1409, %dma_wait3A_1412] : memref<4x128xi32, #tpu.memory_space<vmem>> -> memref<1x128xi32, #tpu.memory_space<vmem>>
    %dma_wait3A_1414 = tpu.memref_squeeze %dma_wait3A_1413 : memref<1x128xi32, #tpu.memory_space<vmem>> -> memref<128xi32, #tpu.memory_space<vmem>>
    %dma_wait3A_1415 = arith.constant 0 : i32
    %dma_wait3A_1416 = tpu.memref_slice %arg8[%dma_wait3A_1415] : memref<1000000xf32, #tpu.memory_space<hbm>> -> memref<1000000xf32, #tpu.memory_space<hbm>>
    tpu.wait_indirect_dma semaphore(%arg48 : memref<!tpu.dma_semaphore, #tpu.memory_space<semaphore_mem>>) src(%dma_wait3A_1416 : memref<1000000xf32, #tpu.memory_space<hbm>>) dst(%dma_wait3A_1411 : memref<128xf32, #tpu.memory_space<vmem>>)
    %dma_wait3A_1417 = arith.constant 1 : i32
    %dma_wait3A_1418 = arith.constant 2176 : i32
    %dma_wait3A_1419 = tpu.memref_slice %arg44[%dma_wait3A_1418] : memref<8192xf32, #tpu.memory_space<vmem>> -> memref<128xf32, #tpu.memory_space<vmem>>
    %dma_wait3A_1420 = arith.constant 0 : i32
    %dma_wait3A_1421 = tpu.memref_slice %arg42[%dma_wait3A_1417, %dma_wait3A_1420] : memref<4x128xi32, #tpu.memory_space<vmem>> -> memref<1x128xi32, #tpu.memory_space<vmem>>
    %dma_wait3A_1422 = tpu.memref_squeeze %dma_wait3A_1421 : memref<1x128xi32, #tpu.memory_space<vmem>> -> memref<128xi32, #tpu.memory_space<vmem>>
    %dma_wait3A_1423 = arith.constant 0 : i32
    %dma_wait3A_1424 = tpu.memref_slice %arg24[%dma_wait3A_1423] : memref<1000000xf32, #tpu.memory_space<hbm>> -> memref<1000000xf32, #tpu.memory_space<hbm>>
    tpu.wait_indirect_dma semaphore(%arg48 : memref<!tpu.dma_semaphore, #tpu.memory_space<semaphore_mem>>) src(%dma_wait3A_1424 : memref<1000000xf32, #tpu.memory_space<hbm>>) dst(%dma_wait3A_1419 : memref<128xf32, #tpu.memory_space<vmem>>)
    %dma_wait3A_1425 = arith.constant 1 : i32
    %dma_wait3A_1426 = arith.constant 2688 : i32
    %dma_wait3A_1427 = tpu.memref_slice %arg43[%dma_wait3A_1426] : memref<8192xf32, #tpu.memory_space<vmem>> -> memref<128xf32, #tpu.memory_space<vmem>>
    %dma_wait3A_1428 = arith.constant 0 : i32
    %dma_wait3A_1429 = tpu.memref_slice %arg41[%dma_wait3A_1425, %dma_wait3A_1428] : memref<4x128xi32, #tpu.memory_space<vmem>> -> memref<1x128xi32, #tpu.memory_space<vmem>>
    %dma_wait3A_1430 = tpu.memref_squeeze %dma_wait3A_1429 : memref<1x128xi32, #tpu.memory_space<vmem>> -> memref<128xi32, #tpu.memory_space<vmem>>
    %dma_wait3A_1431 = arith.constant 0 : i32
    %dma_wait3A_1432 = tpu.memref_slice %arg9[%dma_wait3A_1431] : memref<1000000xf32, #tpu.memory_space<hbm>> -> memref<1000000xf32, #tpu.memory_space<hbm>>
    tpu.wait_indirect_dma semaphore(%arg48 : memref<!tpu.dma_semaphore, #tpu.memory_space<semaphore_mem>>) src(%dma_wait3A_1432 : memref<1000000xf32, #tpu.memory_space<hbm>>) dst(%dma_wait3A_1427 : memref<128xf32, #tpu.memory_space<vmem>>)
    %dma_wait3A_1433 = arith.constant 1 : i32
    %dma_wait3A_1434 = arith.constant 2688 : i32
    %dma_wait3A_1435 = tpu.memref_slice %arg44[%dma_wait3A_1434] : memref<8192xf32, #tpu.memory_space<vmem>> -> memref<128xf32, #tpu.memory_space<vmem>>
    %dma_wait3A_1436 = arith.constant 0 : i32
    %dma_wait3A_1437 = tpu.memref_slice %arg42[%dma_wait3A_1433, %dma_wait3A_1436] : memref<4x128xi32, #tpu.memory_space<vmem>> -> memref<1x128xi32, #tpu.memory_space<vmem>>
    %dma_wait3A_1438 = tpu.memref_squeeze %dma_wait3A_1437 : memref<1x128xi32, #tpu.memory_space<vmem>> -> memref<128xi32, #tpu.memory_space<vmem>>
    %dma_wait3A_1439 = arith.constant 0 : i32
    %dma_wait3A_1440 = tpu.memref_slice %arg25[%dma_wait3A_1439] : memref<1000000xf32, #tpu.memory_space<hbm>> -> memref<1000000xf32, #tpu.memory_space<hbm>>
    tpu.wait_indirect_dma semaphore(%arg48 : memref<!tpu.dma_semaphore, #tpu.memory_space<semaphore_mem>>) src(%dma_wait3A_1440 : memref<1000000xf32, #tpu.memory_space<hbm>>) dst(%dma_wait3A_1435 : memref<128xf32, #tpu.memory_space<vmem>>)
    %dma_wait3A_1441 = arith.constant 1 : i32
    %dma_wait3A_1442 = arith.constant 3200 : i32
    %dma_wait3A_1443 = tpu.memref_slice %arg43[%dma_wait3A_1442] : memref<8192xf32, #tpu.memory_space<vmem>> -> memref<128xf32, #tpu.memory_space<vmem>>
    %dma_wait3A_1444 = arith.constant 0 : i32
    %dma_wait3A_1445 = tpu.memref_slice %arg41[%dma_wait3A_1441, %dma_wait3A_1444] : memref<4x128xi32, #tpu.memory_space<vmem>> -> memref<1x128xi32, #tpu.memory_space<vmem>>
    %dma_wait3A_1446 = tpu.memref_squeeze %dma_wait3A_1445 : memref<1x128xi32, #tpu.memory_space<vmem>> -> memref<128xi32, #tpu.memory_space<vmem>>
    %dma_wait3A_1447 = arith.constant 0 : i32
    %dma_wait3A_1448 = tpu.memref_slice %arg10[%dma_wait3A_1447] : memref<1000000xf32, #tpu.memory_space<hbm>> -> memref<1000000xf32, #tpu.memory_space<hbm>>
    tpu.wait_indirect_dma semaphore(%arg48 : memref<!tpu.dma_semaphore, #tpu.memory_space<semaphore_mem>>) src(%dma_wait3A_1448 : memref<1000000xf32, #tpu.memory_space<hbm>>) dst(%dma_wait3A_1443 : memref<128xf32, #tpu.memory_space<vmem>>)
    %dma_wait3A_1449 = arith.constant 1 : i32
    %dma_wait3A_1450 = arith.constant 3200 : i32
    %dma_wait3A_1451 = tpu.memref_slice %arg44[%dma_wait3A_1450] : memref<8192xf32, #tpu.memory_space<vmem>> -> memref<128xf32, #tpu.memory_space<vmem>>
    %dma_wait3A_1452 = arith.constant 0 : i32
    %dma_wait3A_1453 = tpu.memref_slice %arg42[%dma_wait3A_1449, %dma_wait3A_1452] : memref<4x128xi32, #tpu.memory_space<vmem>> -> memref<1x128xi32, #tpu.memory_space<vmem>>
    %dma_wait3A_1454 = tpu.memref_squeeze %dma_wait3A_1453 : memref<1x128xi32, #tpu.memory_space<vmem>> -> memref<128xi32, #tpu.memory_space<vmem>>
    %dma_wait3A_1455 = arith.constant 0 : i32
    %dma_wait3A_1456 = tpu.memref_slice %arg26[%dma_wait3A_1455] : memref<1000000xf32, #tpu.memory_space<hbm>> -> memref<1000000xf32, #tpu.memory_space<hbm>>
    tpu.wait_indirect_dma semaphore(%arg48 : memref<!tpu.dma_semaphore, #tpu.memory_space<semaphore_mem>>) src(%dma_wait3A_1456 : memref<1000000xf32, #tpu.memory_space<hbm>>) dst(%dma_wait3A_1451 : memref<128xf32, #tpu.memory_space<vmem>>)
    %dma_wait3A_1457 = arith.constant 1 : i32
    %dma_wait3A_1458 = arith.constant 3712 : i32
    %dma_wait3A_1459 = tpu.memref_slice %arg43[%dma_wait3A_1458] : memref<8192xf32, #tpu.memory_space<vmem>> -> memref<128xf32, #tpu.memory_space<vmem>>
    %dma_wait3A_1460 = arith.constant 0 : i32
    %dma_wait3A_1461 = tpu.memref_slice %arg41[%dma_wait3A_1457, %dma_wait3A_1460] : memref<4x128xi32, #tpu.memory_space<vmem>> -> memref<1x128xi32, #tpu.memory_space<vmem>>
    %dma_wait3A_1462 = tpu.memref_squeeze %dma_wait3A_1461 : memref<1x128xi32, #tpu.memory_space<vmem>> -> memref<128xi32, #tpu.memory_space<vmem>>
    %dma_wait3A_1463 = arith.constant 0 : i32
    %dma_wait3A_1464 = tpu.memref_slice %arg11[%dma_wait3A_1463] : memref<1000000xf32, #tpu.memory_space<hbm>> -> memref<1000000xf32, #tpu.memory_space<hbm>>
    tpu.wait_indirect_dma semaphore(%arg48 : memref<!tpu.dma_semaphore, #tpu.memory_space<semaphore_mem>>) src(%dma_wait3A_1464 : memref<1000000xf32, #tpu.memory_space<hbm>>) dst(%dma_wait3A_1459 : memref<128xf32, #tpu.memory_space<vmem>>)
    %dma_wait3A_1465 = arith.constant 1 : i32
    %dma_wait3A_1466 = arith.constant 3712 : i32
    %dma_wait3A_1467 = tpu.memref_slice %arg44[%dma_wait3A_1466] : memref<8192xf32, #tpu.memory_space<vmem>> -> memref<128xf32, #tpu.memory_space<vmem>>
    %dma_wait3A_1468 = arith.constant 0 : i32
    %dma_wait3A_1469 = tpu.memref_slice %arg42[%dma_wait3A_1465, %dma_wait3A_1468] : memref<4x128xi32, #tpu.memory_space<vmem>> -> memref<1x128xi32, #tpu.memory_space<vmem>>
    %dma_wait3A_1470 = tpu.memref_squeeze %dma_wait3A_1469 : memref<1x128xi32, #tpu.memory_space<vmem>> -> memref<128xi32, #tpu.memory_space<vmem>>
    %dma_wait3A_1471 = arith.constant 0 : i32
    %dma_wait3A_1472 = tpu.memref_slice %arg27[%dma_wait3A_1471] : memref<1000000xf32, #tpu.memory_space<hbm>> -> memref<1000000xf32, #tpu.memory_space<hbm>>
    tpu.wait_indirect_dma semaphore(%arg48 : memref<!tpu.dma_semaphore, #tpu.memory_space<semaphore_mem>>) src(%dma_wait3A_1472 : memref<1000000xf32, #tpu.memory_space<hbm>>) dst(%dma_wait3A_1467 : memref<128xf32, #tpu.memory_space<vmem>>)
    %dma_wait3A_1473 = arith.constant 1 : i32
    %dma_wait3A_1474 = arith.constant 4224 : i32
    %dma_wait3A_1475 = tpu.memref_slice %arg43[%dma_wait3A_1474] : memref<8192xf32, #tpu.memory_space<vmem>> -> memref<128xf32, #tpu.memory_space<vmem>>
    %dma_wait3A_1476 = arith.constant 0 : i32
    %dma_wait3A_1477 = tpu.memref_slice %arg41[%dma_wait3A_1473, %dma_wait3A_1476] : memref<4x128xi32, #tpu.memory_space<vmem>> -> memref<1x128xi32, #tpu.memory_space<vmem>>
    %dma_wait3A_1478 = tpu.memref_squeeze %dma_wait3A_1477 : memref<1x128xi32, #tpu.memory_space<vmem>> -> memref<128xi32, #tpu.memory_space<vmem>>
    %dma_wait3A_1479 = arith.constant 0 : i32
    %dma_wait3A_1480 = tpu.memref_slice %arg12[%dma_wait3A_1479] : memref<1000000xf32, #tpu.memory_space<hbm>> -> memref<1000000xf32, #tpu.memory_space<hbm>>
    tpu.wait_indirect_dma semaphore(%arg48 : memref<!tpu.dma_semaphore, #tpu.memory_space<semaphore_mem>>) src(%dma_wait3A_1480 : memref<1000000xf32, #tpu.memory_space<hbm>>) dst(%dma_wait3A_1475 : memref<128xf32, #tpu.memory_space<vmem>>)
    %dma_wait3A_1481 = arith.constant 1 : i32
    %dma_wait3A_1482 = arith.constant 4224 : i32
    %dma_wait3A_1483 = tpu.memref_slice %arg44[%dma_wait3A_1482] : memref<8192xf32, #tpu.memory_space<vmem>> -> memref<128xf32, #tpu.memory_space<vmem>>
    %dma_wait3A_1484 = arith.constant 0 : i32
    %dma_wait3A_1485 = tpu.memref_slice %arg42[%dma_wait3A_1481, %dma_wait3A_1484] : memref<4x128xi32, #tpu.memory_space<vmem>> -> memref<1x128xi32, #tpu.memory_space<vmem>>
    %dma_wait3A_1486 = tpu.memref_squeeze %dma_wait3A_1485 : memref<1x128xi32, #tpu.memory_space<vmem>> -> memref<128xi32, #tpu.memory_space<vmem>>
    %dma_wait3A_1487 = arith.constant 0 : i32
    %dma_wait3A_1488 = tpu.memref_slice %arg28[%dma_wait3A_1487] : memref<1000000xf32, #tpu.memory_space<hbm>> -> memref<1000000xf32, #tpu.memory_space<hbm>>
    tpu.wait_indirect_dma semaphore(%arg48 : memref<!tpu.dma_semaphore, #tpu.memory_space<semaphore_mem>>) src(%dma_wait3A_1488 : memref<1000000xf32, #tpu.memory_space<hbm>>) dst(%dma_wait3A_1483 : memref<128xf32, #tpu.memory_space<vmem>>)
    %dma_wait3A_1489 = arith.constant 1 : i32
    %dma_wait3A_1490 = arith.constant 4736 : i32
    %dma_wait3A_1491 = tpu.memref_slice %arg43[%dma_wait3A_1490] : memref<8192xf32, #tpu.memory_space<vmem>> -> memref<128xf32, #tpu.memory_space<vmem>>
    %dma_wait3A_1492 = arith.constant 0 : i32
    %dma_wait3A_1493 = tpu.memref_slice %arg41[%dma_wait3A_1489, %dma_wait3A_1492] : memref<4x128xi32, #tpu.memory_space<vmem>> -> memref<1x128xi32, #tpu.memory_space<vmem>>
    %dma_wait3A_1494 = tpu.memref_squeeze %dma_wait3A_1493 : memref<1x128xi32, #tpu.memory_space<vmem>> -> memref<128xi32, #tpu.memory_space<vmem>>
    %dma_wait3A_1495 = arith.constant 0 : i32
    %dma_wait3A_1496 = tpu.memref_slice %arg13[%dma_wait3A_1495] : memref<1000000xf32, #tpu.memory_space<hbm>> -> memref<1000000xf32, #tpu.memory_space<hbm>>
    tpu.wait_indirect_dma semaphore(%arg48 : memref<!tpu.dma_semaphore, #tpu.memory_space<semaphore_mem>>) src(%dma_wait3A_1496 : memref<1000000xf32, #tpu.memory_space<hbm>>) dst(%dma_wait3A_1491 : memref<128xf32, #tpu.memory_space<vmem>>)
    %dma_wait3A_1497 = arith.constant 1 : i32
    %dma_wait3A_1498 = arith.constant 4736 : i32
    %dma_wait3A_1499 = tpu.memref_slice %arg44[%dma_wait3A_1498] : memref<8192xf32, #tpu.memory_space<vmem>> -> memref<128xf32, #tpu.memory_space<vmem>>
    %dma_wait3A_1500 = arith.constant 0 : i32
    %dma_wait3A_1501 = tpu.memref_slice %arg42[%dma_wait3A_1497, %dma_wait3A_1500] : memref<4x128xi32, #tpu.memory_space<vmem>> -> memref<1x128xi32, #tpu.memory_space<vmem>>
    %dma_wait3A_1502 = tpu.memref_squeeze %dma_wait3A_1501 : memref<1x128xi32, #tpu.memory_space<vmem>> -> memref<128xi32, #tpu.memory_space<vmem>>
    %dma_wait3A_1503 = arith.constant 0 : i32
    %dma_wait3A_1504 = tpu.memref_slice %arg29[%dma_wait3A_1503] : memref<1000000xf32, #tpu.memory_space<hbm>> -> memref<1000000xf32, #tpu.memory_space<hbm>>
    tpu.wait_indirect_dma semaphore(%arg48 : memref<!tpu.dma_semaphore, #tpu.memory_space<semaphore_mem>>) src(%dma_wait3A_1504 : memref<1000000xf32, #tpu.memory_space<hbm>>) dst(%dma_wait3A_1499 : memref<128xf32, #tpu.memory_space<vmem>>)
    %dma_wait3A_1505 = arith.constant 1 : i32
    %dma_wait3A_1506 = arith.constant 5248 : i32
    %dma_wait3A_1507 = tpu.memref_slice %arg43[%dma_wait3A_1506] : memref<8192xf32, #tpu.memory_space<vmem>> -> memref<128xf32, #tpu.memory_space<vmem>>
    %dma_wait3A_1508 = arith.constant 0 : i32
    %dma_wait3A_1509 = tpu.memref_slice %arg41[%dma_wait3A_1505, %dma_wait3A_1508] : memref<4x128xi32, #tpu.memory_space<vmem>> -> memref<1x128xi32, #tpu.memory_space<vmem>>
    %dma_wait3A_1510 = tpu.memref_squeeze %dma_wait3A_1509 : memref<1x128xi32, #tpu.memory_space<vmem>> -> memref<128xi32, #tpu.memory_space<vmem>>
    %dma_wait3A_1511 = arith.constant 0 : i32
    %dma_wait3A_1512 = tpu.memref_slice %arg14[%dma_wait3A_1511] : memref<1000000xf32, #tpu.memory_space<hbm>> -> memref<1000000xf32, #tpu.memory_space<hbm>>
    tpu.wait_indirect_dma semaphore(%arg48 : memref<!tpu.dma_semaphore, #tpu.memory_space<semaphore_mem>>) src(%dma_wait3A_1512 : memref<1000000xf32, #tpu.memory_space<hbm>>) dst(%dma_wait3A_1507 : memref<128xf32, #tpu.memory_space<vmem>>)
    %dma_wait3A_1513 = arith.constant 1 : i32
    %dma_wait3A_1514 = arith.constant 5248 : i32
    %dma_wait3A_1515 = tpu.memref_slice %arg44[%dma_wait3A_1514] : memref<8192xf32, #tpu.memory_space<vmem>> -> memref<128xf32, #tpu.memory_space<vmem>>
    %dma_wait3A_1516 = arith.constant 0 : i32
    %dma_wait3A_1517 = tpu.memref_slice %arg42[%dma_wait3A_1513, %dma_wait3A_1516] : memref<4x128xi32, #tpu.memory_space<vmem>> -> memref<1x128xi32, #tpu.memory_space<vmem>>
    %dma_wait3A_1518 = tpu.memref_squeeze %dma_wait3A_1517 : memref<1x128xi32, #tpu.memory_space<vmem>> -> memref<128xi32, #tpu.memory_space<vmem>>
    %dma_wait3A_1519 = arith.constant 0 : i32
    %dma_wait3A_1520 = tpu.memref_slice %arg30[%dma_wait3A_1519] : memref<1000000xf32, #tpu.memory_space<hbm>> -> memref<1000000xf32, #tpu.memory_space<hbm>>
    tpu.wait_indirect_dma semaphore(%arg48 : memref<!tpu.dma_semaphore, #tpu.memory_space<semaphore_mem>>) src(%dma_wait3A_1520 : memref<1000000xf32, #tpu.memory_space<hbm>>) dst(%dma_wait3A_1515 : memref<128xf32, #tpu.memory_space<vmem>>)
    %dma_wait3A_1521 = arith.constant 1 : i32
    %dma_wait3A_1522 = arith.constant 5760 : i32
    %dma_wait3A_1523 = tpu.memref_slice %arg43[%dma_wait3A_1522] : memref<8192xf32, #tpu.memory_space<vmem>> -> memref<128xf32, #tpu.memory_space<vmem>>
    %dma_wait3A_1524 = arith.constant 0 : i32
    %dma_wait3A_1525 = tpu.memref_slice %arg41[%dma_wait3A_1521, %dma_wait3A_1524] : memref<4x128xi32, #tpu.memory_space<vmem>> -> memref<1x128xi32, #tpu.memory_space<vmem>>
    %dma_wait3A_1526 = tpu.memref_squeeze %dma_wait3A_1525 : memref<1x128xi32, #tpu.memory_space<vmem>> -> memref<128xi32, #tpu.memory_space<vmem>>
    %dma_wait3A_1527 = arith.constant 0 : i32
    %dma_wait3A_1528 = tpu.memref_slice %arg15[%dma_wait3A_1527] : memref<1000000xf32, #tpu.memory_space<hbm>> -> memref<1000000xf32, #tpu.memory_space<hbm>>
    tpu.wait_indirect_dma semaphore(%arg48 : memref<!tpu.dma_semaphore, #tpu.memory_space<semaphore_mem>>) src(%dma_wait3A_1528 : memref<1000000xf32, #tpu.memory_space<hbm>>) dst(%dma_wait3A_1523 : memref<128xf32, #tpu.memory_space<vmem>>)
    %dma_wait3A_1529 = arith.constant 1 : i32
    %dma_wait3A_1530 = arith.constant 5760 : i32
    %dma_wait3A_1531 = tpu.memref_slice %arg44[%dma_wait3A_1530] : memref<8192xf32, #tpu.memory_space<vmem>> -> memref<128xf32, #tpu.memory_space<vmem>>
    %dma_wait3A_1532 = arith.constant 0 : i32
    %dma_wait3A_1533 = tpu.memref_slice %arg42[%dma_wait3A_1529, %dma_wait3A_1532] : memref<4x128xi32, #tpu.memory_space<vmem>> -> memref<1x128xi32, #tpu.memory_space<vmem>>
    %dma_wait3A_1534 = tpu.memref_squeeze %dma_wait3A_1533 : memref<1x128xi32, #tpu.memory_space<vmem>> -> memref<128xi32, #tpu.memory_space<vmem>>
    %dma_wait3A_1535 = arith.constant 0 : i32
    %dma_wait3A_1536 = tpu.memref_slice %arg31[%dma_wait3A_1535] : memref<1000000xf32, #tpu.memory_space<hbm>> -> memref<1000000xf32, #tpu.memory_space<hbm>>
    tpu.wait_indirect_dma semaphore(%arg48 : memref<!tpu.dma_semaphore, #tpu.memory_space<semaphore_mem>>) src(%dma_wait3A_1536 : memref<1000000xf32, #tpu.memory_space<hbm>>) dst(%dma_wait3A_1531 : memref<128xf32, #tpu.memory_space<vmem>>)
    %dma_wait3A_1537 = arith.constant 1 : i32
    %dma_wait3A_1538 = arith.constant 6272 : i32
    %dma_wait3A_1539 = tpu.memref_slice %arg43[%dma_wait3A_1538] : memref<8192xf32, #tpu.memory_space<vmem>> -> memref<128xf32, #tpu.memory_space<vmem>>
    %dma_wait3A_1540 = arith.constant 0 : i32
    %dma_wait3A_1541 = tpu.memref_slice %arg41[%dma_wait3A_1537, %dma_wait3A_1540] : memref<4x128xi32, #tpu.memory_space<vmem>> -> memref<1x128xi32, #tpu.memory_space<vmem>>
    %dma_wait3A_1542 = tpu.memref_squeeze %dma_wait3A_1541 : memref<1x128xi32, #tpu.memory_space<vmem>> -> memref<128xi32, #tpu.memory_space<vmem>>
    %dma_wait3A_1543 = arith.constant 0 : i32
    %dma_wait3A_1544 = tpu.memref_slice %arg16[%dma_wait3A_1543] : memref<1000000xf32, #tpu.memory_space<hbm>> -> memref<1000000xf32, #tpu.memory_space<hbm>>
    tpu.wait_indirect_dma semaphore(%arg48 : memref<!tpu.dma_semaphore, #tpu.memory_space<semaphore_mem>>) src(%dma_wait3A_1544 : memref<1000000xf32, #tpu.memory_space<hbm>>) dst(%dma_wait3A_1539 : memref<128xf32, #tpu.memory_space<vmem>>)
    %dma_wait3A_1545 = arith.constant 1 : i32
    %dma_wait3A_1546 = arith.constant 6272 : i32
    %dma_wait3A_1547 = tpu.memref_slice %arg44[%dma_wait3A_1546] : memref<8192xf32, #tpu.memory_space<vmem>> -> memref<128xf32, #tpu.memory_space<vmem>>
    %dma_wait3A_1548 = arith.constant 0 : i32
    %dma_wait3A_1549 = tpu.memref_slice %arg42[%dma_wait3A_1545, %dma_wait3A_1548] : memref<4x128xi32, #tpu.memory_space<vmem>> -> memref<1x128xi32, #tpu.memory_space<vmem>>
    %dma_wait3A_1550 = tpu.memref_squeeze %dma_wait3A_1549 : memref<1x128xi32, #tpu.memory_space<vmem>> -> memref<128xi32, #tpu.memory_space<vmem>>
    %dma_wait3A_1551 = arith.constant 0 : i32
    %dma_wait3A_1552 = tpu.memref_slice %arg32[%dma_wait3A_1551] : memref<1000000xf32, #tpu.memory_space<hbm>> -> memref<1000000xf32, #tpu.memory_space<hbm>>
    tpu.wait_indirect_dma semaphore(%arg48 : memref<!tpu.dma_semaphore, #tpu.memory_space<semaphore_mem>>) src(%dma_wait3A_1552 : memref<1000000xf32, #tpu.memory_space<hbm>>) dst(%dma_wait3A_1547 : memref<128xf32, #tpu.memory_space<vmem>>)
    %dma_wait3A_1553 = arith.constant 1 : i32
    %dma_wait3A_1554 = arith.constant 6784 : i32
    %dma_wait3A_1555 = tpu.memref_slice %arg43[%dma_wait3A_1554] : memref<8192xf32, #tpu.memory_space<vmem>> -> memref<128xf32, #tpu.memory_space<vmem>>
    %dma_wait3A_1556 = arith.constant 0 : i32
    %dma_wait3A_1557 = tpu.memref_slice %arg41[%dma_wait3A_1553, %dma_wait3A_1556] : memref<4x128xi32, #tpu.memory_space<vmem>> -> memref<1x128xi32, #tpu.memory_space<vmem>>
    %dma_wait3A_1558 = tpu.memref_squeeze %dma_wait3A_1557 : memref<1x128xi32, #tpu.memory_space<vmem>> -> memref<128xi32, #tpu.memory_space<vmem>>
    %dma_wait3A_1559 = arith.constant 0 : i32
    %dma_wait3A_1560 = tpu.memref_slice %arg17[%dma_wait3A_1559] : memref<1000000xf32, #tpu.memory_space<hbm>> -> memref<1000000xf32, #tpu.memory_space<hbm>>
    tpu.wait_indirect_dma semaphore(%arg48 : memref<!tpu.dma_semaphore, #tpu.memory_space<semaphore_mem>>) src(%dma_wait3A_1560 : memref<1000000xf32, #tpu.memory_space<hbm>>) dst(%dma_wait3A_1555 : memref<128xf32, #tpu.memory_space<vmem>>)
    %dma_wait3A_1561 = arith.constant 1 : i32
    %dma_wait3A_1562 = arith.constant 6784 : i32
    %dma_wait3A_1563 = tpu.memref_slice %arg44[%dma_wait3A_1562] : memref<8192xf32, #tpu.memory_space<vmem>> -> memref<128xf32, #tpu.memory_space<vmem>>
    %dma_wait3A_1564 = arith.constant 0 : i32
    %dma_wait3A_1565 = tpu.memref_slice %arg42[%dma_wait3A_1561, %dma_wait3A_1564] : memref<4x128xi32, #tpu.memory_space<vmem>> -> memref<1x128xi32, #tpu.memory_space<vmem>>
    %dma_wait3A_1566 = tpu.memref_squeeze %dma_wait3A_1565 : memref<1x128xi32, #tpu.memory_space<vmem>> -> memref<128xi32, #tpu.memory_space<vmem>>
    %dma_wait3A_1567 = arith.constant 0 : i32
    %dma_wait3A_1568 = tpu.memref_slice %arg33[%dma_wait3A_1567] : memref<1000000xf32, #tpu.memory_space<hbm>> -> memref<1000000xf32, #tpu.memory_space<hbm>>
    tpu.wait_indirect_dma semaphore(%arg48 : memref<!tpu.dma_semaphore, #tpu.memory_space<semaphore_mem>>) src(%dma_wait3A_1568 : memref<1000000xf32, #tpu.memory_space<hbm>>) dst(%dma_wait3A_1563 : memref<128xf32, #tpu.memory_space<vmem>>)
    %dma_wait3A_1569 = arith.constant 1 : i32
    %dma_wait3A_1570 = arith.constant 7296 : i32
    %dma_wait3A_1571 = tpu.memref_slice %arg43[%dma_wait3A_1570] : memref<8192xf32, #tpu.memory_space<vmem>> -> memref<128xf32, #tpu.memory_space<vmem>>
    %dma_wait3A_1572 = arith.constant 0 : i32
    %dma_wait3A_1573 = tpu.memref_slice %arg41[%dma_wait3A_1569, %dma_wait3A_1572] : memref<4x128xi32, #tpu.memory_space<vmem>> -> memref<1x128xi32, #tpu.memory_space<vmem>>
    %dma_wait3A_1574 = tpu.memref_squeeze %dma_wait3A_1573 : memref<1x128xi32, #tpu.memory_space<vmem>> -> memref<128xi32, #tpu.memory_space<vmem>>
    %dma_wait3A_1575 = arith.constant 0 : i32
    %dma_wait3A_1576 = tpu.memref_slice %arg18[%dma_wait3A_1575] : memref<1000000xf32, #tpu.memory_space<hbm>> -> memref<1000000xf32, #tpu.memory_space<hbm>>
    tpu.wait_indirect_dma semaphore(%arg48 : memref<!tpu.dma_semaphore, #tpu.memory_space<semaphore_mem>>) src(%dma_wait3A_1576 : memref<1000000xf32, #tpu.memory_space<hbm>>) dst(%dma_wait3A_1571 : memref<128xf32, #tpu.memory_space<vmem>>)
    %dma_wait3A_1577 = arith.constant 1 : i32
    %dma_wait3A_1578 = arith.constant 7296 : i32
    %dma_wait3A_1579 = tpu.memref_slice %arg44[%dma_wait3A_1578] : memref<8192xf32, #tpu.memory_space<vmem>> -> memref<128xf32, #tpu.memory_space<vmem>>
    %dma_wait3A_1580 = arith.constant 0 : i32
    %dma_wait3A_1581 = tpu.memref_slice %arg42[%dma_wait3A_1577, %dma_wait3A_1580] : memref<4x128xi32, #tpu.memory_space<vmem>> -> memref<1x128xi32, #tpu.memory_space<vmem>>
    %dma_wait3A_1582 = tpu.memref_squeeze %dma_wait3A_1581 : memref<1x128xi32, #tpu.memory_space<vmem>> -> memref<128xi32, #tpu.memory_space<vmem>>
    %dma_wait3A_1583 = arith.constant 0 : i32
    %dma_wait3A_1584 = tpu.memref_slice %arg34[%dma_wait3A_1583] : memref<1000000xf32, #tpu.memory_space<hbm>> -> memref<1000000xf32, #tpu.memory_space<hbm>>
    tpu.wait_indirect_dma semaphore(%arg48 : memref<!tpu.dma_semaphore, #tpu.memory_space<semaphore_mem>>) src(%dma_wait3A_1584 : memref<1000000xf32, #tpu.memory_space<hbm>>) dst(%dma_wait3A_1579 : memref<128xf32, #tpu.memory_space<vmem>>)
    %dma_wait3A_1585 = arith.constant 1 : i32
    %dma_wait3A_1586 = arith.constant 7808 : i32
    %dma_wait3A_1587 = tpu.memref_slice %arg43[%dma_wait3A_1586] : memref<8192xf32, #tpu.memory_space<vmem>> -> memref<128xf32, #tpu.memory_space<vmem>>
    %dma_wait3A_1588 = arith.constant 0 : i32
    %dma_wait3A_1589 = tpu.memref_slice %arg41[%dma_wait3A_1585, %dma_wait3A_1588] : memref<4x128xi32, #tpu.memory_space<vmem>> -> memref<1x128xi32, #tpu.memory_space<vmem>>
    %dma_wait3A_1590 = tpu.memref_squeeze %dma_wait3A_1589 : memref<1x128xi32, #tpu.memory_space<vmem>> -> memref<128xi32, #tpu.memory_space<vmem>>
    %dma_wait3A_1591 = arith.constant 0 : i32
    %dma_wait3A_1592 = tpu.memref_slice %arg19[%dma_wait3A_1591] : memref<1000000xf32, #tpu.memory_space<hbm>> -> memref<1000000xf32, #tpu.memory_space<hbm>>
    tpu.wait_indirect_dma semaphore(%arg48 : memref<!tpu.dma_semaphore, #tpu.memory_space<semaphore_mem>>) src(%dma_wait3A_1592 : memref<1000000xf32, #tpu.memory_space<hbm>>) dst(%dma_wait3A_1587 : memref<128xf32, #tpu.memory_space<vmem>>)
    %dma_wait3A_1593 = arith.constant 1 : i32
    %dma_wait3A_1594 = arith.constant 7808 : i32
    %dma_wait3A_1595 = tpu.memref_slice %arg44[%dma_wait3A_1594] : memref<8192xf32, #tpu.memory_space<vmem>> -> memref<128xf32, #tpu.memory_space<vmem>>
    %dma_wait3A_1596 = arith.constant 0 : i32
    %dma_wait3A_1597 = tpu.memref_slice %arg42[%dma_wait3A_1593, %dma_wait3A_1596] : memref<4x128xi32, #tpu.memory_space<vmem>> -> memref<1x128xi32, #tpu.memory_space<vmem>>
    %dma_wait3A_1598 = tpu.memref_squeeze %dma_wait3A_1597 : memref<1x128xi32, #tpu.memory_space<vmem>> -> memref<128xi32, #tpu.memory_space<vmem>>
    %dma_wait3A_1599 = arith.constant 0 : i32
    %dma_wait3A_1600 = tpu.memref_slice %arg35[%dma_wait3A_1599] : memref<1000000xf32, #tpu.memory_space<hbm>> -> memref<1000000xf32, #tpu.memory_space<hbm>>
    tpu.wait_indirect_dma semaphore(%arg48 : memref<!tpu.dma_semaphore, #tpu.memory_space<semaphore_mem>>) src(%dma_wait3A_1600 : memref<1000000xf32, #tpu.memory_space<hbm>>) dst(%dma_wait3A_1595 : memref<128xf32, #tpu.memory_space<vmem>>)
    %dma_wait3A_1601 = arith.constant 2 : i32
    %dma_wait3A_1602 = arith.constant 256 : i32
    %dma_wait3A_1603 = tpu.memref_slice %arg43[%dma_wait3A_1602] : memref<8192xf32, #tpu.memory_space<vmem>> -> memref<128xf32, #tpu.memory_space<vmem>>
    %dma_wait3A_1604 = arith.constant 0 : i32
    %dma_wait3A_1605 = tpu.memref_slice %arg41[%dma_wait3A_1601, %dma_wait3A_1604] : memref<4x128xi32, #tpu.memory_space<vmem>> -> memref<1x128xi32, #tpu.memory_space<vmem>>
    %dma_wait3A_1606 = tpu.memref_squeeze %dma_wait3A_1605 : memref<1x128xi32, #tpu.memory_space<vmem>> -> memref<128xi32, #tpu.memory_space<vmem>>
    %dma_wait3A_1607 = arith.constant 0 : i32
    %dma_wait3A_1608 = tpu.memref_slice %arg4[%dma_wait3A_1607] : memref<1000000xf32, #tpu.memory_space<hbm>> -> memref<1000000xf32, #tpu.memory_space<hbm>>
    tpu.wait_indirect_dma semaphore(%arg48 : memref<!tpu.dma_semaphore, #tpu.memory_space<semaphore_mem>>) src(%dma_wait3A_1608 : memref<1000000xf32, #tpu.memory_space<hbm>>) dst(%dma_wait3A_1603 : memref<128xf32, #tpu.memory_space<vmem>>)
    %dma_wait3A_1609 = arith.constant 2 : i32
    %dma_wait3A_1610 = arith.constant 256 : i32
    %dma_wait3A_1611 = tpu.memref_slice %arg44[%dma_wait3A_1610] : memref<8192xf32, #tpu.memory_space<vmem>> -> memref<128xf32, #tpu.memory_space<vmem>>
    %dma_wait3A_1612 = arith.constant 0 : i32
    %dma_wait3A_1613 = tpu.memref_slice %arg42[%dma_wait3A_1609, %dma_wait3A_1612] : memref<4x128xi32, #tpu.memory_space<vmem>> -> memref<1x128xi32, #tpu.memory_space<vmem>>
    %dma_wait3A_1614 = tpu.memref_squeeze %dma_wait3A_1613 : memref<1x128xi32, #tpu.memory_space<vmem>> -> memref<128xi32, #tpu.memory_space<vmem>>
    %dma_wait3A_1615 = arith.constant 0 : i32
    %dma_wait3A_1616 = tpu.memref_slice %arg20[%dma_wait3A_1615] : memref<1000000xf32, #tpu.memory_space<hbm>> -> memref<1000000xf32, #tpu.memory_space<hbm>>
    tpu.wait_indirect_dma semaphore(%arg48 : memref<!tpu.dma_semaphore, #tpu.memory_space<semaphore_mem>>) src(%dma_wait3A_1616 : memref<1000000xf32, #tpu.memory_space<hbm>>) dst(%dma_wait3A_1611 : memref<128xf32, #tpu.memory_space<vmem>>)
    %dma_wait3A_1617 = arith.constant 2 : i32
    %dma_wait3A_1618 = arith.constant 768 : i32
    %dma_wait3A_1619 = tpu.memref_slice %arg43[%dma_wait3A_1618] : memref<8192xf32, #tpu.memory_space<vmem>> -> memref<128xf32, #tpu.memory_space<vmem>>
    %dma_wait3A_1620 = arith.constant 0 : i32
    %dma_wait3A_1621 = tpu.memref_slice %arg41[%dma_wait3A_1617, %dma_wait3A_1620] : memref<4x128xi32, #tpu.memory_space<vmem>> -> memref<1x128xi32, #tpu.memory_space<vmem>>
    %dma_wait3A_1622 = tpu.memref_squeeze %dma_wait3A_1621 : memref<1x128xi32, #tpu.memory_space<vmem>> -> memref<128xi32, #tpu.memory_space<vmem>>
    %dma_wait3A_1623 = arith.constant 0 : i32
    %dma_wait3A_1624 = tpu.memref_slice %arg5[%dma_wait3A_1623] : memref<1000000xf32, #tpu.memory_space<hbm>> -> memref<1000000xf32, #tpu.memory_space<hbm>>
    tpu.wait_indirect_dma semaphore(%arg48 : memref<!tpu.dma_semaphore, #tpu.memory_space<semaphore_mem>>) src(%dma_wait3A_1624 : memref<1000000xf32, #tpu.memory_space<hbm>>) dst(%dma_wait3A_1619 : memref<128xf32, #tpu.memory_space<vmem>>)
    %dma_wait3A_1625 = arith.constant 2 : i32
    %dma_wait3A_1626 = arith.constant 768 : i32
    %dma_wait3A_1627 = tpu.memref_slice %arg44[%dma_wait3A_1626] : memref<8192xf32, #tpu.memory_space<vmem>> -> memref<128xf32, #tpu.memory_space<vmem>>
    %dma_wait3A_1628 = arith.constant 0 : i32
    %dma_wait3A_1629 = tpu.memref_slice %arg42[%dma_wait3A_1625, %dma_wait3A_1628] : memref<4x128xi32, #tpu.memory_space<vmem>> -> memref<1x128xi32, #tpu.memory_space<vmem>>
    %dma_wait3A_1630 = tpu.memref_squeeze %dma_wait3A_1629 : memref<1x128xi32, #tpu.memory_space<vmem>> -> memref<128xi32, #tpu.memory_space<vmem>>
    %dma_wait3A_1631 = arith.constant 0 : i32
    %dma_wait3A_1632 = tpu.memref_slice %arg21[%dma_wait3A_1631] : memref<1000000xf32, #tpu.memory_space<hbm>> -> memref<1000000xf32, #tpu.memory_space<hbm>>
    tpu.wait_indirect_dma semaphore(%arg48 : memref<!tpu.dma_semaphore, #tpu.memory_space<semaphore_mem>>) src(%dma_wait3A_1632 : memref<1000000xf32, #tpu.memory_space<hbm>>) dst(%dma_wait3A_1627 : memref<128xf32, #tpu.memory_space<vmem>>)
    %dma_wait3A_1633 = arith.constant 2 : i32
    %dma_wait3A_1634 = arith.constant 1280 : i32
    %dma_wait3A_1635 = tpu.memref_slice %arg43[%dma_wait3A_1634] : memref<8192xf32, #tpu.memory_space<vmem>> -> memref<128xf32, #tpu.memory_space<vmem>>
    %dma_wait3A_1636 = arith.constant 0 : i32
    %dma_wait3A_1637 = tpu.memref_slice %arg41[%dma_wait3A_1633, %dma_wait3A_1636] : memref<4x128xi32, #tpu.memory_space<vmem>> -> memref<1x128xi32, #tpu.memory_space<vmem>>
    %dma_wait3A_1638 = tpu.memref_squeeze %dma_wait3A_1637 : memref<1x128xi32, #tpu.memory_space<vmem>> -> memref<128xi32, #tpu.memory_space<vmem>>
    %dma_wait3A_1639 = arith.constant 0 : i32
    %dma_wait3A_1640 = tpu.memref_slice %arg6[%dma_wait3A_1639] : memref<1000000xf32, #tpu.memory_space<hbm>> -> memref<1000000xf32, #tpu.memory_space<hbm>>
    tpu.wait_indirect_dma semaphore(%arg48 : memref<!tpu.dma_semaphore, #tpu.memory_space<semaphore_mem>>) src(%dma_wait3A_1640 : memref<1000000xf32, #tpu.memory_space<hbm>>) dst(%dma_wait3A_1635 : memref<128xf32, #tpu.memory_space<vmem>>)
    %dma_wait3A_1641 = arith.constant 2 : i32
    %dma_wait3A_1642 = arith.constant 1280 : i32
    %dma_wait3A_1643 = tpu.memref_slice %arg44[%dma_wait3A_1642] : memref<8192xf32, #tpu.memory_space<vmem>> -> memref<128xf32, #tpu.memory_space<vmem>>
    %dma_wait3A_1644 = arith.constant 0 : i32
    %dma_wait3A_1645 = tpu.memref_slice %arg42[%dma_wait3A_1641, %dma_wait3A_1644] : memref<4x128xi32, #tpu.memory_space<vmem>> -> memref<1x128xi32, #tpu.memory_space<vmem>>
    %dma_wait3A_1646 = tpu.memref_squeeze %dma_wait3A_1645 : memref<1x128xi32, #tpu.memory_space<vmem>> -> memref<128xi32, #tpu.memory_space<vmem>>
    %dma_wait3A_1647 = arith.constant 0 : i32
    %dma_wait3A_1648 = tpu.memref_slice %arg22[%dma_wait3A_1647] : memref<1000000xf32, #tpu.memory_space<hbm>> -> memref<1000000xf32, #tpu.memory_space<hbm>>
    tpu.wait_indirect_dma semaphore(%arg48 : memref<!tpu.dma_semaphore, #tpu.memory_space<semaphore_mem>>) src(%dma_wait3A_1648 : memref<1000000xf32, #tpu.memory_space<hbm>>) dst(%dma_wait3A_1643 : memref<128xf32, #tpu.memory_space<vmem>>)
    %dma_wait3A_1649 = arith.constant 2 : i32
    %dma_wait3A_1650 = arith.constant 1792 : i32
    %dma_wait3A_1651 = tpu.memref_slice %arg43[%dma_wait3A_1650] : memref<8192xf32, #tpu.memory_space<vmem>> -> memref<128xf32, #tpu.memory_space<vmem>>
    %dma_wait3A_1652 = arith.constant 0 : i32
    %dma_wait3A_1653 = tpu.memref_slice %arg41[%dma_wait3A_1649, %dma_wait3A_1652] : memref<4x128xi32, #tpu.memory_space<vmem>> -> memref<1x128xi32, #tpu.memory_space<vmem>>
    %dma_wait3A_1654 = tpu.memref_squeeze %dma_wait3A_1653 : memref<1x128xi32, #tpu.memory_space<vmem>> -> memref<128xi32, #tpu.memory_space<vmem>>
    %dma_wait3A_1655 = arith.constant 0 : i32
    %dma_wait3A_1656 = tpu.memref_slice %arg7[%dma_wait3A_1655] : memref<1000000xf32, #tpu.memory_space<hbm>> -> memref<1000000xf32, #tpu.memory_space<hbm>>
    tpu.wait_indirect_dma semaphore(%arg48 : memref<!tpu.dma_semaphore, #tpu.memory_space<semaphore_mem>>) src(%dma_wait3A_1656 : memref<1000000xf32, #tpu.memory_space<hbm>>) dst(%dma_wait3A_1651 : memref<128xf32, #tpu.memory_space<vmem>>)
    %dma_wait3A_1657 = arith.constant 2 : i32
    %dma_wait3A_1658 = arith.constant 1792 : i32
    %dma_wait3A_1659 = tpu.memref_slice %arg44[%dma_wait3A_1658] : memref<8192xf32, #tpu.memory_space<vmem>> -> memref<128xf32, #tpu.memory_space<vmem>>
    %dma_wait3A_1660 = arith.constant 0 : i32
    %dma_wait3A_1661 = tpu.memref_slice %arg42[%dma_wait3A_1657, %dma_wait3A_1660] : memref<4x128xi32, #tpu.memory_space<vmem>> -> memref<1x128xi32, #tpu.memory_space<vmem>>
    %dma_wait3A_1662 = tpu.memref_squeeze %dma_wait3A_1661 : memref<1x128xi32, #tpu.memory_space<vmem>> -> memref<128xi32, #tpu.memory_space<vmem>>
    %dma_wait3A_1663 = arith.constant 0 : i32
    %dma_wait3A_1664 = tpu.memref_slice %arg23[%dma_wait3A_1663] : memref<1000000xf32, #tpu.memory_space<hbm>> -> memref<1000000xf32, #tpu.memory_space<hbm>>
    tpu.wait_indirect_dma semaphore(%arg48 : memref<!tpu.dma_semaphore, #tpu.memory_space<semaphore_mem>>) src(%dma_wait3A_1664 : memref<1000000xf32, #tpu.memory_space<hbm>>) dst(%dma_wait3A_1659 : memref<128xf32, #tpu.memory_space<vmem>>)
    %dma_wait3A_1665 = arith.constant 2 : i32
    %dma_wait3A_1666 = arith.constant 2304 : i32
    %dma_wait3A_1667 = tpu.memref_slice %arg43[%dma_wait3A_1666] : memref<8192xf32, #tpu.memory_space<vmem>> -> memref<128xf32, #tpu.memory_space<vmem>>
    %dma_wait3A_1668 = arith.constant 0 : i32
    %dma_wait3A_1669 = tpu.memref_slice %arg41[%dma_wait3A_1665, %dma_wait3A_1668] : memref<4x128xi32, #tpu.memory_space<vmem>> -> memref<1x128xi32, #tpu.memory_space<vmem>>
    %dma_wait3A_1670 = tpu.memref_squeeze %dma_wait3A_1669 : memref<1x128xi32, #tpu.memory_space<vmem>> -> memref<128xi32, #tpu.memory_space<vmem>>
    %dma_wait3A_1671 = arith.constant 0 : i32
    %dma_wait3A_1672 = tpu.memref_slice %arg8[%dma_wait3A_1671] : memref<1000000xf32, #tpu.memory_space<hbm>> -> memref<1000000xf32, #tpu.memory_space<hbm>>
    tpu.wait_indirect_dma semaphore(%arg48 : memref<!tpu.dma_semaphore, #tpu.memory_space<semaphore_mem>>) src(%dma_wait3A_1672 : memref<1000000xf32, #tpu.memory_space<hbm>>) dst(%dma_wait3A_1667 : memref<128xf32, #tpu.memory_space<vmem>>)
    %dma_wait3A_1673 = arith.constant 2 : i32
    %dma_wait3A_1674 = arith.constant 2304 : i32
    %dma_wait3A_1675 = tpu.memref_slice %arg44[%dma_wait3A_1674] : memref<8192xf32, #tpu.memory_space<vmem>> -> memref<128xf32, #tpu.memory_space<vmem>>
    %dma_wait3A_1676 = arith.constant 0 : i32
    %dma_wait3A_1677 = tpu.memref_slice %arg42[%dma_wait3A_1673, %dma_wait3A_1676] : memref<4x128xi32, #tpu.memory_space<vmem>> -> memref<1x128xi32, #tpu.memory_space<vmem>>
    %dma_wait3A_1678 = tpu.memref_squeeze %dma_wait3A_1677 : memref<1x128xi32, #tpu.memory_space<vmem>> -> memref<128xi32, #tpu.memory_space<vmem>>
    %dma_wait3A_1679 = arith.constant 0 : i32
    %dma_wait3A_1680 = tpu.memref_slice %arg24[%dma_wait3A_1679] : memref<1000000xf32, #tpu.memory_space<hbm>> -> memref<1000000xf32, #tpu.memory_space<hbm>>
    tpu.wait_indirect_dma semaphore(%arg48 : memref<!tpu.dma_semaphore, #tpu.memory_space<semaphore_mem>>) src(%dma_wait3A_1680 : memref<1000000xf32, #tpu.memory_space<hbm>>) dst(%dma_wait3A_1675 : memref<128xf32, #tpu.memory_space<vmem>>)
    %dma_wait3A_1681 = arith.constant 2 : i32
    %dma_wait3A_1682 = arith.constant 2816 : i32
    %dma_wait3A_1683 = tpu.memref_slice %arg43[%dma_wait3A_1682] : memref<8192xf32, #tpu.memory_space<vmem>> -> memref<128xf32, #tpu.memory_space<vmem>>
    %dma_wait3A_1684 = arith.constant 0 : i32
    %dma_wait3A_1685 = tpu.memref_slice %arg41[%dma_wait3A_1681, %dma_wait3A_1684] : memref<4x128xi32, #tpu.memory_space<vmem>> -> memref<1x128xi32, #tpu.memory_space<vmem>>
    %dma_wait3A_1686 = tpu.memref_squeeze %dma_wait3A_1685 : memref<1x128xi32, #tpu.memory_space<vmem>> -> memref<128xi32, #tpu.memory_space<vmem>>
    %dma_wait3A_1687 = arith.constant 0 : i32
    %dma_wait3A_1688 = tpu.memref_slice %arg9[%dma_wait3A_1687] : memref<1000000xf32, #tpu.memory_space<hbm>> -> memref<1000000xf32, #tpu.memory_space<hbm>>
    tpu.wait_indirect_dma semaphore(%arg48 : memref<!tpu.dma_semaphore, #tpu.memory_space<semaphore_mem>>) src(%dma_wait3A_1688 : memref<1000000xf32, #tpu.memory_space<hbm>>) dst(%dma_wait3A_1683 : memref<128xf32, #tpu.memory_space<vmem>>)
    %dma_wait3A_1689 = arith.constant 2 : i32
    %dma_wait3A_1690 = arith.constant 2816 : i32
    %dma_wait3A_1691 = tpu.memref_slice %arg44[%dma_wait3A_1690] : memref<8192xf32, #tpu.memory_space<vmem>> -> memref<128xf32, #tpu.memory_space<vmem>>
    %dma_wait3A_1692 = arith.constant 0 : i32
    %dma_wait3A_1693 = tpu.memref_slice %arg42[%dma_wait3A_1689, %dma_wait3A_1692] : memref<4x128xi32, #tpu.memory_space<vmem>> -> memref<1x128xi32, #tpu.memory_space<vmem>>
    %dma_wait3A_1694 = tpu.memref_squeeze %dma_wait3A_1693 : memref<1x128xi32, #tpu.memory_space<vmem>> -> memref<128xi32, #tpu.memory_space<vmem>>
    %dma_wait3A_1695 = arith.constant 0 : i32
    %dma_wait3A_1696 = tpu.memref_slice %arg25[%dma_wait3A_1695] : memref<1000000xf32, #tpu.memory_space<hbm>> -> memref<1000000xf32, #tpu.memory_space<hbm>>
    tpu.wait_indirect_dma semaphore(%arg48 : memref<!tpu.dma_semaphore, #tpu.memory_space<semaphore_mem>>) src(%dma_wait3A_1696 : memref<1000000xf32, #tpu.memory_space<hbm>>) dst(%dma_wait3A_1691 : memref<128xf32, #tpu.memory_space<vmem>>)
    %dma_wait3A_1697 = arith.constant 2 : i32
    %dma_wait3A_1698 = arith.constant 3328 : i32
    %dma_wait3A_1699 = tpu.memref_slice %arg43[%dma_wait3A_1698] : memref<8192xf32, #tpu.memory_space<vmem>> -> memref<128xf32, #tpu.memory_space<vmem>>
    %dma_wait3A_1700 = arith.constant 0 : i32
    %dma_wait3A_1701 = tpu.memref_slice %arg41[%dma_wait3A_1697, %dma_wait3A_1700] : memref<4x128xi32, #tpu.memory_space<vmem>> -> memref<1x128xi32, #tpu.memory_space<vmem>>
    %dma_wait3A_1702 = tpu.memref_squeeze %dma_wait3A_1701 : memref<1x128xi32, #tpu.memory_space<vmem>> -> memref<128xi32, #tpu.memory_space<vmem>>
    %dma_wait3A_1703 = arith.constant 0 : i32
    %dma_wait3A_1704 = tpu.memref_slice %arg10[%dma_wait3A_1703] : memref<1000000xf32, #tpu.memory_space<hbm>> -> memref<1000000xf32, #tpu.memory_space<hbm>>
    tpu.wait_indirect_dma semaphore(%arg48 : memref<!tpu.dma_semaphore, #tpu.memory_space<semaphore_mem>>) src(%dma_wait3A_1704 : memref<1000000xf32, #tpu.memory_space<hbm>>) dst(%dma_wait3A_1699 : memref<128xf32, #tpu.memory_space<vmem>>)
    %dma_wait3A_1705 = arith.constant 2 : i32
    %dma_wait3A_1706 = arith.constant 3328 : i32
    %dma_wait3A_1707 = tpu.memref_slice %arg44[%dma_wait3A_1706] : memref<8192xf32, #tpu.memory_space<vmem>> -> memref<128xf32, #tpu.memory_space<vmem>>
    %dma_wait3A_1708 = arith.constant 0 : i32
    %dma_wait3A_1709 = tpu.memref_slice %arg42[%dma_wait3A_1705, %dma_wait3A_1708] : memref<4x128xi32, #tpu.memory_space<vmem>> -> memref<1x128xi32, #tpu.memory_space<vmem>>
    %dma_wait3A_1710 = tpu.memref_squeeze %dma_wait3A_1709 : memref<1x128xi32, #tpu.memory_space<vmem>> -> memref<128xi32, #tpu.memory_space<vmem>>
    %dma_wait3A_1711 = arith.constant 0 : i32
    %dma_wait3A_1712 = tpu.memref_slice %arg26[%dma_wait3A_1711] : memref<1000000xf32, #tpu.memory_space<hbm>> -> memref<1000000xf32, #tpu.memory_space<hbm>>
    tpu.wait_indirect_dma semaphore(%arg48 : memref<!tpu.dma_semaphore, #tpu.memory_space<semaphore_mem>>) src(%dma_wait3A_1712 : memref<1000000xf32, #tpu.memory_space<hbm>>) dst(%dma_wait3A_1707 : memref<128xf32, #tpu.memory_space<vmem>>)
    %dma_wait3A_1713 = arith.constant 2 : i32
    %dma_wait3A_1714 = arith.constant 3840 : i32
    %dma_wait3A_1715 = tpu.memref_slice %arg43[%dma_wait3A_1714] : memref<8192xf32, #tpu.memory_space<vmem>> -> memref<128xf32, #tpu.memory_space<vmem>>
    %dma_wait3A_1716 = arith.constant 0 : i32
    %dma_wait3A_1717 = tpu.memref_slice %arg41[%dma_wait3A_1713, %dma_wait3A_1716] : memref<4x128xi32, #tpu.memory_space<vmem>> -> memref<1x128xi32, #tpu.memory_space<vmem>>
    %dma_wait3A_1718 = tpu.memref_squeeze %dma_wait3A_1717 : memref<1x128xi32, #tpu.memory_space<vmem>> -> memref<128xi32, #tpu.memory_space<vmem>>
    %dma_wait3A_1719 = arith.constant 0 : i32
    %dma_wait3A_1720 = tpu.memref_slice %arg11[%dma_wait3A_1719] : memref<1000000xf32, #tpu.memory_space<hbm>> -> memref<1000000xf32, #tpu.memory_space<hbm>>
    tpu.wait_indirect_dma semaphore(%arg48 : memref<!tpu.dma_semaphore, #tpu.memory_space<semaphore_mem>>) src(%dma_wait3A_1720 : memref<1000000xf32, #tpu.memory_space<hbm>>) dst(%dma_wait3A_1715 : memref<128xf32, #tpu.memory_space<vmem>>)
    %dma_wait3A_1721 = arith.constant 2 : i32
    %dma_wait3A_1722 = arith.constant 3840 : i32
    %dma_wait3A_1723 = tpu.memref_slice %arg44[%dma_wait3A_1722] : memref<8192xf32, #tpu.memory_space<vmem>> -> memref<128xf32, #tpu.memory_space<vmem>>
    %dma_wait3A_1724 = arith.constant 0 : i32
    %dma_wait3A_1725 = tpu.memref_slice %arg42[%dma_wait3A_1721, %dma_wait3A_1724] : memref<4x128xi32, #tpu.memory_space<vmem>> -> memref<1x128xi32, #tpu.memory_space<vmem>>
    %dma_wait3A_1726 = tpu.memref_squeeze %dma_wait3A_1725 : memref<1x128xi32, #tpu.memory_space<vmem>> -> memref<128xi32, #tpu.memory_space<vmem>>
    %dma_wait3A_1727 = arith.constant 0 : i32
    %dma_wait3A_1728 = tpu.memref_slice %arg27[%dma_wait3A_1727] : memref<1000000xf32, #tpu.memory_space<hbm>> -> memref<1000000xf32, #tpu.memory_space<hbm>>
    tpu.wait_indirect_dma semaphore(%arg48 : memref<!tpu.dma_semaphore, #tpu.memory_space<semaphore_mem>>) src(%dma_wait3A_1728 : memref<1000000xf32, #tpu.memory_space<hbm>>) dst(%dma_wait3A_1723 : memref<128xf32, #tpu.memory_space<vmem>>)
    %dma_wait3A_1729 = arith.constant 2 : i32
    %dma_wait3A_1730 = arith.constant 4352 : i32
    %dma_wait3A_1731 = tpu.memref_slice %arg43[%dma_wait3A_1730] : memref<8192xf32, #tpu.memory_space<vmem>> -> memref<128xf32, #tpu.memory_space<vmem>>
    %dma_wait3A_1732 = arith.constant 0 : i32
    %dma_wait3A_1733 = tpu.memref_slice %arg41[%dma_wait3A_1729, %dma_wait3A_1732] : memref<4x128xi32, #tpu.memory_space<vmem>> -> memref<1x128xi32, #tpu.memory_space<vmem>>
    %dma_wait3A_1734 = tpu.memref_squeeze %dma_wait3A_1733 : memref<1x128xi32, #tpu.memory_space<vmem>> -> memref<128xi32, #tpu.memory_space<vmem>>
    %dma_wait3A_1735 = arith.constant 0 : i32
    %dma_wait3A_1736 = tpu.memref_slice %arg12[%dma_wait3A_1735] : memref<1000000xf32, #tpu.memory_space<hbm>> -> memref<1000000xf32, #tpu.memory_space<hbm>>
    tpu.wait_indirect_dma semaphore(%arg48 : memref<!tpu.dma_semaphore, #tpu.memory_space<semaphore_mem>>) src(%dma_wait3A_1736 : memref<1000000xf32, #tpu.memory_space<hbm>>) dst(%dma_wait3A_1731 : memref<128xf32, #tpu.memory_space<vmem>>)
    %dma_wait3A_1737 = arith.constant 2 : i32
    %dma_wait3A_1738 = arith.constant 4352 : i32
    %dma_wait3A_1739 = tpu.memref_slice %arg44[%dma_wait3A_1738] : memref<8192xf32, #tpu.memory_space<vmem>> -> memref<128xf32, #tpu.memory_space<vmem>>
    %dma_wait3A_1740 = arith.constant 0 : i32
    %dma_wait3A_1741 = tpu.memref_slice %arg42[%dma_wait3A_1737, %dma_wait3A_1740] : memref<4x128xi32, #tpu.memory_space<vmem>> -> memref<1x128xi32, #tpu.memory_space<vmem>>
    %dma_wait3A_1742 = tpu.memref_squeeze %dma_wait3A_1741 : memref<1x128xi32, #tpu.memory_space<vmem>> -> memref<128xi32, #tpu.memory_space<vmem>>
    %dma_wait3A_1743 = arith.constant 0 : i32
    %dma_wait3A_1744 = tpu.memref_slice %arg28[%dma_wait3A_1743] : memref<1000000xf32, #tpu.memory_space<hbm>> -> memref<1000000xf32, #tpu.memory_space<hbm>>
    tpu.wait_indirect_dma semaphore(%arg48 : memref<!tpu.dma_semaphore, #tpu.memory_space<semaphore_mem>>) src(%dma_wait3A_1744 : memref<1000000xf32, #tpu.memory_space<hbm>>) dst(%dma_wait3A_1739 : memref<128xf32, #tpu.memory_space<vmem>>)
    %dma_wait3A_1745 = arith.constant 2 : i32
    %dma_wait3A_1746 = arith.constant 4864 : i32
    %dma_wait3A_1747 = tpu.memref_slice %arg43[%dma_wait3A_1746] : memref<8192xf32, #tpu.memory_space<vmem>> -> memref<128xf32, #tpu.memory_space<vmem>>
    %dma_wait3A_1748 = arith.constant 0 : i32
    %dma_wait3A_1749 = tpu.memref_slice %arg41[%dma_wait3A_1745, %dma_wait3A_1748] : memref<4x128xi32, #tpu.memory_space<vmem>> -> memref<1x128xi32, #tpu.memory_space<vmem>>
    %dma_wait3A_1750 = tpu.memref_squeeze %dma_wait3A_1749 : memref<1x128xi32, #tpu.memory_space<vmem>> -> memref<128xi32, #tpu.memory_space<vmem>>
    %dma_wait3A_1751 = arith.constant 0 : i32
    %dma_wait3A_1752 = tpu.memref_slice %arg13[%dma_wait3A_1751] : memref<1000000xf32, #tpu.memory_space<hbm>> -> memref<1000000xf32, #tpu.memory_space<hbm>>
    tpu.wait_indirect_dma semaphore(%arg48 : memref<!tpu.dma_semaphore, #tpu.memory_space<semaphore_mem>>) src(%dma_wait3A_1752 : memref<1000000xf32, #tpu.memory_space<hbm>>) dst(%dma_wait3A_1747 : memref<128xf32, #tpu.memory_space<vmem>>)
    %dma_wait3A_1753 = arith.constant 2 : i32
    %dma_wait3A_1754 = arith.constant 4864 : i32
    %dma_wait3A_1755 = tpu.memref_slice %arg44[%dma_wait3A_1754] : memref<8192xf32, #tpu.memory_space<vmem>> -> memref<128xf32, #tpu.memory_space<vmem>>
    %dma_wait3A_1756 = arith.constant 0 : i32
    %dma_wait3A_1757 = tpu.memref_slice %arg42[%dma_wait3A_1753, %dma_wait3A_1756] : memref<4x128xi32, #tpu.memory_space<vmem>> -> memref<1x128xi32, #tpu.memory_space<vmem>>
    %dma_wait3A_1758 = tpu.memref_squeeze %dma_wait3A_1757 : memref<1x128xi32, #tpu.memory_space<vmem>> -> memref<128xi32, #tpu.memory_space<vmem>>
    %dma_wait3A_1759 = arith.constant 0 : i32
    %dma_wait3A_1760 = tpu.memref_slice %arg29[%dma_wait3A_1759] : memref<1000000xf32, #tpu.memory_space<hbm>> -> memref<1000000xf32, #tpu.memory_space<hbm>>
    tpu.wait_indirect_dma semaphore(%arg48 : memref<!tpu.dma_semaphore, #tpu.memory_space<semaphore_mem>>) src(%dma_wait3A_1760 : memref<1000000xf32, #tpu.memory_space<hbm>>) dst(%dma_wait3A_1755 : memref<128xf32, #tpu.memory_space<vmem>>)
    %dma_wait3A_1761 = arith.constant 2 : i32
    %dma_wait3A_1762 = arith.constant 5376 : i32
    %dma_wait3A_1763 = tpu.memref_slice %arg43[%dma_wait3A_1762] : memref<8192xf32, #tpu.memory_space<vmem>> -> memref<128xf32, #tpu.memory_space<vmem>>
    %dma_wait3A_1764 = arith.constant 0 : i32
    %dma_wait3A_1765 = tpu.memref_slice %arg41[%dma_wait3A_1761, %dma_wait3A_1764] : memref<4x128xi32, #tpu.memory_space<vmem>> -> memref<1x128xi32, #tpu.memory_space<vmem>>
    %dma_wait3A_1766 = tpu.memref_squeeze %dma_wait3A_1765 : memref<1x128xi32, #tpu.memory_space<vmem>> -> memref<128xi32, #tpu.memory_space<vmem>>
    %dma_wait3A_1767 = arith.constant 0 : i32
    %dma_wait3A_1768 = tpu.memref_slice %arg14[%dma_wait3A_1767] : memref<1000000xf32, #tpu.memory_space<hbm>> -> memref<1000000xf32, #tpu.memory_space<hbm>>
    tpu.wait_indirect_dma semaphore(%arg48 : memref<!tpu.dma_semaphore, #tpu.memory_space<semaphore_mem>>) src(%dma_wait3A_1768 : memref<1000000xf32, #tpu.memory_space<hbm>>) dst(%dma_wait3A_1763 : memref<128xf32, #tpu.memory_space<vmem>>)
    %dma_wait3A_1769 = arith.constant 2 : i32
    %dma_wait3A_1770 = arith.constant 5376 : i32
    %dma_wait3A_1771 = tpu.memref_slice %arg44[%dma_wait3A_1770] : memref<8192xf32, #tpu.memory_space<vmem>> -> memref<128xf32, #tpu.memory_space<vmem>>
    %dma_wait3A_1772 = arith.constant 0 : i32
    %dma_wait3A_1773 = tpu.memref_slice %arg42[%dma_wait3A_1769, %dma_wait3A_1772] : memref<4x128xi32, #tpu.memory_space<vmem>> -> memref<1x128xi32, #tpu.memory_space<vmem>>
    %dma_wait3A_1774 = tpu.memref_squeeze %dma_wait3A_1773 : memref<1x128xi32, #tpu.memory_space<vmem>> -> memref<128xi32, #tpu.memory_space<vmem>>
    %dma_wait3A_1775 = arith.constant 0 : i32
    %dma_wait3A_1776 = tpu.memref_slice %arg30[%dma_wait3A_1775] : memref<1000000xf32, #tpu.memory_space<hbm>> -> memref<1000000xf32, #tpu.memory_space<hbm>>
    tpu.wait_indirect_dma semaphore(%arg48 : memref<!tpu.dma_semaphore, #tpu.memory_space<semaphore_mem>>) src(%dma_wait3A_1776 : memref<1000000xf32, #tpu.memory_space<hbm>>) dst(%dma_wait3A_1771 : memref<128xf32, #tpu.memory_space<vmem>>)
    %dma_wait3A_1777 = arith.constant 2 : i32
    %dma_wait3A_1778 = arith.constant 5888 : i32
    %dma_wait3A_1779 = tpu.memref_slice %arg43[%dma_wait3A_1778] : memref<8192xf32, #tpu.memory_space<vmem>> -> memref<128xf32, #tpu.memory_space<vmem>>
    %dma_wait3A_1780 = arith.constant 0 : i32
    %dma_wait3A_1781 = tpu.memref_slice %arg41[%dma_wait3A_1777, %dma_wait3A_1780] : memref<4x128xi32, #tpu.memory_space<vmem>> -> memref<1x128xi32, #tpu.memory_space<vmem>>
    %dma_wait3A_1782 = tpu.memref_squeeze %dma_wait3A_1781 : memref<1x128xi32, #tpu.memory_space<vmem>> -> memref<128xi32, #tpu.memory_space<vmem>>
    %dma_wait3A_1783 = arith.constant 0 : i32
    %dma_wait3A_1784 = tpu.memref_slice %arg15[%dma_wait3A_1783] : memref<1000000xf32, #tpu.memory_space<hbm>> -> memref<1000000xf32, #tpu.memory_space<hbm>>
    tpu.wait_indirect_dma semaphore(%arg48 : memref<!tpu.dma_semaphore, #tpu.memory_space<semaphore_mem>>) src(%dma_wait3A_1784 : memref<1000000xf32, #tpu.memory_space<hbm>>) dst(%dma_wait3A_1779 : memref<128xf32, #tpu.memory_space<vmem>>)
    %dma_wait3A_1785 = arith.constant 2 : i32
    %dma_wait3A_1786 = arith.constant 5888 : i32
    %dma_wait3A_1787 = tpu.memref_slice %arg44[%dma_wait3A_1786] : memref<8192xf32, #tpu.memory_space<vmem>> -> memref<128xf32, #tpu.memory_space<vmem>>
    %dma_wait3A_1788 = arith.constant 0 : i32
    %dma_wait3A_1789 = tpu.memref_slice %arg42[%dma_wait3A_1785, %dma_wait3A_1788] : memref<4x128xi32, #tpu.memory_space<vmem>> -> memref<1x128xi32, #tpu.memory_space<vmem>>
    %dma_wait3A_1790 = tpu.memref_squeeze %dma_wait3A_1789 : memref<1x128xi32, #tpu.memory_space<vmem>> -> memref<128xi32, #tpu.memory_space<vmem>>
    %dma_wait3A_1791 = arith.constant 0 : i32
    %dma_wait3A_1792 = tpu.memref_slice %arg31[%dma_wait3A_1791] : memref<1000000xf32, #tpu.memory_space<hbm>> -> memref<1000000xf32, #tpu.memory_space<hbm>>
    tpu.wait_indirect_dma semaphore(%arg48 : memref<!tpu.dma_semaphore, #tpu.memory_space<semaphore_mem>>) src(%dma_wait3A_1792 : memref<1000000xf32, #tpu.memory_space<hbm>>) dst(%dma_wait3A_1787 : memref<128xf32, #tpu.memory_space<vmem>>)
    %dma_wait3A_1793 = arith.constant 2 : i32
    %dma_wait3A_1794 = arith.constant 6400 : i32
    %dma_wait3A_1795 = tpu.memref_slice %arg43[%dma_wait3A_1794] : memref<8192xf32, #tpu.memory_space<vmem>> -> memref<128xf32, #tpu.memory_space<vmem>>
    %dma_wait3A_1796 = arith.constant 0 : i32
    %dma_wait3A_1797 = tpu.memref_slice %arg41[%dma_wait3A_1793, %dma_wait3A_1796] : memref<4x128xi32, #tpu.memory_space<vmem>> -> memref<1x128xi32, #tpu.memory_space<vmem>>
    %dma_wait3A_1798 = tpu.memref_squeeze %dma_wait3A_1797 : memref<1x128xi32, #tpu.memory_space<vmem>> -> memref<128xi32, #tpu.memory_space<vmem>>
    %dma_wait3A_1799 = arith.constant 0 : i32
    %dma_wait3A_1800 = tpu.memref_slice %arg16[%dma_wait3A_1799] : memref<1000000xf32, #tpu.memory_space<hbm>> -> memref<1000000xf32, #tpu.memory_space<hbm>>
    tpu.wait_indirect_dma semaphore(%arg48 : memref<!tpu.dma_semaphore, #tpu.memory_space<semaphore_mem>>) src(%dma_wait3A_1800 : memref<1000000xf32, #tpu.memory_space<hbm>>) dst(%dma_wait3A_1795 : memref<128xf32, #tpu.memory_space<vmem>>)
    %dma_wait3A_1801 = arith.constant 2 : i32
    %dma_wait3A_1802 = arith.constant 6400 : i32
    %dma_wait3A_1803 = tpu.memref_slice %arg44[%dma_wait3A_1802] : memref<8192xf32, #tpu.memory_space<vmem>> -> memref<128xf32, #tpu.memory_space<vmem>>
    %dma_wait3A_1804 = arith.constant 0 : i32
    %dma_wait3A_1805 = tpu.memref_slice %arg42[%dma_wait3A_1801, %dma_wait3A_1804] : memref<4x128xi32, #tpu.memory_space<vmem>> -> memref<1x128xi32, #tpu.memory_space<vmem>>
    %dma_wait3A_1806 = tpu.memref_squeeze %dma_wait3A_1805 : memref<1x128xi32, #tpu.memory_space<vmem>> -> memref<128xi32, #tpu.memory_space<vmem>>
    %dma_wait3A_1807 = arith.constant 0 : i32
    %dma_wait3A_1808 = tpu.memref_slice %arg32[%dma_wait3A_1807] : memref<1000000xf32, #tpu.memory_space<hbm>> -> memref<1000000xf32, #tpu.memory_space<hbm>>
    tpu.wait_indirect_dma semaphore(%arg48 : memref<!tpu.dma_semaphore, #tpu.memory_space<semaphore_mem>>) src(%dma_wait3A_1808 : memref<1000000xf32, #tpu.memory_space<hbm>>) dst(%dma_wait3A_1803 : memref<128xf32, #tpu.memory_space<vmem>>)
    %dma_wait3A_1809 = arith.constant 2 : i32
    %dma_wait3A_1810 = arith.constant 6912 : i32
    %dma_wait3A_1811 = tpu.memref_slice %arg43[%dma_wait3A_1810] : memref<8192xf32, #tpu.memory_space<vmem>> -> memref<128xf32, #tpu.memory_space<vmem>>
    %dma_wait3A_1812 = arith.constant 0 : i32
    %dma_wait3A_1813 = tpu.memref_slice %arg41[%dma_wait3A_1809, %dma_wait3A_1812] : memref<4x128xi32, #tpu.memory_space<vmem>> -> memref<1x128xi32, #tpu.memory_space<vmem>>
    %dma_wait3A_1814 = tpu.memref_squeeze %dma_wait3A_1813 : memref<1x128xi32, #tpu.memory_space<vmem>> -> memref<128xi32, #tpu.memory_space<vmem>>
    %dma_wait3A_1815 = arith.constant 0 : i32
    %dma_wait3A_1816 = tpu.memref_slice %arg17[%dma_wait3A_1815] : memref<1000000xf32, #tpu.memory_space<hbm>> -> memref<1000000xf32, #tpu.memory_space<hbm>>
    tpu.wait_indirect_dma semaphore(%arg48 : memref<!tpu.dma_semaphore, #tpu.memory_space<semaphore_mem>>) src(%dma_wait3A_1816 : memref<1000000xf32, #tpu.memory_space<hbm>>) dst(%dma_wait3A_1811 : memref<128xf32, #tpu.memory_space<vmem>>)
    %dma_wait3A_1817 = arith.constant 2 : i32
    %dma_wait3A_1818 = arith.constant 6912 : i32
    %dma_wait3A_1819 = tpu.memref_slice %arg44[%dma_wait3A_1818] : memref<8192xf32, #tpu.memory_space<vmem>> -> memref<128xf32, #tpu.memory_space<vmem>>
    %dma_wait3A_1820 = arith.constant 0 : i32
    %dma_wait3A_1821 = tpu.memref_slice %arg42[%dma_wait3A_1817, %dma_wait3A_1820] : memref<4x128xi32, #tpu.memory_space<vmem>> -> memref<1x128xi32, #tpu.memory_space<vmem>>
    %dma_wait3A_1822 = tpu.memref_squeeze %dma_wait3A_1821 : memref<1x128xi32, #tpu.memory_space<vmem>> -> memref<128xi32, #tpu.memory_space<vmem>>
    %dma_wait3A_1823 = arith.constant 0 : i32
    %dma_wait3A_1824 = tpu.memref_slice %arg33[%dma_wait3A_1823] : memref<1000000xf32, #tpu.memory_space<hbm>> -> memref<1000000xf32, #tpu.memory_space<hbm>>
    tpu.wait_indirect_dma semaphore(%arg48 : memref<!tpu.dma_semaphore, #tpu.memory_space<semaphore_mem>>) src(%dma_wait3A_1824 : memref<1000000xf32, #tpu.memory_space<hbm>>) dst(%dma_wait3A_1819 : memref<128xf32, #tpu.memory_space<vmem>>)
    %dma_wait3A_1825 = arith.constant 2 : i32
    %dma_wait3A_1826 = arith.constant 7424 : i32
    %dma_wait3A_1827 = tpu.memref_slice %arg43[%dma_wait3A_1826] : memref<8192xf32, #tpu.memory_space<vmem>> -> memref<128xf32, #tpu.memory_space<vmem>>
    %dma_wait3A_1828 = arith.constant 0 : i32
    %dma_wait3A_1829 = tpu.memref_slice %arg41[%dma_wait3A_1825, %dma_wait3A_1828] : memref<4x128xi32, #tpu.memory_space<vmem>> -> memref<1x128xi32, #tpu.memory_space<vmem>>
    %dma_wait3A_1830 = tpu.memref_squeeze %dma_wait3A_1829 : memref<1x128xi32, #tpu.memory_space<vmem>> -> memref<128xi32, #tpu.memory_space<vmem>>
    %dma_wait3A_1831 = arith.constant 0 : i32
    %dma_wait3A_1832 = tpu.memref_slice %arg18[%dma_wait3A_1831] : memref<1000000xf32, #tpu.memory_space<hbm>> -> memref<1000000xf32, #tpu.memory_space<hbm>>
    tpu.wait_indirect_dma semaphore(%arg48 : memref<!tpu.dma_semaphore, #tpu.memory_space<semaphore_mem>>) src(%dma_wait3A_1832 : memref<1000000xf32, #tpu.memory_space<hbm>>) dst(%dma_wait3A_1827 : memref<128xf32, #tpu.memory_space<vmem>>)
    %dma_wait3A_1833 = arith.constant 2 : i32
    %dma_wait3A_1834 = arith.constant 7424 : i32
    %dma_wait3A_1835 = tpu.memref_slice %arg44[%dma_wait3A_1834] : memref<8192xf32, #tpu.memory_space<vmem>> -> memref<128xf32, #tpu.memory_space<vmem>>
    %dma_wait3A_1836 = arith.constant 0 : i32
    %dma_wait3A_1837 = tpu.memref_slice %arg42[%dma_wait3A_1833, %dma_wait3A_1836] : memref<4x128xi32, #tpu.memory_space<vmem>> -> memref<1x128xi32, #tpu.memory_space<vmem>>
    %dma_wait3A_1838 = tpu.memref_squeeze %dma_wait3A_1837 : memref<1x128xi32, #tpu.memory_space<vmem>> -> memref<128xi32, #tpu.memory_space<vmem>>
    %dma_wait3A_1839 = arith.constant 0 : i32
    %dma_wait3A_1840 = tpu.memref_slice %arg34[%dma_wait3A_1839] : memref<1000000xf32, #tpu.memory_space<hbm>> -> memref<1000000xf32, #tpu.memory_space<hbm>>
    tpu.wait_indirect_dma semaphore(%arg48 : memref<!tpu.dma_semaphore, #tpu.memory_space<semaphore_mem>>) src(%dma_wait3A_1840 : memref<1000000xf32, #tpu.memory_space<hbm>>) dst(%dma_wait3A_1835 : memref<128xf32, #tpu.memory_space<vmem>>)
    %dma_wait3A_1841 = arith.constant 2 : i32
    %dma_wait3A_1842 = arith.constant 7936 : i32
    %dma_wait3A_1843 = tpu.memref_slice %arg43[%dma_wait3A_1842] : memref<8192xf32, #tpu.memory_space<vmem>> -> memref<128xf32, #tpu.memory_space<vmem>>
    %dma_wait3A_1844 = arith.constant 0 : i32
    %dma_wait3A_1845 = tpu.memref_slice %arg41[%dma_wait3A_1841, %dma_wait3A_1844] : memref<4x128xi32, #tpu.memory_space<vmem>> -> memref<1x128xi32, #tpu.memory_space<vmem>>
    %dma_wait3A_1846 = tpu.memref_squeeze %dma_wait3A_1845 : memref<1x128xi32, #tpu.memory_space<vmem>> -> memref<128xi32, #tpu.memory_space<vmem>>
    %dma_wait3A_1847 = arith.constant 0 : i32
    %dma_wait3A_1848 = tpu.memref_slice %arg19[%dma_wait3A_1847] : memref<1000000xf32, #tpu.memory_space<hbm>> -> memref<1000000xf32, #tpu.memory_space<hbm>>
    tpu.wait_indirect_dma semaphore(%arg48 : memref<!tpu.dma_semaphore, #tpu.memory_space<semaphore_mem>>) src(%dma_wait3A_1848 : memref<1000000xf32, #tpu.memory_space<hbm>>) dst(%dma_wait3A_1843 : memref<128xf32, #tpu.memory_space<vmem>>)
    %dma_wait3A_1849 = arith.constant 2 : i32
    %dma_wait3A_1850 = arith.constant 7936 : i32
    %dma_wait3A_1851 = tpu.memref_slice %arg44[%dma_wait3A_1850] : memref<8192xf32, #tpu.memory_space<vmem>> -> memref<128xf32, #tpu.memory_space<vmem>>
    %dma_wait3A_1852 = arith.constant 0 : i32
    %dma_wait3A_1853 = tpu.memref_slice %arg42[%dma_wait3A_1849, %dma_wait3A_1852] : memref<4x128xi32, #tpu.memory_space<vmem>> -> memref<1x128xi32, #tpu.memory_space<vmem>>
    %dma_wait3A_1854 = tpu.memref_squeeze %dma_wait3A_1853 : memref<1x128xi32, #tpu.memory_space<vmem>> -> memref<128xi32, #tpu.memory_space<vmem>>
    %dma_wait3A_1855 = arith.constant 0 : i32
    %dma_wait3A_1856 = tpu.memref_slice %arg35[%dma_wait3A_1855] : memref<1000000xf32, #tpu.memory_space<hbm>> -> memref<1000000xf32, #tpu.memory_space<hbm>>
    tpu.wait_indirect_dma semaphore(%arg48 : memref<!tpu.dma_semaphore, #tpu.memory_space<semaphore_mem>>) src(%dma_wait3A_1856 : memref<1000000xf32, #tpu.memory_space<hbm>>) dst(%dma_wait3A_1851 : memref<128xf32, #tpu.memory_space<vmem>>)
    %dma_wait3A_1857 = arith.constant 3 : i32
    %dma_wait3A_1858 = arith.constant 384 : i32
    %dma_wait3A_1859 = tpu.memref_slice %arg43[%dma_wait3A_1858] : memref<8192xf32, #tpu.memory_space<vmem>> -> memref<128xf32, #tpu.memory_space<vmem>>
    %dma_wait3A_1860 = arith.constant 0 : i32
    %dma_wait3A_1861 = tpu.memref_slice %arg41[%dma_wait3A_1857, %dma_wait3A_1860] : memref<4x128xi32, #tpu.memory_space<vmem>> -> memref<1x128xi32, #tpu.memory_space<vmem>>
    %dma_wait3A_1862 = tpu.memref_squeeze %dma_wait3A_1861 : memref<1x128xi32, #tpu.memory_space<vmem>> -> memref<128xi32, #tpu.memory_space<vmem>>
    %dma_wait3A_1863 = arith.constant 0 : i32
    %dma_wait3A_1864 = tpu.memref_slice %arg4[%dma_wait3A_1863] : memref<1000000xf32, #tpu.memory_space<hbm>> -> memref<1000000xf32, #tpu.memory_space<hbm>>
    tpu.wait_indirect_dma semaphore(%arg48 : memref<!tpu.dma_semaphore, #tpu.memory_space<semaphore_mem>>) src(%dma_wait3A_1864 : memref<1000000xf32, #tpu.memory_space<hbm>>) dst(%dma_wait3A_1859 : memref<128xf32, #tpu.memory_space<vmem>>)
    %dma_wait3A_1865 = arith.constant 3 : i32
    %dma_wait3A_1866 = arith.constant 384 : i32
    %dma_wait3A_1867 = tpu.memref_slice %arg44[%dma_wait3A_1866] : memref<8192xf32, #tpu.memory_space<vmem>> -> memref<128xf32, #tpu.memory_space<vmem>>
    %dma_wait3A_1868 = arith.constant 0 : i32
    %dma_wait3A_1869 = tpu.memref_slice %arg42[%dma_wait3A_1865, %dma_wait3A_1868] : memref<4x128xi32, #tpu.memory_space<vmem>> -> memref<1x128xi32, #tpu.memory_space<vmem>>
    %dma_wait3A_1870 = tpu.memref_squeeze %dma_wait3A_1869 : memref<1x128xi32, #tpu.memory_space<vmem>> -> memref<128xi32, #tpu.memory_space<vmem>>
    %dma_wait3A_1871 = arith.constant 0 : i32
    %dma_wait3A_1872 = tpu.memref_slice %arg20[%dma_wait3A_1871] : memref<1000000xf32, #tpu.memory_space<hbm>> -> memref<1000000xf32, #tpu.memory_space<hbm>>
    tpu.wait_indirect_dma semaphore(%arg48 : memref<!tpu.dma_semaphore, #tpu.memory_space<semaphore_mem>>) src(%dma_wait3A_1872 : memref<1000000xf32, #tpu.memory_space<hbm>>) dst(%dma_wait3A_1867 : memref<128xf32, #tpu.memory_space<vmem>>)
    %dma_wait3A_1873 = arith.constant 3 : i32
    %dma_wait3A_1874 = arith.constant 896 : i32
    %dma_wait3A_1875 = tpu.memref_slice %arg43[%dma_wait3A_1874] : memref<8192xf32, #tpu.memory_space<vmem>> -> memref<128xf32, #tpu.memory_space<vmem>>
    %dma_wait3A_1876 = arith.constant 0 : i32
    %dma_wait3A_1877 = tpu.memref_slice %arg41[%dma_wait3A_1873, %dma_wait3A_1876] : memref<4x128xi32, #tpu.memory_space<vmem>> -> memref<1x128xi32, #tpu.memory_space<vmem>>
    %dma_wait3A_1878 = tpu.memref_squeeze %dma_wait3A_1877 : memref<1x128xi32, #tpu.memory_space<vmem>> -> memref<128xi32, #tpu.memory_space<vmem>>
    %dma_wait3A_1879 = arith.constant 0 : i32
    %dma_wait3A_1880 = tpu.memref_slice %arg5[%dma_wait3A_1879] : memref<1000000xf32, #tpu.memory_space<hbm>> -> memref<1000000xf32, #tpu.memory_space<hbm>>
    tpu.wait_indirect_dma semaphore(%arg48 : memref<!tpu.dma_semaphore, #tpu.memory_space<semaphore_mem>>) src(%dma_wait3A_1880 : memref<1000000xf32, #tpu.memory_space<hbm>>) dst(%dma_wait3A_1875 : memref<128xf32, #tpu.memory_space<vmem>>)
    %dma_wait3A_1881 = arith.constant 3 : i32
    %dma_wait3A_1882 = arith.constant 896 : i32
    %dma_wait3A_1883 = tpu.memref_slice %arg44[%dma_wait3A_1882] : memref<8192xf32, #tpu.memory_space<vmem>> -> memref<128xf32, #tpu.memory_space<vmem>>
    %dma_wait3A_1884 = arith.constant 0 : i32
    %dma_wait3A_1885 = tpu.memref_slice %arg42[%dma_wait3A_1881, %dma_wait3A_1884] : memref<4x128xi32, #tpu.memory_space<vmem>> -> memref<1x128xi32, #tpu.memory_space<vmem>>
    %dma_wait3A_1886 = tpu.memref_squeeze %dma_wait3A_1885 : memref<1x128xi32, #tpu.memory_space<vmem>> -> memref<128xi32, #tpu.memory_space<vmem>>
    %dma_wait3A_1887 = arith.constant 0 : i32
    %dma_wait3A_1888 = tpu.memref_slice %arg21[%dma_wait3A_1887] : memref<1000000xf32, #tpu.memory_space<hbm>> -> memref<1000000xf32, #tpu.memory_space<hbm>>
    tpu.wait_indirect_dma semaphore(%arg48 : memref<!tpu.dma_semaphore, #tpu.memory_space<semaphore_mem>>) src(%dma_wait3A_1888 : memref<1000000xf32, #tpu.memory_space<hbm>>) dst(%dma_wait3A_1883 : memref<128xf32, #tpu.memory_space<vmem>>)
    %dma_wait3A_1889 = arith.constant 3 : i32
    %dma_wait3A_1890 = arith.constant 1408 : i32
    %dma_wait3A_1891 = tpu.memref_slice %arg43[%dma_wait3A_1890] : memref<8192xf32, #tpu.memory_space<vmem>> -> memref<128xf32, #tpu.memory_space<vmem>>
    %dma_wait3A_1892 = arith.constant 0 : i32
    %dma_wait3A_1893 = tpu.memref_slice %arg41[%dma_wait3A_1889, %dma_wait3A_1892] : memref<4x128xi32, #tpu.memory_space<vmem>> -> memref<1x128xi32, #tpu.memory_space<vmem>>
    %dma_wait3A_1894 = tpu.memref_squeeze %dma_wait3A_1893 : memref<1x128xi32, #tpu.memory_space<vmem>> -> memref<128xi32, #tpu.memory_space<vmem>>
    %dma_wait3A_1895 = arith.constant 0 : i32
    %dma_wait3A_1896 = tpu.memref_slice %arg6[%dma_wait3A_1895] : memref<1000000xf32, #tpu.memory_space<hbm>> -> memref<1000000xf32, #tpu.memory_space<hbm>>
    tpu.wait_indirect_dma semaphore(%arg48 : memref<!tpu.dma_semaphore, #tpu.memory_space<semaphore_mem>>) src(%dma_wait3A_1896 : memref<1000000xf32, #tpu.memory_space<hbm>>) dst(%dma_wait3A_1891 : memref<128xf32, #tpu.memory_space<vmem>>)
    %dma_wait3A_1897 = arith.constant 3 : i32
    %dma_wait3A_1898 = arith.constant 1408 : i32
    %dma_wait3A_1899 = tpu.memref_slice %arg44[%dma_wait3A_1898] : memref<8192xf32, #tpu.memory_space<vmem>> -> memref<128xf32, #tpu.memory_space<vmem>>
    %dma_wait3A_1900 = arith.constant 0 : i32
    %dma_wait3A_1901 = tpu.memref_slice %arg42[%dma_wait3A_1897, %dma_wait3A_1900] : memref<4x128xi32, #tpu.memory_space<vmem>> -> memref<1x128xi32, #tpu.memory_space<vmem>>
    %dma_wait3A_1902 = tpu.memref_squeeze %dma_wait3A_1901 : memref<1x128xi32, #tpu.memory_space<vmem>> -> memref<128xi32, #tpu.memory_space<vmem>>
    %dma_wait3A_1903 = arith.constant 0 : i32
    %dma_wait3A_1904 = tpu.memref_slice %arg22[%dma_wait3A_1903] : memref<1000000xf32, #tpu.memory_space<hbm>> -> memref<1000000xf32, #tpu.memory_space<hbm>>
    tpu.wait_indirect_dma semaphore(%arg48 : memref<!tpu.dma_semaphore, #tpu.memory_space<semaphore_mem>>) src(%dma_wait3A_1904 : memref<1000000xf32, #tpu.memory_space<hbm>>) dst(%dma_wait3A_1899 : memref<128xf32, #tpu.memory_space<vmem>>)
    %dma_wait3A_1905 = arith.constant 3 : i32
    %dma_wait3A_1906 = arith.constant 1920 : i32
    %dma_wait3A_1907 = tpu.memref_slice %arg43[%dma_wait3A_1906] : memref<8192xf32, #tpu.memory_space<vmem>> -> memref<128xf32, #tpu.memory_space<vmem>>
    %dma_wait3A_1908 = arith.constant 0 : i32
    %dma_wait3A_1909 = tpu.memref_slice %arg41[%dma_wait3A_1905, %dma_wait3A_1908] : memref<4x128xi32, #tpu.memory_space<vmem>> -> memref<1x128xi32, #tpu.memory_space<vmem>>
    %dma_wait3A_1910 = tpu.memref_squeeze %dma_wait3A_1909 : memref<1x128xi32, #tpu.memory_space<vmem>> -> memref<128xi32, #tpu.memory_space<vmem>>
    %dma_wait3A_1911 = arith.constant 0 : i32
    %dma_wait3A_1912 = tpu.memref_slice %arg7[%dma_wait3A_1911] : memref<1000000xf32, #tpu.memory_space<hbm>> -> memref<1000000xf32, #tpu.memory_space<hbm>>
    tpu.wait_indirect_dma semaphore(%arg48 : memref<!tpu.dma_semaphore, #tpu.memory_space<semaphore_mem>>) src(%dma_wait3A_1912 : memref<1000000xf32, #tpu.memory_space<hbm>>) dst(%dma_wait3A_1907 : memref<128xf32, #tpu.memory_space<vmem>>)
    %dma_wait3A_1913 = arith.constant 3 : i32
    %dma_wait3A_1914 = arith.constant 1920 : i32
    %dma_wait3A_1915 = tpu.memref_slice %arg44[%dma_wait3A_1914] : memref<8192xf32, #tpu.memory_space<vmem>> -> memref<128xf32, #tpu.memory_space<vmem>>
    %dma_wait3A_1916 = arith.constant 0 : i32
    %dma_wait3A_1917 = tpu.memref_slice %arg42[%dma_wait3A_1913, %dma_wait3A_1916] : memref<4x128xi32, #tpu.memory_space<vmem>> -> memref<1x128xi32, #tpu.memory_space<vmem>>
    %dma_wait3A_1918 = tpu.memref_squeeze %dma_wait3A_1917 : memref<1x128xi32, #tpu.memory_space<vmem>> -> memref<128xi32, #tpu.memory_space<vmem>>
    %dma_wait3A_1919 = arith.constant 0 : i32
    %dma_wait3A_1920 = tpu.memref_slice %arg23[%dma_wait3A_1919] : memref<1000000xf32, #tpu.memory_space<hbm>> -> memref<1000000xf32, #tpu.memory_space<hbm>>
    tpu.wait_indirect_dma semaphore(%arg48 : memref<!tpu.dma_semaphore, #tpu.memory_space<semaphore_mem>>) src(%dma_wait3A_1920 : memref<1000000xf32, #tpu.memory_space<hbm>>) dst(%dma_wait3A_1915 : memref<128xf32, #tpu.memory_space<vmem>>)
    %dma_wait3A_1921 = arith.constant 3 : i32
    %dma_wait3A_1922 = arith.constant 2432 : i32
    %dma_wait3A_1923 = tpu.memref_slice %arg43[%dma_wait3A_1922] : memref<8192xf32, #tpu.memory_space<vmem>> -> memref<128xf32, #tpu.memory_space<vmem>>
    %dma_wait3A_1924 = arith.constant 0 : i32
    %dma_wait3A_1925 = tpu.memref_slice %arg41[%dma_wait3A_1921, %dma_wait3A_1924] : memref<4x128xi32, #tpu.memory_space<vmem>> -> memref<1x128xi32, #tpu.memory_space<vmem>>
    %dma_wait3A_1926 = tpu.memref_squeeze %dma_wait3A_1925 : memref<1x128xi32, #tpu.memory_space<vmem>> -> memref<128xi32, #tpu.memory_space<vmem>>
    %dma_wait3A_1927 = arith.constant 0 : i32
    %dma_wait3A_1928 = tpu.memref_slice %arg8[%dma_wait3A_1927] : memref<1000000xf32, #tpu.memory_space<hbm>> -> memref<1000000xf32, #tpu.memory_space<hbm>>
    tpu.wait_indirect_dma semaphore(%arg48 : memref<!tpu.dma_semaphore, #tpu.memory_space<semaphore_mem>>) src(%dma_wait3A_1928 : memref<1000000xf32, #tpu.memory_space<hbm>>) dst(%dma_wait3A_1923 : memref<128xf32, #tpu.memory_space<vmem>>)
    %dma_wait3A_1929 = arith.constant 3 : i32
    %dma_wait3A_1930 = arith.constant 2432 : i32
    %dma_wait3A_1931 = tpu.memref_slice %arg44[%dma_wait3A_1930] : memref<8192xf32, #tpu.memory_space<vmem>> -> memref<128xf32, #tpu.memory_space<vmem>>
    %dma_wait3A_1932 = arith.constant 0 : i32
    %dma_wait3A_1933 = tpu.memref_slice %arg42[%dma_wait3A_1929, %dma_wait3A_1932] : memref<4x128xi32, #tpu.memory_space<vmem>> -> memref<1x128xi32, #tpu.memory_space<vmem>>
    %dma_wait3A_1934 = tpu.memref_squeeze %dma_wait3A_1933 : memref<1x128xi32, #tpu.memory_space<vmem>> -> memref<128xi32, #tpu.memory_space<vmem>>
    %dma_wait3A_1935 = arith.constant 0 : i32
    %dma_wait3A_1936 = tpu.memref_slice %arg24[%dma_wait3A_1935] : memref<1000000xf32, #tpu.memory_space<hbm>> -> memref<1000000xf32, #tpu.memory_space<hbm>>
    tpu.wait_indirect_dma semaphore(%arg48 : memref<!tpu.dma_semaphore, #tpu.memory_space<semaphore_mem>>) src(%dma_wait3A_1936 : memref<1000000xf32, #tpu.memory_space<hbm>>) dst(%dma_wait3A_1931 : memref<128xf32, #tpu.memory_space<vmem>>)
    %dma_wait3A_1937 = arith.constant 3 : i32
    %dma_wait3A_1938 = arith.constant 2944 : i32
    %dma_wait3A_1939 = tpu.memref_slice %arg43[%dma_wait3A_1938] : memref<8192xf32, #tpu.memory_space<vmem>> -> memref<128xf32, #tpu.memory_space<vmem>>
    %dma_wait3A_1940 = arith.constant 0 : i32
    %dma_wait3A_1941 = tpu.memref_slice %arg41[%dma_wait3A_1937, %dma_wait3A_1940] : memref<4x128xi32, #tpu.memory_space<vmem>> -> memref<1x128xi32, #tpu.memory_space<vmem>>
    %dma_wait3A_1942 = tpu.memref_squeeze %dma_wait3A_1941 : memref<1x128xi32, #tpu.memory_space<vmem>> -> memref<128xi32, #tpu.memory_space<vmem>>
    %dma_wait3A_1943 = arith.constant 0 : i32
    %dma_wait3A_1944 = tpu.memref_slice %arg9[%dma_wait3A_1943] : memref<1000000xf32, #tpu.memory_space<hbm>> -> memref<1000000xf32, #tpu.memory_space<hbm>>
    tpu.wait_indirect_dma semaphore(%arg48 : memref<!tpu.dma_semaphore, #tpu.memory_space<semaphore_mem>>) src(%dma_wait3A_1944 : memref<1000000xf32, #tpu.memory_space<hbm>>) dst(%dma_wait3A_1939 : memref<128xf32, #tpu.memory_space<vmem>>)
    %dma_wait3A_1945 = arith.constant 3 : i32
    %dma_wait3A_1946 = arith.constant 2944 : i32
    %dma_wait3A_1947 = tpu.memref_slice %arg44[%dma_wait3A_1946] : memref<8192xf32, #tpu.memory_space<vmem>> -> memref<128xf32, #tpu.memory_space<vmem>>
    %dma_wait3A_1948 = arith.constant 0 : i32
    %dma_wait3A_1949 = tpu.memref_slice %arg42[%dma_wait3A_1945, %dma_wait3A_1948] : memref<4x128xi32, #tpu.memory_space<vmem>> -> memref<1x128xi32, #tpu.memory_space<vmem>>
    %dma_wait3A_1950 = tpu.memref_squeeze %dma_wait3A_1949 : memref<1x128xi32, #tpu.memory_space<vmem>> -> memref<128xi32, #tpu.memory_space<vmem>>
    %dma_wait3A_1951 = arith.constant 0 : i32
    %dma_wait3A_1952 = tpu.memref_slice %arg25[%dma_wait3A_1951] : memref<1000000xf32, #tpu.memory_space<hbm>> -> memref<1000000xf32, #tpu.memory_space<hbm>>
    tpu.wait_indirect_dma semaphore(%arg48 : memref<!tpu.dma_semaphore, #tpu.memory_space<semaphore_mem>>) src(%dma_wait3A_1952 : memref<1000000xf32, #tpu.memory_space<hbm>>) dst(%dma_wait3A_1947 : memref<128xf32, #tpu.memory_space<vmem>>)
    %dma_wait3A_1953 = arith.constant 3 : i32
    %dma_wait3A_1954 = arith.constant 3456 : i32
    %dma_wait3A_1955 = tpu.memref_slice %arg43[%dma_wait3A_1954] : memref<8192xf32, #tpu.memory_space<vmem>> -> memref<128xf32, #tpu.memory_space<vmem>>
    %dma_wait3A_1956 = arith.constant 0 : i32
    %dma_wait3A_1957 = tpu.memref_slice %arg41[%dma_wait3A_1953, %dma_wait3A_1956] : memref<4x128xi32, #tpu.memory_space<vmem>> -> memref<1x128xi32, #tpu.memory_space<vmem>>
    %dma_wait3A_1958 = tpu.memref_squeeze %dma_wait3A_1957 : memref<1x128xi32, #tpu.memory_space<vmem>> -> memref<128xi32, #tpu.memory_space<vmem>>
    %dma_wait3A_1959 = arith.constant 0 : i32
    %dma_wait3A_1960 = tpu.memref_slice %arg10[%dma_wait3A_1959] : memref<1000000xf32, #tpu.memory_space<hbm>> -> memref<1000000xf32, #tpu.memory_space<hbm>>
    tpu.wait_indirect_dma semaphore(%arg48 : memref<!tpu.dma_semaphore, #tpu.memory_space<semaphore_mem>>) src(%dma_wait3A_1960 : memref<1000000xf32, #tpu.memory_space<hbm>>) dst(%dma_wait3A_1955 : memref<128xf32, #tpu.memory_space<vmem>>)
    %dma_wait3A_1961 = arith.constant 3 : i32
    %dma_wait3A_1962 = arith.constant 3456 : i32
    %dma_wait3A_1963 = tpu.memref_slice %arg44[%dma_wait3A_1962] : memref<8192xf32, #tpu.memory_space<vmem>> -> memref<128xf32, #tpu.memory_space<vmem>>
    %dma_wait3A_1964 = arith.constant 0 : i32
    %dma_wait3A_1965 = tpu.memref_slice %arg42[%dma_wait3A_1961, %dma_wait3A_1964] : memref<4x128xi32, #tpu.memory_space<vmem>> -> memref<1x128xi32, #tpu.memory_space<vmem>>
    %dma_wait3A_1966 = tpu.memref_squeeze %dma_wait3A_1965 : memref<1x128xi32, #tpu.memory_space<vmem>> -> memref<128xi32, #tpu.memory_space<vmem>>
    %dma_wait3A_1967 = arith.constant 0 : i32
    %dma_wait3A_1968 = tpu.memref_slice %arg26[%dma_wait3A_1967] : memref<1000000xf32, #tpu.memory_space<hbm>> -> memref<1000000xf32, #tpu.memory_space<hbm>>
    tpu.wait_indirect_dma semaphore(%arg48 : memref<!tpu.dma_semaphore, #tpu.memory_space<semaphore_mem>>) src(%dma_wait3A_1968 : memref<1000000xf32, #tpu.memory_space<hbm>>) dst(%dma_wait3A_1963 : memref<128xf32, #tpu.memory_space<vmem>>)
    %dma_wait3A_1969 = arith.constant 3 : i32
    %dma_wait3A_1970 = arith.constant 3968 : i32
    %dma_wait3A_1971 = tpu.memref_slice %arg43[%dma_wait3A_1970] : memref<8192xf32, #tpu.memory_space<vmem>> -> memref<128xf32, #tpu.memory_space<vmem>>
    %dma_wait3A_1972 = arith.constant 0 : i32
    %dma_wait3A_1973 = tpu.memref_slice %arg41[%dma_wait3A_1969, %dma_wait3A_1972] : memref<4x128xi32, #tpu.memory_space<vmem>> -> memref<1x128xi32, #tpu.memory_space<vmem>>
    %dma_wait3A_1974 = tpu.memref_squeeze %dma_wait3A_1973 : memref<1x128xi32, #tpu.memory_space<vmem>> -> memref<128xi32, #tpu.memory_space<vmem>>
    %dma_wait3A_1975 = arith.constant 0 : i32
    %dma_wait3A_1976 = tpu.memref_slice %arg11[%dma_wait3A_1975] : memref<1000000xf32, #tpu.memory_space<hbm>> -> memref<1000000xf32, #tpu.memory_space<hbm>>
    tpu.wait_indirect_dma semaphore(%arg48 : memref<!tpu.dma_semaphore, #tpu.memory_space<semaphore_mem>>) src(%dma_wait3A_1976 : memref<1000000xf32, #tpu.memory_space<hbm>>) dst(%dma_wait3A_1971 : memref<128xf32, #tpu.memory_space<vmem>>)
    %dma_wait3A_1977 = arith.constant 3 : i32
    %dma_wait3A_1978 = arith.constant 3968 : i32
    %dma_wait3A_1979 = tpu.memref_slice %arg44[%dma_wait3A_1978] : memref<8192xf32, #tpu.memory_space<vmem>> -> memref<128xf32, #tpu.memory_space<vmem>>
    %dma_wait3A_1980 = arith.constant 0 : i32
    %dma_wait3A_1981 = tpu.memref_slice %arg42[%dma_wait3A_1977, %dma_wait3A_1980] : memref<4x128xi32, #tpu.memory_space<vmem>> -> memref<1x128xi32, #tpu.memory_space<vmem>>
    %dma_wait3A_1982 = tpu.memref_squeeze %dma_wait3A_1981 : memref<1x128xi32, #tpu.memory_space<vmem>> -> memref<128xi32, #tpu.memory_space<vmem>>
    %dma_wait3A_1983 = arith.constant 0 : i32
    %dma_wait3A_1984 = tpu.memref_slice %arg27[%dma_wait3A_1983] : memref<1000000xf32, #tpu.memory_space<hbm>> -> memref<1000000xf32, #tpu.memory_space<hbm>>
    tpu.wait_indirect_dma semaphore(%arg48 : memref<!tpu.dma_semaphore, #tpu.memory_space<semaphore_mem>>) src(%dma_wait3A_1984 : memref<1000000xf32, #tpu.memory_space<hbm>>) dst(%dma_wait3A_1979 : memref<128xf32, #tpu.memory_space<vmem>>)
    %dma_wait3A_1985 = arith.constant 3 : i32
    %dma_wait3A_1986 = arith.constant 4480 : i32
    %dma_wait3A_1987 = tpu.memref_slice %arg43[%dma_wait3A_1986] : memref<8192xf32, #tpu.memory_space<vmem>> -> memref<128xf32, #tpu.memory_space<vmem>>
    %dma_wait3A_1988 = arith.constant 0 : i32
    %dma_wait3A_1989 = tpu.memref_slice %arg41[%dma_wait3A_1985, %dma_wait3A_1988] : memref<4x128xi32, #tpu.memory_space<vmem>> -> memref<1x128xi32, #tpu.memory_space<vmem>>
    %dma_wait3A_1990 = tpu.memref_squeeze %dma_wait3A_1989 : memref<1x128xi32, #tpu.memory_space<vmem>> -> memref<128xi32, #tpu.memory_space<vmem>>
    %dma_wait3A_1991 = arith.constant 0 : i32
    %dma_wait3A_1992 = tpu.memref_slice %arg12[%dma_wait3A_1991] : memref<1000000xf32, #tpu.memory_space<hbm>> -> memref<1000000xf32, #tpu.memory_space<hbm>>
    tpu.wait_indirect_dma semaphore(%arg48 : memref<!tpu.dma_semaphore, #tpu.memory_space<semaphore_mem>>) src(%dma_wait3A_1992 : memref<1000000xf32, #tpu.memory_space<hbm>>) dst(%dma_wait3A_1987 : memref<128xf32, #tpu.memory_space<vmem>>)
    %dma_wait3A_1993 = arith.constant 3 : i32
    %dma_wait3A_1994 = arith.constant 4480 : i32
    %dma_wait3A_1995 = tpu.memref_slice %arg44[%dma_wait3A_1994] : memref<8192xf32, #tpu.memory_space<vmem>> -> memref<128xf32, #tpu.memory_space<vmem>>
    %dma_wait3A_1996 = arith.constant 0 : i32
    %dma_wait3A_1997 = tpu.memref_slice %arg42[%dma_wait3A_1993, %dma_wait3A_1996] : memref<4x128xi32, #tpu.memory_space<vmem>> -> memref<1x128xi32, #tpu.memory_space<vmem>>
    %dma_wait3A_1998 = tpu.memref_squeeze %dma_wait3A_1997 : memref<1x128xi32, #tpu.memory_space<vmem>> -> memref<128xi32, #tpu.memory_space<vmem>>
    %dma_wait3A_1999 = arith.constant 0 : i32
    %dma_wait3A_2000 = tpu.memref_slice %arg28[%dma_wait3A_1999] : memref<1000000xf32, #tpu.memory_space<hbm>> -> memref<1000000xf32, #tpu.memory_space<hbm>>
    tpu.wait_indirect_dma semaphore(%arg48 : memref<!tpu.dma_semaphore, #tpu.memory_space<semaphore_mem>>) src(%dma_wait3A_2000 : memref<1000000xf32, #tpu.memory_space<hbm>>) dst(%dma_wait3A_1995 : memref<128xf32, #tpu.memory_space<vmem>>)
    %dma_wait3A_2001 = arith.constant 3 : i32
    %dma_wait3A_2002 = arith.constant 4992 : i32
    %dma_wait3A_2003 = tpu.memref_slice %arg43[%dma_wait3A_2002] : memref<8192xf32, #tpu.memory_space<vmem>> -> memref<128xf32, #tpu.memory_space<vmem>>
    %dma_wait3A_2004 = arith.constant 0 : i32
    %dma_wait3A_2005 = tpu.memref_slice %arg41[%dma_wait3A_2001, %dma_wait3A_2004] : memref<4x128xi32, #tpu.memory_space<vmem>> -> memref<1x128xi32, #tpu.memory_space<vmem>>
    %dma_wait3A_2006 = tpu.memref_squeeze %dma_wait3A_2005 : memref<1x128xi32, #tpu.memory_space<vmem>> -> memref<128xi32, #tpu.memory_space<vmem>>
    %dma_wait3A_2007 = arith.constant 0 : i32
    %dma_wait3A_2008 = tpu.memref_slice %arg13[%dma_wait3A_2007] : memref<1000000xf32, #tpu.memory_space<hbm>> -> memref<1000000xf32, #tpu.memory_space<hbm>>
    tpu.wait_indirect_dma semaphore(%arg48 : memref<!tpu.dma_semaphore, #tpu.memory_space<semaphore_mem>>) src(%dma_wait3A_2008 : memref<1000000xf32, #tpu.memory_space<hbm>>) dst(%dma_wait3A_2003 : memref<128xf32, #tpu.memory_space<vmem>>)
    %dma_wait3A_2009 = arith.constant 3 : i32
    %dma_wait3A_2010 = arith.constant 4992 : i32
    %dma_wait3A_2011 = tpu.memref_slice %arg44[%dma_wait3A_2010] : memref<8192xf32, #tpu.memory_space<vmem>> -> memref<128xf32, #tpu.memory_space<vmem>>
    %dma_wait3A_2012 = arith.constant 0 : i32
    %dma_wait3A_2013 = tpu.memref_slice %arg42[%dma_wait3A_2009, %dma_wait3A_2012] : memref<4x128xi32, #tpu.memory_space<vmem>> -> memref<1x128xi32, #tpu.memory_space<vmem>>
    %dma_wait3A_2014 = tpu.memref_squeeze %dma_wait3A_2013 : memref<1x128xi32, #tpu.memory_space<vmem>> -> memref<128xi32, #tpu.memory_space<vmem>>
    %dma_wait3A_2015 = arith.constant 0 : i32
    %dma_wait3A_2016 = tpu.memref_slice %arg29[%dma_wait3A_2015] : memref<1000000xf32, #tpu.memory_space<hbm>> -> memref<1000000xf32, #tpu.memory_space<hbm>>
    tpu.wait_indirect_dma semaphore(%arg48 : memref<!tpu.dma_semaphore, #tpu.memory_space<semaphore_mem>>) src(%dma_wait3A_2016 : memref<1000000xf32, #tpu.memory_space<hbm>>) dst(%dma_wait3A_2011 : memref<128xf32, #tpu.memory_space<vmem>>)
    %dma_wait3A_2017 = arith.constant 3 : i32
    %dma_wait3A_2018 = arith.constant 5504 : i32
    %dma_wait3A_2019 = tpu.memref_slice %arg43[%dma_wait3A_2018] : memref<8192xf32, #tpu.memory_space<vmem>> -> memref<128xf32, #tpu.memory_space<vmem>>
    %dma_wait3A_2020 = arith.constant 0 : i32
    %dma_wait3A_2021 = tpu.memref_slice %arg41[%dma_wait3A_2017, %dma_wait3A_2020] : memref<4x128xi32, #tpu.memory_space<vmem>> -> memref<1x128xi32, #tpu.memory_space<vmem>>
    %dma_wait3A_2022 = tpu.memref_squeeze %dma_wait3A_2021 : memref<1x128xi32, #tpu.memory_space<vmem>> -> memref<128xi32, #tpu.memory_space<vmem>>
    %dma_wait3A_2023 = arith.constant 0 : i32
    %dma_wait3A_2024 = tpu.memref_slice %arg14[%dma_wait3A_2023] : memref<1000000xf32, #tpu.memory_space<hbm>> -> memref<1000000xf32, #tpu.memory_space<hbm>>
    tpu.wait_indirect_dma semaphore(%arg48 : memref<!tpu.dma_semaphore, #tpu.memory_space<semaphore_mem>>) src(%dma_wait3A_2024 : memref<1000000xf32, #tpu.memory_space<hbm>>) dst(%dma_wait3A_2019 : memref<128xf32, #tpu.memory_space<vmem>>)
    %dma_wait3A_2025 = arith.constant 3 : i32
    %dma_wait3A_2026 = arith.constant 5504 : i32
    %dma_wait3A_2027 = tpu.memref_slice %arg44[%dma_wait3A_2026] : memref<8192xf32, #tpu.memory_space<vmem>> -> memref<128xf32, #tpu.memory_space<vmem>>
    %dma_wait3A_2028 = arith.constant 0 : i32
    %dma_wait3A_2029 = tpu.memref_slice %arg42[%dma_wait3A_2025, %dma_wait3A_2028] : memref<4x128xi32, #tpu.memory_space<vmem>> -> memref<1x128xi32, #tpu.memory_space<vmem>>
    %dma_wait3A_2030 = tpu.memref_squeeze %dma_wait3A_2029 : memref<1x128xi32, #tpu.memory_space<vmem>> -> memref<128xi32, #tpu.memory_space<vmem>>
    %dma_wait3A_2031 = arith.constant 0 : i32
    %dma_wait3A_2032 = tpu.memref_slice %arg30[%dma_wait3A_2031] : memref<1000000xf32, #tpu.memory_space<hbm>> -> memref<1000000xf32, #tpu.memory_space<hbm>>
    tpu.wait_indirect_dma semaphore(%arg48 : memref<!tpu.dma_semaphore, #tpu.memory_space<semaphore_mem>>) src(%dma_wait3A_2032 : memref<1000000xf32, #tpu.memory_space<hbm>>) dst(%dma_wait3A_2027 : memref<128xf32, #tpu.memory_space<vmem>>)
    %dma_wait3A_2033 = arith.constant 3 : i32
    %dma_wait3A_2034 = arith.constant 6016 : i32
    %dma_wait3A_2035 = tpu.memref_slice %arg43[%dma_wait3A_2034] : memref<8192xf32, #tpu.memory_space<vmem>> -> memref<128xf32, #tpu.memory_space<vmem>>
    %dma_wait3A_2036 = arith.constant 0 : i32
    %dma_wait3A_2037 = tpu.memref_slice %arg41[%dma_wait3A_2033, %dma_wait3A_2036] : memref<4x128xi32, #tpu.memory_space<vmem>> -> memref<1x128xi32, #tpu.memory_space<vmem>>
    %dma_wait3A_2038 = tpu.memref_squeeze %dma_wait3A_2037 : memref<1x128xi32, #tpu.memory_space<vmem>> -> memref<128xi32, #tpu.memory_space<vmem>>
    %dma_wait3A_2039 = arith.constant 0 : i32
    %dma_wait3A_2040 = tpu.memref_slice %arg15[%dma_wait3A_2039] : memref<1000000xf32, #tpu.memory_space<hbm>> -> memref<1000000xf32, #tpu.memory_space<hbm>>
    tpu.wait_indirect_dma semaphore(%arg48 : memref<!tpu.dma_semaphore, #tpu.memory_space<semaphore_mem>>) src(%dma_wait3A_2040 : memref<1000000xf32, #tpu.memory_space<hbm>>) dst(%dma_wait3A_2035 : memref<128xf32, #tpu.memory_space<vmem>>)
    %dma_wait3A_2041 = arith.constant 3 : i32
    %dma_wait3A_2042 = arith.constant 6016 : i32
    %dma_wait3A_2043 = tpu.memref_slice %arg44[%dma_wait3A_2042] : memref<8192xf32, #tpu.memory_space<vmem>> -> memref<128xf32, #tpu.memory_space<vmem>>
    %dma_wait3A_2044 = arith.constant 0 : i32
    %dma_wait3A_2045 = tpu.memref_slice %arg42[%dma_wait3A_2041, %dma_wait3A_2044] : memref<4x128xi32, #tpu.memory_space<vmem>> -> memref<1x128xi32, #tpu.memory_space<vmem>>
    %dma_wait3A_2046 = tpu.memref_squeeze %dma_wait3A_2045 : memref<1x128xi32, #tpu.memory_space<vmem>> -> memref<128xi32, #tpu.memory_space<vmem>>
    %dma_wait3A_2047 = arith.constant 0 : i32
    %dma_wait3A_2048 = tpu.memref_slice %arg31[%dma_wait3A_2047] : memref<1000000xf32, #tpu.memory_space<hbm>> -> memref<1000000xf32, #tpu.memory_space<hbm>>
    tpu.wait_indirect_dma semaphore(%arg48 : memref<!tpu.dma_semaphore, #tpu.memory_space<semaphore_mem>>) src(%dma_wait3A_2048 : memref<1000000xf32, #tpu.memory_space<hbm>>) dst(%dma_wait3A_2043 : memref<128xf32, #tpu.memory_space<vmem>>)
    %dma_wait3A_2049 = arith.constant 3 : i32
    %dma_wait3A_2050 = arith.constant 6528 : i32
    %dma_wait3A_2051 = tpu.memref_slice %arg43[%dma_wait3A_2050] : memref<8192xf32, #tpu.memory_space<vmem>> -> memref<128xf32, #tpu.memory_space<vmem>>
    %dma_wait3A_2052 = arith.constant 0 : i32
    %dma_wait3A_2053 = tpu.memref_slice %arg41[%dma_wait3A_2049, %dma_wait3A_2052] : memref<4x128xi32, #tpu.memory_space<vmem>> -> memref<1x128xi32, #tpu.memory_space<vmem>>
    %dma_wait3A_2054 = tpu.memref_squeeze %dma_wait3A_2053 : memref<1x128xi32, #tpu.memory_space<vmem>> -> memref<128xi32, #tpu.memory_space<vmem>>
    %dma_wait3A_2055 = arith.constant 0 : i32
    %dma_wait3A_2056 = tpu.memref_slice %arg16[%dma_wait3A_2055] : memref<1000000xf32, #tpu.memory_space<hbm>> -> memref<1000000xf32, #tpu.memory_space<hbm>>
    tpu.wait_indirect_dma semaphore(%arg48 : memref<!tpu.dma_semaphore, #tpu.memory_space<semaphore_mem>>) src(%dma_wait3A_2056 : memref<1000000xf32, #tpu.memory_space<hbm>>) dst(%dma_wait3A_2051 : memref<128xf32, #tpu.memory_space<vmem>>)
    %dma_wait3A_2057 = arith.constant 3 : i32
    %dma_wait3A_2058 = arith.constant 6528 : i32
    %dma_wait3A_2059 = tpu.memref_slice %arg44[%dma_wait3A_2058] : memref<8192xf32, #tpu.memory_space<vmem>> -> memref<128xf32, #tpu.memory_space<vmem>>
    %dma_wait3A_2060 = arith.constant 0 : i32
    %dma_wait3A_2061 = tpu.memref_slice %arg42[%dma_wait3A_2057, %dma_wait3A_2060] : memref<4x128xi32, #tpu.memory_space<vmem>> -> memref<1x128xi32, #tpu.memory_space<vmem>>
    %dma_wait3A_2062 = tpu.memref_squeeze %dma_wait3A_2061 : memref<1x128xi32, #tpu.memory_space<vmem>> -> memref<128xi32, #tpu.memory_space<vmem>>
    %dma_wait3A_2063 = arith.constant 0 : i32
    %dma_wait3A_2064 = tpu.memref_slice %arg32[%dma_wait3A_2063] : memref<1000000xf32, #tpu.memory_space<hbm>> -> memref<1000000xf32, #tpu.memory_space<hbm>>
    tpu.wait_indirect_dma semaphore(%arg48 : memref<!tpu.dma_semaphore, #tpu.memory_space<semaphore_mem>>) src(%dma_wait3A_2064 : memref<1000000xf32, #tpu.memory_space<hbm>>) dst(%dma_wait3A_2059 : memref<128xf32, #tpu.memory_space<vmem>>)
    %dma_wait3A_2065 = arith.constant 3 : i32
    %dma_wait3A_2066 = arith.constant 7040 : i32
    %dma_wait3A_2067 = tpu.memref_slice %arg43[%dma_wait3A_2066] : memref<8192xf32, #tpu.memory_space<vmem>> -> memref<128xf32, #tpu.memory_space<vmem>>
    %dma_wait3A_2068 = arith.constant 0 : i32
    %dma_wait3A_2069 = tpu.memref_slice %arg41[%dma_wait3A_2065, %dma_wait3A_2068] : memref<4x128xi32, #tpu.memory_space<vmem>> -> memref<1x128xi32, #tpu.memory_space<vmem>>
    %dma_wait3A_2070 = tpu.memref_squeeze %dma_wait3A_2069 : memref<1x128xi32, #tpu.memory_space<vmem>> -> memref<128xi32, #tpu.memory_space<vmem>>
    %dma_wait3A_2071 = arith.constant 0 : i32
    %dma_wait3A_2072 = tpu.memref_slice %arg17[%dma_wait3A_2071] : memref<1000000xf32, #tpu.memory_space<hbm>> -> memref<1000000xf32, #tpu.memory_space<hbm>>
    tpu.wait_indirect_dma semaphore(%arg48 : memref<!tpu.dma_semaphore, #tpu.memory_space<semaphore_mem>>) src(%dma_wait3A_2072 : memref<1000000xf32, #tpu.memory_space<hbm>>) dst(%dma_wait3A_2067 : memref<128xf32, #tpu.memory_space<vmem>>)
    %dma_wait3A_2073 = arith.constant 3 : i32
    %dma_wait3A_2074 = arith.constant 7040 : i32
    %dma_wait3A_2075 = tpu.memref_slice %arg44[%dma_wait3A_2074] : memref<8192xf32, #tpu.memory_space<vmem>> -> memref<128xf32, #tpu.memory_space<vmem>>
    %dma_wait3A_2076 = arith.constant 0 : i32
    %dma_wait3A_2077 = tpu.memref_slice %arg42[%dma_wait3A_2073, %dma_wait3A_2076] : memref<4x128xi32, #tpu.memory_space<vmem>> -> memref<1x128xi32, #tpu.memory_space<vmem>>
    %dma_wait3A_2078 = tpu.memref_squeeze %dma_wait3A_2077 : memref<1x128xi32, #tpu.memory_space<vmem>> -> memref<128xi32, #tpu.memory_space<vmem>>
    %dma_wait3A_2079 = arith.constant 0 : i32
    %dma_wait3A_2080 = tpu.memref_slice %arg33[%dma_wait3A_2079] : memref<1000000xf32, #tpu.memory_space<hbm>> -> memref<1000000xf32, #tpu.memory_space<hbm>>
    tpu.wait_indirect_dma semaphore(%arg48 : memref<!tpu.dma_semaphore, #tpu.memory_space<semaphore_mem>>) src(%dma_wait3A_2080 : memref<1000000xf32, #tpu.memory_space<hbm>>) dst(%dma_wait3A_2075 : memref<128xf32, #tpu.memory_space<vmem>>)
    %dma_wait3A_2081 = arith.constant 3 : i32
    %dma_wait3A_2082 = arith.constant 7552 : i32
    %dma_wait3A_2083 = tpu.memref_slice %arg43[%dma_wait3A_2082] : memref<8192xf32, #tpu.memory_space<vmem>> -> memref<128xf32, #tpu.memory_space<vmem>>
    %dma_wait3A_2084 = arith.constant 0 : i32
    %dma_wait3A_2085 = tpu.memref_slice %arg41[%dma_wait3A_2081, %dma_wait3A_2084] : memref<4x128xi32, #tpu.memory_space<vmem>> -> memref<1x128xi32, #tpu.memory_space<vmem>>
    %dma_wait3A_2086 = tpu.memref_squeeze %dma_wait3A_2085 : memref<1x128xi32, #tpu.memory_space<vmem>> -> memref<128xi32, #tpu.memory_space<vmem>>
    %dma_wait3A_2087 = arith.constant 0 : i32
    %dma_wait3A_2088 = tpu.memref_slice %arg18[%dma_wait3A_2087] : memref<1000000xf32, #tpu.memory_space<hbm>> -> memref<1000000xf32, #tpu.memory_space<hbm>>
    tpu.wait_indirect_dma semaphore(%arg48 : memref<!tpu.dma_semaphore, #tpu.memory_space<semaphore_mem>>) src(%dma_wait3A_2088 : memref<1000000xf32, #tpu.memory_space<hbm>>) dst(%dma_wait3A_2083 : memref<128xf32, #tpu.memory_space<vmem>>)
    %dma_wait3A_2089 = arith.constant 3 : i32
    %dma_wait3A_2090 = arith.constant 7552 : i32
    %dma_wait3A_2091 = tpu.memref_slice %arg44[%dma_wait3A_2090] : memref<8192xf32, #tpu.memory_space<vmem>> -> memref<128xf32, #tpu.memory_space<vmem>>
    %dma_wait3A_2092 = arith.constant 0 : i32
    %dma_wait3A_2093 = tpu.memref_slice %arg42[%dma_wait3A_2089, %dma_wait3A_2092] : memref<4x128xi32, #tpu.memory_space<vmem>> -> memref<1x128xi32, #tpu.memory_space<vmem>>
    %dma_wait3A_2094 = tpu.memref_squeeze %dma_wait3A_2093 : memref<1x128xi32, #tpu.memory_space<vmem>> -> memref<128xi32, #tpu.memory_space<vmem>>
    %dma_wait3A_2095 = arith.constant 0 : i32
    %dma_wait3A_2096 = tpu.memref_slice %arg34[%dma_wait3A_2095] : memref<1000000xf32, #tpu.memory_space<hbm>> -> memref<1000000xf32, #tpu.memory_space<hbm>>
    tpu.wait_indirect_dma semaphore(%arg48 : memref<!tpu.dma_semaphore, #tpu.memory_space<semaphore_mem>>) src(%dma_wait3A_2096 : memref<1000000xf32, #tpu.memory_space<hbm>>) dst(%dma_wait3A_2091 : memref<128xf32, #tpu.memory_space<vmem>>)
    %dma_wait3A_2097 = arith.constant 3 : i32
    %dma_wait3A_2098 = arith.constant 8064 : i32
    %dma_wait3A_2099 = tpu.memref_slice %arg43[%dma_wait3A_2098] : memref<8192xf32, #tpu.memory_space<vmem>> -> memref<128xf32, #tpu.memory_space<vmem>>
    %dma_wait3A_2100 = arith.constant 0 : i32
    %dma_wait3A_2101 = tpu.memref_slice %arg41[%dma_wait3A_2097, %dma_wait3A_2100] : memref<4x128xi32, #tpu.memory_space<vmem>> -> memref<1x128xi32, #tpu.memory_space<vmem>>
    %dma_wait3A_2102 = tpu.memref_squeeze %dma_wait3A_2101 : memref<1x128xi32, #tpu.memory_space<vmem>> -> memref<128xi32, #tpu.memory_space<vmem>>
    %dma_wait3A_2103 = arith.constant 0 : i32
    %dma_wait3A_2104 = tpu.memref_slice %arg19[%dma_wait3A_2103] : memref<1000000xf32, #tpu.memory_space<hbm>> -> memref<1000000xf32, #tpu.memory_space<hbm>>
    tpu.wait_indirect_dma semaphore(%arg48 : memref<!tpu.dma_semaphore, #tpu.memory_space<semaphore_mem>>) src(%dma_wait3A_2104 : memref<1000000xf32, #tpu.memory_space<hbm>>) dst(%dma_wait3A_2099 : memref<128xf32, #tpu.memory_space<vmem>>)
    %dma_wait3A_2105 = arith.constant 3 : i32
    %dma_wait3A_2106 = arith.constant 8064 : i32
    %dma_wait3A_2107 = tpu.memref_slice %arg44[%dma_wait3A_2106] : memref<8192xf32, #tpu.memory_space<vmem>> -> memref<128xf32, #tpu.memory_space<vmem>>
    %dma_wait3A_2108 = arith.constant 0 : i32
    %dma_wait3A_2109 = tpu.memref_slice %arg42[%dma_wait3A_2105, %dma_wait3A_2108] : memref<4x128xi32, #tpu.memory_space<vmem>> -> memref<1x128xi32, #tpu.memory_space<vmem>>
    %dma_wait3A_2110 = tpu.memref_squeeze %dma_wait3A_2109 : memref<1x128xi32, #tpu.memory_space<vmem>> -> memref<128xi32, #tpu.memory_space<vmem>>
    %dma_wait3A_2111 = arith.constant 0 : i32
    %dma_wait3A_2112 = tpu.memref_slice %arg35[%dma_wait3A_2111] : memref<1000000xf32, #tpu.memory_space<hbm>> -> memref<1000000xf32, #tpu.memory_space<hbm>>
    tpu.wait_indirect_dma semaphore(%arg48 : memref<!tpu.dma_semaphore, #tpu.memory_space<semaphore_mem>>) src(%dma_wait3A_2112 : memref<1000000xf32, #tpu.memory_space<hbm>>) dst(%dma_wait3A_2107 : memref<128xf32, #tpu.memory_space<vmem>>)
    %broadcast_in_dim3A = arith.constant 0.000000e+00 : f32
    %broadcast_in_dim3A_2113 = vector.broadcast %broadcast_in_dim3A : f32 to vector<16xf32>
    %scan3A = arith.constant 0 : i32
    %scan3A_2114 = arith.constant 512 : i32
    %scan3A_2115 = arith.addi %scan3A, %scan3A_2114 : i32
    %scan3A_2116 = arith.constant 8 : i32
    %scan3A_2117 = scf.for %scan3A_2186 = %scan3A to %scan3A_2115 step %scan3A_2116 iter_args(%scan3A_2187 = %broadcast_in_dim3A_2113) -> (vector<16xf32>)  : i32 {
      %mul3A_2188 = arith.constant 16 : i32
      %mul3A_2189 = arith.muli %scan3A_2186, %mul3A_2188 : i32
      %get3A = arith.index_cast %mul3A_2189 : i32 to index
      %get3A_2190 = tpu.vector_load %arg43[%get3A] {strides = array<i32>} : memref<8192xf32, #tpu.memory_space<vmem>>, vector<16xf32>,
      %get3A_2191 = vector.shape_cast %get3A_2190 : vector<16xf32> to vector<16xf32>
      %mul3A_2192 = arith.constant 16 : i32
      %mul3A_2193 = arith.muli %scan3A_2186, %mul3A_2192 : i32
      %get3A_2194 = arith.index_cast %mul3A_2193 : i32 to index
      %get3A_2195 = tpu.vector_load %arg44[%get3A_2194] {strides = array<i32>} : memref<8192xf32, #tpu.memory_space<vmem>>, vector<16xf32>,
      %get3A_2196 = vector.shape_cast %get3A_2195 : vector<16xf32> to vector<16xf32>
      %mul3A_2197 = arith.mulf %get3A_2191, %get3A_2196 : vector<16xf32>
      %add3A_2198 = arith.addf %scan3A_2187, %mul3A_2197 : vector<16xf32>
      %scan3A_2199 = arith.constant 1 : i32
      %scan3A_2200 = arith.addi %scan3A_2186, %scan3A_2199 : i32
      %mul3A_2201 = arith.constant 16 : i32
      %mul3A_2202 = arith.muli %scan3A_2200, %mul3A_2201 : i32
      %get3A_2203 = arith.index_cast %mul3A_2202 : i32 to index
      %get3A_2204 = tpu.vector_load %arg43[%get3A_2203] {strides = array<i32>} : memref<8192xf32, #tpu.memory_space<vmem>>, vector<16xf32>,
      %get3A_2205 = vector.shape_cast %get3A_2204 : vector<16xf32> to vector<16xf32>
      %mul3A_2206 = arith.constant 16 : i32
      %mul3A_2207 = arith.muli %scan3A_2200, %mul3A_2206 : i32
      %get3A_2208 = arith.index_cast %mul3A_2207 : i32 to index
      %get3A_2209 = tpu.vector_load %arg44[%get3A_2208] {strides = array<i32>} : memref<8192xf32, #tpu.memory_space<vmem>>, vector<16xf32>,
      %get3A_2210 = vector.shape_cast %get3A_2209 : vector<16xf32> to vector<16xf32>
      %mul3A_2211 = arith.mulf %get3A_2205, %get3A_2210 : vector<16xf32>
      %add3A_2212 = arith.addf %add3A_2198, %mul3A_2211 : vector<16xf32>
      %scan3A_2213 = arith.constant 2 : i32
      %scan3A_2214 = arith.addi %scan3A_2186, %scan3A_2213 : i32
      %mul3A_2215 = arith.constant 16 : i32
      %mul3A_2216 = arith.muli %scan3A_2214, %mul3A_2215 : i32
      %get3A_2217 = arith.index_cast %mul3A_2216 : i32 to index
      %get3A_2218 = tpu.vector_load %arg43[%get3A_2217] {strides = array<i32>} : memref<8192xf32, #tpu.memory_space<vmem>>, vector<16xf32>,
      %get3A_2219 = vector.shape_cast %get3A_2218 : vector<16xf32> to vector<16xf32>
      %mul3A_2220 = arith.constant 16 : i32
      %mul3A_2221 = arith.muli %scan3A_2214, %mul3A_2220 : i32
      %get3A_2222 = arith.index_cast %mul3A_2221 : i32 to index
      %get3A_2223 = tpu.vector_load %arg44[%get3A_2222] {strides = array<i32>} : memref<8192xf32, #tpu.memory_space<vmem>>, vector<16xf32>,
      %get3A_2224 = vector.shape_cast %get3A_2223 : vector<16xf32> to vector<16xf32>
      %mul3A_2225 = arith.mulf %get3A_2219, %get3A_2224 : vector<16xf32>
      %add3A_2226 = arith.addf %add3A_2212, %mul3A_2225 : vector<16xf32>
      %scan3A_2227 = arith.constant 3 : i32
      %scan3A_2228 = arith.addi %scan3A_2186, %scan3A_2227 : i32
      %mul3A_2229 = arith.constant 16 : i32
      %mul3A_2230 = arith.muli %scan3A_2228, %mul3A_2229 : i32
      %get3A_2231 = arith.index_cast %mul3A_2230 : i32 to index
      %get3A_2232 = tpu.vector_load %arg43[%get3A_2231] {strides = array<i32>} : memref<8192xf32, #tpu.memory_space<vmem>>, vector<16xf32>,
      %get3A_2233 = vector.shape_cast %get3A_2232 : vector<16xf32> to vector<16xf32>
      %mul3A_2234 = arith.constant 16 : i32
      %mul3A_2235 = arith.muli %scan3A_2228, %mul3A_2234 : i32
      %get3A_2236 = arith.index_cast %mul3A_2235 : i32 to index
      %get3A_2237 = tpu.vector_load %arg44[%get3A_2236] {strides = array<i32>} : memref<8192xf32, #tpu.memory_space<vmem>>, vector<16xf32>,
      %get3A_2238 = vector.shape_cast %get3A_2237 : vector<16xf32> to vector<16xf32>
      %mul3A_2239 = arith.mulf %get3A_2233, %get3A_2238 : vector<16xf32>
      %add3A_2240 = arith.addf %add3A_2226, %mul3A_2239 : vector<16xf32>
      %scan3A_2241 = arith.constant 4 : i32
      %scan3A_2242 = arith.addi %scan3A_2186, %scan3A_2241 : i32
      %mul3A_2243 = arith.constant 16 : i32
      %mul3A_2244 = arith.muli %scan3A_2242, %mul3A_2243 : i32
      %get3A_2245 = arith.index_cast %mul3A_2244 : i32 to index
      %get3A_2246 = tpu.vector_load %arg43[%get3A_2245] {strides = array<i32>} : memref<8192xf32, #tpu.memory_space<vmem>>, vector<16xf32>,
      %get3A_2247 = vector.shape_cast %get3A_2246 : vector<16xf32> to vector<16xf32>
      %mul3A_2248 = arith.constant 16 : i32
      %mul3A_2249 = arith.muli %scan3A_2242, %mul3A_2248 : i32
      %get3A_2250 = arith.index_cast %mul3A_2249 : i32 to index
      %get3A_2251 = tpu.vector_load %arg44[%get3A_2250] {strides = array<i32>} : memref<8192xf32, #tpu.memory_space<vmem>>, vector<16xf32>,
      %get3A_2252 = vector.shape_cast %get3A_2251 : vector<16xf32> to vector<16xf32>
      %mul3A_2253 = arith.mulf %get3A_2247, %get3A_2252 : vector<16xf32>
      %add3A_2254 = arith.addf %add3A_2240, %mul3A_2253 : vector<16xf32>
      %scan3A_2255 = arith.constant 5 : i32
      %scan3A_2256 = arith.addi %scan3A_2186, %scan3A_2255 : i32
      %mul3A_2257 = arith.constant 16 : i32
      %mul3A_2258 = arith.muli %scan3A_2256, %mul3A_2257 : i32
      %get3A_2259 = arith.index_cast %mul3A_2258 : i32 to index
      %get3A_2260 = tpu.vector_load %arg43[%get3A_2259] {strides = array<i32>} : memref<8192xf32, #tpu.memory_space<vmem>>, vector<16xf32>,
      %get3A_2261 = vector.shape_cast %get3A_2260 : vector<16xf32> to vector<16xf32>
      %mul3A_2262 = arith.constant 16 : i32
      %mul3A_2263 = arith.muli %scan3A_2256, %mul3A_2262 : i32
      %get3A_2264 = arith.index_cast %mul3A_2263 : i32 to index
      %get3A_2265 = tpu.vector_load %arg44[%get3A_2264] {strides = array<i32>} : memref<8192xf32, #tpu.memory_space<vmem>>, vector<16xf32>,
      %get3A_2266 = vector.shape_cast %get3A_2265 : vector<16xf32> to vector<16xf32>
      %mul3A_2267 = arith.mulf %get3A_2261, %get3A_2266 : vector<16xf32>
      %add3A_2268 = arith.addf %add3A_2254, %mul3A_2267 : vector<16xf32>
      %scan3A_2269 = arith.constant 6 : i32
      %scan3A_2270 = arith.addi %scan3A_2186, %scan3A_2269 : i32
      %mul3A_2271 = arith.constant 16 : i32
      %mul3A_2272 = arith.muli %scan3A_2270, %mul3A_2271 : i32
      %get3A_2273 = arith.index_cast %mul3A_2272 : i32 to index
      %get3A_2274 = tpu.vector_load %arg43[%get3A_2273] {strides = array<i32>} : memref<8192xf32, #tpu.memory_space<vmem>>, vector<16xf32>,
      %get3A_2275 = vector.shape_cast %get3A_2274 : vector<16xf32> to vector<16xf32>
      %mul3A_2276 = arith.constant 16 : i32
      %mul3A_2277 = arith.muli %scan3A_2270, %mul3A_2276 : i32
      %get3A_2278 = arith.index_cast %mul3A_2277 : i32 to index
      %get3A_2279 = tpu.vector_load %arg44[%get3A_2278] {strides = array<i32>} : memref<8192xf32, #tpu.memory_space<vmem>>, vector<16xf32>,
      %get3A_2280 = vector.shape_cast %get3A_2279 : vector<16xf32> to vector<16xf32>
      %mul3A_2281 = arith.mulf %get3A_2275, %get3A_2280 : vector<16xf32>
      %add3A_2282 = arith.addf %add3A_2268, %mul3A_2281 : vector<16xf32>
      %scan3A_2283 = arith.constant 7 : i32
      %scan3A_2284 = arith.addi %scan3A_2186, %scan3A_2283 : i32
      %mul3A_2285 = arith.constant 16 : i32
      %mul3A_2286 = arith.muli %scan3A_2284, %mul3A_2285 : i32
      %get3A_2287 = arith.index_cast %mul3A_2286 : i32 to index
      %get3A_2288 = tpu.vector_load %arg43[%get3A_2287] {strides = array<i32>} : memref<8192xf32, #tpu.memory_space<vmem>>, vector<16xf32>,
      %get3A_2289 = vector.shape_cast %get3A_2288 : vector<16xf32> to vector<16xf32>
      %mul3A_2290 = arith.constant 16 : i32
      %mul3A_2291 = arith.muli %scan3A_2284, %mul3A_2290 : i32
      %get3A_2292 = arith.index_cast %mul3A_2291 : i32 to index
      %get3A_2293 = tpu.vector_load %arg44[%get3A_2292] {strides = array<i32>} : memref<8192xf32, #tpu.memory_space<vmem>>, vector<16xf32>,
      %get3A_2294 = vector.shape_cast %get3A_2293 : vector<16xf32> to vector<16xf32>
      %mul3A_2295 = arith.mulf %get3A_2289, %get3A_2294 : vector<16xf32>
      %add3A_2296 = arith.addf %add3A_2282, %mul3A_2295 : vector<16xf32>
      scf.yield %add3A_2296 : vector<16xf32>
    }
    %scan3A_2118 = arith.constant 512 : i32
    %swap3A = arith.constant 0 : index
    %swap3A_2119 = tpu.vector_load %arg47[%swap3A] {strides = array<i32>} : memref<16xf32, #tpu.memory_space<vmem>>, vector<16xf32>,
    %swap3A_2120 = vector.shape_cast %swap3A_2119 : vector<16xf32> to vector<16xf32>
    %swap3A_2121 = vector.shape_cast %scan3A_2117 : vector<16xf32> to vector<16xf32>
    tpu.vector_store %arg47[%swap3A], %swap3A_2121 {strides = array<i32>} : memref<16xf32, #tpu.memory_space<vmem>>, vector<16xf32>,
    "tpu.region"() ({
      %run_scoped3A = tpu.sem_alloc : memref<!tpu.dma_semaphore, #tpu.memory_space<semaphore_mem>>
      %dma_start3A_2186 = arith.constant 0 : i32
      %dma_start3A_2187 = tpu.memref_slice %arg38[%add3A, %dma_start3A_2186] : memref<32x16xf32, #tpu.memory_space<hbm>> -> memref<1x16xf32, #tpu.memory_space<hbm>>
      %dma_start3A_2188 = tpu.memref_squeeze %dma_start3A_2187 : memref<1x16xf32, #tpu.memory_space<hbm>> -> memref<16xf32, #tpu.memory_space<hbm>>
      %dma_start3A_2189 = arith.constant 0 : i32
      %dma_start3A_2190 = tpu.memref_slice %arg38[%add3A, %dma_start3A_2189] : memref<32x16xf32, #tpu.memory_space<hbm>> -> memref<1x16xf32, #tpu.memory_space<hbm>>
      %dma_start3A_2191 = tpu.memref_squeeze %dma_start3A_2190 : memref<1x16xf32, #tpu.memory_space<hbm>> -> memref<16xf32, #tpu.memory_space<hbm>>
      tpu.enqueue_dma source(%arg47 : memref<16xf32, #tpu.memory_space<vmem>>) target(%dma_start3A_2191 : memref<16xf32, #tpu.memory_space<hbm>>) target_semaphore(%run_scoped3A : memref<!tpu.dma_semaphore, #tpu.memory_space<semaphore_mem>>)
      %dma_wait3A_2192 = arith.constant 0 : i32
      %dma_wait3A_2193 = tpu.memref_slice %arg38[%add3A, %dma_wait3A_2192] : memref<32x16xf32, #tpu.memory_space<hbm>> -> memref<1x16xf32, #tpu.memory_space<hbm>>
      %dma_wait3A_2194 = tpu.memref_squeeze %dma_wait3A_2193 : memref<1x16xf32, #tpu.memory_space<hbm>> -> memref<16xf32, #tpu.memory_space<hbm>>
      %dma_wait3A_2195 = arith.constant 0 : i32
      %dma_wait3A_2196 = tpu.memref_slice %arg38[%add3A, %dma_wait3A_2195] : memref<32x16xf32, #tpu.memory_space<hbm>> -> memref<1x16xf32, #tpu.memory_space<hbm>>
      %dma_wait3A_2197 = tpu.memref_squeeze %dma_wait3A_2196 : memref<1x16xf32, #tpu.memory_space<hbm>> -> memref<16xf32, #tpu.memory_space<hbm>>
      tpu.wait_dma2 semaphore(%run_scoped3A : memref<!tpu.dma_semaphore, #tpu.memory_space<semaphore_mem>>) src(%arg47 : memref<16xf32, #tpu.memory_space<vmem>>) dst(%dma_wait3A_2197 : memref<16xf32, #tpu.memory_space<hbm>>)
      tpu.yield
    }) : () -> ()
    %dma_wait3A_2122 = arith.constant 0 : i32
    %dma_wait3A_2123 = arith.constant 0 : i32
    %dma_wait3A_2124 = tpu.memref_slice %arg45[%dma_wait3A_2123] : memref<512xf32, #tpu.memory_space<vmem>> -> memref<128xf32, #tpu.memory_space<vmem>>
    %dma_wait3A_2125 = arith.constant 0 : i32
    %dma_wait3A_2126 = tpu.memref_slice %arg41[%dma_wait3A_2122, %dma_wait3A_2125] : memref<4x128xi32, #tpu.memory_space<vmem>> -> memref<1x128xi32, #tpu.memory_space<vmem>>
    %dma_wait3A_2127 = tpu.memref_squeeze %dma_wait3A_2126 : memref<1x128xi32, #tpu.memory_space<vmem>> -> memref<128xi32, #tpu.memory_space<vmem>>
    %dma_wait3A_2128 = arith.constant 0 : i32
    %dma_wait3A_2129 = tpu.memref_slice %arg36[%dma_wait3A_2128] : memref<1000000xf32, #tpu.memory_space<hbm>> -> memref<1000000xf32, #tpu.memory_space<hbm>>
    tpu.wait_indirect_dma semaphore(%arg49 : memref<!tpu.dma_semaphore, #tpu.memory_space<semaphore_mem>>) src(%dma_wait3A_2129 : memref<1000000xf32, #tpu.memory_space<hbm>>) dst(%dma_wait3A_2124 : memref<128xf32, #tpu.memory_space<vmem>>)
    %dma_wait3A_2130 = arith.constant 0 : i32
    %dma_wait3A_2131 = arith.constant 0 : i32
    %dma_wait3A_2132 = tpu.memref_slice %arg46[%dma_wait3A_2131] : memref<512xf32, #tpu.memory_space<vmem>> -> memref<128xf32, #tpu.memory_space<vmem>>
    %dma_wait3A_2133 = arith.constant 0 : i32
    %dma_wait3A_2134 = tpu.memref_slice %arg42[%dma_wait3A_2130, %dma_wait3A_2133] : memref<4x128xi32, #tpu.memory_space<vmem>> -> memref<1x128xi32, #tpu.memory_space<vmem>>
    %dma_wait3A_2135 = tpu.memref_squeeze %dma_wait3A_2134 : memref<1x128xi32, #tpu.memory_space<vmem>> -> memref<128xi32, #tpu.memory_space<vmem>>
    %dma_wait3A_2136 = arith.constant 0 : i32
    %dma_wait3A_2137 = tpu.memref_slice %arg37[%dma_wait3A_2136] : memref<1000000xf32, #tpu.memory_space<hbm>> -> memref<1000000xf32, #tpu.memory_space<hbm>>
    tpu.wait_indirect_dma semaphore(%arg49 : memref<!tpu.dma_semaphore, #tpu.memory_space<semaphore_mem>>) src(%dma_wait3A_2137 : memref<1000000xf32, #tpu.memory_space<hbm>>) dst(%dma_wait3A_2132 : memref<128xf32, #tpu.memory_space<vmem>>)
    %dma_wait3A_2138 = arith.constant 1 : i32
    %dma_wait3A_2139 = arith.constant 128 : i32
    %dma_wait3A_2140 = tpu.memref_slice %arg45[%dma_wait3A_2139] : memref<512xf32, #tpu.memory_space<vmem>> -> memref<128xf32, #tpu.memory_space<vmem>>
    %dma_wait3A_2141 = arith.constant 0 : i32
    %dma_wait3A_2142 = tpu.memref_slice %arg41[%dma_wait3A_2138, %dma_wait3A_2141] : memref<4x128xi32, #tpu.memory_space<vmem>> -> memref<1x128xi32, #tpu.memory_space<vmem>>
    %dma_wait3A_2143 = tpu.memref_squeeze %dma_wait3A_2142 : memref<1x128xi32, #tpu.memory_space<vmem>> -> memref<128xi32, #tpu.memory_space<vmem>>
    %dma_wait3A_2144 = arith.constant 0 : i32
    %dma_wait3A_2145 = tpu.memref_slice %arg36[%dma_wait3A_2144] : memref<1000000xf32, #tpu.memory_space<hbm>> -> memref<1000000xf32, #tpu.memory_space<hbm>>
    tpu.wait_indirect_dma semaphore(%arg49 : memref<!tpu.dma_semaphore, #tpu.memory_space<semaphore_mem>>) src(%dma_wait3A_2145 : memref<1000000xf32, #tpu.memory_space<hbm>>) dst(%dma_wait3A_2140 : memref<128xf32, #tpu.memory_space<vmem>>)
    %dma_wait3A_2146 = arith.constant 1 : i32
    %dma_wait3A_2147 = arith.constant 128 : i32
    %dma_wait3A_2148 = tpu.memref_slice %arg46[%dma_wait3A_2147] : memref<512xf32, #tpu.memory_space<vmem>> -> memref<128xf32, #tpu.memory_space<vmem>>
    %dma_wait3A_2149 = arith.constant 0 : i32
    %dma_wait3A_2150 = tpu.memref_slice %arg42[%dma_wait3A_2146, %dma_wait3A_2149] : memref<4x128xi32, #tpu.memory_space<vmem>> -> memref<1x128xi32, #tpu.memory_space<vmem>>
    %dma_wait3A_2151 = tpu.memref_squeeze %dma_wait3A_2150 : memref<1x128xi32, #tpu.memory_space<vmem>> -> memref<128xi32, #tpu.memory_space<vmem>>
    %dma_wait3A_2152 = arith.constant 0 : i32
    %dma_wait3A_2153 = tpu.memref_slice %arg37[%dma_wait3A_2152] : memref<1000000xf32, #tpu.memory_space<hbm>> -> memref<1000000xf32, #tpu.memory_space<hbm>>
    tpu.wait_indirect_dma semaphore(%arg49 : memref<!tpu.dma_semaphore, #tpu.memory_space<semaphore_mem>>) src(%dma_wait3A_2153 : memref<1000000xf32, #tpu.memory_space<hbm>>) dst(%dma_wait3A_2148 : memref<128xf32, #tpu.memory_space<vmem>>)
    %dma_wait3A_2154 = arith.constant 2 : i32
    %dma_wait3A_2155 = arith.constant 256 : i32
    %dma_wait3A_2156 = tpu.memref_slice %arg45[%dma_wait3A_2155] : memref<512xf32, #tpu.memory_space<vmem>> -> memref<128xf32, #tpu.memory_space<vmem>>
    %dma_wait3A_2157 = arith.constant 0 : i32
    %dma_wait3A_2158 = tpu.memref_slice %arg41[%dma_wait3A_2154, %dma_wait3A_2157] : memref<4x128xi32, #tpu.memory_space<vmem>> -> memref<1x128xi32, #tpu.memory_space<vmem>>
    %dma_wait3A_2159 = tpu.memref_squeeze %dma_wait3A_2158 : memref<1x128xi32, #tpu.memory_space<vmem>> -> memref<128xi32, #tpu.memory_space<vmem>>
    %dma_wait3A_2160 = arith.constant 0 : i32
    %dma_wait3A_2161 = tpu.memref_slice %arg36[%dma_wait3A_2160] : memref<1000000xf32, #tpu.memory_space<hbm>> -> memref<1000000xf32, #tpu.memory_space<hbm>>
    tpu.wait_indirect_dma semaphore(%arg49 : memref<!tpu.dma_semaphore, #tpu.memory_space<semaphore_mem>>) src(%dma_wait3A_2161 : memref<1000000xf32, #tpu.memory_space<hbm>>) dst(%dma_wait3A_2156 : memref<128xf32, #tpu.memory_space<vmem>>)
    %dma_wait3A_2162 = arith.constant 2 : i32
    %dma_wait3A_2163 = arith.constant 256 : i32
    %dma_wait3A_2164 = tpu.memref_slice %arg46[%dma_wait3A_2163] : memref<512xf32, #tpu.memory_space<vmem>> -> memref<128xf32, #tpu.memory_space<vmem>>
    %dma_wait3A_2165 = arith.constant 0 : i32
    %dma_wait3A_2166 = tpu.memref_slice %arg42[%dma_wait3A_2162, %dma_wait3A_2165] : memref<4x128xi32, #tpu.memory_space<vmem>> -> memref<1x128xi32, #tpu.memory_space<vmem>>
    %dma_wait3A_2167 = tpu.memref_squeeze %dma_wait3A_2166 : memref<1x128xi32, #tpu.memory_space<vmem>> -> memref<128xi32, #tpu.memory_space<vmem>>
    %dma_wait3A_2168 = arith.constant 0 : i32
    %dma_wait3A_2169 = tpu.memref_slice %arg37[%dma_wait3A_2168] : memref<1000000xf32, #tpu.memory_space<hbm>> -> memref<1000000xf32, #tpu.memory_space<hbm>>
    tpu.wait_indirect_dma semaphore(%arg49 : memref<!tpu.dma_semaphore, #tpu.memory_space<semaphore_mem>>) src(%dma_wait3A_2169 : memref<1000000xf32, #tpu.memory_space<hbm>>) dst(%dma_wait3A_2164 : memref<128xf32, #tpu.memory_space<vmem>>)
    %dma_wait3A_2170 = arith.constant 3 : i32
    %dma_wait3A_2171 = arith.constant 384 : i32
    %dma_wait3A_2172 = tpu.memref_slice %arg45[%dma_wait3A_2171] : memref<512xf32, #tpu.memory_space<vmem>> -> memref<128xf32, #tpu.memory_space<vmem>>
    %dma_wait3A_2173 = arith.constant 0 : i32
    %dma_wait3A_2174 = tpu.memref_slice %arg41[%dma_wait3A_2170, %dma_wait3A_2173] : memref<4x128xi32, #tpu.memory_space<vmem>> -> memref<1x128xi32, #tpu.memory_space<vmem>>
    %dma_wait3A_2175 = tpu.memref_squeeze %dma_wait3A_2174 : memref<1x128xi32, #tpu.memory_space<vmem>> -> memref<128xi32, #tpu.memory_space<vmem>>
    %dma_wait3A_2176 = arith.constant 0 : i32
    %dma_wait3A_2177 = tpu.memref_slice %arg36[%dma_wait3A_2176] : memref<1000000xf32, #tpu.memory_space<hbm>> -> memref<1000000xf32, #tpu.memory_space<hbm>>
    tpu.wait_indirect_dma semaphore(%arg49 : memref<!tpu.dma_semaphore, #tpu.memory_space<semaphore_mem>>) src(%dma_wait3A_2177 : memref<1000000xf32, #tpu.memory_space<hbm>>) dst(%dma_wait3A_2172 : memref<128xf32, #tpu.memory_space<vmem>>)
    %dma_wait3A_2178 = arith.constant 3 : i32
    %dma_wait3A_2179 = arith.constant 384 : i32
    %dma_wait3A_2180 = tpu.memref_slice %arg46[%dma_wait3A_2179] : memref<512xf32, #tpu.memory_space<vmem>> -> memref<128xf32, #tpu.memory_space<vmem>>
    %dma_wait3A_2181 = arith.constant 0 : i32
    %dma_wait3A_2182 = tpu.memref_slice %arg42[%dma_wait3A_2178, %dma_wait3A_2181] : memref<4x128xi32, #tpu.memory_space<vmem>> -> memref<1x128xi32, #tpu.memory_space<vmem>>
    %dma_wait3A_2183 = tpu.memref_squeeze %dma_wait3A_2182 : memref<1x128xi32, #tpu.memory_space<vmem>> -> memref<128xi32, #tpu.memory_space<vmem>>
    %dma_wait3A_2184 = arith.constant 0 : i32
    %dma_wait3A_2185 = tpu.memref_slice %arg37[%dma_wait3A_2184] : memref<1000000xf32, #tpu.memory_space<hbm>> -> memref<1000000xf32, #tpu.memory_space<hbm>>
    tpu.wait_indirect_dma semaphore(%arg49 : memref<!tpu.dma_semaphore, #tpu.memory_space<semaphore_mem>>) src(%dma_wait3A_2185 : memref<1000000xf32, #tpu.memory_space<hbm>>) dst(%dma_wait3A_2180 : memref<128xf32, #tpu.memory_space<vmem>>)
    "tpu.region"() ({
      %run_scoped3A = tpu.sem_alloc : memref<!tpu.dma_semaphore, #tpu.memory_space<semaphore_mem>>
      %dma_start3A_2186 = tpu.memref_slice %arg39[%mul3A_2] : memref<16384xf32, #tpu.memory_space<hbm>> -> memref<512xf32, #tpu.memory_space<hbm>>
      %dma_start3A_2187 = tpu.memref_slice %arg39[%mul3A_2] : memref<16384xf32, #tpu.memory_space<hbm>> -> memref<512xf32, #tpu.memory_space<hbm>>
      tpu.enqueue_dma source(%arg45 : memref<512xf32, #tpu.memory_space<vmem>>) target(%dma_start3A_2187 : memref<512xf32, #tpu.memory_space<hbm>>) target_semaphore(%run_scoped3A : memref<!tpu.dma_semaphore, #tpu.memory_space<semaphore_mem>>)
      %dma_wait3A_2188 = tpu.memref_slice %arg39[%mul3A_2] : memref<16384xf32, #tpu.memory_space<hbm>> -> memref<512xf32, #tpu.memory_space<hbm>>
      %dma_wait3A_2189 = tpu.memref_slice %arg39[%mul3A_2] : memref<16384xf32, #tpu.memory_space<hbm>> -> memref<512xf32, #tpu.memory_space<hbm>>
      tpu.wait_dma2 semaphore(%run_scoped3A : memref<!tpu.dma_semaphore, #tpu.memory_space<semaphore_mem>>) src(%arg45 : memref<512xf32, #tpu.memory_space<vmem>>) dst(%dma_wait3A_2189 : memref<512xf32, #tpu.memory_space<hbm>>)
      tpu.yield
    }) : () -> ()
    "tpu.region"() ({
      %run_scoped3A = tpu.sem_alloc : memref<!tpu.dma_semaphore, #tpu.memory_space<semaphore_mem>>
      %dma_start3A_2186 = tpu.memref_slice %arg40[%mul3A_2] : memref<16384xf32, #tpu.memory_space<hbm>> -> memref<512xf32, #tpu.memory_space<hbm>>
      %dma_start3A_2187 = tpu.memref_slice %arg40[%mul3A_2] : memref<16384xf32, #tpu.memory_space<hbm>> -> memref<512xf32, #tpu.memory_space<hbm>>
      tpu.enqueue_dma source(%arg46 : memref<512xf32, #tpu.memory_space<vmem>>) target(%dma_start3A_2187 : memref<512xf32, #tpu.memory_space<hbm>>) target_semaphore(%run_scoped3A : memref<!tpu.dma_semaphore, #tpu.memory_space<semaphore_mem>>)
      %dma_wait3A_2188 = tpu.memref_slice %arg40[%mul3A_2] : memref<16384xf32, #tpu.memory_space<hbm>> -> memref<512xf32, #tpu.memory_space<hbm>>
      %dma_wait3A_2189 = tpu.memref_slice %arg40[%mul3A_2] : memref<16384xf32, #tpu.memory_space<hbm>> -> memref<512xf32, #tpu.memory_space<hbm>>
      tpu.wait_dma2 semaphore(%run_scoped3A : memref<!tpu.dma_semaphore, #tpu.memory_space<semaphore_mem>>) src(%arg46 : memref<512xf32, #tpu.memory_space<vmem>>) dst(%dma_wait3A_2189 : memref<512xf32, #tpu.memory_space<hbm>>)
      tpu.yield
    }) : () -> ()
    return
  }
}

module attributes {stable_mosaic.version = 14 : i64} {
  func.func @body(%arg0: memref<32x16xf32, #tpu.memory_space<vmem>>, %arg1: memref<128x128xf32, #tpu.memory_space<vmem>>, %arg2: memref<128x128xf32, #tpu.memory_space<vmem>>, %arg3: memref<128x128xf32, #tpu.memory_space<vmem>>) attributes {dimension_semantics = [], scalar_prefetch = 0 : i64, scratch_operands = 0 : i64, tpu.core_type = #tpu.core_type<tc>} {
    %get3A = arith.constant 0 : index
    %get3A_0 = arith.constant 0 : index
    %get3A_1 = vector.load %arg0[%get3A, %get3A_0] : memref<32x16xf32, #tpu.memory_space<vmem>>, vector<32x16xf32>
    %reduce_sum3A = vector.shape_cast %get3A_1 : vector<32x16xf32> to vector<1x32x16xf32>
    %reduce_sum3A_2 = arith.constant dense<0.000000e+00> : vector<1xf32>
    %reduce_sum3A_3 = vector.multi_reduction <add>, %reduce_sum3A, %reduce_sum3A_2 [1, 2] : vector<1x32x16xf32> to vector<1xf32>
    %reduce_sum3A_4 = vector.shape_cast %reduce_sum3A_3 : vector<1xf32> to vector<1x1x1xf32>
    %reduce_sum3A_5 = vector.extract %reduce_sum3A_4[0, 0, 0] : f32 from vector<1x1x1xf32>
    %get3A_6 = arith.constant 0 : index
    %get3A_7 = arith.constant 0 : index
    %get3A_8 = vector.load %arg1[%get3A_6, %get3A_7] : memref<128x128xf32, #tpu.memory_space<vmem>>, vector<128x128xf32>
    %add3A = vector.broadcast %reduce_sum3A_5 : f32 to vector<128x128xf32>
    %add3A_9 = arith.addf %add3A, %get3A_8 : vector<128x128xf32>
    %get3A_10 = arith.constant 0 : index
    %get3A_11 = arith.constant 0 : index
    %get3A_12 = vector.load %arg2[%get3A_10, %get3A_11] : memref<128x128xf32, #tpu.memory_space<vmem>>, vector<128x128xf32>
    %add3A_13 = arith.addf %add3A_9, %get3A_12 : vector<128x128xf32>
    %logistic3A = arith.negf %add3A_13 : vector<128x128xf32>
    %logistic3A_14 = math.exp %logistic3A : vector<128x128xf32>
    %logistic3A_15 = arith.constant 1.000000e+00 : f32
    %logistic3A_16 = vector.broadcast %logistic3A_15 : f32 to vector<128x128xf32>
    %logistic3A_17 = arith.addf %logistic3A_16, %logistic3A_14 : vector<128x128xf32>
    %logistic3A_18 = arith.divf %logistic3A_16, %logistic3A_17 : vector<128x128xf32>
    %mul3A = arith.constant 4.500000e+00 : f32
    %mul3A_19 = vector.broadcast %mul3A : f32 to vector<128x128xf32>
    %mul3A_20 = arith.mulf %mul3A_19, %logistic3A_18 : vector<128x128xf32>
    %add3A_21 = arith.constant 5.000000e-01 : f32
    %add3A_22 = vector.broadcast %add3A_21 : f32 to vector<128x128xf32>
    %add3A_23 = arith.addf %add3A_22, %mul3A_20 : vector<128x128xf32>
    %swap3A = arith.constant 0 : index
    %swap3A_24 = arith.constant 0 : index
    %swap3A_25 = vector.load %arg3[%swap3A, %swap3A_24] : memref<128x128xf32, #tpu.memory_space<vmem>>, vector<128x128xf32>
    tpu.vector_store %arg3[%swap3A, %swap3A_24], %add3A_23 {strides = array<i32>} : memref<128x128xf32, #tpu.memory_space<vmem>>, vector<128x128xf32>,
    return
  }
}

</mosaic_0001>

<sc_bundles>
// kernel: kernel.4.cloned.1.call-start
scs
__scs_entry_jumppad:
0x0: {  	(pc) =	sbr.rel $0x88, $3  }
0x1: {  	(tag) =	ssettag $0x0;
	lr =	simm.s32 $0x1  }
0x2: {  	[smem:$0x3F9C] =	sst lr;
	_ =	strace $0xD0000000  }
0x3: {  	_ = 	snop  }
0x4: {  	_ = 	snop  }
0x5: {  	_ = 	snop  }
0x6: {  	_ = 	snop  }
0x7: {  	_ = 	snop  }
__scs_overlays_trampoline_lowered:
0x8: {  	[smem:$0x3FAB] =	sst s0  }
0x9: {  	[smem:$0x3FAC] =	sst s1  }
0xa: {  	[smem:$0x3FAD] =	sst s2  }
0xb: {  	[smem:$0x3FAE] =	sst s3  }
0xc: {  	[smem:$0x3FAF] =	sst s4  }
0xd: {  	[smem:$0x3FB0] =	sst s5  }
0xe: {  	[smem:$0x3FB1] =	sst s6  }
0xf: {  	[smem:$0x3FB2] =	sst s7  }
0x10: {  	[smem:$0x3FB3] =	sst s8  }
0x11: {  	[smem:$0x3FB4] =	sst s9;
	s0 =	simm.s32 @!p0 $0x0  }
0x12: {  	s1 =	sld [smem:$0x3F9A];
	s0 =	simm.s32 @p0 $0x1  }
0x13: {  	[smem:$0x3FB5] =	sst s0;
	s0 =	simm.s32 @!p1 $0x0  }
0x14: {  	s2 =	sld [smem:$0x3F99];
	s0 =	simm.s32 @p1 $0x1  }
0x15: {  	[smem:$0x3FB6] =	sst s0;
	s0 =	simm.s32 @!p2 $0x0  }
0x16: {  	s3 =	sld [smem:$0x3FDB];
	s0 =	simm.s32 @p2 $0x1  }
0x17: {  	s4 =	simm.s32 $0x1BF5;
	[smem:$0x3FB8] =	sst s0  }
0x18: {  	s0 =	sld [smem:$0x3F9B];
	_ =	swait.ge [sflag:s4], $0x0  }
0x19: {  	s7 =	sld [smem:$0x3F9C]  }
0x1a: {  	s8 =	sadd.s32 $0xFFFFE003, lr  }
0x1b: {  	s9 =	sadd.s32 $0xFFFFFEF7, lr;
	s5 =	simm.s32 $0xFFFFFFFF;
	p2 =	slt.u32 s8, $0xFFFFF086  }
0x1c: {  	p1 =	slt.u32 s9, $0xF7A;
	s5 =	simm.s32 @!p2 $0x0  }
0x1d: {  	s5 =	simm.s32 @p1 $0x1;
	p0 =	seq.s32 s7, s2  }
0x1e: {  	s7 =	smul.u32 @!p0 $0xF7A, s2;
	p2 =	seq.s32 @!p0 s5, $0x0  }
0x1f: {  	s9 =	smul.u32 $0xF7A, s1;
	s8 =	simm.s32 @!p0 $0x1BF5;
	p2 =	por !p2, p0  }
0x20: {  	[sflag:s8] =	ssyncset.s32 @!p0 $0xFFFFF086;
	s6 =	sadd.s32 @!p0 s3, s7;
	s7 =	simm.s32 @!p0 $0x108  }
0x21: {  	s3 =	sadd.s32 s3, s9;
	s6 =	sadd.s32 @!p0 $0x88, s6;
	s7 =	simm.s32 @p2 $0x1082  }
0x22: {  	[simem:s7], [sflag:s8] =	dma.local @!p0 [hbm:s6], $0xF7A  }
0x23: {  	s9 =	sor.u32 $0xD0000000, s2;
	s6 =	simm.s32 $0x108;
	_ =	swait.ge @!p0 [sflag:s8], $0x0  }
0x24: {  	s3 =	sadd.s32 $0x88, s3;
	s6 =	simm.s32 @!p1 $0x1082;
	[sflag:s4] =	ssyncset.s32 $0xFFFFF086  }
0x25: {  	[simem:s6], [sflag:s4] =	dma.local [hbm:s3], $0xF7A  }
0x26: {  	[smem:$0x3F9C] =	sst s1;
	(tag) =	ssettag s2;
	_ =	strace s9  }
0x27: {  	s1 =	sld [smem:$0x3FAC]  }
0x28: {  	s2 =	sld [smem:$0x3FAD]  }
0x29: {  	s4 =	sld [smem:$0x3FAF]  }
0x2a: {  	p0 =	seq.s32 s5, $0x0;
	s5 =	sld [smem:$0x3FB0]  }
0x2b: {  	s6 =	sld [smem:$0x3FB1]  }
0x2c: {  	s7 =	sld [smem:$0x3FB2]  }
0x2d: {  	s3 =	simm.s32 $0x108;
	s8 =	sld [smem:$0x3FB3]  }
0x2e: {  	s3 =	simm.s32 @!p0 $0x1082;
	s9 =	sld [smem:$0x3FB4]  }
0x2f: {  	lr =	sadd.s32 s0, s3;
	s0 =	sld [smem:$0x3FAB]  }
0x30: {  	s3 =	sld [smem:$0x3FAE]  }
0x31: {  	[smem:$0x3FB7] =	sst s10  }
0x32: {  	s10 =	sld [smem:$0x3FB5];
	_ =	sdelay $0x3  }
0x33: {  	p0 =	seq.s32 s10, $0x1;
	s10 =	sld [smem:$0x3FB7];
	_ =	sdelay $0x3  }
0x34: {  	[smem:$0x3FB7] =	sst s10  }
0x35: {  	s10 =	sld [smem:$0x3FB6];
	_ =	sdelay $0x3  }
0x36: {  	p1 =	seq.s32 s10, $0x1;
	s10 =	sld [smem:$0x3FB7];
	_ =	sdelay $0x3  }
0x37: {  	[smem:$0x3FB7] =	sst s10  }
0x38: {  	s10 =	sld [smem:$0x3FB8]  }
0x39: {  	_ = 	snop;
	(pc) =	sbr.ind lr, $3  }
0x3a: {  	_ = 	snop  }
0x3b: {  	_ = 	snop  }
0x3c: {  	p2 =	seq.s32 s10, $0x1;
	s10 =	sld [smem:$0x3FB7]  }
0x3d: {  	_ =	shalt  }
0x3e: {  	_ =	shalt  }
0x3f: {  	_ =	shalt  }
0x40: {  	_ =	shalt  }
0x41: {  	_ =	shalt  }
0x42: {  	_ =	shalt  }
0x43: {  	_ =	shalt  }
0x44: {  	_ =	shalt  }
0x45: {  	_ =	shalt  }
0x46: {  	_ =	shalt  }
0x47: {  	_ =	shalt  }
0x48: {  	_ =	shalt  }
0x49: {  	_ =	shalt  }
0x4a: {  	_ =	shalt  }
0x4b: {  	_ =	shalt  }
0x4c: {  	_ =	shalt  }
0x4d: {  	_ =	shalt  }
0x4e: {  	_ =	shalt  }
0x4f: {  	_ =	shalt  }
0x50: {  	_ =	shalt  }
0x51: {  	_ =	shalt  }
0x52: {  	_ =	shalt  }
0x53: {  	_ =	shalt  }
0x54: {  	_ =	shalt  }
0x55: {  	_ =	shalt  }
0x56: {  	_ =	shalt  }
0x57: {  	_ =	shalt  }
0x58: {  	_ =	shalt  }
0x59: {  	_ =	shalt  }
0x5a: {  	_ =	shalt  }
0x5b: {  	_ =	shalt  }
0x5c: {  	_ =	shalt  }
0x5d: {  	_ =	shalt  }
0x5e: {  	_ =	shalt  }
0x5f: {  	_ =	shalt  }
0x60: {  	_ =	shalt  }
0x61: {  	_ =	shalt  }
0x62: {  	_ =	shalt  }
0x63: {  	_ =	shalt  }
0x64: {  	_ =	shalt  }
0x65: {  	_ =	shalt  }
0x66: {  	_ =	shalt  }
0x67: {  	_ =	shalt  }
0x68: {  	_ =	shalt  }
0x69: {  	_ =	shalt  }
0x6a: {  	_ =	shalt  }
0x6b: {  	_ =	shalt  }
0x6c: {  	_ =	shalt  }
0x6d: {  	_ =	shalt  }
0x6e: {  	_ =	shalt  }
0x6f: {  	_ =	shalt  }
0x70: {  	_ =	shalt  }
0x71: {  	_ =	shalt  }
0x72: {  	_ =	shalt  }
0x73: {  	_ =	shalt  }
0x74: {  	_ =	shalt  }
0x75: {  	_ =	shalt  }
0x76: {  	_ =	shalt  }
0x77: {  	_ =	shalt  }
0x78: {  	_ =	shalt  }
0x79: {  	_ =	shalt  }
0x7a: {  	_ =	shalt  }
0x7b: {  	_ =	shalt  }
0x7c: {  	_ =	shalt  }
0x7d: {  	_ =	shalt  }
0x7e: {  	_ =	shalt  }
0x7f: {  	_ =	shalt  }
0x80: {  	_ =	shalt  }
0x81: {  	_ =	shalt  }
0x82: {  	_ =	shalt  }
0x83: {  	_ =	shalt  }
0x84: {  	_ =	shalt  }
0x85: {  	_ =	shalt  }
0x86: {  	_ =	shalt  }
0x87: {  	_ =	shalt  }
.Lfunc_end0:
.L_simem_size_0:
called_computation_lowered:
.L_overlay_start_0:
0x88: {  	s2 =	sld [smem:$0x3FD9]  }
0x89: {  	s3 =	sld [smem:$0x3FFE];
	_ =	sdelay $0x1  }
0x8a: {  	s1 =	srdreg.scid  }
0x8b: {  	s0 =	sand.u32 $0x1, s1  }
0x8c: {  	s17 =	sshll.u32 s0, $0xA;
	s2 =	sadd.s32 s3, s2  }
0x8d: {  	s2 =	sadd.s32 s2, s17  }
0x8e: {  	[smem:$0x3FC3] =	sst s2  }
0x8f: {  	_ = 	snop  }
0x90: {  	s2 =	sld [smem:$0x3FD0];
	(tm) =	ssettm $0x1  }
0x91: {  	s18 =	sld [smem:$0x3FFB];
	_ =	sdelay $0x3  }
0x92: {  	_ =	strace s18  }
0x93: {  	s3 =	sld [smem:$0x3FFC];
	_ =	sdelay $0x3  }
0x94: {  	_ =	strace s3  }
0x95: {  	s3 =	sld [smem:$0x3FFD];
	_ =	sdelay $0x3  }
0x96: {  	_ =	strace s3  }
0x97: {  	_ =	strace $0x8FFFFFFF  }
0x98: {  	s19 =	sld [smem:$0x3FDB];
	_ =	sdelay $0x1  }
0x99: {  	s4 =	simm.s32 $_scs_section_size  }
0x9a: {  	s5 =	simm.s32 $_size__tile_overlayer_lowered;
	s6 =	simm.s32 $_tile_overlayer_lowered  }
0x9b: {  	s22 =	simm.s32 $0x1BFF;
	s21 =	sshll.u32 s6, $0x1;
	s3 =	sadd.s32 s4, s19  }
0x9c: {  	s7 =	simm.s32 $0x0;
	s20 =	sshll.u32 s5, $0x1;
	s5 =	sadd.s32 s21, s3  }
0x9d: {  	[timem:s7], [sflag:s22] =	dma.local [hbm:s5], s20  }
0x9e: {  	_ =	swait.ge [sflag:s22], s20  }
0x9f: {  	s4 =	ssub.s32 $0x0, s20;
	[sflag:s22] =	ssyncset.done $0x0  }
0xa0: {  	[sflag:s22] =	ssyncadd.s32 s4;
	_ =	sdelay $0x1  }
0xa1: {  	s23 =	simm.s32 $0x1B8B  }
0xa2: {  	_ =	swait.ge [sflag:s23], $0x1  }
0xa3: {  	[sflag:s23] =	ssyncset.done $0x0  }
0xa4: {  	s25 =	simm.s32 $0x1B8E;
	s24 =	sld [smem:$0x3FFE];
	[sflag:s23] =	ssyncadd.s32 $0xFFFFFFFF  }
0xa5: {  	s26 =	simm.s32 $execute0_lowered;
	[smem:$0x3FD2] =	sst s25  }
0xa6: {  	s5 =	sshll.u32 s26, $0x1;
	_ =	strace $0x80000046;
	[dreg:$0x1] =	wrdreg $0xFFFFFFFF  }
0xa7: {  	s28 =	simm.s32 $_size_execute0_lowered;
	s3 =	sadd.s32 s3, s5;
	[dreg:$0x0] =	wrdreg $0x0  }
0xa8: {  	s5 =	sshll.u32 s28, $0x1;
	[dreg:$0x2] =	wrdreg s3  }
0xa9: {  	[dreg:$0x3] =	wrdreg s5  }
0xaa: {  	[dreg:$0x4] =	wrdreg $0xC0  }
0xab: {  	_ =	task [dreg:s7], $0x5FFFF  }
0xac: {  	[dreg:$0x1] =	wrdreg $0xFFFFFFFF  }
0xad: {  	[dreg:$0x0] =	wrdreg $0x60  }
0xae: {  	[dreg:$0x2] =	wrdreg s24  }
0xaf: {  	[dreg:$0x3] =	wrdreg s2  }
0xb0: {  	[dreg:$0x4] =	wrdreg $0x9  }
0xb1: {  	_ =	task.clear_ibuf [dreg:s7], $0x5FFFF;
	_ =	strace $0x90000046  }
0xb2: {  	s29 =	simm.s32 $0x9;
	_ =	strace $0x80000048  }
0xb3: {  	_ =	swait.ge [sflag:s29], $0x1  }
0xb4: {  	[sflag:s29] =	ssyncadd.s32 $0xFFFFFFFF  }
0xb5: {  	_ =	strace $0x90000048  }
0xb6: {  	_ =	sfence  }
0xb7: {  	s30 =	sld [smem:$0x0];
	_ =	sdelay $0x2  }
0xb8: {  	s31 =	sshll.u32 s1, $0xD;
	s1 =	sshrl.u32 s1, $0x2  }
0xb9: {  	s3 =	sand.u32 $0x4000, s31;
	s1 =	sadd.s32 s1, s30  }
0xba: {  	s0 =	sor.u32 s3, s0;
	s1 =	sshll.u32 s1, $0x11  }
0xbb: {  	s0 =	sor.u32 s1, s0  }
0xbc: {  	s0 =	sadd.s32 $0x8F2B, s0  }
0xbd: {  	[sflag:s0] =	ssyncadd.remote.s32 $0x1  }
0xbe: {  	_ =	sfence.sel $0xFFFF  }
0xbf: {  	[dreg:$0x0] =	wrdreg $0xFFFFFFFF;
	(pc) =	sbr.abs _section_cstart, $3  }
0xc0: {  	[dreg:$0x1] =	wrdreg $0xFFFFFFFF  }
0xc1: {  	_ =	task.clear_ibuf [dreg:s7], $0x2FFFF;
	_ =	strace $0x9FFFFFFF  }
0xc2: {  	(tm) =	ssettm $0x7FFFFFFF  }
0xc3: {  	_ =	shalt  }
tec
execute0_lowered:
.L_overlay_start_1:
0x0: {  	(tag) =	ssettag $0x1  }
0x1: {  	s6 =	rddreg [dreg:$0x0]  }
0x2: {  	s1 =	rddreg [dreg:$0x1];
	s2 =	simm.s32 $0x0  }
0x3: {  	[smem:$0x7FF] =	sst s2;
	s0 =	sadd.s32 $0x5BE00, s6  }
0x4: {  	s16 =	sadd.s32 $0x3D400, s6;
	_ =	strace $0x80000047;
	[dreg:$0x3] =	wrdreg s0  }
0x5: {  	s17 =	sadd.s32 $0x1EA00, s6;
	[dreg:$0x4] =	wrdreg s16  }
0x6: {  	s18 =	sadd.s32 $0x113A00, s6;
	[dreg:$0x5] =	wrdreg s17  }
0x7: {  	s19 =	sadd.s32 $0xF5000, s6;
	[dreg:$0x6] =	wrdreg s18  }
0x8: {  	s20 =	sadd.s32 $0xD6600, s6;
	[dreg:$0x7] =	wrdreg s19  }
0x9: {  	s21 =	sadd.s32 $0xB7C00, s6;
	[dreg:$0x8] =	wrdreg s20  }
0xa: {  	s22 =	sadd.s32 $0x99200, s6;
	[dreg:$0x9] =	wrdreg s21  }
0xb: {  	s4 =	sadd.s32 $0x7A800, s6;
	[dreg:$0xa] =	wrdreg s22  }
0xc: {  	s24 =	sadd.s32 $0x1CB600, s6;
	[dreg:$0xb] =	wrdreg s4  }
0xd: {  	s25 =	sadd.s32 $0x1ACC00, s6;
	[dreg:$0xc] =	wrdreg s24  }
0xe: {  	s26 =	sadd.s32 $0x18E200, s6;
	[dreg:$0xd] =	wrdreg s25  }
0xf: {  	s28 =	sadd.s32 $0x16F800, s6;
	[dreg:$0xe] =	wrdreg s26  }
0x10: {  	s5 =	sadd.s32 $0x150E00, s6;
	[dreg:$0xf] =	wrdreg s28  }
0x11: {  	s7 =	sadd.s32 $0x132400, s6;
	[dreg:$0x10] =	wrdreg s5  }
0x12: {  	s9 =	sadd.s32 $0x245E00, s6;
	[dreg:$0x11] =	wrdreg s7  }
0x13: {  	s10 =	sadd.s32 $0x227400, s6;
	[dreg:$0x16] =	wrdreg s9  }
0x14: {  	s11 =	sadd.s32 $0x208A00, s6;
	[dreg:$0x17] =	wrdreg s10  }
0x15: {  	s12 =	sadd.s32 $0x1EA000, s6;
	[dreg:$0x18] =	wrdreg s11  }
0x16: {  	s13 =	sadd.s32 $0x2FDA00, s6;
	[dreg:$0x19] =	wrdreg s12  }
0x17: {  	s14 =	sadd.s32 $0x2DF000, s6;
	[dreg:$0x1a] =	wrdreg s13  }
0x18: {  	[dreg:$0x1b] =	wrdreg s14;
	s16 =	sadd.s32 $0x2C0600, s6  }
0x19: {  	s17 =	sadd.s32 $0x2A1C00, s6;
	[dreg:$0x1c] =	wrdreg s16  }
0x1a: {  	s18 =	sadd.s32 $0x283200, s6;
	[dreg:$0x1d] =	wrdreg s17  }
0x1b: {  	s23 =	srdreg.scid;
	s19 =	sadd.s32 $0x264800, s6;
	[dreg:$0x1e] =	wrdreg s18  }
0x1c: {  	s3 =	stileid.u32;
	s21 =	sadd.s32 $0x3B5600, s6;
	[dreg:$0x1f] =	wrdreg s19  }
0x1d: {  	s3 =	sshll.u32 s3, $0x1;
	s22 =	sadd.s32 $0x396C00, s6;
	[smem:$0x7F4] =	sst s21  }
0x1e: {  	s0 =	sand.u32 $0x1, s23;
	s24 =	sadd.s32 $0x378200, s6;
	[smem:$0x7F5] =	sst s22  }
0x1f: {  	s25 =	sadd.s32 $0x359800, s6;
	s3 =	sor.u32 s0, s3;
	[smem:$0x7F7] =	sst s24  }
0x20: {  	s28 =	sadd.s32 $0x33AE00, s6;
	[smem:$0x7F8] =	sst s25;
	s29 =	sshll.u32 s3, $0x6  }
0x21: {  	[smem:$0x7FA] =	sst s28;
	s3 =	sshll.u32 s3, $0x1;
	s23 =	sadd.s32 s1, s29  }
0x22: {  	s30 =	sadd.s32 s29, s6;
	s29 =	sadd.s32 $0x31C400, s6;
	[smem:$0x7F6] =	sst s23  }
0x23: {  	s3 =	sadd.s32 s3, s6;
	s31 =	sadd.s32 $0x3D4000, s30;
	[smem:$0x7FB] =	sst s29  }
0x24: {  	s3 =	sadd.s32 $0x411C00, s3;
	[dreg:$0x12] =	wrdreg s31  }
0x25: {  	s4 =	simm.s32 $0x0;
	s7 =	sadd.s32 $0x411E00, s30;
	[dreg:$0x13] =	wrdreg s3  }
0x26: {  	s15 =	ssub.s32 $0x2, s0;
	s8 =	sadd.s32 $0x412600, s30;
	[dreg:$0x14] =	wrdreg s7  }
0x27: {  	s20 =	sshrl.u32 s15, $0x1;
	s30 =	sadd.s32 $0x3D4800, s6;
	[dreg:$0x15] =	wrdreg s8  }
0x28: {  	s3 =	ssub.s32 s15, s20;
	[smem:$0x7FC] =	sst s30;
	s31 =	sadd.s32 $0x3F3200, s6  }
0x29: {  	s1 =	simm.s32 $0x3;
	s26 =	smax.u32 s3, $0x1;
	[smem:$0x7FD] =	sst s31  }
0x2a: {  	s15 =	simm.s32 $0x1;
	s3 =	simm.s32 $0x80;
	[smem:$0x7F9] =	sst s26  }
.LBB2_1:
0x2b: {  	[smem:$0x7F3] =	sst s4  }
0x2c: {  	s0 =	rddreg [dreg:$0x12]  }
0x2d: {  	[tilespmem:s2], [sflag:$0x3] =	stream.linear.gather [hbm4b:s0+s2], $0x200, $0x38;
	[tilespmem:$0x4810] =	vst v63  }
0x2e: {  	_ =	swait.ge [sflag:s1], $0x200  }
0x2f: {  	s25 =	sld [smem:$0x7F6]  }
0x30: {  	[sflag:s1] =	ssyncset.done $0x0  }
0x31: {  	s9 =	simm.s32 $0x200;
	[sflag:s1] =	ssyncadd.s32 $0xFFFFFE00  }
0x32: {  	[tilespmem:s9], [sflag:$0x3] =	stream.linear.gather [hbm4b:s25+s2], $0x200, $0x38;
	[tilespmem:$0x4810] =	vst v63  }
0x33: {  	_ =	swait.ge [sflag:s1], $0x200  }
0x34: {  	[sflag:s1] =	ssyncset.done $0x0  }
0x35: {  	s26 =	simm.s32 $0x400;
	s23 =	rddreg [dreg:$0x3];
	[sflag:s1] =	ssyncadd.s32 $0xFFFFFE00  }
0x36: {  	[tilespmem:s26], [sflag:$0x1] =	stream.indirect.gather [hbm4b:s23+s3], $0x1, s2, s3, $0xb8;
	[tilespmem:$0x4810] =	vst v63  }
0x37: {  	s28 =	simm.s32 $0x2400;
	s4 =	rddreg [dreg:$0x16]  }
0x38: {  	[tilespmem:s28], [sflag:$0x1] =	stream.indirect.gather [hbm4b:s4+s3], $0x1, s9, s3, $0xb8;
	[tilespmem:$0x4810] =	vst v63  }
0x39: {  	s29 =	simm.s32 $0x600;
	s24 =	rddreg [dreg:$0x4]  }
0x3a: {  	[tilespmem:s29], [sflag:$0x1] =	stream.indirect.gather [hbm4b:s24+s3], $0x1, s2, s3, $0xb8;
	[tilespmem:$0x4810] =	vst v63  }
0x3b: {  	s31 =	simm.s32 $0x2600;
	s30 =	rddreg [dreg:$0x17]  }
0x3c: {  	[tilespmem:s31], [sflag:$0x1] =	stream.indirect.gather [hbm4b:s30+s3], $0x1, s9, s3, $0xb8;
	[tilespmem:$0x4810] =	vst v63  }
0x3d: {  	s5 =	simm.s32 $0x800;
	s25 =	rddreg [dreg:$0x5]  }
0x3e: {  	[tilespmem:s5], [sflag:$0x1] =	stream.indirect.gather [hbm4b:s25+s3], $0x1, s2, s3, $0xb8;
	[tilespmem:$0x4810] =	vst v63  }
0x3f: {  	s7 =	simm.s32 $0x2800;
	s6 =	rddreg [dreg:$0x18]  }
0x40: {  	[tilespmem:s7], [sflag:$0x1] =	stream.indirect.gather [hbm4b:s6+s3], $0x1, s9, s3, $0xb8;
	[tilespmem:$0x4810] =	vst v63  }
0x41: {  	s8 =	simm.s32 $0xA00;
	s18 =	rddreg [dreg:$0x0]  }
0x42: {  	[tilespmem:s8], [sflag:$0x1] =	stream.indirect.gather [hbm4b:s18+s3], $0x1, s2, s3, $0xb8;
	[tilespmem:$0x4810] =	vst v63  }
0x43: {  	s10 =	simm.s32 $0x2A00;
	s6 =	rddreg [dreg:$0x19]  }
0x44: {  	[tilespmem:s10], [sflag:$0x1] =	stream.indirect.gather [hbm4b:s6+s3], $0x1, s9, s3, $0xb8;
	[tilespmem:$0x4810] =	vst v63  }
0x45: {  	s11 =	simm.s32 $0xC00;
	s26 =	rddreg [dreg:$0x6]  }
0x46: {  	[tilespmem:s11], [sflag:$0x1] =	stream.indirect.gather [hbm4b:s26+s3], $0x1, s2, s3, $0xb8;
	[tilespmem:$0x4810] =	vst v63  }
0x47: {  	s12 =	simm.s32 $0x2C00;
	s17 =	rddreg [dreg:$0x1a]  }
0x48: {  	[tilespmem:s12], [sflag:$0x1] =	stream.indirect.gather [hbm4b:s17+s3], $0x1, s9, s3, $0xb8;
	[tilespmem:$0x4810] =	vst v63  }
0x49: {  	s13 =	simm.s32 $0xE00;
	s28 =	rddreg [dreg:$0x7]  }
0x4a: {  	[tilespmem:s13], [sflag:$0x1] =	stream.indirect.gather [hbm4b:s28+s3], $0x1, s2, s3, $0xb8;
	[tilespmem:$0x4810] =	vst v63  }
0x4b: {  	s14 =	simm.s32 $0x2E00;
	s10 =	rddreg [dreg:$0x1b]  }
0x4c: {  	[tilespmem:s14], [sflag:$0x1] =	stream.indirect.gather [hbm4b:s10+s3], $0x1, s9, s3, $0xb8;
	[tilespmem:$0x4810] =	vst v63  }
0x4d: {  	s16 =	simm.s32 $0x1000;
	s29 =	rddreg [dreg:$0x8]  }
0x4e: {  	[tilespmem:s16], [sflag:$0x1] =	stream.indirect.gather [hbm4b:s29+s3], $0x1, s2, s3, $0xb8;
	[tilespmem:$0x4810] =	vst v63  }
0x4f: {  	s7 =	rddreg [dreg:$0x1c];
	s18 =	simm.s32 $0x3000  }
0x50: {  	[tilespmem:s18], [sflag:$0x1] =	stream.indirect.gather [hbm4b:s7+s3], $0x1, s9, s3, $0xb8;
	[tilespmem:$0x4810] =	vst v63  }
0x51: {  	s19 =	simm.s32 $0x1200;
	s30 =	rddreg [dreg:$0x9]  }
0x52: {  	[tilespmem:s19], [sflag:$0x1] =	stream.indirect.gather [hbm4b:s30+s3], $0x1, s2, s3, $0xb8;
	[tilespmem:$0x4810] =	vst v63  }
0x53: {  	s20 =	simm.s32 $0x3200;
	s11 =	rddreg [dreg:$0x1d]  }
0x54: {  	[tilespmem:s20], [sflag:$0x1] =	stream.indirect.gather [hbm4b:s11+s3], $0x1, s9, s3, $0xb8;
	[tilespmem:$0x4810] =	vst v63  }
0x55: {  	s21 =	simm.s32 $0x1400;
	s31 =	rddreg [dreg:$0xa]  }
0x56: {  	[tilespmem:s21], [sflag:$0x1] =	stream.indirect.gather [hbm4b:s31+s3], $0x1, s2, s3, $0xb8;
	[tilespmem:$0x4810] =	vst v63  }
0x57: {  	s22 =	simm.s32 $0x3400;
	s12 =	rddreg [dreg:$0x1e]  }
0x58: {  	[tilespmem:s22], [sflag:$0x1] =	stream.indirect.gather [hbm4b:s12+s3], $0x1, s9, s3, $0xb8;
	[tilespmem:$0x4810] =	vst v63  }
0x59: {  	s0 =	rddreg [dreg:$0xb];
	s5 =	simm.s32 $0x1600  }
0x5a: {  	[tilespmem:s5], [sflag:$0x1] =	stream.indirect.gather [hbm4b:s0+s3], $0x1, s2, s3, $0xb8;
	[tilespmem:$0x4810] =	vst v63  }
0x5b: {  	s8 =	simm.s32 $0x3600;
	s13 =	rddreg [dreg:$0x1f]  }
0x5c: {  	[tilespmem:s8], [sflag:$0x1] =	stream.indirect.gather [hbm4b:s13+s3], $0x1, s9, s3, $0xb8;
	[tilespmem:$0x4810] =	vst v63  }
0x5d: {  	s14 =	simm.s32 $0x1800;
	s8 =	rddreg [dreg:$0xc]  }
0x5e: {  	[tilespmem:s14], [sflag:$0x1] =	stream.indirect.gather [hbm4b:s8+s3], $0x1, s2, s3, $0xb8;
	[tilespmem:$0x4810] =	vst v63  }
0x5f: {  	s14 =	sld [smem:$0x7F4];
	_ =	sdelay $0x1  }
0x60: {  	s16 =	simm.s32 $0x3800;
	s19 =	rddreg [dreg:$0xd]  }
0x61: {  	[tilespmem:s16], [sflag:$0x1] =	stream.indirect.gather [hbm4b:s14+s3], $0x1, s9, s3, $0xb8;
	[tilespmem:$0x4810] =	vst v63  }
0x62: {  	s18 =	simm.s32 $0x1A00;
	s20 =	sld [smem:$0x7F5]  }
0x63: {  	[tilespmem:s18], [sflag:$0x1] =	stream.indirect.gather [hbm4b:s19+s3], $0x1, s2, s3, $0xb8;
	[tilespmem:$0x4810] =	vst v63  }
0x64: {  	s21 =	simm.s32 $0x3A00;
	s18 =	sld [smem:$0x7F7]  }
0x65: {  	[tilespmem:s21], [sflag:$0x1] =	stream.indirect.gather [hbm4b:s20+s3], $0x1, s9, s3, $0xb8;
	[tilespmem:$0x4810] =	vst v63  }
0x66: {  	s22 =	simm.s32 $0x1C00;
	s16 =	simm.s32 $0x0;
	s20 =	rddreg [dreg:$0xe]  }
0x67: {  	[tilespmem:s22], [sflag:$0x1] =	stream.indirect.gather [hbm4b:s20+s3], $0x1, s16, s3, $0xb8;
	[tilespmem:$0x4810] =	vst v63  }
0x68: {  	s1 =	simm.s32 $0x3C00;
	s5 =	sld [smem:$0x7F8]  }
0x69: {  	[tilespmem:s1], [sflag:$0x1] =	stream.indirect.gather [hbm4b:s18+s3], $0x1, s9, s3, $0xb8;
	[tilespmem:$0x4810] =	vst v63  }
0x6a: {  	s2 =	simm.s32 $0x1E00;
	s22 =	rddreg [dreg:$0xf]  }
0x6b: {  	[tilespmem:s2], [sflag:$0x1] =	stream.indirect.gather [hbm4b:s22+s3], $0x1, s16, s3, $0xb8;
	[tilespmem:$0x4810] =	vst v63  }
0x6c: {  	s21 =	simm.s32 $0x3E00;
	s2 =	sld [smem:$0x7FA]  }
0x6d: {  	[tilespmem:s21], [sflag:$0x1] =	stream.indirect.gather [hbm4b:s5+s3], $0x1, s9, s3, $0xb8;
	[tilespmem:$0x4810] =	vst v63  }
0x6e: {  	s1 =	simm.s32 $0x2000;
	s21 =	rddreg [dreg:$0x10]  }
0x6f: {  	[tilespmem:s1], [sflag:$0x1] =	stream.indirect.gather [hbm4b:s21+s3], $0x1, s16, s3, $0xb8;
	[tilespmem:$0x4810] =	vst v63  }
0x70: {  	s5 =	simm.s32 $0x4000  }
0x71: {  	[tilespmem:s5], [sflag:$0x1] =	stream.indirect.gather [hbm4b:s2+s3], $0x1, s9, s3, $0xb8;
	[tilespmem:$0x4810] =	vst v63  }
0x72: {  	s2 =	rddreg [dreg:$0x11];
	s5 =	simm.s32 $0x2200  }
0x73: {  	[tilespmem:s5], [sflag:$0x1] =	stream.indirect.gather [hbm4b:s2+s3], $0x1, s16, s3, $0xb8;
	[tilespmem:$0x4810] =	vst v63  }
0x74: {  	s2 =	sld [smem:$0x7FB];
	_ =	sdelay $0x1  }
0x75: {  	s5 =	simm.s32 $0x4200  }
0x76: {  	[tilespmem:s5], [sflag:$0x1] =	stream.indirect.gather [hbm4b:s2+s3], $0x1, s9, s3, $0xb8;
	[tilespmem:$0x4810] =	vst v63  }
0x77: {  	s5 =	sld [smem:$0x7FC];
	_ =	sdelay $0x1  }
0x78: {  	s1 =	simm.s32 $0x4400  }
0x79: {  	[tilespmem:s1], [sflag:$0x2] =	stream.indirect.gather [hbm4b:s5+s3], $0x1, s16, s3, $0xb8;
	[tilespmem:$0x4810] =	vst v63  }
0x7a: {  	s16 =	sld [smem:$0x7FD];
	_ =	sdelay $0x1  }
0x7b: {  	s2 =	simm.s32 $0x4600  }
0x7c: {  	[tilespmem:s2], [sflag:$0x2] =	stream.indirect.gather [hbm4b:s16+s3], $0x1, s9, s3, $0xb8;
	[tilespmem:$0x4810] =	vst v63  }
0x7d: {  	s9 =	simm.s32 $0x480  }
0x7e: {  	[tilespmem:s9], [sflag:$0x1] =	stream.indirect.gather [hbm4b:s23+s3], $0x1, s3, s3, $0xb8;
	[tilespmem:$0x4810] =	vst v63  }
0x7f: {  	s0 =	simm.s32 $0x2480;
	s1 =	simm.s32 $0x280  }
0x80: {  	[tilespmem:s0], [sflag:$0x1] =	stream.indirect.gather [hbm4b:s4+s3], $0x1, s1, s3, $0xb8;
	[tilespmem:$0x4810] =	vst v63  }
0x81: {  	s2 =	simm.s32 $0x680  }
0x82: {  	[tilespmem:s2], [sflag:$0x1] =	stream.indirect.gather [hbm4b:s24+s3], $0x1, s3, s3, $0xb8;
	[tilespmem:$0x4810] =	vst v63  }
0x83: {  	s0 =	simm.s32 $0x2680;
	s2 =	rddreg [dreg:$0x17]  }
0x84: {  	[tilespmem:s0], [sflag:$0x1] =	stream.indirect.gather [hbm4b:s2+s3], $0x1, s1, s3, $0xb8;
	[tilespmem:$0x4810] =	vst v63  }
0x85: {  	s2 =	simm.s32 $0x880  }
0x86: {  	[tilespmem:s2], [sflag:$0x1] =	stream.indirect.gather [hbm4b:s25+s3], $0x1, s3, s3, $0xb8;
	[tilespmem:$0x4810] =	vst v63  }
0x87: {  	s0 =	simm.s32 $0x2880;
	s2 =	rddreg [dreg:$0x18]  }
0x88: {  	[tilespmem:s0], [sflag:$0x1] =	stream.indirect.gather [hbm4b:s2+s3], $0x1, s1, s3, $0xb8;
	[tilespmem:$0x4810] =	vst v63  }
0x89: {  	s0 =	simm.s32 $0xA80;
	s2 =	rddreg [dreg:$0x0]  }
0x8a: {  	[tilespmem:s0], [sflag:$0x1] =	stream.indirect.gather [hbm4b:s2+s3], $0x1, s3, s3, $0xb8;
	[tilespmem:$0x4810] =	vst v63  }
0x8b: {  	s0 =	simm.s32 $0x2A80  }
0x8c: {  	[tilespmem:s0], [sflag:$0x1] =	stream.indirect.gather [hbm4b:s6+s3], $0x1, s1, s3, $0xb8;
	[tilespmem:$0x4810] =	vst v63  }
0x8d: {  	s2 =	simm.s32 $0xC80  }
0x8e: {  	[tilespmem:s2], [sflag:$0x1] =	stream.indirect.gather [hbm4b:s26+s3], $0x1, s3, s3, $0xb8;
	[tilespmem:$0x4810] =	vst v63  }
0x8f: {  	s0 =	simm.s32 $0x2C80  }
0x90: {  	[tilespmem:s0], [sflag:$0x1] =	stream.indirect.gather [hbm4b:s17+s3], $0x1, s1, s3, $0xb8;
	[tilespmem:$0x4810] =	vst v63  }
0x91: {  	s2 =	simm.s32 $0xE80  }
0x92: {  	[tilespmem:s2], [sflag:$0x1] =	stream.indirect.gather [hbm4b:s28+s3], $0x1, s3, s3, $0xb8;
	[tilespmem:$0x4810] =	vst v63  }
0x93: {  	s0 =	simm.s32 $0x2E80  }
0x94: {  	[tilespmem:s0], [sflag:$0x1] =	stream.indirect.gather [hbm4b:s10+s3], $0x1, s1, s3, $0xb8;
	[tilespmem:$0x4810] =	vst v63  }
0x95: {  	s2 =	simm.s32 $0x1080  }
0x96: {  	[tilespmem:s2], [sflag:$0x1] =	stream.indirect.gather [hbm4b:s29+s3], $0x1, s3, s3, $0xb8;
	[tilespmem:$0x4810] =	vst v63  }
0x97: {  	s0 =	simm.s32 $0x3080  }
0x98: {  	[tilespmem:s0], [sflag:$0x1] =	stream.indirect.gather [hbm4b:s7+s3], $0x1, s1, s3, $0xb8;
	[tilespmem:$0x4810] =	vst v63  }
0x99: {  	s2 =	simm.s32 $0x1280  }
0x9a: {  	[tilespmem:s2], [sflag:$0x1] =	stream.indirect.gather [hbm4b:s30+s3], $0x1, s3, s3, $0xb8;
	[tilespmem:$0x4810] =	vst v63  }
0x9b: {  	s0 =	simm.s32 $0x3280  }
0x9c: {  	[tilespmem:s0], [sflag:$0x1] =	stream.indirect.gather [hbm4b:s11+s3], $0x1, s1, s3, $0xb8;
	[tilespmem:$0x4810] =	vst v63  }
0x9d: {  	s2 =	simm.s32 $0x1480  }
0x9e: {  	[tilespmem:s2], [sflag:$0x1] =	stream.indirect.gather [hbm4b:s31+s3], $0x1, s3, s3, $0xb8;
	[tilespmem:$0x4810] =	vst v63  }
0x9f: {  	s0 =	simm.s32 $0x3480  }
0xa0: {  	[tilespmem:s0], [sflag:$0x1] =	stream.indirect.gather [hbm4b:s12+s3], $0x1, s1, s3, $0xb8;
	[tilespmem:$0x4810] =	vst v63  }
0xa1: {  	s2 =	simm.s32 $0x1680;
	s0 =	rddreg [dreg:$0xb]  }
0xa2: {  	[tilespmem:s2], [sflag:$0x1] =	stream.indirect.gather [hbm4b:s0+s3], $0x1, s3, s3, $0xb8;
	[tilespmem:$0x4810] =	vst v63  }
0xa3: {  	s2 =	simm.s32 $0x3680  }
0xa4: {  	[tilespmem:s2], [sflag:$0x1] =	stream.indirect.gather [hbm4b:s13+s3], $0x1, s1, s3, $0xb8;
	[tilespmem:$0x4810] =	vst v63  }
0xa5: {  	s2 =	simm.s32 $0x1880  }
0xa6: {  	[tilespmem:s2], [sflag:$0x1] =	stream.indirect.gather [hbm4b:s8+s3], $0x1, s3, s3, $0xb8;
	[tilespmem:$0x4810] =	vst v63  }
0xa7: {  	s2 =	simm.s32 $0x3880  }
0xa8: {  	[tilespmem:s2], [sflag:$0x1] =	stream.indirect.gather [hbm4b:s14+s3], $0x1, s1, s3, $0xb8;
	[tilespmem:$0x4810] =	vst v63  }
0xa9: {  	s2 =	simm.s32 $0x1A80  }
0xaa: {  	[tilespmem:s2], [sflag:$0x1] =	stream.indirect.gather [hbm4b:s19+s3], $0x1, s3, s3, $0xb8;
	[tilespmem:$0x4810] =	vst v63  }
0xab: {  	s2 =	sld [smem:$0x7F5];
	_ =	sdelay $0x1  }
0xac: {  	s9 =	simm.s32 $0x3A80  }
0xad: {  	[tilespmem:s9], [sflag:$0x1] =	stream.indirect.gather [hbm4b:s2+s3], $0x1, s1, s3, $0xb8;
	[tilespmem:$0x4810] =	vst v63  }
0xae: {  	s2 =	simm.s32 $0x1C80  }
0xaf: {  	[tilespmem:s2], [sflag:$0x1] =	stream.indirect.gather [hbm4b:s20+s3], $0x1, s3, s3, $0xb8;
	[tilespmem:$0x4810] =	vst v63  }
0xb0: {  	s2 =	simm.s32 $0x3C80  }
0xb1: {  	[tilespmem:s2], [sflag:$0x1] =	stream.indirect.gather [hbm4b:s18+s3], $0x1, s1, s3, $0xb8;
	[tilespmem:$0x4810] =	vst v63  }
0xb2: {  	s2 =	simm.s32 $0x1E80  }
0xb3: {  	[tilespmem:s2], [sflag:$0x1] =	stream.indirect.gather [hbm4b:s22+s3], $0x1, s3, s3, $0xb8;
	[tilespmem:$0x4810] =	vst v63  }
0xb4: {  	s2 =	sld [smem:$0x7F8];
	_ =	sdelay $0x1  }
0xb5: {  	s9 =	simm.s32 $0x3E80  }
0xb6: {  	[tilespmem:s9], [sflag:$0x1] =	stream.indirect.gather [hbm4b:s2+s3], $0x1, s1, s3, $0xb8;
	[tilespmem:$0x4810] =	vst v63  }
0xb7: {  	s2 =	simm.s32 $0x2080  }
0xb8: {  	[tilespmem:s2], [sflag:$0x1] =	stream.indirect.gather [hbm4b:s21+s3], $0x1, s3, s3, $0xb8;
	[tilespmem:$0x4810] =	vst v63  }
0xb9: {  	s2 =	sld [smem:$0x7FA];
	_ =	sdelay $0x1  }
0xba: {  	s9 =	simm.s32 $0x4080  }
0xbb: {  	[tilespmem:s9], [sflag:$0x1] =	stream.indirect.gather [hbm4b:s2+s3], $0x1, s1, s3, $0xb8;
	[tilespmem:$0x4810] =	vst v63  }
0xbc: {  	s9 =	simm.s32 $0x2280;
	s2 =	rddreg [dreg:$0x11]  }
0xbd: {  	[tilespmem:s9], [sflag:$0x1] =	stream.indirect.gather [hbm4b:s2+s3], $0x1, s3, s3, $0xb8;
	[tilespmem:$0x4810] =	vst v63  }
0xbe: {  	s2 =	sld [smem:$0x7FB];
	_ =	sdelay $0x1  }
0xbf: {  	s9 =	simm.s32 $0x4280  }
0xc0: {  	[tilespmem:s9], [sflag:$0x1] =	stream.indirect.gather [hbm4b:s2+s3], $0x1, s1, s3, $0xb8;
	[tilespmem:$0x4810] =	vst v63  }
0xc1: {  	s2 =	simm.s32 $0x4480  }
0xc2: {  	[tilespmem:s2], [sflag:$0x2] =	stream.indirect.gather [hbm4b:s5+s3], $0x1, s3, s3, $0xb8;
	[tilespmem:$0x4810] =	vst v63  }
0xc3: {  	s2 =	simm.s32 $0x4680  }
0xc4: {  	[tilespmem:s2], [sflag:$0x2] =	stream.indirect.gather [hbm4b:s16+s3], $0x1, s1, s3, $0xb8;
	[tilespmem:$0x4810] =	vst v63  }
0xc5: {  	s1 =	simm.s32 $0x100;
	s2 =	simm.s32 $0x500  }
0xc6: {  	[tilespmem:s2], [sflag:$0x1] =	stream.indirect.gather [hbm4b:s23+s3], $0x1, s1, s3, $0xb8;
	[tilespmem:$0x4810] =	vst v63  }
0xc7: {  	s9 =	simm.s32 $0x300;
	s2 =	simm.s32 $0x2500  }
0xc8: {  	[tilespmem:s2], [sflag:$0x1] =	stream.indirect.gather [hbm4b:s4+s3], $0x1, s9, s3, $0xb8;
	[tilespmem:$0x4810] =	vst v63  }
0xc9: {  	s4 =	simm.s32 $0x700  }
0xca: {  	[tilespmem:s4], [sflag:$0x1] =	stream.indirect.gather [hbm4b:s24+s3], $0x1, s1, s3, $0xb8;
	[tilespmem:$0x4810] =	vst v63  }
0xcb: {  	s2 =	simm.s32 $0x2700;
	s4 =	rddreg [dreg:$0x17]  }
0xcc: {  	[tilespmem:s2], [sflag:$0x1] =	stream.indirect.gather [hbm4b:s4+s3], $0x1, s9, s3, $0xb8;
	[tilespmem:$0x4810] =	vst v63  }
0xcd: {  	s4 =	simm.s32 $0x900  }
0xce: {  	[tilespmem:s4], [sflag:$0x1] =	stream.indirect.gather [hbm4b:s25+s3], $0x1, s1, s3, $0xb8;
	[tilespmem:$0x4810] =	vst v63  }
0xcf: {  	s2 =	simm.s32 $0x2900;
	s4 =	rddreg [dreg:$0x18]  }
0xd0: {  	[tilespmem:s2], [sflag:$0x1] =	stream.indirect.gather [hbm4b:s4+s3], $0x1, s9, s3, $0xb8;
	[tilespmem:$0x4810] =	vst v63  }
0xd1: {  	s2 =	simm.s32 $0xB00;
	s4 =	rddreg [dreg:$0x0]  }
0xd2: {  	[tilespmem:s2], [sflag:$0x1] =	stream.indirect.gather [hbm4b:s4+s3], $0x1, s1, s3, $0xb8;
	[tilespmem:$0x4810] =	vst v63  }
0xd3: {  	s4 =	simm.s32 $0x2B00  }
0xd4: {  	[tilespmem:s4], [sflag:$0x1] =	stream.indirect.gather [hbm4b:s6+s3], $0x1, s9, s3, $0xb8;
	[tilespmem:$0x4810] =	vst v63  }
0xd5: {  	s4 =	simm.s32 $0xD00  }
0xd6: {  	[tilespmem:s4], [sflag:$0x1] =	stream.indirect.gather [hbm4b:s26+s3], $0x1, s1, s3, $0xb8;
	[tilespmem:$0x4810] =	vst v63  }
0xd7: {  	s4 =	simm.s32 $0x2D00  }
0xd8: {  	[tilespmem:s4], [sflag:$0x1] =	stream.indirect.gather [hbm4b:s17+s3], $0x1, s9, s3, $0xb8;
	[tilespmem:$0x4810] =	vst v63  }
0xd9: {  	s4 =	simm.s32 $0xF00  }
0xda: {  	[tilespmem:s4], [sflag:$0x1] =	stream.indirect.gather [hbm4b:s28+s3], $0x1, s1, s3, $0xb8;
	[tilespmem:$0x4810] =	vst v63  }
0xdb: {  	s4 =	simm.s32 $0x2F00  }
0xdc: {  	[tilespmem:s4], [sflag:$0x1] =	stream.indirect.gather [hbm4b:s10+s3], $0x1, s9, s3, $0xb8;
	[tilespmem:$0x4810] =	vst v63  }
0xdd: {  	s4 =	simm.s32 $0x1100  }
0xde: {  	[tilespmem:s4], [sflag:$0x1] =	stream.indirect.gather [hbm4b:s29+s3], $0x1, s1, s3, $0xb8;
	[tilespmem:$0x4810] =	vst v63  }
0xdf: {  	s4 =	simm.s32 $0x3100  }
0xe0: {  	[tilespmem:s4], [sflag:$0x1] =	stream.indirect.gather [hbm4b:s7+s3], $0x1, s9, s3, $0xb8;
	[tilespmem:$0x4810] =	vst v63  }
0xe1: {  	s4 =	simm.s32 $0x1300  }
0xe2: {  	[tilespmem:s4], [sflag:$0x1] =	stream.indirect.gather [hbm4b:s30+s3], $0x1, s1, s3, $0xb8;
	[tilespmem:$0x4810] =	vst v63  }
0xe3: {  	s4 =	simm.s32 $0x3300  }
0xe4: {  	[tilespmem:s4], [sflag:$0x1] =	stream.indirect.gather [hbm4b:s11+s3], $0x1, s9, s3, $0xb8;
	[tilespmem:$0x4810] =	vst v63  }
0xe5: {  	s4 =	simm.s32 $0x1500  }
0xe6: {  	[tilespmem:s4], [sflag:$0x1] =	stream.indirect.gather [hbm4b:s31+s3], $0x1, s1, s3, $0xb8;
	[tilespmem:$0x4810] =	vst v63  }
0xe7: {  	s4 =	simm.s32 $0x3500  }
0xe8: {  	[tilespmem:s4], [sflag:$0x1] =	stream.indirect.gather [hbm4b:s12+s3], $0x1, s9, s3, $0xb8;
	[tilespmem:$0x4810] =	vst v63  }
0xe9: {  	s4 =	simm.s32 $0x1700  }
0xea: {  	[tilespmem:s4], [sflag:$0x1] =	stream.indirect.gather [hbm4b:s0+s3], $0x1, s1, s3, $0xb8;
	[tilespmem:$0x4810] =	vst v63  }
0xeb: {  	s4 =	simm.s32 $0x3700  }
0xec: {  	[tilespmem:s4], [sflag:$0x1] =	stream.indirect.gather [hbm4b:s13+s3], $0x1, s9, s3, $0xb8;
	[tilespmem:$0x4810] =	vst v63  }
0xed: {  	s4 =	simm.s32 $0x1900  }
0xee: {  	[tilespmem:s4], [sflag:$0x1] =	stream.indirect.gather [hbm4b:s8+s3], $0x1, s1, s3, $0xb8;
	[tilespmem:$0x4810] =	vst v63  }
0xef: {  	s4 =	simm.s32 $0x3900  }
0xf0: {  	[tilespmem:s4], [sflag:$0x1] =	stream.indirect.gather [hbm4b:s14+s3], $0x1, s9, s3, $0xb8;
	[tilespmem:$0x4810] =	vst v63  }
0xf1: {  	s4 =	simm.s32 $0x1B00  }
0xf2: {  	[tilespmem:s4], [sflag:$0x1] =	stream.indirect.gather [hbm4b:s19+s3], $0x1, s1, s3, $0xb8;
	[tilespmem:$0x4810] =	vst v63  }
0xf3: {  	s4 =	sld [smem:$0x7F5];
	_ =	sdelay $0x1  }
0xf4: {  	s2 =	simm.s32 $0x3B00  }
0xf5: {  	[tilespmem:s2], [sflag:$0x1] =	stream.indirect.gather [hbm4b:s4+s3], $0x1, s9, s3, $0xb8;
	[tilespmem:$0x4810] =	vst v63  }
0xf6: {  	s4 =	simm.s32 $0x1D00  }
0xf7: {  	[tilespmem:s4], [sflag:$0x1] =	stream.indirect.gather [hbm4b:s20+s3], $0x1, s1, s3, $0xb8;
	[tilespmem:$0x4810] =	vst v63  }
0xf8: {  	s4 =	simm.s32 $0x3D00  }
0xf9: {  	[tilespmem:s4], [sflag:$0x1] =	stream.indirect.gather [hbm4b:s18+s3], $0x1, s9, s3, $0xb8;
	[tilespmem:$0x4810] =	vst v63  }
0xfa: {  	s4 =	simm.s32 $0x1F00  }
0xfb: {  	[tilespmem:s4], [sflag:$0x1] =	stream.indirect.gather [hbm4b:s22+s3], $0x1, s1, s3, $0xb8;
	[tilespmem:$0x4810] =	vst v63  }
0xfc: {  	s4 =	sld [smem:$0x7F8];
	_ =	sdelay $0x1  }
0xfd: {  	s2 =	simm.s32 $0x3F00  }
0xfe: {  	[tilespmem:s2], [sflag:$0x1] =	stream.indirect.gather [hbm4b:s4+s3], $0x1, s9, s3, $0xb8;
	[tilespmem:$0x4810] =	vst v63  }
0xff: {  	s4 =	simm.s32 $0x2100  }
0x100: {  	[tilespmem:s4], [sflag:$0x1] =	stream.indirect.gather [hbm4b:s21+s3], $0x1, s1, s3, $0xb8;
	[tilespmem:$0x4810] =	vst v63  }
0x101: {  	s4 =	sld [smem:$0x7FA];
	_ =	sdelay $0x1  }
0x102: {  	s2 =	simm.s32 $0x4100  }
0x103: {  	[tilespmem:s2], [sflag:$0x1] =	stream.indirect.gather [hbm4b:s4+s3], $0x1, s9, s3, $0xb8;
	[tilespmem:$0x4810] =	vst v63  }
0x104: {  	s2 =	simm.s32 $0x2300;
	s4 =	rddreg [dreg:$0x11]  }
0x105: {  	[tilespmem:s2], [sflag:$0x1] =	stream.indirect.gather [hbm4b:s4+s3], $0x1, s1, s3, $0xb8;
	[tilespmem:$0x4810] =	vst v63  }
0x106: {  	s4 =	sld [smem:$0x7FB];
	_ =	sdelay $0x1  }
0x107: {  	s2 =	simm.s32 $0x4300  }
0x108: {  	[tilespmem:s2], [sflag:$0x1] =	stream.indirect.gather [hbm4b:s4+s3], $0x1, s9, s3, $0xb8;
	[tilespmem:$0x4810] =	vst v63  }
0x109: {  	s4 =	simm.s32 $0x4500  }
0x10a: {  	[tilespmem:s4], [sflag:$0x2] =	stream.indirect.gather [hbm4b:s5+s3], $0x1, s1, s3, $0xb8;
	[tilespmem:$0x4810] =	vst v63  }
0x10b: {  	s4 =	simm.s32 $0x4700  }
0x10c: {  	[tilespmem:s4], [sflag:$0x2] =	stream.indirect.gather [hbm4b:s16+s3], $0x1, s9, s3, $0xb8;
	[tilespmem:$0x4810] =	vst v63  }
0x10d: {  	s1 =	simm.s32 $0x180;
	s9 =	simm.s32 $0x580  }
0x10e: {  	[tilespmem:s9], [sflag:$0x1] =	stream.indirect.gather [hbm4b:s23+s3], $0x1, s1, s3, $0xb8;
	[tilespmem:$0x4810] =	vst v63  }
0x10f: {  	s2 =	simm.s32 $0x380;
	s4 =	simm.s32 $0x2580;
	s23 =	rddreg [dreg:$0x16]  }
0x110: {  	[tilespmem:s4], [sflag:$0x1] =	stream.indirect.gather [hbm4b:s23+s3], $0x1, s2, s3, $0xb8;
	[tilespmem:$0x4810] =	vst v63  }
0x111: {  	s4 =	simm.s32 $0x780  }
0x112: {  	[tilespmem:s4], [sflag:$0x1] =	stream.indirect.gather [hbm4b:s24+s3], $0x1, s1, s3, $0xb8;
	[tilespmem:$0x4810] =	vst v63  }
0x113: {  	s23 =	simm.s32 $0x2780;
	s24 =	rddreg [dreg:$0x17]  }
0x114: {  	[tilespmem:s23], [sflag:$0x1] =	stream.indirect.gather [hbm4b:s24+s3], $0x1, s2, s3, $0xb8;
	[tilespmem:$0x4810] =	vst v63  }
0x115: {  	s23 =	simm.s32 $0x980  }
0x116: {  	[tilespmem:s23], [sflag:$0x1] =	stream.indirect.gather [hbm4b:s25+s3], $0x1, s1, s3, $0xb8;
	[tilespmem:$0x4810] =	vst v63  }
0x117: {  	s24 =	simm.s32 $0x2980;
	s25 =	rddreg [dreg:$0x18]  }
0x118: {  	[tilespmem:s24], [sflag:$0x1] =	stream.indirect.gather [hbm4b:s25+s3], $0x1, s2, s3, $0xb8;
	[tilespmem:$0x4810] =	vst v63  }
0x119: {  	s23 =	simm.s32 $0xB80;
	s24 =	rddreg [dreg:$0x0]  }
0x11a: {  	[tilespmem:s23], [sflag:$0x1] =	stream.indirect.gather [hbm4b:s24+s3], $0x1, s1, s3, $0xb8;
	[tilespmem:$0x4810] =	vst v63  }
0x11b: {  	s25 =	simm.s32 $0x2B80  }
0x11c: {  	[tilespmem:s25], [sflag:$0x1] =	stream.indirect.gather [hbm4b:s6+s3], $0x1, s2, s3, $0xb8;
	[tilespmem:$0x4810] =	vst v63  }
0x11d: {  	s6 =	simm.s32 $0xD80  }
0x11e: {  	[tilespmem:s6], [sflag:$0x1] =	stream.indirect.gather [hbm4b:s26+s3], $0x1, s1, s3, $0xb8;
	[tilespmem:$0x4810] =	vst v63  }
0x11f: {  	s9 =	simm.s32 $0x2D80  }
0x120: {  	[tilespmem:s9], [sflag:$0x1] =	stream.indirect.gather [hbm4b:s17+s3], $0x1, s2, s3, $0xb8;
	[tilespmem:$0x4810] =	vst v63  }
0x121: {  	s17 =	simm.s32 $0xF80  }
0x122: {  	[tilespmem:s17], [sflag:$0x1] =	stream.indirect.gather [hbm4b:s28+s3], $0x1, s1, s3, $0xb8;
	[tilespmem:$0x4810] =	vst v63  }
0x123: {  	s23 =	simm.s32 $0x2F80  }
0x124: {  	[tilespmem:s23], [sflag:$0x1] =	stream.indirect.gather [hbm4b:s10+s3], $0x1, s2, s3, $0xb8;
	[tilespmem:$0x4810] =	vst v63  }
0x125: {  	s24 =	simm.s32 $0x1180  }
0x126: {  	[tilespmem:s24], [sflag:$0x1] =	stream.indirect.gather [hbm4b:s29+s3], $0x1, s1, s3, $0xb8;
	[tilespmem:$0x4810] =	vst v63  }
0x127: {  	s25 =	simm.s32 $0x3180  }
0x128: {  	[tilespmem:s25], [sflag:$0x1] =	stream.indirect.gather [hbm4b:s7+s3], $0x1, s2, s3, $0xb8;
	[tilespmem:$0x4810] =	vst v63  }
0x129: {  	s26 =	simm.s32 $0x1380  }
0x12a: {  	[tilespmem:s26], [sflag:$0x1] =	stream.indirect.gather [hbm4b:s30+s3], $0x1, s1, s3, $0xb8;
	[tilespmem:$0x4810] =	vst v63  }
0x12b: {  	s28 =	simm.s32 $0x3380  }
0x12c: {  	[tilespmem:s28], [sflag:$0x1] =	stream.indirect.gather [hbm4b:s11+s3], $0x1, s2, s3, $0xb8;
	[tilespmem:$0x4810] =	vst v63  }
0x12d: {  	s29 =	simm.s32 $0x1580  }
0x12e: {  	[tilespmem:s29], [sflag:$0x1] =	stream.indirect.gather [hbm4b:s31+s3], $0x1, s1, s3, $0xb8;
	[tilespmem:$0x4810] =	vst v63  }
0x12f: {  	s30 =	simm.s32 $0x3580  }
0x130: {  	[tilespmem:s30], [sflag:$0x1] =	stream.indirect.gather [hbm4b:s12+s3], $0x1, s2, s3, $0xb8;
	[tilespmem:$0x4810] =	vst v63  }
0x131: {  	s31 =	simm.s32 $0x1780  }
0x132: {  	[tilespmem:s31], [sflag:$0x1] =	stream.indirect.gather [hbm4b:s0+s3], $0x1, s1, s3, $0xb8;
	[tilespmem:$0x4810] =	vst v63  }
0x133: {  	s6 =	simm.s32 $0x3780  }
0x134: {  	[tilespmem:s6], [sflag:$0x1] =	stream.indirect.gather [hbm4b:s13+s3], $0x1, s2, s3, $0xb8;
	[tilespmem:$0x4810] =	vst v63  }
0x135: {  	s7 =	simm.s32 $0x1980  }
0x136: {  	[tilespmem:s7], [sflag:$0x1] =	stream.indirect.gather [hbm4b:s8+s3], $0x1, s1, s3, $0xb8;
	[tilespmem:$0x4810] =	vst v63  }
0x137: {  	s9 =	simm.s32 $0x3980  }
0x138: {  	[tilespmem:s9], [sflag:$0x1] =	stream.indirect.gather [hbm4b:s14+s3], $0x1, s2, s3, $0xb8;
	[tilespmem:$0x4810] =	vst v63  }
0x139: {  	s10 =	simm.s32 $0x1B80;
	s12 =	sld [smem:$0x7F5]  }
0x13a: {  	[tilespmem:s10], [sflag:$0x1] =	stream.indirect.gather [hbm4b:s19+s3], $0x1, s1, s3, $0xb8;
	[tilespmem:$0x4810] =	vst v63  }
0x13b: {  	s11 =	simm.s32 $0x3B80  }
0x13c: {  	[tilespmem:s11], [sflag:$0x1] =	stream.indirect.gather [hbm4b:s12+s3], $0x1, s2, s3, $0xb8;
	[tilespmem:$0x4810] =	vst v63  }
0x13d: {  	s13 =	simm.s32 $0x1D80  }
0x13e: {  	[tilespmem:s13], [sflag:$0x1] =	stream.indirect.gather [hbm4b:s20+s3], $0x1, s1, s3, $0xb8;
	[tilespmem:$0x4810] =	vst v63  }
0x13f: {  	s14 =	simm.s32 $0x3D80  }
0x140: {  	[tilespmem:s14], [sflag:$0x1] =	stream.indirect.gather [hbm4b:s18+s3], $0x1, s2, s3, $0xb8;
	[tilespmem:$0x4810] =	vst v63  }
0x141: {  	s17 =	simm.s32 $0x1F80;
	s19 =	sld [smem:$0x7F8]  }
0x142: {  	[tilespmem:s17], [sflag:$0x1] =	stream.indirect.gather [hbm4b:s22+s3], $0x1, s1, s3, $0xb8;
	[tilespmem:$0x4810] =	vst v63  }
0x143: {  	s18 =	simm.s32 $0x3F80  }
0x144: {  	[tilespmem:s18], [sflag:$0x1] =	stream.indirect.gather [hbm4b:s19+s3], $0x1, s2, s3, $0xb8;
	[tilespmem:$0x4810] =	vst v63  }
0x145: {  	s23 =	sld [smem:$0x7FA];
	s20 =	simm.s32 $0x2180  }
0x146: {  	[tilespmem:s20], [sflag:$0x1] =	stream.indirect.gather [hbm4b:s21+s3], $0x1, s1, s3, $0xb8;
	[tilespmem:$0x4810] =	vst v63  }
0x147: {  	s25 =	rddreg [dreg:$0x11];
	s22 =	simm.s32 $0x4180  }
0x148: {  	[tilespmem:s22], [sflag:$0x1] =	stream.indirect.gather [hbm4b:s23+s3], $0x1, s2, s3, $0xb8;
	[tilespmem:$0x4810] =	vst v63  }
0x149: {  	s24 =	simm.s32 $0x2380;
	s28 =	sld [smem:$0x7FB]  }
0x14a: {  	[tilespmem:s24], [sflag:$0x1] =	stream.indirect.gather [hbm4b:s25+s3], $0x1, s1, s3, $0xb8;
	[tilespmem:$0x4810] =	vst v63  }
0x14b: {  	s26 =	simm.s32 $0x4380  }
0x14c: {  	[tilespmem:s26], [sflag:$0x1] =	stream.indirect.gather [hbm4b:s28+s3], $0x1, s2, s3, $0xb8;
	[tilespmem:$0x4810] =	vst v63  }
0x14d: {  	s29 =	simm.s32 $0x4580  }
0x14e: {  	[tilespmem:s29], [sflag:$0x2] =	stream.indirect.gather [hbm4b:s5+s3], $0x1, s1, s3, $0xb8;
	[tilespmem:$0x4810] =	vst v63  }
0x14f: {  	s30 =	simm.s32 $0x4780  }
0x150: {  	[tilespmem:s30], [sflag:$0x2] =	stream.indirect.gather [hbm4b:s16+s3], $0x1, s2, s3, $0xb8;
	[tilespmem:$0x4810] =	vst v63  }
0x151: {  	_ =	swait.ge [sflag:s15], $0x80  }
0x152: {  	[sflag:s15] =	ssyncset.done $0x0  }
0x153: {  	[sflag:s15] =	ssyncadd.s32 $0xFFFFFF80  }
0x154: {  	_ =	swait.ge [sflag:s15], $0x80  }
0x155: {  	[sflag:s15] =	ssyncset.done $0x0  }
0x156: {  	[sflag:s15] =	ssyncadd.s32 $0xFFFFFF80  }
0x157: {  	_ =	swait.ge [sflag:s15], $0x80  }
0x158: {  	[sflag:s15] =	ssyncset.done $0x0  }
0x159: {  	[sflag:s15] =	ssyncadd.s32 $0xFFFFFF80  }
0x15a: {  	_ =	swait.ge [sflag:s15], $0x80  }
0x15b: {  	[sflag:s15] =	ssyncset.done $0x0  }
0x15c: {  	[sflag:s15] =	ssyncadd.s32 $0xFFFFFF80  }
0x15d: {  	_ =	swait.ge [sflag:s15], $0x80  }
0x15e: {  	[sflag:s15] =	ssyncset.done $0x0  }
0x15f: {  	[sflag:s15] =	ssyncadd.s32 $0xFFFFFF80  }
0x160: {  	_ =	swait.ge [sflag:s15], $0x80  }
0x161: {  	[sflag:s15] =	ssyncset.done $0x0  }
0x162: {  	[sflag:s15] =	ssyncadd.s32 $0xFFFFFF80  }
0x163: {  	_ =	swait.ge [sflag:s15], $0x80  }
0x164: {  	[sflag:s15] =	ssyncset.done $0x0  }
0x165: {  	[sflag:s15] =	ssyncadd.s32 $0xFFFFFF80  }
0x166: {  	_ =	swait.ge [sflag:s15], $0x80  }
0x167: {  	[sflag:s15] =	ssyncset.done $0x0  }
0x168: {  	[sflag:s15] =	ssyncadd.s32 $0xFFFFFF80  }
0x169: {  	_ =	swait.ge [sflag:s15], $0x80  }
0x16a: {  	[sflag:s15] =	ssyncset.done $0x0  }
0x16b: {  	[sflag:s15] =	ssyncadd.s32 $0xFFFFFF80  }
0x16c: {  	_ =	swait.ge [sflag:s15], $0x80  }
0x16d: {  	[sflag:s15] =	ssyncset.done $0x0  }
0x16e: {  	[sflag:s15] =	ssyncadd.s32 $0xFFFFFF80  }
0x16f: {  	_ =	swait.ge [sflag:s15], $0x80  }
0x170: {  	[sflag:s15] =	ssyncset.done $0x0  }
0x171: {  	[sflag:s15] =	ssyncadd.s32 $0xFFFFFF80  }
0x172: {  	_ =	swait.ge [sflag:s15], $0x80  }
0x173: {  	[sflag:s15] =	ssyncset.done $0x0  }
0x174: {  	[sflag:s15] =	ssyncadd.s32 $0xFFFFFF80  }
0x175: {  	_ =	swait.ge [sflag:s15], $0x80  }
0x176: {  	[sflag:s15] =	ssyncset.done $0x0  }
0x177: {  	[sflag:s15] =	ssyncadd.s32 $0xFFFFFF80  }
0x178: {  	_ =	swait.ge [sflag:s15], $0x80  }
0x179: {  	[sflag:s15] =	ssyncset.done $0x0  }
0x17a: {  	[sflag:s15] =	ssyncadd.s32 $0xFFFFFF80  }
0x17b: {  	_ =	swait.ge [sflag:s15], $0x80  }
0x17c: {  	[sflag:s15] =	ssyncset.done $0x0  }
0x17d: {  	[sflag:s15] =	ssyncadd.s32 $0xFFFFFF80  }
0x17e: {  	_ =	swait.ge [sflag:s15], $0x80  }
0x17f: {  	[sflag:s15] =	ssyncset.done $0x0  }
0x180: {  	[sflag:s15] =	ssyncadd.s32 $0xFFFFFF80  }
0x181: {  	_ =	swait.ge [sflag:s15], $0x80  }
0x182: {  	[sflag:s15] =	ssyncset.done $0x0  }
0x183: {  	[sflag:s15] =	ssyncadd.s32 $0xFFFFFF80  }
0x184: {  	_ =	swait.ge [sflag:s15], $0x80  }
0x185: {  	[sflag:s15] =	ssyncset.done $0x0  }
0x186: {  	[sflag:s15] =	ssyncadd.s32 $0xFFFFFF80  }
0x187: {  	_ =	swait.ge [sflag:s15], $0x80  }
0x188: {  	[sflag:s15] =	ssyncset.done $0x0  }
0x189: {  	[sflag:s15] =	ssyncadd.s32 $0xFFFFFF80  }
0x18a: {  	_ =	swait.ge [sflag:s15], $0x80  }
0x18b: {  	[sflag:s15] =	ssyncset.done $0x0  }
0x18c: {  	[sflag:s15] =	ssyncadd.s32 $0xFFFFFF80  }
0x18d: {  	_ =	swait.ge [sflag:s15], $0x80  }
0x18e: {  	[sflag:s15] =	ssyncset.done $0x0  }
0x18f: {  	[sflag:s15] =	ssyncadd.s32 $0xFFFFFF80  }
0x190: {  	_ =	swait.ge [sflag:s15], $0x80  }
0x191: {  	[sflag:s15] =	ssyncset.done $0x0  }
0x192: {  	[sflag:s15] =	ssyncadd.s32 $0xFFFFFF80  }
0x193: {  	_ =	swait.ge [sflag:s15], $0x80  }
0x194: {  	[sflag:s15] =	ssyncset.done $0x0  }
0x195: {  	[sflag:s15] =	ssyncadd.s32 $0xFFFFFF80  }
0x196: {  	_ =	swait.ge [sflag:s15], $0x80  }
0x197: {  	[sflag:s15] =	ssyncset.done $0x0  }
0x198: {  	[sflag:s15] =	ssyncadd.s32 $0xFFFFFF80  }
0x199: {  	_ =	swait.ge [sflag:s15], $0x80  }
0x19a: {  	[sflag:s15] =	ssyncset.done $0x0  }
0x19b: {  	[sflag:s15] =	ssyncadd.s32 $0xFFFFFF80  }
0x19c: {  	_ =	swait.ge [sflag:s15], $0x80  }
0x19d: {  	[sflag:s15] =	ssyncset.done $0x0  }
0x19e: {  	[sflag:s15] =	ssyncadd.s32 $0xFFFFFF80  }
0x19f: {  	_ =	swait.ge [sflag:s15], $0x80  }
0x1a0: {  	[sflag:s15] =	ssyncset.done $0x0  }
0x1a1: {  	[sflag:s15] =	ssyncadd.s32 $0xFFFFFF80  }
0x1a2: {  	_ =	swait.ge [sflag:s15], $0x80  }
0x1a3: {  	[sflag:s15] =	ssyncset.done $0x0  }
0x1a4: {  	[sflag:s15] =	ssyncadd.s32 $0xFFFFFF80  }
0x1a5: {  	_ =	swait.ge [sflag:s15], $0x80  }
0x1a6: {  	[sflag:s15] =	ssyncset.done $0x0  }
0x1a7: {  	[sflag:s15] =	ssyncadd.s32 $0xFFFFFF80  }
0x1a8: {  	_ =	swait.ge [sflag:s15], $0x80  }
0x1a9: {  	[sflag:s15] =	ssyncset.done $0x0  }
0x1aa: {  	[sflag:s15] =	ssyncadd.s32 $0xFFFFFF80  }
0x1ab: {  	_ =	swait.ge [sflag:s15], $0x80  }
0x1ac: {  	[sflag:s15] =	ssyncset.done $0x0  }
0x1ad: {  	[sflag:s15] =	ssyncadd.s32 $0xFFFFFF80  }
0x1ae: {  	_ =	swait.ge [sflag:s15], $0x80  }
0x1af: {  	[sflag:s15] =	ssyncset.done $0x0  }
0x1b0: {  	[sflag:s15] =	ssyncadd.s32 $0xFFFFFF80  }
0x1b1: {  	_ =	swait.ge [sflag:s15], $0x80  }
0x1b2: {  	[sflag:s15] =	ssyncset.done $0x0  }
0x1b3: {  	[sflag:s15] =	ssyncadd.s32 $0xFFFFFF80  }
0x1b4: {  	_ =	swait.ge [sflag:s15], $0x80  }
0x1b5: {  	[sflag:s15] =	ssyncset.done $0x0  }
0x1b6: {  	[sflag:s15] =	ssyncadd.s32 $0xFFFFFF80  }
0x1b7: {  	_ =	swait.ge [sflag:s15], $0x80  }
0x1b8: {  	[sflag:s15] =	ssyncset.done $0x0  }
0x1b9: {  	[sflag:s15] =	ssyncadd.s32 $0xFFFFFF80  }
0x1ba: {  	_ =	swait.ge [sflag:s15], $0x80  }
0x1bb: {  	[sflag:s15] =	ssyncset.done $0x0  }
0x1bc: {  	[sflag:s15] =	ssyncadd.s32 $0xFFFFFF80  }
0x1bd: {  	_ =	swait.ge [sflag:s15], $0x80  }
0x1be: {  	[sflag:s15] =	ssyncset.done $0x0  }
0x1bf: {  	[sflag:s15] =	ssyncadd.s32 $0xFFFFFF80  }
0x1c0: {  	_ =	swait.ge [sflag:s15], $0x80  }
0x1c1: {  	[sflag:s15] =	ssyncset.done $0x0  }
0x1c2: {  	[sflag:s15] =	ssyncadd.s32 $0xFFFFFF80  }
0x1c3: {  	_ =	swait.ge [sflag:s15], $0x80  }
0x1c4: {  	[sflag:s15] =	ssyncset.done $0x0  }
0x1c5: {  	[sflag:s15] =	ssyncadd.s32 $0xFFFFFF80  }
0x1c6: {  	_ =	swait.ge [sflag:s15], $0x80  }
0x1c7: {  	[sflag:s15] =	ssyncset.done $0x0  }
0x1c8: {  	[sflag:s15] =	ssyncadd.s32 $0xFFFFFF80  }
0x1c9: {  	_ =	swait.ge [sflag:s15], $0x80  }
0x1ca: {  	[sflag:s15] =	ssyncset.done $0x0  }
0x1cb: {  	[sflag:s15] =	ssyncadd.s32 $0xFFFFFF80  }
0x1cc: {  	_ =	swait.ge [sflag:s15], $0x80  }
0x1cd: {  	[sflag:s15] =	ssyncset.done $0x0  }
0x1ce: {  	[sflag:s15] =	ssyncadd.s32 $0xFFFFFF80  }
0x1cf: {  	_ =	swait.ge [sflag:s15], $0x80  }
0x1d0: {  	[sflag:s15] =	ssyncset.done $0x0  }
0x1d1: {  	[sflag:s15] =	ssyncadd.s32 $0xFFFFFF80  }
0x1d2: {  	_ =	swait.ge [sflag:s15], $0x80  }
0x1d3: {  	[sflag:s15] =	ssyncset.done $0x0  }
0x1d4: {  	[sflag:s15] =	ssyncadd.s32 $0xFFFFFF80  }
0x1d5: {  	_ =	swait.ge [sflag:s15], $0x80  }
0x1d6: {  	[sflag:s15] =	ssyncset.done $0x0  }
0x1d7: {  	[sflag:s15] =	ssyncadd.s32 $0xFFFFFF80  }
0x1d8: {  	_ =	swait.ge [sflag:s15], $0x80  }
0x1d9: {  	[sflag:s15] =	ssyncset.done $0x0  }
0x1da: {  	[sflag:s15] =	ssyncadd.s32 $0xFFFFFF80  }
0x1db: {  	_ =	swait.ge [sflag:s15], $0x80  }
0x1dc: {  	[sflag:s15] =	ssyncset.done $0x0  }
0x1dd: {  	[sflag:s15] =	ssyncadd.s32 $0xFFFFFF80  }
0x1de: {  	_ =	swait.ge [sflag:s15], $0x80  }
0x1df: {  	[sflag:s15] =	ssyncset.done $0x0  }
0x1e0: {  	[sflag:s15] =	ssyncadd.s32 $0xFFFFFF80  }
0x1e1: {  	_ =	swait.ge [sflag:s15], $0x80  }
0x1e2: {  	[sflag:s15] =	ssyncset.done $0x0  }
0x1e3: {  	[sflag:s15] =	ssyncadd.s32 $0xFFFFFF80  }
0x1e4: {  	_ =	swait.ge [sflag:s15], $0x80  }
0x1e5: {  	[sflag:s15] =	ssyncset.done $0x0  }
0x1e6: {  	[sflag:s15] =	ssyncadd.s32 $0xFFFFFF80  }
0x1e7: {  	_ =	swait.ge [sflag:s15], $0x80  }
0x1e8: {  	[sflag:s15] =	ssyncset.done $0x0  }
0x1e9: {  	[sflag:s15] =	ssyncadd.s32 $0xFFFFFF80  }
0x1ea: {  	_ =	swait.ge [sflag:s15], $0x80  }
0x1eb: {  	[sflag:s15] =	ssyncset.done $0x0  }
0x1ec: {  	[sflag:s15] =	ssyncadd.s32 $0xFFFFFF80  }
0x1ed: {  	_ =	swait.ge [sflag:s15], $0x80  }
0x1ee: {  	[sflag:s15] =	ssyncset.done $0x0  }
0x1ef: {  	[sflag:s15] =	ssyncadd.s32 $0xFFFFFF80  }
0x1f0: {  	_ =	swait.ge [sflag:s15], $0x80  }
0x1f1: {  	[sflag:s15] =	ssyncset.done $0x0  }
0x1f2: {  	[sflag:s15] =	ssyncadd.s32 $0xFFFFFF80  }
0x1f3: {  	_ =	swait.ge [sflag:s15], $0x80  }
0x1f4: {  	[sflag:s15] =	ssyncset.done $0x0  }
0x1f5: {  	[sflag:s15] =	ssyncadd.s32 $0xFFFFFF80  }
0x1f6: {  	_ =	swait.ge [sflag:s15], $0x80  }
0x1f7: {  	[sflag:s15] =	ssyncset.done $0x0  }
0x1f8: {  	[sflag:s15] =	ssyncadd.s32 $0xFFFFFF80  }
0x1f9: {  	_ =	swait.ge [sflag:s15], $0x80  }
0x1fa: {  	[sflag:s15] =	ssyncset.done $0x0  }
0x1fb: {  	[sflag:s15] =	ssyncadd.s32 $0xFFFFFF80  }
0x1fc: {  	_ =	swait.ge [sflag:s15], $0x80  }
0x1fd: {  	[sflag:s15] =	ssyncset.done $0x0  }
0x1fe: {  	[sflag:s15] =	ssyncadd.s32 $0xFFFFFF80  }
0x1ff: {  	_ =	swait.ge [sflag:s15], $0x80  }
0x200: {  	[sflag:s15] =	ssyncset.done $0x0  }
0x201: {  	[sflag:s15] =	ssyncadd.s32 $0xFFFFFF80  }
0x202: {  	_ =	swait.ge [sflag:s15], $0x80  }
0x203: {  	[sflag:s15] =	ssyncset.done $0x0  }
0x204: {  	[sflag:s15] =	ssyncadd.s32 $0xFFFFFF80  }
0x205: {  	_ =	swait.ge [sflag:s15], $0x80  }
0x206: {  	[sflag:s15] =	ssyncset.done $0x0  }
0x207: {  	[sflag:s15] =	ssyncadd.s32 $0xFFFFFF80  }
0x208: {  	_ =	swait.ge [sflag:s15], $0x80  }
0x209: {  	[sflag:s15] =	ssyncset.done $0x0  }
0x20a: {  	[sflag:s15] =	ssyncadd.s32 $0xFFFFFF80  }
0x20b: {  	_ =	swait.ge [sflag:s15], $0x80  }
0x20c: {  	[sflag:s15] =	ssyncset.done $0x0  }
0x20d: {  	[sflag:s15] =	ssyncadd.s32 $0xFFFFFF80  }
0x20e: {  	_ =	swait.ge [sflag:s15], $0x80  }
0x20f: {  	[sflag:s15] =	ssyncset.done $0x0  }
0x210: {  	[sflag:s15] =	ssyncadd.s32 $0xFFFFFF80  }
0x211: {  	_ =	swait.ge [sflag:s15], $0x80  }
0x212: {  	[sflag:s15] =	ssyncset.done $0x0  }
0x213: {  	[sflag:s15] =	ssyncadd.s32 $0xFFFFFF80  }
0x214: {  	_ =	swait.ge [sflag:s15], $0x80  }
0x215: {  	[sflag:s15] =	ssyncset.done $0x0  }
0x216: {  	[sflag:s15] =	ssyncadd.s32 $0xFFFFFF80  }
0x217: {  	_ =	swait.ge [sflag:s15], $0x80  }
0x218: {  	[sflag:s15] =	ssyncset.done $0x0  }
0x219: {  	[sflag:s15] =	ssyncadd.s32 $0xFFFFFF80  }
0x21a: {  	_ =	swait.ge [sflag:s15], $0x80  }
0x21b: {  	[sflag:s15] =	ssyncset.done $0x0  }
0x21c: {  	[sflag:s15] =	ssyncadd.s32 $0xFFFFFF80  }
0x21d: {  	_ =	swait.ge [sflag:s15], $0x80  }
0x21e: {  	[sflag:s15] =	ssyncset.done $0x0  }
0x21f: {  	[sflag:s15] =	ssyncadd.s32 $0xFFFFFF80  }
0x220: {  	_ =	swait.ge [sflag:s15], $0x80  }
0x221: {  	[sflag:s15] =	ssyncset.done $0x0  }
0x222: {  	[sflag:s15] =	ssyncadd.s32 $0xFFFFFF80  }
0x223: {  	_ =	swait.ge [sflag:s15], $0x80  }
0x224: {  	[sflag:s15] =	ssyncset.done $0x0  }
0x225: {  	[sflag:s15] =	ssyncadd.s32 $0xFFFFFF80  }
0x226: {  	_ =	swait.ge [sflag:s15], $0x80  }
0x227: {  	[sflag:s15] =	ssyncset.done $0x0  }
0x228: {  	[sflag:s15] =	ssyncadd.s32 $0xFFFFFF80  }
0x229: {  	_ =	swait.ge [sflag:s15], $0x80  }
0x22a: {  	[sflag:s15] =	ssyncset.done $0x0  }
0x22b: {  	[sflag:s15] =	ssyncadd.s32 $0xFFFFFF80  }
0x22c: {  	_ =	swait.ge [sflag:s15], $0x80  }
0x22d: {  	[sflag:s15] =	ssyncset.done $0x0  }
0x22e: {  	[sflag:s15] =	ssyncadd.s32 $0xFFFFFF80  }
0x22f: {  	_ =	swait.ge [sflag:s15], $0x80  }
0x230: {  	[sflag:s15] =	ssyncset.done $0x0  }
0x231: {  	[sflag:s15] =	ssyncadd.s32 $0xFFFFFF80  }
0x232: {  	_ =	swait.ge [sflag:s15], $0x80  }
0x233: {  	[sflag:s15] =	ssyncset.done $0x0  }
0x234: {  	[sflag:s15] =	ssyncadd.s32 $0xFFFFFF80  }
0x235: {  	_ =	swait.ge [sflag:s15], $0x80  }
0x236: {  	[sflag:s15] =	ssyncset.done $0x0  }
0x237: {  	[sflag:s15] =	ssyncadd.s32 $0xFFFFFF80  }
0x238: {  	_ =	swait.ge [sflag:s15], $0x80  }
0x239: {  	[sflag:s15] =	ssyncset.done $0x0  }
0x23a: {  	[sflag:s15] =	ssyncadd.s32 $0xFFFFFF80  }
0x23b: {  	_ =	swait.ge [sflag:s15], $0x80  }
0x23c: {  	[sflag:s15] =	ssyncset.done $0x0  }
0x23d: {  	[sflag:s15] =	ssyncadd.s32 $0xFFFFFF80  }
0x23e: {  	_ =	swait.ge [sflag:s15], $0x80  }
0x23f: {  	[sflag:s15] =	ssyncset.done $0x0  }
0x240: {  	[sflag:s15] =	ssyncadd.s32 $0xFFFFFF80  }
0x241: {  	_ =	swait.ge [sflag:s15], $0x80  }
0x242: {  	[sflag:s15] =	ssyncset.done $0x0  }
0x243: {  	[sflag:s15] =	ssyncadd.s32 $0xFFFFFF80  }
0x244: {  	_ =	swait.ge [sflag:s15], $0x80  }
0x245: {  	[sflag:s15] =	ssyncset.done $0x0  }
0x246: {  	[sflag:s15] =	ssyncadd.s32 $0xFFFFFF80  }
0x247: {  	_ =	swait.ge [sflag:s15], $0x80  }
0x248: {  	[sflag:s15] =	ssyncset.done $0x0  }
0x249: {  	[sflag:s15] =	ssyncadd.s32 $0xFFFFFF80  }
0x24a: {  	_ =	swait.ge [sflag:s15], $0x80  }
0x24b: {  	[sflag:s15] =	ssyncset.done $0x0  }
0x24c: {  	[sflag:s15] =	ssyncadd.s32 $0xFFFFFF80  }
0x24d: {  	_ =	swait.ge [sflag:s15], $0x80  }
0x24e: {  	[sflag:s15] =	ssyncset.done $0x0  }
0x24f: {  	[sflag:s15] =	ssyncadd.s32 $0xFFFFFF80  }
0x250: {  	_ =	swait.ge [sflag:s15], $0x80  }
0x251: {  	[sflag:s15] =	ssyncset.done $0x0  }
0x252: {  	[sflag:s15] =	ssyncadd.s32 $0xFFFFFF80  }
0x253: {  	_ =	swait.ge [sflag:s15], $0x80  }
0x254: {  	[sflag:s15] =	ssyncset.done $0x0  }
0x255: {  	[sflag:s15] =	ssyncadd.s32 $0xFFFFFF80  }
0x256: {  	_ =	swait.ge [sflag:s15], $0x80  }
0x257: {  	[sflag:s15] =	ssyncset.done $0x0  }
0x258: {  	[sflag:s15] =	ssyncadd.s32 $0xFFFFFF80  }
0x259: {  	_ =	swait.ge [sflag:s15], $0x80  }
0x25a: {  	[sflag:s15] =	ssyncset.done $0x0  }
0x25b: {  	[sflag:s15] =	ssyncadd.s32 $0xFFFFFF80  }
0x25c: {  	_ =	swait.ge [sflag:s15], $0x80  }
0x25d: {  	[sflag:s15] =	ssyncset.done $0x0  }
0x25e: {  	[sflag:s15] =	ssyncadd.s32 $0xFFFFFF80  }
0x25f: {  	_ =	swait.ge [sflag:s15], $0x80  }
0x260: {  	[sflag:s15] =	ssyncset.done $0x0  }
0x261: {  	[sflag:s15] =	ssyncadd.s32 $0xFFFFFF80  }
0x262: {  	_ =	swait.ge [sflag:s15], $0x80  }
0x263: {  	[sflag:s15] =	ssyncset.done $0x0  }
0x264: {  	[sflag:s15] =	ssyncadd.s32 $0xFFFFFF80  }
0x265: {  	_ =	swait.ge [sflag:s15], $0x80  }
0x266: {  	[sflag:s15] =	ssyncset.done $0x0  }
0x267: {  	[sflag:s15] =	ssyncadd.s32 $0xFFFFFF80  }
0x268: {  	_ =	swait.ge [sflag:s15], $0x80  }
0x269: {  	[sflag:s15] =	ssyncset.done $0x0  }
0x26a: {  	[sflag:s15] =	ssyncadd.s32 $0xFFFFFF80  }
0x26b: {  	_ =	swait.ge [sflag:s15], $0x80  }
0x26c: {  	[sflag:s15] =	ssyncset.done $0x0  }
0x26d: {  	[sflag:s15] =	ssyncadd.s32 $0xFFFFFF80  }
0x26e: {  	_ =	swait.ge [sflag:s15], $0x80  }
0x26f: {  	[sflag:s15] =	ssyncset.done $0x0  }
0x270: {  	[sflag:s15] =	ssyncadd.s32 $0xFFFFFF80  }
0x271: {  	_ =	swait.ge [sflag:s15], $0x80  }
0x272: {  	[sflag:s15] =	ssyncset.done $0x0  }
0x273: {  	[sflag:s15] =	ssyncadd.s32 $0xFFFFFF80  }
0x274: {  	_ =	swait.ge [sflag:s15], $0x80  }
0x275: {  	[sflag:s15] =	ssyncset.done $0x0  }
0x276: {  	[sflag:s15] =	ssyncadd.s32 $0xFFFFFF80  }
0x277: {  	_ =	swait.ge [sflag:s15], $0x80  }
0x278: {  	[sflag:s15] =	ssyncset.done $0x0  }
0x279: {  	[sflag:s15] =	ssyncadd.s32 $0xFFFFFF80  }
0x27a: {  	_ =	swait.ge [sflag:s15], $0x80  }
0x27b: {  	[sflag:s15] =	ssyncset.done $0x0  }
0x27c: {  	[sflag:s15] =	ssyncadd.s32 $0xFFFFFF80  }
0x27d: {  	_ =	swait.ge [sflag:s15], $0x80  }
0x27e: {  	[sflag:s15] =	ssyncset.done $0x0  }
0x27f: {  	[sflag:s15] =	ssyncadd.s32 $0xFFFFFF80  }
0x280: {  	_ =	swait.ge [sflag:s15], $0x80  }
0x281: {  	[sflag:s15] =	ssyncset.done $0x0  }
0x282: {  	[sflag:s15] =	ssyncadd.s32 $0xFFFFFF80  }
0x283: {  	_ =	swait.ge [sflag:s15], $0x80  }
0x284: {  	[sflag:s15] =	ssyncset.done $0x0  }
0x285: {  	[sflag:s15] =	ssyncadd.s32 $0xFFFFFF80  }
0x286: {  	_ =	swait.ge [sflag:s15], $0x80  }
0x287: {  	[sflag:s15] =	ssyncset.done $0x0  }
0x288: {  	[sflag:s15] =	ssyncadd.s32 $0xFFFFFF80  }
0x289: {  	_ =	swait.ge [sflag:s15], $0x80  }
0x28a: {  	[sflag:s15] =	ssyncset.done $0x0  }
0x28b: {  	[sflag:s15] =	ssyncadd.s32 $0xFFFFFF80  }
0x28c: {  	_ =	swait.ge [sflag:s15], $0x80  }
0x28d: {  	[sflag:s15] =	ssyncset.done $0x0  }
0x28e: {  	[sflag:s15] =	ssyncadd.s32 $0xFFFFFF80  }
0x28f: {  	_ =	swait.ge [sflag:s15], $0x80  }
0x290: {  	[sflag:s15] =	ssyncset.done $0x0  }
0x291: {  	[sflag:s15] =	ssyncadd.s32 $0xFFFFFF80  }
0x292: {  	_ =	swait.ge [sflag:s15], $0x80  }
0x293: {  	[sflag:s15] =	ssyncset.done $0x0  }
0x294: {  	[sflag:s15] =	ssyncadd.s32 $0xFFFFFF80  }
0x295: {  	_ =	swait.ge [sflag:s15], $0x80  }
0x296: {  	[sflag:s15] =	ssyncset.done $0x0  }
0x297: {  	[sflag:s15] =	ssyncadd.s32 $0xFFFFFF80  }
0x298: {  	_ =	swait.ge [sflag:s15], $0x80  }
0x299: {  	[sflag:s15] =	ssyncset.done $0x0  }
0x29a: {  	[sflag:s15] =	ssyncadd.s32 $0xFFFFFF80  }
0x29b: {  	_ =	swait.ge [sflag:s15], $0x80  }
0x29c: {  	[sflag:s15] =	ssyncset.done $0x0  }
0x29d: {  	[sflag:s15] =	ssyncadd.s32 $0xFFFFFF80  }
0x29e: {  	_ =	swait.ge [sflag:s15], $0x80  }
0x29f: {  	[sflag:s15] =	ssyncset.done $0x0  }
0x2a0: {  	[sflag:s15] =	ssyncadd.s32 $0xFFFFFF80  }
0x2a1: {  	_ =	swait.ge [sflag:s15], $0x80  }
0x2a2: {  	[sflag:s15] =	ssyncset.done $0x0  }
0x2a3: {  	[sflag:s15] =	ssyncadd.s32 $0xFFFFFF80  }
0x2a4: {  	_ =	swait.ge [sflag:s15], $0x80  }
0x2a5: {  	[sflag:s15] =	ssyncset.done $0x0  }
0x2a6: {  	[sflag:s15] =	ssyncadd.s32 $0xFFFFFF80  }
0x2a7: {  	_ =	swait.ge [sflag:s15], $0x80  }
0x2a8: {  	[sflag:s15] =	ssyncset.done $0x0  }
0x2a9: {  	[sflag:s15] =	ssyncadd.s32 $0xFFFFFF80  }
0x2aa: {  	_ =	swait.ge [sflag:s15], $0x80  }
0x2ab: {  	[sflag:s15] =	ssyncset.done $0x0  }
0x2ac: {  	[sflag:s15] =	ssyncadd.s32 $0xFFFFFF80  }
0x2ad: {  	_ =	swait.ge [sflag:s15], $0x80  }
0x2ae: {  	[sflag:s15] =	ssyncset.done $0x0  }
0x2af: {  	[sflag:s15] =	ssyncadd.s32 $0xFFFFFF80  }
0x2b0: {  	_ =	swait.ge [sflag:s15], $0x80  }
0x2b1: {  	[sflag:s15] =	ssyncset.done $0x0  }
0x2b2: {  	[sflag:s15] =	ssyncadd.s32 $0xFFFFFF80  }
0x2b3: {  	_ =	swait.ge [sflag:s15], $0x80  }
0x2b4: {  	[sflag:s15] =	ssyncset.done $0x0  }
0x2b5: {  	[sflag:s15] =	ssyncadd.s32 $0xFFFFFF80  }
0x2b6: {  	_ =	swait.ge [sflag:s15], $0x80  }
0x2b7: {  	[sflag:s15] =	ssyncset.done $0x0  }
0x2b8: {  	[sflag:s15] =	ssyncadd.s32 $0xFFFFFF80  }
0x2b9: {  	_ =	swait.ge [sflag:s15], $0x80  }
0x2ba: {  	[sflag:s15] =	ssyncset.done $0x0  }
0x2bb: {  	[sflag:s15] =	ssyncadd.s32 $0xFFFFFF80  }
0x2bc: {  	_ =	swait.ge [sflag:s15], $0x80  }
0x2bd: {  	[sflag:s15] =	ssyncset.done $0x0  }
0x2be: {  	[sflag:s15] =	ssyncadd.s32 $0xFFFFFF80  }
0x2bf: {  	_ =	swait.ge [sflag:s15], $0x80  }
0x2c0: {  	[sflag:s15] =	ssyncset.done $0x0  }
0x2c1: {  	[sflag:s15] =	ssyncadd.s32 $0xFFFFFF80  }
0x2c2: {  	_ =	swait.ge [sflag:s15], $0x80  }
0x2c3: {  	[sflag:s15] =	ssyncset.done $0x0  }
0x2c4: {  	[sflag:s15] =	ssyncadd.s32 $0xFFFFFF80  }
0x2c5: {  	_ =	swait.ge [sflag:s15], $0x80  }
0x2c6: {  	[sflag:s15] =	ssyncset.done $0x0  }
0x2c7: {  	[sflag:s15] =	ssyncadd.s32 $0xFFFFFF80  }
0x2c8: {  	_ =	swait.ge [sflag:s15], $0x80  }
0x2c9: {  	[sflag:s15] =	ssyncset.done $0x0  }
0x2ca: {  	[sflag:s15] =	ssyncadd.s32 $0xFFFFFF80  }
0x2cb: {  	_ =	swait.ge [sflag:s15], $0x80  }
0x2cc: {  	[sflag:s15] =	ssyncset.done $0x0  }
0x2cd: {  	[sflag:s15] =	ssyncadd.s32 $0xFFFFFF80  }
0x2ce: {  	_ =	swait.ge [sflag:s15], $0x80  }
0x2cf: {  	[sflag:s15] =	ssyncset.done $0x0  }
0x2d0: {  	s31 =	simm.s32 $0x440;
	[sflag:s15] =	ssyncadd.s32 $0xFFFFFF80  }
0x2d1: {  	s18 =	simm.s32 $0x2440;
	v0 =	vld [tilespmem:s31+$0xFFFFFFC0]  }
0x2d2: {  	v1 =	vld [tilespmem:s18+$0xFFFFFFC0]  }
0x2d3: {  	v2 =	vld [tilespmem:s31+$0xFFFFFFD0]  }
0x2d4: {  	v3 =	vld [tilespmem:s18+$0xFFFFFFD0]  }
0x2d5: {  	v4 =	vld [tilespmem:s31+$0xFFFFFFE0]  }
0x2d6: {  	v5 =	vld [tilespmem:s18+$0xFFFFFFE0]  }
0x2d7: {  	v6 =	vld [tilespmem:s31+$0xFFFFFFF0];
	v0 =	vmul.f32 v1, v0  }
0x2d8: {  	v7 =	vld [tilespmem:s18+$0xFFFFFFF0];
	v1 =	vimm.f32 $0.0e+00  }
0x2d9: {  	v8 =	vld [tilespmem:s31+$0x0];
	v2 =	vmul.f32 v3, v2;
	v0 =	vadd.f32 v0, v1  }
0x2da: {  	v9 =	vld [tilespmem:s18+$0x0]  }
0x2db: {  	v3 =	vmul.f32 v5, v4;
	v4 =	vld [tilespmem:s18+$0x10];
	v2 =	vadd.f32 v2, v0  }
0x2dc: {  	v1 =	vld [tilespmem:s31+$0x10]  }
0x2dd: {  	v6 =	vmul.f32 v7, v6;
	v0 =	vld [tilespmem:s31+$0x20];
	v5 =	vadd.f32 v3, v2  }
0x2de: {  	v3 =	vld [tilespmem:s18+$0x20]  }
0x2df: {  	v7 =	vmul.f32 v9, v8;
	v2 =	vld [tilespmem:s31+$0x30];
	v6 =	vadd.f32 v6, v5  }
0x2e0: {  	s23 =	simm.s32 $0x0;
	s24 =	simm.s32 $0x4C0;
	v5 =	vld [tilespmem:s18+$0x30]  }
.LBB2_2:
0x2e1: {  	v8 =	vld [tilespmem:s24+$0xFFFFFFC0];
	v6 =	vadd.f32 v7, v6;
	v1 =	vmul.f32 v4, v1;
	s18 =	sadd.s32 $0x80, s18  }
0x2e2: {  	s23 =	sadd.s32 $0x8, s23;
	v4 =	vld [tilespmem:s18+$0xFFFFFFC0]  }
0x2e3: {  	p0 =	slt.u32 s23, $0x1F8;
	v7 =	vld [tilespmem:s24+$0xFFFFFFD0];
	v1 =	vadd.f32 v1, v6;
	v0 =	vmul.f32 v3, v0  }
0x2e4: {  	v3 =	vld [tilespmem:s18+$0xFFFFFFD0]  }
0x2e5: {  	v6 =	vld [tilespmem:s24+$0xFFFFFFE0];
	v0 =	vadd.f32 v0, v1;
	v1 =	vmul.f32 v5, v2  }
0x2e6: {  	v2 =	vld [tilespmem:s18+$0xFFFFFFE0]  }
0x2e7: {  	v4 =	vmul.f32 v4, v8;
	v5 =	vld [tilespmem:s24+$0xFFFFFFF0];
	v0 =	vadd.f32 v1, v0  }
0x2e8: {  	v8 =	vld [tilespmem:s18+$0xFFFFFFF0]  }
0x2e9: {  	v0 =	vadd.f32 v4, v0;
	v1 =	vmul.f32 v3, v7;
	v7 =	vld [tilespmem:s24+$0x0]  }
0x2ea: {  	v9 =	vld [tilespmem:s18+$0x0]  }
0x2eb: {  	v0 =	vadd.f32 v1, v0;
	v2 =	vmul.f32 v2, v6;
	v1 =	vld [tilespmem:s24+$0x10]  }
.Ltmp0:
0x2ec: {  	v4 =	vld [tilespmem:s18+$0x10];
	(pc) =	sbr.rel @p0 .LBB2_2-.Ltmp0, $4  }
0x2ed: {  	v2 =	vadd.f32 v2, v0;
	v5 =	vmul.f32 v8, v5;
	v0 =	vld [tilespmem:s24+$0x20]  }
0x2ee: {  	v3 =	vld [tilespmem:s18+$0x20]  }
0x2ef: {  	v6 =	vadd.f32 v5, v2;
	v7 =	vmul.f32 v9, v7;
	v2 =	vld [tilespmem:s24+$0x30]  }
0x2f0: {  	s24 =	sadd.s32 $0x80, s24;
	v5 =	vld [tilespmem:s18+$0x30]  }
0x2f1: {  	v6 =	vadd.f32 v7, v6;
	v1 =	vmul.f32 v4, v1;
	_ =	sdelay $0x1  }
0x2f2: {  	v1 =	vadd.f32 v1, v6;
	v0 =	vmul.f32 v3, v0;
	_ =	sdelay $0x1  }
0x2f3: {  	v0 =	vadd.f32 v0, v1;
	v63 =	vmul.f32 v5, v2;
	_ =	sdelay $0x1  }
0x2f4: {  	v0 =	vadd.f32 v63, v0;
	_ =	sdelay $0x1  }
0x2f5: {  	s0 =	rddreg [dreg:$0x13];
	s2 =	simm.s32 $0x0;
	s1 =	simm.s32 $0x4800;
	[tilespmem:$0x4800] =	vst v0  }
0x2f6: {  	[hbm4b:s0+s2] =	stream.linear.scatter [tilespmem:s1], [sflag:$0x3], $0x10, $0x38;
	[tilespmem:$0x4810] =	vst v63  }
0x2f7: {  	s1 =	simm.s32 $0x3  }
0x2f8: {  	_ =	swait.ge [sflag:s1], $0x10  }
0x2f9: {  	[sflag:s1] =	ssyncset.done $0x0  }
0x2fa: {  	s25 =	simm.s32 $0x2;
	[sflag:s1] =	ssyncadd.s32 $0xFFFFFFF0  }
0x2fb: {  	_ =	swait.ge [sflag:s25], $0x80  }
0x2fc: {  	[sflag:s25] =	ssyncset.done $0x0  }
0x2fd: {  	[sflag:s25] =	ssyncadd.s32 $0xFFFFFF80  }
0x2fe: {  	_ =	swait.ge [sflag:s25], $0x80  }
0x2ff: {  	[sflag:s25] =	ssyncset.done $0x0  }
0x300: {  	[sflag:s25] =	ssyncadd.s32 $0xFFFFFF80  }
0x301: {  	_ =	swait.ge [sflag:s25], $0x80  }
0x302: {  	[sflag:s25] =	ssyncset.done $0x0  }
0x303: {  	[sflag:s25] =	ssyncadd.s32 $0xFFFFFF80  }
0x304: {  	_ =	swait.ge [sflag:s25], $0x80  }
0x305: {  	[sflag:s25] =	ssyncset.done $0x0  }
0x306: {  	[sflag:s25] =	ssyncadd.s32 $0xFFFFFF80  }
0x307: {  	_ =	swait.ge [sflag:s25], $0x80  }
0x308: {  	[sflag:s25] =	ssyncset.done $0x0  }
0x309: {  	[sflag:s25] =	ssyncadd.s32 $0xFFFFFF80  }
0x30a: {  	_ =	swait.ge [sflag:s25], $0x80  }
0x30b: {  	[sflag:s25] =	ssyncset.done $0x0  }
0x30c: {  	[sflag:s25] =	ssyncadd.s32 $0xFFFFFF80  }
0x30d: {  	_ =	swait.ge [sflag:s25], $0x80  }
0x30e: {  	[sflag:s25] =	ssyncset.done $0x0  }
0x30f: {  	[sflag:s25] =	ssyncadd.s32 $0xFFFFFF80  }
0x310: {  	_ =	swait.ge [sflag:s25], $0x80  }
0x311: {  	[sflag:s25] =	ssyncset.done $0x0  }
0x312: {  	s4 =	simm.s32 $0x4400;
	s26 =	rddreg [dreg:$0x14];
	[sflag:s25] =	ssyncadd.s32 $0xFFFFFF80  }
0x313: {  	[hbm4b:s26+s2] =	stream.linear.scatter [tilespmem:s4], [sflag:$0x3], $0x200, $0x38;
	[tilespmem:$0x4810] =	vst v63  }
0x314: {  	_ =	swait.ge [sflag:s1], $0x200  }
0x315: {  	[sflag:s1] =	ssyncset.done $0x0  }
0x316: {  	s29 =	simm.s32 $0x4600;
	s28 =	rddreg [dreg:$0x15];
	[sflag:s1] =	ssyncadd.s32 $0xFFFFFE00  }
0x317: {  	[hbm4b:s28+s2] =	stream.linear.scatter [tilespmem:s29], [sflag:$0x3], $0x200, $0x38;
	[tilespmem:$0x4810] =	vst v63  }
0x318: {  	_ =	swait.ge [sflag:s1], $0x200  }
0x319: {  	s30 =	sld [smem:$0x7F3]  }
0x31a: {  	s31 =	sld [smem:$0x7F9];
	_ =	sdelay $0x1  }
0x31b: {  	s4 =	sadd.s32 $0x1, s30  }
0x31c: {  	p0 =	sne.s32 s4, s31  }
.Ltmp1:
0x31d: {  	_ = 	snop;
	(pc) =	sbr.rel @p0 .LBB2_1-.Ltmp1, $3  }
0x31e: {  	_ =	sdelay $0x1  }
0x31f: {  	[sflag:s1] =	ssyncset.done $0x0  }
0x320: {  	[sflag:s1] =	ssyncadd.s32 $0xFFFFFE00  }
0x321: {  	_ =	sfence.sel $0x180000  }
0x322: {  	[bflag:$0x0] =	sbarrier.arrive $0xFFFF  }
0x323: {  	_ =	strace $0x90000047  }
0x324: {  	s0 =	stileid.u32;
	[bflag:$0x2] =	sbarrier.arrive $0xFFFF  }
0x325: {  	p0 =	sne.s32 s0, $0x0;
	s0 =	rddreg [dreg:$0x2]  }
0x326: {  	s0 =	sadd.s32 @!p0 $0x100000, s0  }
0x327: {  	[sflag:s0] =	ssyncadd.tile.s32 @!p0 $0x1;
	_ =	shalt  }
.Lfunc_end2:
_tile_overlayer_lowered:
.L_overlay_start_2:
0x328: {  	(tag) =	ssettag $0x2  }
0x329: {  	s0 =	rddreg [dreg:$0x0];
	s2 =	stileid.u32  }
0x32a: {  	s1 =	rddreg [dreg:$0x1];
	p0 =	sne.s32 s2, $0x0  }
0x32b: {  	s3 =	rddreg [dreg:$0x2];
	[bflag:$0x3] =	sbarrier.arrive $0xFFFF;
	s2 =	simm.s32 @!p0 $0x1C03  }
0x32c: {  	[timem:s3], [sflag:s2] =	dma.local @!p0 [hbm:s0], s1  }
0x32d: {  	s0 =	simm.s32 @!p0 $0x3  }
0x32e: {  	_ =	swait.ge @!p0 [sflag:s0], s1  }
0x32f: {  	s1 =	ssub.s32 @!p0 $0x0, s1;
	[sflag:s0] =	ssyncset.done @!p0 $0x0  }
0x330: {  	[sflag:s0] =	ssyncadd.s32 @!p0 s1  }
0x331: {  	[bflag:$0x3] =	sbarrier.arrive $0xFFFF  }
0x332: {  	_ =	shalt  }

</sc_bundles>
